<compile_context>
chip_gen: v7x
topology: tpu7x:2x2x1
jax: 0.10.2.dev20260603
libtpu: 0.0.44.dev20260713+nightly
codegen_flags: <defaults>
</compile_context>

<pallas_src>
import functools

import jax
import jax.numpy as jnp
from jax import lax
from jax.experimental import pallas as pl
from jax.experimental.pallas import tpu as pltpu
from jax.experimental.pallas import tpu_sc as plsc

_N = 10000
_E = 320000
_C = 128
_NB = 512
_CUTOFF = 5.0
_DELTA = _CUTOFF / (_NB - 1)
_COEFF = -0.5 / (2.0 * _DELTA) ** 2

_BN = 2000

_T = 16384
_H = _CUTOFF / _T
_INVH = 1.0 / _H
_BT = 512

_NC = 2
_NS = 16
_NW = _NC * _NS
_EW = _E // _NW
_K = 80
_NCHUNK = _EW // _K
_NPAD = 10240
_RPS = _NPAD // _NS


def _silu(v):
    return v * jax.nn.sigmoid(v)



def _node_embed_body(types_ref, frac_ref, emb_ref, wfrac_ref, wmsg_ref,
                     x_ref, y_ref):
    t = types_ref[...]
    col = lax.broadcasted_iota(jnp.int32, (_BN, _C), 1)
    onehot = (t == col).astype(jnp.float32)
    x = jnp.dot(onehot, emb_ref[...], preferred_element_type=jnp.float32)
    x = x + jnp.dot(frac_ref[...], wfrac_ref[...],
                    preferred_element_type=jnp.float32)
    x_ref[...] = x
    y_ref[...] = jnp.dot(x, wmsg_ref[...], preferred_element_type=jnp.float32)


def _node_embed(types2d, frac, emb_pad, w_frac, w_msg):
    grid = _N // _BN
    return pl.pallas_call(
        _node_embed_body,
        grid=(grid,),
        in_specs=[
            pl.BlockSpec((_BN, 1), lambda i: (i, 0)),
            pl.BlockSpec((_BN, 3), lambda i: (i, 0)),
            pl.BlockSpec((_C, _C), lambda i: (0, 0)),
            pl.BlockSpec((3, _C), lambda i: (0, 0)),
            pl.BlockSpec((_C, _C), lambda i: (0, 0)),
        ],
        out_specs=[
            pl.BlockSpec((_BN, _C), lambda i: (i, 0)),
            pl.BlockSpec((_BN, _C), lambda i: (i, 0)),
        ],
        out_shape=[
            jax.ShapeDtypeStruct((_N, _C), jnp.float32),
            jax.ShapeDtypeStruct((_N, _C), jnp.float32),
        ],
    )(types2d, frac, emb_pad, w_frac, w_msg)



def _table_body(w1_ref, b1_ref, w2_ref, b2_ref, t_ref):
    i = pl.program_id(0)
    knot = (lax.broadcasted_iota(jnp.int32, (_BT, 1), 0)
            + i * _BT).astype(jnp.float32) * _H
    off = lax.broadcasted_iota(jnp.int32, (_BT, _NB), 1).astype(
        jnp.float32) * _DELTA

    def mlp(d):
        r = d - off
        rbf = jnp.exp(_COEFF * (r * r))
        h = jnp.dot(rbf, w1_ref[...], preferred_element_type=jnp.float32)
        h = _silu(h + b1_ref[...])
        h = jnp.dot(h, w2_ref[...], preferred_element_type=jnp.float32)
        return _silu(h + b2_ref[...])

    t_ref[...] = mlp(knot)


def _table_build(w1, b1, w2, b2):
    grid = _T // _BT
    return pl.pallas_call(
        _table_body,
        grid=(grid,),
        in_specs=[
            pl.BlockSpec((_NB, _C), lambda i: (0, 0)),
            pl.BlockSpec((1, _C), lambda i: (0, 0)),
            pl.BlockSpec((_C, _C), lambda i: (0, 0)),
            pl.BlockSpec((1, _C), lambda i: (0, 0)),
        ],
        out_specs=pl.BlockSpec((_BT, _C), lambda i: (i, 0)),
        out_shape=jax.ShapeDtypeStruct((_T, _C), jnp.float32),
    )(w1, b1, w2, b2)



def _sc_msg_body(y_hbm, tab_hbm, d_hbm, src_hbm, dst_hbm, out_hbm,
                 sidxb, didxb, dbuf, jidx, rowsb, trowsb, agg_sh,
                 semi, semr, semt, sems):
    cid = lax.axis_index("c")
    sid = lax.axis_index("s")

    def _zrow(i, _):
        for c8 in range(_C // 16):
            rowsb[0, i, pl.ds(c8 * 16, 16)] = jnp.zeros((16,), jnp.float32)
        return 0

    lax.fori_loop(0, _K, _zrow, 0)
    row0 = sid * _RPS
    for t in range(_RPS // _K):
        pltpu.sync_copy(rowsb.at[0], agg_sh.at[pl.ds(row0 + t * _K, _K)])
    plsc.subcore_barrier()

    wid = sid * _NC + cid
    base = wid * _EW

    def _issue_lin(k, dslot):
        off = base + k * _K
        s = k % 4
        pltpu.async_copy(src_hbm.at[pl.ds(off, _K)], sidxb.at[s], semi)
        pltpu.async_copy(dst_hbm.at[pl.ds(off, _K)], didxb.at[s], semi)
        pltpu.async_copy(d_hbm.at[pl.ds(off, _K)], dbuf.at[dslot], semi)

    def _wait_lin():
        for _i in range(2):
            pltpu.make_async_copy(src_hbm.at[pl.ds(0, _K)], sidxb.at[0],
                                  semi).wait()
        pltpu.make_async_copy(d_hbm.at[pl.ds(0, _K)], dbuf.at[0],
                              semi).wait()

    def _compute_j(s1):
        for q in range(_K // 16):
            sl = pl.ds(q * 16, 16)
            tq = dbuf[s1, sl] * _INVH + 0.5
            jidx[s1, sl] = jnp.minimum(tq.astype(jnp.int32), _T - 1)

    def _issue_gather(k, s1):
        pltpu.async_copy(y_hbm.at[sidxb.at[k % 4]], rowsb.at[s1], semr)
        pltpu.async_copy(tab_hbm.at[jidx.at[s1]], trowsb.at[s1], semt)

    def _wait_gather(s1):
        pltpu.make_async_copy(y_hbm.at[pl.ds(0, _K), :], rowsb.at[s1],
                              semr).wait()
        pltpu.make_async_copy(tab_hbm.at[pl.ds(0, _K), :], trowsb.at[s1],
                              semt).wait()

    _issue_lin(0, 0)
    _wait_lin()
    _compute_j(0)
    _issue_gather(0, 0)
    _issue_lin(1, 1)

    def _iter(g, bs):
        s1 = 1 - bs

        @pl.when(g + 1 < _NCHUNK)
        def _():
            _wait_lin()
            _compute_j(s1)

        @pl.when(g >= 1)
        def _():
            pltpu.make_async_copy(rowsb.at[0], agg_sh.at[didxb.at[0]],
                                  sems).wait()

        @pl.when(g + 2 < _NCHUNK)
        def _():
            _issue_lin(g + 2, bs)

        @pl.when(g + 1 < _NCHUNK)
        def _():
            _issue_gather(g + 1, s1)

        _wait_gather(bs)

        @plsc.parallel_loop(0, _K, 1, unroll=8)
        def _mul(r):
            for c8 in range(_C // 16):
                sl = pl.ds(c8 * 16, 16)
                rowsb[bs, r, sl] = rowsb[bs, r, sl] * trowsb[bs, r, sl]

        pltpu.async_copy(rowsb.at[bs], agg_sh.at[didxb.at[g % 4]], sems,
                         add=True)

    def _body(g, _):
        b = lax.rem(g, 2)

        @pl.when(b == 0)
        def _():
            _iter(g, 0)

        @pl.when(b == 1)
        def _():
            _iter(g, 1)

        return 0

    lax.fori_loop(0, _NCHUNK, _body, 0)
    pltpu.make_async_copy(rowsb.at[0], agg_sh.at[didxb.at[0]], sems).wait()
    plsc.subcore_barrier()

    for t in range(_RPS // _K):
        pltpu.sync_copy(agg_sh.at[pl.ds(row0 + t * _K, _K)], rowsb.at[0])
        pltpu.sync_copy(rowsb.at[0], out_hbm.at[cid, pl.ds(row0 + t * _K, _K)])


def _sc_msg(y, tab, d, src, dst):
    mesh = plsc.VectorSubcoreMesh(core_axis_name="c", subcore_axis_name="s")
    return pl.kernel(
        _sc_msg_body,
        out_type=jax.ShapeDtypeStruct((_NC, _NPAD, _C), jnp.float32),
        mesh=mesh,
        scratch_types=[
            pltpu.VMEM((4, _K), jnp.int32),
            pltpu.VMEM((4, _K), jnp.int32),
            pltpu.VMEM((2, _K), jnp.float32),
            pltpu.VMEM((2, _K), jnp.int32),
            pltpu.VMEM((2, _K, _C), jnp.float32),
            pltpu.VMEM((2, _K, _C), jnp.float32),
            pltpu.VMEM_SHARED((_NPAD, _C), jnp.float32),
            pltpu.SemaphoreType.DMA,
            pltpu.SemaphoreType.DMA,
            pltpu.SemaphoreType.DMA,
            pltpu.SemaphoreType.DMA,
        ],
    )(y, tab, d, src, dst)



def _finalize_body(agg_ref, x_ref, wout_ref, o_ref):
    a = agg_ref[0] + agg_ref[1]
    h = jnp.dot(a, wout_ref[...], preferred_element_type=jnp.float32)
    o_ref[...] = _silu(h) + x_ref[...]


def _finalize(agg, x, w_out):
    grid = _N // _BN
    return pl.pallas_call(
        _finalize_body,
        grid=(grid,),
        in_specs=[
            pl.BlockSpec((_NC, _BN, _C), lambda i: (0, i, 0)),
            pl.BlockSpec((_BN, _C), lambda i: (i, 0)),
            pl.BlockSpec((_C, _C), lambda i: (0, 0)),
        ],
        out_specs=pl.BlockSpec((_BN, _C), lambda i: (i, 0)),
        out_shape=jax.ShapeDtypeStruct((_N, _C), jnp.float32),
    )(agg, x, w_out)



def kernel(atom_types, frac_coords, edge_index, edge_distance, atom_emb,
           W_frac, W_edge1, b_edge1, W_edge2, b_edge2, W_msg, W_out):
    types2d = atom_types.astype(jnp.int32).reshape(_N, 1)
    emb_pad = jnp.zeros((_C, _C), jnp.float32).at[:atom_emb.shape[0]].set(
        atom_emb)
    x, y = _node_embed(types2d, frac_coords, emb_pad, W_frac, W_msg)

    tab = _table_build(W_edge1, b_edge1.reshape(1, _C), W_edge2,
                       b_edge2.reshape(1, _C))
    src = edge_index[0].astype(jnp.int32)
    dst = edge_index[1].astype(jnp.int32)
    agg = _sc_msg(y, tab, edge_distance, src, dst)

    return _finalize(agg, x, W_out)

# --- scband reference (transcript-rebuilt; emitter-appended) ---
"""Pipeline reference for scband-equiformer-encoder-23356032155889 (READ-ONLY COPY).

The authoritative reference and input builder live on the scoring server;
editing this copy changes nothing except your own understanding.
"""

import jax, jax.numpy as jnp
import numpy as np

N = 10000
E = 320000
C = 128
NB = 512
MAX_EL = 90
CUTOFF = 5.0


def gaussian_smearing(dist):
    # GaussianSmearing(start=0.0, stop=cutoff, num_gaussians=NB, basis_width_scalar=2.0)
    offset = jnp.linspace(0.0, CUTOFF, NB)
    delta = offset[1] - offset[0]
    coeff = -0.5 / (2.0 * delta) ** 2
    d = dist[:, None] - offset[None, :]
    return jnp.exp(coeff * d * d)


def setup_inputs(seed: int = 0) -> dict:
    key = jax.random.key(seed)
    ks = jax.random.split(key, 12)
    atom_types = jax.random.randint(ks[0], (N,), 0, MAX_EL)
    frac_coords = jax.random.uniform(ks[1], (N, 3), dtype=jnp.float32)
    edge_index = jax.random.randint(ks[2], (2, E), 0, N)
    edge_distance = jax.random.uniform(ks[3], (E,), dtype=jnp.float32) * CUTOFF
    # learned parameters
    atom_emb = jax.random.normal(ks[4], (MAX_EL, C), dtype=jnp.float32) * 0.02
    W_frac = jax.random.normal(ks[5], (3, C), dtype=jnp.float32) * 0.02
    W_edge1 = jax.random.normal(ks[6], (NB, C), dtype=jnp.float32) * 0.02
    b_edge1 = jnp.zeros((C,), dtype=jnp.float32)
    W_edge2 = jax.random.normal(ks[7], (C, C), dtype=jnp.float32) * 0.02
    b_edge2 = jnp.zeros((C,), dtype=jnp.float32)
    W_msg = jax.random.normal(ks[8], (C, C), dtype=jnp.float32) * 0.02
    W_out = jax.random.normal(ks[9], (C, C), dtype=jnp.float32) * 0.02
    return {
        'atom_types': atom_types,
        'frac_coords': frac_coords,
        'edge_index': edge_index,
        'edge_distance': edge_distance,
        'atom_emb': atom_emb,
        'W_frac': W_frac,
        'W_edge1': W_edge1,
        'b_edge1': b_edge1,
        'W_edge2': W_edge2,
        'b_edge2': b_edge2,
        'W_msg': W_msg,
        'W_out': W_out,
    }


def reference(atom_types, frac_coords, edge_index, edge_distance, atom_emb,
              W_frac, W_edge1, b_edge1, W_edge2, b_edge2, W_msg, W_out):
    # node embedding: atom type embedding + fractional coordinate projection
    x = jnp.take(atom_emb, atom_types, axis=0) + frac_coords @ W_frac  # [N, C]
    # edge invariant features: RBF distance expansion -> 2-layer MLP
    rbf = gaussian_smearing(edge_distance)                # [E, NB]
    e = jax.nn.silu(rbf @ W_edge1 + b_edge1)              # [E, C]
    e = jax.nn.silu(e @ W_edge2 + b_edge2)                # [E, C]
    # message passing: gather source nodes, modulate by edge features, scatter-add to targets
    src = edge_index[0]
    dst = edge_index[1]
    msg = (jnp.take(x, src, axis=0) @ W_msg) * e          # [E, C]
    agg = jax.ops.segment_sum(msg, dst, num_segments=N)   # [N, C]
    out = jax.nn.silu(agg @ W_out) + x                    # residual
    return out

if __name__ == "__main__":
    import jax
    _d = setup_inputs()
    print(jax.jit(kernel)(*tuple(_d.values())))

</pallas_src>

<mosaic_0001>
#map = affine_map<(d0, d1) -> (0, 0)>
#map1 = affine_map<(d0, d1) -> (0)>
#map2 = affine_map<(d0, d1) -> (0, 0, 0)>
module attributes {stable_mosaic.version = 14 : i64} {
  func.func @_sc_msg_body(%arg0: i32, %arg1: i32, %arg2: memref<10000x128xf32, #tpu.memory_space<hbm>>, %arg3: memref<16384x128xf32, #tpu.memory_space<hbm>>, %arg4: memref<320000xf32, #tpu.memory_space<hbm>>, %arg5: memref<320000xi32, #tpu.memory_space<hbm>>, %arg6: memref<320000xi32, #tpu.memory_space<hbm>>, %arg7: memref<2x10240x128xf32, #tpu.memory_space<hbm>>, %arg8: memref<4x80xi32, #tpu.memory_space<vmem>>, %arg9: memref<4x80xi32, #tpu.memory_space<vmem>>, %arg10: memref<2x80xf32, #tpu.memory_space<vmem>>, %arg11: memref<2x80xi32, #tpu.memory_space<vmem>>, %arg12: memref<2x80x128xf32, #tpu.memory_space<vmem>>, %arg13: memref<2x80x128xf32, #tpu.memory_space<vmem>>, %arg14: memref<10240x128xf32, #tpu.memory_space<vmem_shared>>, %arg15: memref<!tpu.dma_semaphore, #tpu.memory_space<semaphore_mem>>, %arg16: memref<!tpu.dma_semaphore, #tpu.memory_space<semaphore_mem>>, %arg17: memref<!tpu.dma_semaphore, #tpu.memory_space<semaphore_mem>>, %arg18: memref<!tpu.dma_semaphore, #tpu.memory_space<semaphore_mem>>) attributes {dimension_semantics = [#tpu.dimension_semantics<core_parallel>, #tpu.dimension_semantics<subcore_parallel>], iteration_bounds = array<i64: 2, 16>, scalar_prefetch = 0 : i64, scratch_operands = 11 : i64, tpu.core_type = #tpu.core_type<sc_vector_subcore>, window_params = [{transform_indices = #map}, {transform_indices = #map}, {transform_indices = #map1}, {transform_indices = #map1}, {transform_indices = #map1}, {transform_indices = #map2}]} {
    %scan3A = arith.constant 0 : i32
    %scan3A_0 = arith.constant 0 : i32
    %scan3A_1 = arith.constant 80 : i32
    %scan3A_2 = arith.addi %scan3A_0, %scan3A_1 : i32
    %scan3A_3 = arith.constant 1 : i32
    %scan3A_4 = scf.for %scan3A_316 = %scan3A_0 to %scan3A_2 step %scan3A_3 iter_args(%scan3A_317 = %scan3A) -> (i32)  : i32 {
      %broadcast_in_dim3A = arith.constant 0.000000e+00 : f32
      %broadcast_in_dim3A_318 = vector.broadcast %broadcast_in_dim3A : f32 to vector<16xf32>
      %swap3A_319 = arith.constant 0 : i32
      %swap3A_320 = arith.index_cast %swap3A_319 : i32 to index
      %swap3A_321 = arith.index_cast %scan3A_316 : i32 to index
      %swap3A_322 = arith.constant 0 : index
      %swap3A_323 = tpu.vector_load %arg12[%swap3A_320, %swap3A_321, %swap3A_322] {strides = array<i32>} : memref<2x80x128xf32, #tpu.memory_space<vmem>>, vector<1x1x16xf32>,
      %swap3A_324 = vector.shape_cast %swap3A_323 : vector<1x1x16xf32> to vector<16xf32>
      %swap3A_325 = vector.shape_cast %broadcast_in_dim3A_318 : vector<16xf32> to vector<1x1x16xf32>
      tpu.vector_store %arg12[%swap3A_320, %swap3A_321, %swap3A_322], %swap3A_325 {strides = array<i32>} : memref<2x80x128xf32, #tpu.memory_space<vmem>>, vector<1x1x16xf32>,
      %broadcast_in_dim3A_326 = arith.constant 0.000000e+00 : f32
      %broadcast_in_dim3A_327 = vector.broadcast %broadcast_in_dim3A_326 : f32 to vector<16xf32>
      %swap3A_328 = arith.constant 0 : i32
      %swap3A_329 = arith.index_cast %swap3A_328 : i32 to index
      %swap3A_330 = arith.index_cast %scan3A_316 : i32 to index
      %swap3A_331 = arith.constant 16 : index
      %swap3A_332 = tpu.vector_load %arg12[%swap3A_329, %swap3A_330, %swap3A_331] {strides = array<i32>} : memref<2x80x128xf32, #tpu.memory_space<vmem>>, vector<1x1x16xf32>,
      %swap3A_333 = vector.shape_cast %swap3A_332 : vector<1x1x16xf32> to vector<16xf32>
      %swap3A_334 = vector.shape_cast %broadcast_in_dim3A_327 : vector<16xf32> to vector<1x1x16xf32>
      tpu.vector_store %arg12[%swap3A_329, %swap3A_330, %swap3A_331], %swap3A_334 {strides = array<i32>} : memref<2x80x128xf32, #tpu.memory_space<vmem>>, vector<1x1x16xf32>,
      %broadcast_in_dim3A_335 = arith.constant 0.000000e+00 : f32
      %broadcast_in_dim3A_336 = vector.broadcast %broadcast_in_dim3A_335 : f32 to vector<16xf32>
      %swap3A_337 = arith.constant 0 : i32
      %swap3A_338 = arith.index_cast %swap3A_337 : i32 to index
      %swap3A_339 = arith.index_cast %scan3A_316 : i32 to index
      %swap3A_340 = arith.constant 32 : index
      %swap3A_341 = tpu.vector_load %arg12[%swap3A_338, %swap3A_339, %swap3A_340] {strides = array<i32>} : memref<2x80x128xf32, #tpu.memory_space<vmem>>, vector<1x1x16xf32>,
      %swap3A_342 = vector.shape_cast %swap3A_341 : vector<1x1x16xf32> to vector<16xf32>
      %swap3A_343 = vector.shape_cast %broadcast_in_dim3A_336 : vector<16xf32> to vector<1x1x16xf32>
      tpu.vector_store %arg12[%swap3A_338, %swap3A_339, %swap3A_340], %swap3A_343 {strides = array<i32>} : memref<2x80x128xf32, #tpu.memory_space<vmem>>, vector<1x1x16xf32>,
      %broadcast_in_dim3A_344 = arith.constant 0.000000e+00 : f32
      %broadcast_in_dim3A_345 = vector.broadcast %broadcast_in_dim3A_344 : f32 to vector<16xf32>
      %swap3A_346 = arith.constant 0 : i32
      %swap3A_347 = arith.index_cast %swap3A_346 : i32 to index
      %swap3A_348 = arith.index_cast %scan3A_316 : i32 to index
      %swap3A_349 = arith.constant 48 : index
      %swap3A_350 = tpu.vector_load %arg12[%swap3A_347, %swap3A_348, %swap3A_349] {strides = array<i32>} : memref<2x80x128xf32, #tpu.memory_space<vmem>>, vector<1x1x16xf32>,
      %swap3A_351 = vector.shape_cast %swap3A_350 : vector<1x1x16xf32> to vector<16xf32>
      %swap3A_352 = vector.shape_cast %broadcast_in_dim3A_345 : vector<16xf32> to vector<1x1x16xf32>
      tpu.vector_store %arg12[%swap3A_347, %swap3A_348, %swap3A_349], %swap3A_352 {strides = array<i32>} : memref<2x80x128xf32, #tpu.memory_space<vmem>>, vector<1x1x16xf32>,
      %broadcast_in_dim3A_353 = arith.constant 0.000000e+00 : f32
      %broadcast_in_dim3A_354 = vector.broadcast %broadcast_in_dim3A_353 : f32 to vector<16xf32>
      %swap3A_355 = arith.constant 0 : i32
      %swap3A_356 = arith.index_cast %swap3A_355 : i32 to index
      %swap3A_357 = arith.index_cast %scan3A_316 : i32 to index
      %swap3A_358 = arith.constant 64 : index
      %swap3A_359 = tpu.vector_load %arg12[%swap3A_356, %swap3A_357, %swap3A_358] {strides = array<i32>} : memref<2x80x128xf32, #tpu.memory_space<vmem>>, vector<1x1x16xf32>,
      %swap3A_360 = vector.shape_cast %swap3A_359 : vector<1x1x16xf32> to vector<16xf32>
      %swap3A_361 = vector.shape_cast %broadcast_in_dim3A_354 : vector<16xf32> to vector<1x1x16xf32>
      tpu.vector_store %arg12[%swap3A_356, %swap3A_357, %swap3A_358], %swap3A_361 {strides = array<i32>} : memref<2x80x128xf32, #tpu.memory_space<vmem>>, vector<1x1x16xf32>,
      %broadcast_in_dim3A_362 = arith.constant 0.000000e+00 : f32
      %broadcast_in_dim3A_363 = vector.broadcast %broadcast_in_dim3A_362 : f32 to vector<16xf32>
      %swap3A_364 = arith.constant 0 : i32
      %swap3A_365 = arith.index_cast %swap3A_364 : i32 to index
      %swap3A_366 = arith.index_cast %scan3A_316 : i32 to index
      %swap3A_367 = arith.constant 80 : index
      %swap3A_368 = tpu.vector_load %arg12[%swap3A_365, %swap3A_366, %swap3A_367] {strides = array<i32>} : memref<2x80x128xf32, #tpu.memory_space<vmem>>, vector<1x1x16xf32>,
      %swap3A_369 = vector.shape_cast %swap3A_368 : vector<1x1x16xf32> to vector<16xf32>
      %swap3A_370 = vector.shape_cast %broadcast_in_dim3A_363 : vector<16xf32> to vector<1x1x16xf32>
      tpu.vector_store %arg12[%swap3A_365, %swap3A_366, %swap3A_367], %swap3A_370 {strides = array<i32>} : memref<2x80x128xf32, #tpu.memory_space<vmem>>, vector<1x1x16xf32>,
      %broadcast_in_dim3A_371 = arith.constant 0.000000e+00 : f32
      %broadcast_in_dim3A_372 = vector.broadcast %broadcast_in_dim3A_371 : f32 to vector<16xf32>
      %swap3A_373 = arith.constant 0 : i32
      %swap3A_374 = arith.index_cast %swap3A_373 : i32 to index
      %swap3A_375 = arith.index_cast %scan3A_316 : i32 to index
      %swap3A_376 = arith.constant 96 : index
      %swap3A_377 = tpu.vector_load %arg12[%swap3A_374, %swap3A_375, %swap3A_376] {strides = array<i32>} : memref<2x80x128xf32, #tpu.memory_space<vmem>>, vector<1x1x16xf32>,
      %swap3A_378 = vector.shape_cast %swap3A_377 : vector<1x1x16xf32> to vector<16xf32>
      %swap3A_379 = vector.shape_cast %broadcast_in_dim3A_372 : vector<16xf32> to vector<1x1x16xf32>
      tpu.vector_store %arg12[%swap3A_374, %swap3A_375, %swap3A_376], %swap3A_379 {strides = array<i32>} : memref<2x80x128xf32, #tpu.memory_space<vmem>>, vector<1x1x16xf32>,
      %broadcast_in_dim3A_380 = arith.constant 0.000000e+00 : f32
      %broadcast_in_dim3A_381 = vector.broadcast %broadcast_in_dim3A_380 : f32 to vector<16xf32>
      %swap3A_382 = arith.constant 0 : i32
      %swap3A_383 = arith.index_cast %swap3A_382 : i32 to index
      %swap3A_384 = arith.index_cast %scan3A_316 : i32 to index
      %swap3A_385 = arith.constant 112 : index
      %swap3A_386 = tpu.vector_load %arg12[%swap3A_383, %swap3A_384, %swap3A_385] {strides = array<i32>} : memref<2x80x128xf32, #tpu.memory_space<vmem>>, vector<1x1x16xf32>,
      %swap3A_387 = vector.shape_cast %swap3A_386 : vector<1x1x16xf32> to vector<16xf32>
      %swap3A_388 = vector.shape_cast %broadcast_in_dim3A_381 : vector<16xf32> to vector<1x1x16xf32>
      tpu.vector_store %arg12[%swap3A_383, %swap3A_384, %swap3A_385], %swap3A_388 {strides = array<i32>} : memref<2x80x128xf32, #tpu.memory_space<vmem>>, vector<1x1x16xf32>,
      %scan3A_389 = arith.constant 0 : i32
      scf.yield %scan3A_389 : i32
    }
    %scan3A_5 = arith.constant 80 : i32
    %mul3A = arith.constant 640 : i32
    %mul3A_6 = arith.muli %arg1, %mul3A : i32
    %add3A = arith.constant 0 : i32
    %add3A_7 = arith.addi %mul3A_6, %add3A : i32
    %run_scoped3A = arith.constant 0 : i32
    "tpu.region"() ({
      %run_scoped3A_316 = tpu.sem_alloc : memref<!tpu.dma_semaphore, #tpu.memory_space<semaphore_mem>>
      %dma_start3A_317 = arith.constant 0 : i32
      %dma_start3A_318 = arith.constant 0 : i32
      %dma_start3A_319 = tpu.memref_slice %arg12[%run_scoped3A, %dma_start3A_317, %dma_start3A_318] : memref<2x80x128xf32, #tpu.memory_space<vmem>> -> memref<1x80x128xf32, #tpu.memory_space<vmem>>
      %dma_start3A_320 = tpu.memref_squeeze %dma_start3A_319 : memref<1x80x128xf32, #tpu.memory_space<vmem>> -> memref<80x128xf32, #tpu.memory_space<vmem>>
      %dma_start3A_321 = arith.constant 0 : i32
      %dma_start3A_322 = tpu.memref_slice %arg14[%add3A_7, %dma_start3A_321] : memref<10240x128xf32, #tpu.memory_space<vmem_shared>> -> memref<80x128xf32, #tpu.memory_space<vmem_shared>>
      %dma_start3A_323 = arith.constant 0 : i32
      %dma_start3A_324 = tpu.memref_slice %arg14[%add3A_7, %dma_start3A_323] : memref<10240x128xf32, #tpu.memory_space<vmem_shared>> -> memref<80x128xf32, #tpu.memory_space<vmem_shared>>
      %dma_start3A_325 = arith.constant 0 : i32
      %dma_start3A_326 = arith.constant 0 : i32
      %dma_start3A_327 = tpu.memref_slice %arg12[%run_scoped3A, %dma_start3A_325, %dma_start3A_326] : memref<2x80x128xf32, #tpu.memory_space<vmem>> -> memref<1x80x128xf32, #tpu.memory_space<vmem>>
      %dma_start3A_328 = tpu.memref_squeeze %dma_start3A_327 : memref<1x80x128xf32, #tpu.memory_space<vmem>> -> memref<80x128xf32, #tpu.memory_space<vmem>>
      tpu.enqueue_dma source(%dma_start3A_328 : memref<80x128xf32, #tpu.memory_space<vmem>>) target(%dma_start3A_324 : memref<80x128xf32, #tpu.memory_space<vmem_shared>>) target_semaphore(%run_scoped3A_316 : memref<!tpu.dma_semaphore, #tpu.memory_space<semaphore_mem>>)
      %dma_wait3A_329 = arith.constant 0 : i32
      %dma_wait3A_330 = arith.constant 0 : i32
      %dma_wait3A_331 = tpu.memref_slice %arg12[%run_scoped3A, %dma_wait3A_329, %dma_wait3A_330] : memref<2x80x128xf32, #tpu.memory_space<vmem>> -> memref<1x80x128xf32, #tpu.memory_space<vmem>>
      %dma_wait3A_332 = tpu.memref_squeeze %dma_wait3A_331 : memref<1x80x128xf32, #tpu.memory_space<vmem>> -> memref<80x128xf32, #tpu.memory_space<vmem>>
      %dma_wait3A_333 = arith.constant 0 : i32
      %dma_wait3A_334 = tpu.memref_slice %arg14[%add3A_7, %dma_wait3A_333] : memref<10240x128xf32, #tpu.memory_space<vmem_shared>> -> memref<80x128xf32, #tpu.memory_space<vmem_shared>>
      %dma_wait3A_335 = arith.constant 0 : i32
      %dma_wait3A_336 = tpu.memref_slice %arg14[%add3A_7, %dma_wait3A_335] : memref<10240x128xf32, #tpu.memory_space<vmem_shared>> -> memref<80x128xf32, #tpu.memory_space<vmem_shared>>
      %dma_wait3A_337 = arith.constant 0 : i32
      %dma_wait3A_338 = arith.constant 0 : i32
      %dma_wait3A_339 = tpu.memref_slice %arg12[%run_scoped3A, %dma_wait3A_337, %dma_wait3A_338] : memref<2x80x128xf32, #tpu.memory_space<vmem>> -> memref<1x80x128xf32, #tpu.memory_space<vmem>>
      %dma_wait3A_340 = tpu.memref_squeeze %dma_wait3A_339 : memref<1x80x128xf32, #tpu.memory_space<vmem>> -> memref<80x128xf32, #tpu.memory_space<vmem>>
      tpu.wait_dma2 semaphore(%run_scoped3A_316 : memref<!tpu.dma_semaphore, #tpu.memory_space<semaphore_mem>>) src(%dma_wait3A_340 : memref<80x128xf32, #tpu.memory_space<vmem>>) dst(%dma_wait3A_336 : memref<80x128xf32, #tpu.memory_space<vmem_shared>>)
      tpu.yield
    }) : () -> ()
    %add3A_8 = arith.constant 80 : i32
    %add3A_9 = arith.addi %mul3A_6, %add3A_8 : i32
    %run_scoped3A_10 = arith.constant 0 : i32
    "tpu.region"() ({
      %run_scoped3A_316 = tpu.sem_alloc : memref<!tpu.dma_semaphore, #tpu.memory_space<semaphore_mem>>
      %dma_start3A_317 = arith.constant 0 : i32
      %dma_start3A_318 = arith.constant 0 : i32
      %dma_start3A_319 = tpu.memref_slice %arg12[%run_scoped3A_10, %dma_start3A_317, %dma_start3A_318] : memref<2x80x128xf32, #tpu.memory_space<vmem>> -> memref<1x80x128xf32, #tpu.memory_space<vmem>>
      %dma_start3A_320 = tpu.memref_squeeze %dma_start3A_319 : memref<1x80x128xf32, #tpu.memory_space<vmem>> -> memref<80x128xf32, #tpu.memory_space<vmem>>
      %dma_start3A_321 = arith.constant 0 : i32
      %dma_start3A_322 = tpu.memref_slice %arg14[%add3A_9, %dma_start3A_321] : memref<10240x128xf32, #tpu.memory_space<vmem_shared>> -> memref<80x128xf32, #tpu.memory_space<vmem_shared>>
      %dma_start3A_323 = arith.constant 0 : i32
      %dma_start3A_324 = tpu.memref_slice %arg14[%add3A_9, %dma_start3A_323] : memref<10240x128xf32, #tpu.memory_space<vmem_shared>> -> memref<80x128xf32, #tpu.memory_space<vmem_shared>>
      %dma_start3A_325 = arith.constant 0 : i32
      %dma_start3A_326 = arith.constant 0 : i32
      %dma_start3A_327 = tpu.memref_slice %arg12[%run_scoped3A_10, %dma_start3A_325, %dma_start3A_326] : memref<2x80x128xf32, #tpu.memory_space<vmem>> -> memref<1x80x128xf32, #tpu.memory_space<vmem>>
      %dma_start3A_328 = tpu.memref_squeeze %dma_start3A_327 : memref<1x80x128xf32, #tpu.memory_space<vmem>> -> memref<80x128xf32, #tpu.memory_space<vmem>>
      tpu.enqueue_dma source(%dma_start3A_328 : memref<80x128xf32, #tpu.memory_space<vmem>>) target(%dma_start3A_324 : memref<80x128xf32, #tpu.memory_space<vmem_shared>>) target_semaphore(%run_scoped3A_316 : memref<!tpu.dma_semaphore, #tpu.memory_space<semaphore_mem>>)
      %dma_wait3A_329 = arith.constant 0 : i32
      %dma_wait3A_330 = arith.constant 0 : i32
      %dma_wait3A_331 = tpu.memref_slice %arg12[%run_scoped3A_10, %dma_wait3A_329, %dma_wait3A_330] : memref<2x80x128xf32, #tpu.memory_space<vmem>> -> memref<1x80x128xf32, #tpu.memory_space<vmem>>
      %dma_wait3A_332 = tpu.memref_squeeze %dma_wait3A_331 : memref<1x80x128xf32, #tpu.memory_space<vmem>> -> memref<80x128xf32, #tpu.memory_space<vmem>>
      %dma_wait3A_333 = arith.constant 0 : i32
      %dma_wait3A_334 = tpu.memref_slice %arg14[%add3A_9, %dma_wait3A_333] : memref<10240x128xf32, #tpu.memory_space<vmem_shared>> -> memref<80x128xf32, #tpu.memory_space<vmem_shared>>
      %dma_wait3A_335 = arith.constant 0 : i32
      %dma_wait3A_336 = tpu.memref_slice %arg14[%add3A_9, %dma_wait3A_335] : memref<10240x128xf32, #tpu.memory_space<vmem_shared>> -> memref<80x128xf32, #tpu.memory_space<vmem_shared>>
      %dma_wait3A_337 = arith.constant 0 : i32
      %dma_wait3A_338 = arith.constant 0 : i32
      %dma_wait3A_339 = tpu.memref_slice %arg12[%run_scoped3A_10, %dma_wait3A_337, %dma_wait3A_338] : memref<2x80x128xf32, #tpu.memory_space<vmem>> -> memref<1x80x128xf32, #tpu.memory_space<vmem>>
      %dma_wait3A_340 = tpu.memref_squeeze %dma_wait3A_339 : memref<1x80x128xf32, #tpu.memory_space<vmem>> -> memref<80x128xf32, #tpu.memory_space<vmem>>
      tpu.wait_dma2 semaphore(%run_scoped3A_316 : memref<!tpu.dma_semaphore, #tpu.memory_space<semaphore_mem>>) src(%dma_wait3A_340 : memref<80x128xf32, #tpu.memory_space<vmem>>) dst(%dma_wait3A_336 : memref<80x128xf32, #tpu.memory_space<vmem_shared>>)
      tpu.yield
    }) : () -> ()
    %add3A_11 = arith.constant 160 : i32
    %add3A_12 = arith.addi %mul3A_6, %add3A_11 : i32
    %run_scoped3A_13 = arith.constant 0 : i32
    "tpu.region"() ({
      %run_scoped3A_316 = tpu.sem_alloc : memref<!tpu.dma_semaphore, #tpu.memory_space<semaphore_mem>>
      %dma_start3A_317 = arith.constant 0 : i32
      %dma_start3A_318 = arith.constant 0 : i32
      %dma_start3A_319 = tpu.memref_slice %arg12[%run_scoped3A_13, %dma_start3A_317, %dma_start3A_318] : memref<2x80x128xf32, #tpu.memory_space<vmem>> -> memref<1x80x128xf32, #tpu.memory_space<vmem>>
      %dma_start3A_320 = tpu.memref_squeeze %dma_start3A_319 : memref<1x80x128xf32, #tpu.memory_space<vmem>> -> memref<80x128xf32, #tpu.memory_space<vmem>>
      %dma_start3A_321 = arith.constant 0 : i32
      %dma_start3A_322 = tpu.memref_slice %arg14[%add3A_12, %dma_start3A_321] : memref<10240x128xf32, #tpu.memory_space<vmem_shared>> -> memref<80x128xf32, #tpu.memory_space<vmem_shared>>
      %dma_start3A_323 = arith.constant 0 : i32
      %dma_start3A_324 = tpu.memref_slice %arg14[%add3A_12, %dma_start3A_323] : memref<10240x128xf32, #tpu.memory_space<vmem_shared>> -> memref<80x128xf32, #tpu.memory_space<vmem_shared>>
      %dma_start3A_325 = arith.constant 0 : i32
      %dma_start3A_326 = arith.constant 0 : i32
      %dma_start3A_327 = tpu.memref_slice %arg12[%run_scoped3A_13, %dma_start3A_325, %dma_start3A_326] : memref<2x80x128xf32, #tpu.memory_space<vmem>> -> memref<1x80x128xf32, #tpu.memory_space<vmem>>
      %dma_start3A_328 = tpu.memref_squeeze %dma_start3A_327 : memref<1x80x128xf32, #tpu.memory_space<vmem>> -> memref<80x128xf32, #tpu.memory_space<vmem>>
      tpu.enqueue_dma source(%dma_start3A_328 : memref<80x128xf32, #tpu.memory_space<vmem>>) target(%dma_start3A_324 : memref<80x128xf32, #tpu.memory_space<vmem_shared>>) target_semaphore(%run_scoped3A_316 : memref<!tpu.dma_semaphore, #tpu.memory_space<semaphore_mem>>)
      %dma_wait3A_329 = arith.constant 0 : i32
      %dma_wait3A_330 = arith.constant 0 : i32
      %dma_wait3A_331 = tpu.memref_slice %arg12[%run_scoped3A_13, %dma_wait3A_329, %dma_wait3A_330] : memref<2x80x128xf32, #tpu.memory_space<vmem>> -> memref<1x80x128xf32, #tpu.memory_space<vmem>>
      %dma_wait3A_332 = tpu.memref_squeeze %dma_wait3A_331 : memref<1x80x128xf32, #tpu.memory_space<vmem>> -> memref<80x128xf32, #tpu.memory_space<vmem>>
      %dma_wait3A_333 = arith.constant 0 : i32
      %dma_wait3A_334 = tpu.memref_slice %arg14[%add3A_12, %dma_wait3A_333] : memref<10240x128xf32, #tpu.memory_space<vmem_shared>> -> memref<80x128xf32, #tpu.memory_space<vmem_shared>>
      %dma_wait3A_335 = arith.constant 0 : i32
      %dma_wait3A_336 = tpu.memref_slice %arg14[%add3A_12, %dma_wait3A_335] : memref<10240x128xf32, #tpu.memory_space<vmem_shared>> -> memref<80x128xf32, #tpu.memory_space<vmem_shared>>
      %dma_wait3A_337 = arith.constant 0 : i32
      %dma_wait3A_338 = arith.constant 0 : i32
      %dma_wait3A_339 = tpu.memref_slice %arg12[%run_scoped3A_13, %dma_wait3A_337, %dma_wait3A_338] : memref<2x80x128xf32, #tpu.memory_space<vmem>> -> memref<1x80x128xf32, #tpu.memory_space<vmem>>
      %dma_wait3A_340 = tpu.memref_squeeze %dma_wait3A_339 : memref<1x80x128xf32, #tpu.memory_space<vmem>> -> memref<80x128xf32, #tpu.memory_space<vmem>>
      tpu.wait_dma2 semaphore(%run_scoped3A_316 : memref<!tpu.dma_semaphore, #tpu.memory_space<semaphore_mem>>) src(%dma_wait3A_340 : memref<80x128xf32, #tpu.memory_space<vmem>>) dst(%dma_wait3A_336 : memref<80x128xf32, #tpu.memory_space<vmem_shared>>)
      tpu.yield
    }) : () -> ()
    %add3A_14 = arith.constant 240 : i32
    %add3A_15 = arith.addi %mul3A_6, %add3A_14 : i32
    %run_scoped3A_16 = arith.constant 0 : i32
    "tpu.region"() ({
      %run_scoped3A_316 = tpu.sem_alloc : memref<!tpu.dma_semaphore, #tpu.memory_space<semaphore_mem>>
      %dma_start3A_317 = arith.constant 0 : i32
      %dma_start3A_318 = arith.constant 0 : i32
      %dma_start3A_319 = tpu.memref_slice %arg12[%run_scoped3A_16, %dma_start3A_317, %dma_start3A_318] : memref<2x80x128xf32, #tpu.memory_space<vmem>> -> memref<1x80x128xf32, #tpu.memory_space<vmem>>
      %dma_start3A_320 = tpu.memref_squeeze %dma_start3A_319 : memref<1x80x128xf32, #tpu.memory_space<vmem>> -> memref<80x128xf32, #tpu.memory_space<vmem>>
      %dma_start3A_321 = arith.constant 0 : i32
      %dma_start3A_322 = tpu.memref_slice %arg14[%add3A_15, %dma_start3A_321] : memref<10240x128xf32, #tpu.memory_space<vmem_shared>> -> memref<80x128xf32, #tpu.memory_space<vmem_shared>>
      %dma_start3A_323 = arith.constant 0 : i32
      %dma_start3A_324 = tpu.memref_slice %arg14[%add3A_15, %dma_start3A_323] : memref<10240x128xf32, #tpu.memory_space<vmem_shared>> -> memref<80x128xf32, #tpu.memory_space<vmem_shared>>
      %dma_start3A_325 = arith.constant 0 : i32
      %dma_start3A_326 = arith.constant 0 : i32
      %dma_start3A_327 = tpu.memref_slice %arg12[%run_scoped3A_16, %dma_start3A_325, %dma_start3A_326] : memref<2x80x128xf32, #tpu.memory_space<vmem>> -> memref<1x80x128xf32, #tpu.memory_space<vmem>>
      %dma_start3A_328 = tpu.memref_squeeze %dma_start3A_327 : memref<1x80x128xf32, #tpu.memory_space<vmem>> -> memref<80x128xf32, #tpu.memory_space<vmem>>
      tpu.enqueue_dma source(%dma_start3A_328 : memref<80x128xf32, #tpu.memory_space<vmem>>) target(%dma_start3A_324 : memref<80x128xf32, #tpu.memory_space<vmem_shared>>) target_semaphore(%run_scoped3A_316 : memref<!tpu.dma_semaphore, #tpu.memory_space<semaphore_mem>>)
      %dma_wait3A_329 = arith.constant 0 : i32
      %dma_wait3A_330 = arith.constant 0 : i32
      %dma_wait3A_331 = tpu.memref_slice %arg12[%run_scoped3A_16, %dma_wait3A_329, %dma_wait3A_330] : memref<2x80x128xf32, #tpu.memory_space<vmem>> -> memref<1x80x128xf32, #tpu.memory_space<vmem>>
      %dma_wait3A_332 = tpu.memref_squeeze %dma_wait3A_331 : memref<1x80x128xf32, #tpu.memory_space<vmem>> -> memref<80x128xf32, #tpu.memory_space<vmem>>
      %dma_wait3A_333 = arith.constant 0 : i32
      %dma_wait3A_334 = tpu.memref_slice %arg14[%add3A_15, %dma_wait3A_333] : memref<10240x128xf32, #tpu.memory_space<vmem_shared>> -> memref<80x128xf32, #tpu.memory_space<vmem_shared>>
      %dma_wait3A_335 = arith.constant 0 : i32
      %dma_wait3A_336 = tpu.memref_slice %arg14[%add3A_15, %dma_wait3A_335] : memref<10240x128xf32, #tpu.memory_space<vmem_shared>> -> memref<80x128xf32, #tpu.memory_space<vmem_shared>>
      %dma_wait3A_337 = arith.constant 0 : i32
      %dma_wait3A_338 = arith.constant 0 : i32
      %dma_wait3A_339 = tpu.memref_slice %arg12[%run_scoped3A_16, %dma_wait3A_337, %dma_wait3A_338] : memref<2x80x128xf32, #tpu.memory_space<vmem>> -> memref<1x80x128xf32, #tpu.memory_space<vmem>>
      %dma_wait3A_340 = tpu.memref_squeeze %dma_wait3A_339 : memref<1x80x128xf32, #tpu.memory_space<vmem>> -> memref<80x128xf32, #tpu.memory_space<vmem>>
      tpu.wait_dma2 semaphore(%run_scoped3A_316 : memref<!tpu.dma_semaphore, #tpu.memory_space<semaphore_mem>>) src(%dma_wait3A_340 : memref<80x128xf32, #tpu.memory_space<vmem>>) dst(%dma_wait3A_336 : memref<80x128xf32, #tpu.memory_space<vmem_shared>>)
      tpu.yield
    }) : () -> ()
    %add3A_17 = arith.constant 320 : i32
    %add3A_18 = arith.addi %mul3A_6, %add3A_17 : i32
    %run_scoped3A_19 = arith.constant 0 : i32
    "tpu.region"() ({
      %run_scoped3A_316 = tpu.sem_alloc : memref<!tpu.dma_semaphore, #tpu.memory_space<semaphore_mem>>
      %dma_start3A_317 = arith.constant 0 : i32
      %dma_start3A_318 = arith.constant 0 : i32
      %dma_start3A_319 = tpu.memref_slice %arg12[%run_scoped3A_19, %dma_start3A_317, %dma_start3A_318] : memref<2x80x128xf32, #tpu.memory_space<vmem>> -> memref<1x80x128xf32, #tpu.memory_space<vmem>>
      %dma_start3A_320 = tpu.memref_squeeze %dma_start3A_319 : memref<1x80x128xf32, #tpu.memory_space<vmem>> -> memref<80x128xf32, #tpu.memory_space<vmem>>
      %dma_start3A_321 = arith.constant 0 : i32
      %dma_start3A_322 = tpu.memref_slice %arg14[%add3A_18, %dma_start3A_321] : memref<10240x128xf32, #tpu.memory_space<vmem_shared>> -> memref<80x128xf32, #tpu.memory_space<vmem_shared>>
      %dma_start3A_323 = arith.constant 0 : i32
      %dma_start3A_324 = tpu.memref_slice %arg14[%add3A_18, %dma_start3A_323] : memref<10240x128xf32, #tpu.memory_space<vmem_shared>> -> memref<80x128xf32, #tpu.memory_space<vmem_shared>>
      %dma_start3A_325 = arith.constant 0 : i32
      %dma_start3A_326 = arith.constant 0 : i32
      %dma_start3A_327 = tpu.memref_slice %arg12[%run_scoped3A_19, %dma_start3A_325, %dma_start3A_326] : memref<2x80x128xf32, #tpu.memory_space<vmem>> -> memref<1x80x128xf32, #tpu.memory_space<vmem>>
      %dma_start3A_328 = tpu.memref_squeeze %dma_start3A_327 : memref<1x80x128xf32, #tpu.memory_space<vmem>> -> memref<80x128xf32, #tpu.memory_space<vmem>>
      tpu.enqueue_dma source(%dma_start3A_328 : memref<80x128xf32, #tpu.memory_space<vmem>>) target(%dma_start3A_324 : memref<80x128xf32, #tpu.memory_space<vmem_shared>>) target_semaphore(%run_scoped3A_316 : memref<!tpu.dma_semaphore, #tpu.memory_space<semaphore_mem>>)
      %dma_wait3A_329 = arith.constant 0 : i32
      %dma_wait3A_330 = arith.constant 0 : i32
      %dma_wait3A_331 = tpu.memref_slice %arg12[%run_scoped3A_19, %dma_wait3A_329, %dma_wait3A_330] : memref<2x80x128xf32, #tpu.memory_space<vmem>> -> memref<1x80x128xf32, #tpu.memory_space<vmem>>
      %dma_wait3A_332 = tpu.memref_squeeze %dma_wait3A_331 : memref<1x80x128xf32, #tpu.memory_space<vmem>> -> memref<80x128xf32, #tpu.memory_space<vmem>>
      %dma_wait3A_333 = arith.constant 0 : i32
      %dma_wait3A_334 = tpu.memref_slice %arg14[%add3A_18, %dma_wait3A_333] : memref<10240x128xf32, #tpu.memory_space<vmem_shared>> -> memref<80x128xf32, #tpu.memory_space<vmem_shared>>
      %dma_wait3A_335 = arith.constant 0 : i32
      %dma_wait3A_336 = tpu.memref_slice %arg14[%add3A_18, %dma_wait3A_335] : memref<10240x128xf32, #tpu.memory_space<vmem_shared>> -> memref<80x128xf32, #tpu.memory_space<vmem_shared>>
      %dma_wait3A_337 = arith.constant 0 : i32
      %dma_wait3A_338 = arith.constant 0 : i32
      %dma_wait3A_339 = tpu.memref_slice %arg12[%run_scoped3A_19, %dma_wait3A_337, %dma_wait3A_338] : memref<2x80x128xf32, #tpu.memory_space<vmem>> -> memref<1x80x128xf32, #tpu.memory_space<vmem>>
      %dma_wait3A_340 = tpu.memref_squeeze %dma_wait3A_339 : memref<1x80x128xf32, #tpu.memory_space<vmem>> -> memref<80x128xf32, #tpu.memory_space<vmem>>
      tpu.wait_dma2 semaphore(%run_scoped3A_316 : memref<!tpu.dma_semaphore, #tpu.memory_space<semaphore_mem>>) src(%dma_wait3A_340 : memref<80x128xf32, #tpu.memory_space<vmem>>) dst(%dma_wait3A_336 : memref<80x128xf32, #tpu.memory_space<vmem_shared>>)
      tpu.yield
    }) : () -> ()
    %add3A_20 = arith.constant 400 : i32
    %add3A_21 = arith.addi %mul3A_6, %add3A_20 : i32
    %run_scoped3A_22 = arith.constant 0 : i32
    "tpu.region"() ({
      %run_scoped3A_316 = tpu.sem_alloc : memref<!tpu.dma_semaphore, #tpu.memory_space<semaphore_mem>>
      %dma_start3A_317 = arith.constant 0 : i32
      %dma_start3A_318 = arith.constant 0 : i32
      %dma_start3A_319 = tpu.memref_slice %arg12[%run_scoped3A_22, %dma_start3A_317, %dma_start3A_318] : memref<2x80x128xf32, #tpu.memory_space<vmem>> -> memref<1x80x128xf32, #tpu.memory_space<vmem>>
      %dma_start3A_320 = tpu.memref_squeeze %dma_start3A_319 : memref<1x80x128xf32, #tpu.memory_space<vmem>> -> memref<80x128xf32, #tpu.memory_space<vmem>>
      %dma_start3A_321 = arith.constant 0 : i32
      %dma_start3A_322 = tpu.memref_slice %arg14[%add3A_21, %dma_start3A_321] : memref<10240x128xf32, #tpu.memory_space<vmem_shared>> -> memref<80x128xf32, #tpu.memory_space<vmem_shared>>
      %dma_start3A_323 = arith.constant 0 : i32
      %dma_start3A_324 = tpu.memref_slice %arg14[%add3A_21, %dma_start3A_323] : memref<10240x128xf32, #tpu.memory_space<vmem_shared>> -> memref<80x128xf32, #tpu.memory_space<vmem_shared>>
      %dma_start3A_325 = arith.constant 0 : i32
      %dma_start3A_326 = arith.constant 0 : i32
      %dma_start3A_327 = tpu.memref_slice %arg12[%run_scoped3A_22, %dma_start3A_325, %dma_start3A_326] : memref<2x80x128xf32, #tpu.memory_space<vmem>> -> memref<1x80x128xf32, #tpu.memory_space<vmem>>
      %dma_start3A_328 = tpu.memref_squeeze %dma_start3A_327 : memref<1x80x128xf32, #tpu.memory_space<vmem>> -> memref<80x128xf32, #tpu.memory_space<vmem>>
      tpu.enqueue_dma source(%dma_start3A_328 : memref<80x128xf32, #tpu.memory_space<vmem>>) target(%dma_start3A_324 : memref<80x128xf32, #tpu.memory_space<vmem_shared>>) target_semaphore(%run_scoped3A_316 : memref<!tpu.dma_semaphore, #tpu.memory_space<semaphore_mem>>)
      %dma_wait3A_329 = arith.constant 0 : i32
      %dma_wait3A_330 = arith.constant 0 : i32
      %dma_wait3A_331 = tpu.memref_slice %arg12[%run_scoped3A_22, %dma_wait3A_329, %dma_wait3A_330] : memref<2x80x128xf32, #tpu.memory_space<vmem>> -> memref<1x80x128xf32, #tpu.memory_space<vmem>>
      %dma_wait3A_332 = tpu.memref_squeeze %dma_wait3A_331 : memref<1x80x128xf32, #tpu.memory_space<vmem>> -> memref<80x128xf32, #tpu.memory_space<vmem>>
      %dma_wait3A_333 = arith.constant 0 : i32
      %dma_wait3A_334 = tpu.memref_slice %arg14[%add3A_21, %dma_wait3A_333] : memref<10240x128xf32, #tpu.memory_space<vmem_shared>> -> memref<80x128xf32, #tpu.memory_space<vmem_shared>>
      %dma_wait3A_335 = arith.constant 0 : i32
      %dma_wait3A_336 = tpu.memref_slice %arg14[%add3A_21, %dma_wait3A_335] : memref<10240x128xf32, #tpu.memory_space<vmem_shared>> -> memref<80x128xf32, #tpu.memory_space<vmem_shared>>
      %dma_wait3A_337 = arith.constant 0 : i32
      %dma_wait3A_338 = arith.constant 0 : i32
      %dma_wait3A_339 = tpu.memref_slice %arg12[%run_scoped3A_22, %dma_wait3A_337, %dma_wait3A_338] : memref<2x80x128xf32, #tpu.memory_space<vmem>> -> memref<1x80x128xf32, #tpu.memory_space<vmem>>
      %dma_wait3A_340 = tpu.memref_squeeze %dma_wait3A_339 : memref<1x80x128xf32, #tpu.memory_space<vmem>> -> memref<80x128xf32, #tpu.memory_space<vmem>>
      tpu.wait_dma2 semaphore(%run_scoped3A_316 : memref<!tpu.dma_semaphore, #tpu.memory_space<semaphore_mem>>) src(%dma_wait3A_340 : memref<80x128xf32, #tpu.memory_space<vmem>>) dst(%dma_wait3A_336 : memref<80x128xf32, #tpu.memory_space<vmem_shared>>)
      tpu.yield
    }) : () -> ()
    %add3A_23 = arith.constant 480 : i32
    %add3A_24 = arith.addi %mul3A_6, %add3A_23 : i32
    %run_scoped3A_25 = arith.constant 0 : i32
    "tpu.region"() ({
      %run_scoped3A_316 = tpu.sem_alloc : memref<!tpu.dma_semaphore, #tpu.memory_space<semaphore_mem>>
      %dma_start3A_317 = arith.constant 0 : i32
      %dma_start3A_318 = arith.constant 0 : i32
      %dma_start3A_319 = tpu.memref_slice %arg12[%run_scoped3A_25, %dma_start3A_317, %dma_start3A_318] : memref<2x80x128xf32, #tpu.memory_space<vmem>> -> memref<1x80x128xf32, #tpu.memory_space<vmem>>
      %dma_start3A_320 = tpu.memref_squeeze %dma_start3A_319 : memref<1x80x128xf32, #tpu.memory_space<vmem>> -> memref<80x128xf32, #tpu.memory_space<vmem>>
      %dma_start3A_321 = arith.constant 0 : i32
      %dma_start3A_322 = tpu.memref_slice %arg14[%add3A_24, %dma_start3A_321] : memref<10240x128xf32, #tpu.memory_space<vmem_shared>> -> memref<80x128xf32, #tpu.memory_space<vmem_shared>>
      %dma_start3A_323 = arith.constant 0 : i32
      %dma_start3A_324 = tpu.memref_slice %arg14[%add3A_24, %dma_start3A_323] : memref<10240x128xf32, #tpu.memory_space<vmem_shared>> -> memref<80x128xf32, #tpu.memory_space<vmem_shared>>
      %dma_start3A_325 = arith.constant 0 : i32
      %dma_start3A_326 = arith.constant 0 : i32
      %dma_start3A_327 = tpu.memref_slice %arg12[%run_scoped3A_25, %dma_start3A_325, %dma_start3A_326] : memref<2x80x128xf32, #tpu.memory_space<vmem>> -> memref<1x80x128xf32, #tpu.memory_space<vmem>>
      %dma_start3A_328 = tpu.memref_squeeze %dma_start3A_327 : memref<1x80x128xf32, #tpu.memory_space<vmem>> -> memref<80x128xf32, #tpu.memory_space<vmem>>
      tpu.enqueue_dma source(%dma_start3A_328 : memref<80x128xf32, #tpu.memory_space<vmem>>) target(%dma_start3A_324 : memref<80x128xf32, #tpu.memory_space<vmem_shared>>) target_semaphore(%run_scoped3A_316 : memref<!tpu.dma_semaphore, #tpu.memory_space<semaphore_mem>>)
      %dma_wait3A_329 = arith.constant 0 : i32
      %dma_wait3A_330 = arith.constant 0 : i32
      %dma_wait3A_331 = tpu.memref_slice %arg12[%run_scoped3A_25, %dma_wait3A_329, %dma_wait3A_330] : memref<2x80x128xf32, #tpu.memory_space<vmem>> -> memref<1x80x128xf32, #tpu.memory_space<vmem>>
      %dma_wait3A_332 = tpu.memref_squeeze %dma_wait3A_331 : memref<1x80x128xf32, #tpu.memory_space<vmem>> -> memref<80x128xf32, #tpu.memory_space<vmem>>
      %dma_wait3A_333 = arith.constant 0 : i32
      %dma_wait3A_334 = tpu.memref_slice %arg14[%add3A_24, %dma_wait3A_333] : memref<10240x128xf32, #tpu.memory_space<vmem_shared>> -> memref<80x128xf32, #tpu.memory_space<vmem_shared>>
      %dma_wait3A_335 = arith.constant 0 : i32
      %dma_wait3A_336 = tpu.memref_slice %arg14[%add3A_24, %dma_wait3A_335] : memref<10240x128xf32, #tpu.memory_space<vmem_shared>> -> memref<80x128xf32, #tpu.memory_space<vmem_shared>>
      %dma_wait3A_337 = arith.constant 0 : i32
      %dma_wait3A_338 = arith.constant 0 : i32
      %dma_wait3A_339 = tpu.memref_slice %arg12[%run_scoped3A_25, %dma_wait3A_337, %dma_wait3A_338] : memref<2x80x128xf32, #tpu.memory_space<vmem>> -> memref<1x80x128xf32, #tpu.memory_space<vmem>>
      %dma_wait3A_340 = tpu.memref_squeeze %dma_wait3A_339 : memref<1x80x128xf32, #tpu.memory_space<vmem>> -> memref<80x128xf32, #tpu.memory_space<vmem>>
      tpu.wait_dma2 semaphore(%run_scoped3A_316 : memref<!tpu.dma_semaphore, #tpu.memory_space<semaphore_mem>>) src(%dma_wait3A_340 : memref<80x128xf32, #tpu.memory_space<vmem>>) dst(%dma_wait3A_336 : memref<80x128xf32, #tpu.memory_space<vmem_shared>>)
      tpu.yield
    }) : () -> ()
    %add3A_26 = arith.constant 560 : i32
    %add3A_27 = arith.addi %mul3A_6, %add3A_26 : i32
    %run_scoped3A_28 = arith.constant 0 : i32
    "tpu.region"() ({
      %run_scoped3A_316 = tpu.sem_alloc : memref<!tpu.dma_semaphore, #tpu.memory_space<semaphore_mem>>
      %dma_start3A_317 = arith.constant 0 : i32
      %dma_start3A_318 = arith.constant 0 : i32
      %dma_start3A_319 = tpu.memref_slice %arg12[%run_scoped3A_28, %dma_start3A_317, %dma_start3A_318] : memref<2x80x128xf32, #tpu.memory_space<vmem>> -> memref<1x80x128xf32, #tpu.memory_space<vmem>>
      %dma_start3A_320 = tpu.memref_squeeze %dma_start3A_319 : memref<1x80x128xf32, #tpu.memory_space<vmem>> -> memref<80x128xf32, #tpu.memory_space<vmem>>
      %dma_start3A_321 = arith.constant 0 : i32
      %dma_start3A_322 = tpu.memref_slice %arg14[%add3A_27, %dma_start3A_321] : memref<10240x128xf32, #tpu.memory_space<vmem_shared>> -> memref<80x128xf32, #tpu.memory_space<vmem_shared>>
      %dma_start3A_323 = arith.constant 0 : i32
      %dma_start3A_324 = tpu.memref_slice %arg14[%add3A_27, %dma_start3A_323] : memref<10240x128xf32, #tpu.memory_space<vmem_shared>> -> memref<80x128xf32, #tpu.memory_space<vmem_shared>>
      %dma_start3A_325 = arith.constant 0 : i32
      %dma_start3A_326 = arith.constant 0 : i32
      %dma_start3A_327 = tpu.memref_slice %arg12[%run_scoped3A_28, %dma_start3A_325, %dma_start3A_326] : memref<2x80x128xf32, #tpu.memory_space<vmem>> -> memref<1x80x128xf32, #tpu.memory_space<vmem>>
      %dma_start3A_328 = tpu.memref_squeeze %dma_start3A_327 : memref<1x80x128xf32, #tpu.memory_space<vmem>> -> memref<80x128xf32, #tpu.memory_space<vmem>>
      tpu.enqueue_dma source(%dma_start3A_328 : memref<80x128xf32, #tpu.memory_space<vmem>>) target(%dma_start3A_324 : memref<80x128xf32, #tpu.memory_space<vmem_shared>>) target_semaphore(%run_scoped3A_316 : memref<!tpu.dma_semaphore, #tpu.memory_space<semaphore_mem>>)
      %dma_wait3A_329 = arith.constant 0 : i32
      %dma_wait3A_330 = arith.constant 0 : i32
      %dma_wait3A_331 = tpu.memref_slice %arg12[%run_scoped3A_28, %dma_wait3A_329, %dma_wait3A_330] : memref<2x80x128xf32, #tpu.memory_space<vmem>> -> memref<1x80x128xf32, #tpu.memory_space<vmem>>
      %dma_wait3A_332 = tpu.memref_squeeze %dma_wait3A_331 : memref<1x80x128xf32, #tpu.memory_space<vmem>> -> memref<80x128xf32, #tpu.memory_space<vmem>>
      %dma_wait3A_333 = arith.constant 0 : i32
      %dma_wait3A_334 = tpu.memref_slice %arg14[%add3A_27, %dma_wait3A_333] : memref<10240x128xf32, #tpu.memory_space<vmem_shared>> -> memref<80x128xf32, #tpu.memory_space<vmem_shared>>
      %dma_wait3A_335 = arith.constant 0 : i32
      %dma_wait3A_336 = tpu.memref_slice %arg14[%add3A_27, %dma_wait3A_335] : memref<10240x128xf32, #tpu.memory_space<vmem_shared>> -> memref<80x128xf32, #tpu.memory_space<vmem_shared>>
      %dma_wait3A_337 = arith.constant 0 : i32
      %dma_wait3A_338 = arith.constant 0 : i32
      %dma_wait3A_339 = tpu.memref_slice %arg12[%run_scoped3A_28, %dma_wait3A_337, %dma_wait3A_338] : memref<2x80x128xf32, #tpu.memory_space<vmem>> -> memref<1x80x128xf32, #tpu.memory_space<vmem>>
      %dma_wait3A_340 = tpu.memref_squeeze %dma_wait3A_339 : memref<1x80x128xf32, #tpu.memory_space<vmem>> -> memref<80x128xf32, #tpu.memory_space<vmem>>
      tpu.wait_dma2 semaphore(%run_scoped3A_316 : memref<!tpu.dma_semaphore, #tpu.memory_space<semaphore_mem>>) src(%dma_wait3A_340 : memref<80x128xf32, #tpu.memory_space<vmem>>) dst(%dma_wait3A_336 : memref<80x128xf32, #tpu.memory_space<vmem_shared>>)
      tpu.yield
    }) : () -> ()
    %barrier3A = arith.constant 0 : index
    tpu.barrier barrier_id(%barrier3A)
    %mul3A_29 = arith.constant 2 : i32
    %mul3A_30 = arith.muli %arg1, %mul3A_29 : i32
    %add3A_31 = arith.addi %mul3A_30, %arg0 : i32
    %mul3A_32 = arith.constant 10000 : i32
    %mul3A_33 = arith.muli %add3A_31, %mul3A_32 : i32
    %add3A_34 = arith.constant 0 : i32
    %add3A_35 = arith.addi %mul3A_33, %add3A_34 : i32
    %dma_start3A = arith.constant 0 : i32
    %dma_start3A_36 = arith.constant 0 : i32
    %dma_start3A_37 = tpu.memref_slice %arg8[%dma_start3A, %dma_start3A_36] : memref<4x80xi32, #tpu.memory_space<vmem>> -> memref<1x80xi32, #tpu.memory_space<vmem>>
    %dma_start3A_38 = tpu.memref_squeeze %dma_start3A_37 : memref<1x80xi32, #tpu.memory_space<vmem>> -> memref<80xi32, #tpu.memory_space<vmem>>
    %dma_start3A_39 = tpu.memref_slice %arg5[%add3A_35] : memref<320000xi32, #tpu.memory_space<hbm>> -> memref<80xi32, #tpu.memory_space<hbm>>
    %dma_start3A_40 = arith.constant 0 : i32
    %dma_start3A_41 = tpu.memref_slice %arg8[%dma_start3A, %dma_start3A_40] : memref<4x80xi32, #tpu.memory_space<vmem>> -> memref<1x80xi32, #tpu.memory_space<vmem>>
    %dma_start3A_42 = tpu.memref_squeeze %dma_start3A_41 : memref<1x80xi32, #tpu.memory_space<vmem>> -> memref<80xi32, #tpu.memory_space<vmem>>
    %dma_start3A_43 = tpu.memref_slice %arg5[%add3A_35] : memref<320000xi32, #tpu.memory_space<hbm>> -> memref<80xi32, #tpu.memory_space<hbm>>
    tpu.enqueue_dma source(%dma_start3A_43 : memref<80xi32, #tpu.memory_space<hbm>>) target(%dma_start3A_42 : memref<80xi32, #tpu.memory_space<vmem>>) target_semaphore(%arg15 : memref<!tpu.dma_semaphore, #tpu.memory_space<semaphore_mem>>)
    %dma_start3A_44 = arith.constant 0 : i32
    %dma_start3A_45 = arith.constant 0 : i32
    %dma_start3A_46 = tpu.memref_slice %arg9[%dma_start3A_44, %dma_start3A_45] : memref<4x80xi32, #tpu.memory_space<vmem>> -> memref<1x80xi32, #tpu.memory_space<vmem>>
    %dma_start3A_47 = tpu.memref_squeeze %dma_start3A_46 : memref<1x80xi32, #tpu.memory_space<vmem>> -> memref<80xi32, #tpu.memory_space<vmem>>
    %dma_start3A_48 = tpu.memref_slice %arg6[%add3A_35] : memref<320000xi32, #tpu.memory_space<hbm>> -> memref<80xi32, #tpu.memory_space<hbm>>
    %dma_start3A_49 = arith.constant 0 : i32
    %dma_start3A_50 = tpu.memref_slice %arg9[%dma_start3A_44, %dma_start3A_49] : memref<4x80xi32, #tpu.memory_space<vmem>> -> memref<1x80xi32, #tpu.memory_space<vmem>>
    %dma_start3A_51 = tpu.memref_squeeze %dma_start3A_50 : memref<1x80xi32, #tpu.memory_space<vmem>> -> memref<80xi32, #tpu.memory_space<vmem>>
    %dma_start3A_52 = tpu.memref_slice %arg6[%add3A_35] : memref<320000xi32, #tpu.memory_space<hbm>> -> memref<80xi32, #tpu.memory_space<hbm>>
    tpu.enqueue_dma source(%dma_start3A_52 : memref<80xi32, #tpu.memory_space<hbm>>) target(%dma_start3A_51 : memref<80xi32, #tpu.memory_space<vmem>>) target_semaphore(%arg15 : memref<!tpu.dma_semaphore, #tpu.memory_space<semaphore_mem>>)
    %dma_start3A_53 = arith.constant 0 : i32
    %dma_start3A_54 = arith.constant 0 : i32
    %dma_start3A_55 = tpu.memref_slice %arg10[%dma_start3A_53, %dma_start3A_54] : memref<2x80xf32, #tpu.memory_space<vmem>> -> memref<1x80xf32, #tpu.memory_space<vmem>>
    %dma_start3A_56 = tpu.memref_squeeze %dma_start3A_55 : memref<1x80xf32, #tpu.memory_space<vmem>> -> memref<80xf32, #tpu.memory_space<vmem>>
    %dma_start3A_57 = tpu.memref_slice %arg4[%add3A_35] : memref<320000xf32, #tpu.memory_space<hbm>> -> memref<80xf32, #tpu.memory_space<hbm>>
    %dma_start3A_58 = arith.constant 0 : i32
    %dma_start3A_59 = tpu.memref_slice %arg10[%dma_start3A_53, %dma_start3A_58] : memref<2x80xf32, #tpu.memory_space<vmem>> -> memref<1x80xf32, #tpu.memory_space<vmem>>
    %dma_start3A_60 = tpu.memref_squeeze %dma_start3A_59 : memref<1x80xf32, #tpu.memory_space<vmem>> -> memref<80xf32, #tpu.memory_space<vmem>>
    %dma_start3A_61 = tpu.memref_slice %arg4[%add3A_35] : memref<320000xf32, #tpu.memory_space<hbm>> -> memref<80xf32, #tpu.memory_space<hbm>>
    tpu.enqueue_dma source(%dma_start3A_61 : memref<80xf32, #tpu.memory_space<hbm>>) target(%dma_start3A_60 : memref<80xf32, #tpu.memory_space<vmem>>) target_semaphore(%arg15 : memref<!tpu.dma_semaphore, #tpu.memory_space<semaphore_mem>>)
    %dma_wait3A = arith.constant 0 : i32
    %dma_wait3A_62 = arith.constant 0 : i32
    %dma_wait3A_63 = tpu.memref_slice %arg8[%dma_wait3A, %dma_wait3A_62] : memref<4x80xi32, #tpu.memory_space<vmem>> -> memref<1x80xi32, #tpu.memory_space<vmem>>
    %dma_wait3A_64 = tpu.memref_squeeze %dma_wait3A_63 : memref<1x80xi32, #tpu.memory_space<vmem>> -> memref<80xi32, #tpu.memory_space<vmem>>
    %dma_wait3A_65 = arith.constant 0 : i32
    %dma_wait3A_66 = tpu.memref_slice %arg5[%dma_wait3A_65] : memref<320000xi32, #tpu.memory_space<hbm>> -> memref<80xi32, #tpu.memory_space<hbm>>
    %dma_wait3A_67 = arith.constant 0 : i32
    %dma_wait3A_68 = tpu.memref_slice %arg8[%dma_wait3A, %dma_wait3A_67] : memref<4x80xi32, #tpu.memory_space<vmem>> -> memref<1x80xi32, #tpu.memory_space<vmem>>
    %dma_wait3A_69 = tpu.memref_squeeze %dma_wait3A_68 : memref<1x80xi32, #tpu.memory_space<vmem>> -> memref<80xi32, #tpu.memory_space<vmem>>
    %dma_wait3A_70 = arith.constant 0 : i32
    %dma_wait3A_71 = tpu.memref_slice %arg5[%dma_wait3A_70] : memref<320000xi32, #tpu.memory_space<hbm>> -> memref<80xi32, #tpu.memory_space<hbm>>
    tpu.wait_dma2 semaphore(%arg15 : memref<!tpu.dma_semaphore, #tpu.memory_space<semaphore_mem>>) src(%dma_wait3A_71 : memref<80xi32, #tpu.memory_space<hbm>>) dst(%dma_wait3A_69 : memref<80xi32, #tpu.memory_space<vmem>>)
    %dma_wait3A_72 = arith.constant 0 : i32
    %dma_wait3A_73 = arith.constant 0 : i32
    %dma_wait3A_74 = tpu.memref_slice %arg8[%dma_wait3A_72, %dma_wait3A_73] : memref<4x80xi32, #tpu.memory_space<vmem>> -> memref<1x80xi32, #tpu.memory_space<vmem>>
    %dma_wait3A_75 = tpu.memref_squeeze %dma_wait3A_74 : memref<1x80xi32, #tpu.memory_space<vmem>> -> memref<80xi32, #tpu.memory_space<vmem>>
    %dma_wait3A_76 = arith.constant 0 : i32
    %dma_wait3A_77 = tpu.memref_slice %arg5[%dma_wait3A_76] : memref<320000xi32, #tpu.memory_space<hbm>> -> memref<80xi32, #tpu.memory_space<hbm>>
    %dma_wait3A_78 = arith.constant 0 : i32
    %dma_wait3A_79 = tpu.memref_slice %arg8[%dma_wait3A_72, %dma_wait3A_78] : memref<4x80xi32, #tpu.memory_space<vmem>> -> memref<1x80xi32, #tpu.memory_space<vmem>>
    %dma_wait3A_80 = tpu.memref_squeeze %dma_wait3A_79 : memref<1x80xi32, #tpu.memory_space<vmem>> -> memref<80xi32, #tpu.memory_space<vmem>>
    %dma_wait3A_81 = arith.constant 0 : i32
    %dma_wait3A_82 = tpu.memref_slice %arg5[%dma_wait3A_81] : memref<320000xi32, #tpu.memory_space<hbm>> -> memref<80xi32, #tpu.memory_space<hbm>>
    tpu.wait_dma2 semaphore(%arg15 : memref<!tpu.dma_semaphore, #tpu.memory_space<semaphore_mem>>) src(%dma_wait3A_82 : memref<80xi32, #tpu.memory_space<hbm>>) dst(%dma_wait3A_80 : memref<80xi32, #tpu.memory_space<vmem>>)
    %dma_wait3A_83 = arith.constant 0 : i32
    %dma_wait3A_84 = arith.constant 0 : i32
    %dma_wait3A_85 = tpu.memref_slice %arg10[%dma_wait3A_83, %dma_wait3A_84] : memref<2x80xf32, #tpu.memory_space<vmem>> -> memref<1x80xf32, #tpu.memory_space<vmem>>
    %dma_wait3A_86 = tpu.memref_squeeze %dma_wait3A_85 : memref<1x80xf32, #tpu.memory_space<vmem>> -> memref<80xf32, #tpu.memory_space<vmem>>
    %dma_wait3A_87 = arith.constant 0 : i32
    %dma_wait3A_88 = tpu.memref_slice %arg4[%dma_wait3A_87] : memref<320000xf32, #tpu.memory_space<hbm>> -> memref<80xf32, #tpu.memory_space<hbm>>
    %dma_wait3A_89 = arith.constant 0 : i32
    %dma_wait3A_90 = tpu.memref_slice %arg10[%dma_wait3A_83, %dma_wait3A_89] : memref<2x80xf32, #tpu.memory_space<vmem>> -> memref<1x80xf32, #tpu.memory_space<vmem>>
    %dma_wait3A_91 = tpu.memref_squeeze %dma_wait3A_90 : memref<1x80xf32, #tpu.memory_space<vmem>> -> memref<80xf32, #tpu.memory_space<vmem>>
    %dma_wait3A_92 = arith.constant 0 : i32
    %dma_wait3A_93 = tpu.memref_slice %arg4[%dma_wait3A_92] : memref<320000xf32, #tpu.memory_space<hbm>> -> memref<80xf32, #tpu.memory_space<hbm>>
    tpu.wait_dma2 semaphore(%arg15 : memref<!tpu.dma_semaphore, #tpu.memory_space<semaphore_mem>>) src(%dma_wait3A_93 : memref<80xf32, #tpu.memory_space<hbm>>) dst(%dma_wait3A_91 : memref<80xf32, #tpu.memory_space<vmem>>)
    %get3A = arith.constant 0 : i32
    %get3A_94 = arith.index_cast %get3A : i32 to index
    %get3A_95 = arith.constant 0 : index
    %get3A_96 = tpu.vector_load %arg10[%get3A_94, %get3A_95] {strides = array<i32>} : memref<2x80xf32, #tpu.memory_space<vmem>>, vector<1x16xf32>,
    %get3A_97 = vector.shape_cast %get3A_96 : vector<1x16xf32> to vector<16xf32>
    %mul3A_98 = arith.constant 3.276800e+03 : f32
    %mul3A_99 = vector.broadcast %mul3A_98 : f32 to vector<16xf32>
    %mul3A_100 = arith.mulf %get3A_97, %mul3A_99 : vector<16xf32>
    %add3A_101 = arith.constant 5.000000e-01 : f32
    %add3A_102 = vector.broadcast %add3A_101 : f32 to vector<16xf32>
    %add3A_103 = arith.addf %mul3A_100, %add3A_102 : vector<16xf32>
    %convert_element_type3A = arith.fptosi %add3A_103 : vector<16xf32> to vector<16xi32>
    %min3A = arith.constant 16383 : i32
    %min3A_104 = vector.broadcast %min3A : i32 to vector<16xi32>
    %min3A_105 = arith.minsi %convert_element_type3A, %min3A_104 : vector<16xi32>
    %swap3A = arith.constant 0 : i32
    %swap3A_106 = arith.index_cast %swap3A : i32 to index
    %swap3A_107 = arith.constant 0 : index
    %swap3A_108 = tpu.vector_load %arg11[%swap3A_106, %swap3A_107] {strides = array<i32>} : memref<2x80xi32, #tpu.memory_space<vmem>>, vector<1x16xi32>,
    %swap3A_109 = vector.shape_cast %swap3A_108 : vector<1x16xi32> to vector<16xi32>
    %swap3A_110 = vector.shape_cast %min3A_105 : vector<16xi32> to vector<1x16xi32>
    tpu.vector_store %arg11[%swap3A_106, %swap3A_107], %swap3A_110 {strides = array<i32>} : memref<2x80xi32, #tpu.memory_space<vmem>>, vector<1x16xi32>,
    %get3A_111 = arith.constant 0 : i32
    %get3A_112 = arith.index_cast %get3A_111 : i32 to index
    %get3A_113 = arith.constant 16 : index
    %get3A_114 = tpu.vector_load %arg10[%get3A_112, %get3A_113] {strides = array<i32>} : memref<2x80xf32, #tpu.memory_space<vmem>>, vector<1x16xf32>,
    %get3A_115 = vector.shape_cast %get3A_114 : vector<1x16xf32> to vector<16xf32>
    %mul3A_116 = arith.constant 3.276800e+03 : f32
    %mul3A_117 = vector.broadcast %mul3A_116 : f32 to vector<16xf32>
    %mul3A_118 = arith.mulf %get3A_115, %mul3A_117 : vector<16xf32>
    %add3A_119 = arith.constant 5.000000e-01 : f32
    %add3A_120 = vector.broadcast %add3A_119 : f32 to vector<16xf32>
    %add3A_121 = arith.addf %mul3A_118, %add3A_120 : vector<16xf32>
    %convert_element_type3A_122 = arith.fptosi %add3A_121 : vector<16xf32> to vector<16xi32>
    %min3A_123 = arith.constant 16383 : i32
    %min3A_124 = vector.broadcast %min3A_123 : i32 to vector<16xi32>
    %min3A_125 = arith.minsi %convert_element_type3A_122, %min3A_124 : vector<16xi32>
    %swap3A_126 = arith.constant 0 : i32
    %swap3A_127 = arith.index_cast %swap3A_126 : i32 to index
    %swap3A_128 = arith.constant 16 : index
    %swap3A_129 = tpu.vector_load %arg11[%swap3A_127, %swap3A_128] {strides = array<i32>} : memref<2x80xi32, #tpu.memory_space<vmem>>, vector<1x16xi32>,
    %swap3A_130 = vector.shape_cast %swap3A_129 : vector<1x16xi32> to vector<16xi32>
    %swap3A_131 = vector.shape_cast %min3A_125 : vector<16xi32> to vector<1x16xi32>
    tpu.vector_store %arg11[%swap3A_127, %swap3A_128], %swap3A_131 {strides = array<i32>} : memref<2x80xi32, #tpu.memory_space<vmem>>, vector<1x16xi32>,
    %get3A_132 = arith.constant 0 : i32
    %get3A_133 = arith.index_cast %get3A_132 : i32 to index
    %get3A_134 = arith.constant 32 : index
    %get3A_135 = tpu.vector_load %arg10[%get3A_133, %get3A_134] {strides = array<i32>} : memref<2x80xf32, #tpu.memory_space<vmem>>, vector<1x16xf32>,
    %get3A_136 = vector.shape_cast %get3A_135 : vector<1x16xf32> to vector<16xf32>
    %mul3A_137 = arith.constant 3.276800e+03 : f32
    %mul3A_138 = vector.broadcast %mul3A_137 : f32 to vector<16xf32>
    %mul3A_139 = arith.mulf %get3A_136, %mul3A_138 : vector<16xf32>
    %add3A_140 = arith.constant 5.000000e-01 : f32
    %add3A_141 = vector.broadcast %add3A_140 : f32 to vector<16xf32>
    %add3A_142 = arith.addf %mul3A_139, %add3A_141 : vector<16xf32>
    %convert_element_type3A_143 = arith.fptosi %add3A_142 : vector<16xf32> to vector<16xi32>
    %min3A_144 = arith.constant 16383 : i32
    %min3A_145 = vector.broadcast %min3A_144 : i32 to vector<16xi32>
    %min3A_146 = arith.minsi %convert_element_type3A_143, %min3A_145 : vector<16xi32>
    %swap3A_147 = arith.constant 0 : i32
    %swap3A_148 = arith.index_cast %swap3A_147 : i32 to index
    %swap3A_149 = arith.constant 32 : index
    %swap3A_150 = tpu.vector_load %arg11[%swap3A_148, %swap3A_149] {strides = array<i32>} : memref<2x80xi32, #tpu.memory_space<vmem>>, vector<1x16xi32>,
    %swap3A_151 = vector.shape_cast %swap3A_150 : vector<1x16xi32> to vector<16xi32>
    %swap3A_152 = vector.shape_cast %min3A_146 : vector<16xi32> to vector<1x16xi32>
    tpu.vector_store %arg11[%swap3A_148, %swap3A_149], %swap3A_152 {strides = array<i32>} : memref<2x80xi32, #tpu.memory_space<vmem>>, vector<1x16xi32>,
    %get3A_153 = arith.constant 0 : i32
    %get3A_154 = arith.index_cast %get3A_153 : i32 to index
    %get3A_155 = arith.constant 48 : index
    %get3A_156 = tpu.vector_load %arg10[%get3A_154, %get3A_155] {strides = array<i32>} : memref<2x80xf32, #tpu.memory_space<vmem>>, vector<1x16xf32>,
    %get3A_157 = vector.shape_cast %get3A_156 : vector<1x16xf32> to vector<16xf32>
    %mul3A_158 = arith.constant 3.276800e+03 : f32
    %mul3A_159 = vector.broadcast %mul3A_158 : f32 to vector<16xf32>
    %mul3A_160 = arith.mulf %get3A_157, %mul3A_159 : vector<16xf32>
    %add3A_161 = arith.constant 5.000000e-01 : f32
    %add3A_162 = vector.broadcast %add3A_161 : f32 to vector<16xf32>
    %add3A_163 = arith.addf %mul3A_160, %add3A_162 : vector<16xf32>
    %convert_element_type3A_164 = arith.fptosi %add3A_163 : vector<16xf32> to vector<16xi32>
    %min3A_165 = arith.constant 16383 : i32
    %min3A_166 = vector.broadcast %min3A_165 : i32 to vector<16xi32>
    %min3A_167 = arith.minsi %convert_element_type3A_164, %min3A_166 : vector<16xi32>
    %swap3A_168 = arith.constant 0 : i32
    %swap3A_169 = arith.index_cast %swap3A_168 : i32 to index
    %swap3A_170 = arith.constant 48 : index
    %swap3A_171 = tpu.vector_load %arg11[%swap3A_169, %swap3A_170] {strides = array<i32>} : memref<2x80xi32, #tpu.memory_space<vmem>>, vector<1x16xi32>,
    %swap3A_172 = vector.shape_cast %swap3A_171 : vector<1x16xi32> to vector<16xi32>
    %swap3A_173 = vector.shape_cast %min3A_167 : vector<16xi32> to vector<1x16xi32>
    tpu.vector_store %arg11[%swap3A_169, %swap3A_170], %swap3A_173 {strides = array<i32>} : memref<2x80xi32, #tpu.memory_space<vmem>>, vector<1x16xi32>,
    %get3A_174 = arith.constant 0 : i32
    %get3A_175 = arith.index_cast %get3A_174 : i32 to index
    %get3A_176 = arith.constant 64 : index
    %get3A_177 = tpu.vector_load %arg10[%get3A_175, %get3A_176] {strides = array<i32>} : memref<2x80xf32, #tpu.memory_space<vmem>>, vector<1x16xf32>,
    %get3A_178 = vector.shape_cast %get3A_177 : vector<1x16xf32> to vector<16xf32>
    %mul3A_179 = arith.constant 3.276800e+03 : f32
    %mul3A_180 = vector.broadcast %mul3A_179 : f32 to vector<16xf32>
    %mul3A_181 = arith.mulf %get3A_178, %mul3A_180 : vector<16xf32>
    %add3A_182 = arith.constant 5.000000e-01 : f32
    %add3A_183 = vector.broadcast %add3A_182 : f32 to vector<16xf32>
    %add3A_184 = arith.addf %mul3A_181, %add3A_183 : vector<16xf32>
    %convert_element_type3A_185 = arith.fptosi %add3A_184 : vector<16xf32> to vector<16xi32>
    %min3A_186 = arith.constant 16383 : i32
    %min3A_187 = vector.broadcast %min3A_186 : i32 to vector<16xi32>
    %min3A_188 = arith.minsi %convert_element_type3A_185, %min3A_187 : vector<16xi32>
    %swap3A_189 = arith.constant 0 : i32
    %swap3A_190 = arith.index_cast %swap3A_189 : i32 to index
    %swap3A_191 = arith.constant 64 : index
    %swap3A_192 = tpu.vector_load %arg11[%swap3A_190, %swap3A_191] {strides = array<i32>} : memref<2x80xi32, #tpu.memory_space<vmem>>, vector<1x16xi32>,
    %swap3A_193 = vector.shape_cast %swap3A_192 : vector<1x16xi32> to vector<16xi32>
    %swap3A_194 = vector.shape_cast %min3A_188 : vector<16xi32> to vector<1x16xi32>
    tpu.vector_store %arg11[%swap3A_190, %swap3A_191], %swap3A_194 {strides = array<i32>} : memref<2x80xi32, #tpu.memory_space<vmem>>, vector<1x16xi32>,
    %dma_start3A_195 = arith.constant 0 : i32
    %dma_start3A_196 = arith.constant 0 : i32
    %dma_start3A_197 = arith.constant 0 : i32
    %dma_start3A_198 = arith.constant 0 : i32
    %dma_start3A_199 = tpu.memref_slice %arg12[%dma_start3A_196, %dma_start3A_197, %dma_start3A_198] : memref<2x80x128xf32, #tpu.memory_space<vmem>> -> memref<1x80x128xf32, #tpu.memory_space<vmem>>
    %dma_start3A_200 = tpu.memref_squeeze %dma_start3A_199 : memref<1x80x128xf32, #tpu.memory_space<vmem>> -> memref<80x128xf32, #tpu.memory_space<vmem>>
    %dma_start3A_201 = arith.constant 0 : i32
    %dma_start3A_202 = tpu.memref_slice %arg8[%dma_start3A_195, %dma_start3A_201] : memref<4x80xi32, #tpu.memory_space<vmem>> -> memref<1x80xi32, #tpu.memory_space<vmem>>
    %dma_start3A_203 = tpu.memref_squeeze %dma_start3A_202 : memref<1x80xi32, #tpu.memory_space<vmem>> -> memref<80xi32, #tpu.memory_space<vmem>>
    %dma_start3A_204 = arith.constant 0 : i32
    %dma_start3A_205 = arith.constant 0 : i32
    %dma_start3A_206 = tpu.memref_slice %arg2[%dma_start3A_204, %dma_start3A_205] : memref<10000x128xf32, #tpu.memory_space<hbm>> -> memref<10000x128xf32, #tpu.memory_space<hbm>>
    tpu.enqueue_indirect_dma source(%dma_start3A_206 : memref<10000x128xf32, #tpu.memory_space<hbm>>) target(%dma_start3A_200 : memref<80x128xf32, #tpu.memory_space<vmem>>) offsets(%dma_start3A_203 : memref<80xi32, #tpu.memory_space<vmem>>) semaphore(%arg16 : memref<!tpu.dma_semaphore, #tpu.memory_space<semaphore_mem>>)
    %dma_start3A_207 = arith.constant 0 : i32
    %dma_start3A_208 = arith.constant 0 : i32
    %dma_start3A_209 = arith.constant 0 : i32
    %dma_start3A_210 = arith.constant 0 : i32
    %dma_start3A_211 = tpu.memref_slice %arg13[%dma_start3A_208, %dma_start3A_209, %dma_start3A_210] : memref<2x80x128xf32, #tpu.memory_space<vmem>> -> memref<1x80x128xf32, #tpu.memory_space<vmem>>
    %dma_start3A_212 = tpu.memref_squeeze %dma_start3A_211 : memref<1x80x128xf32, #tpu.memory_space<vmem>> -> memref<80x128xf32, #tpu.memory_space<vmem>>
    %dma_start3A_213 = arith.constant 0 : i32
    %dma_start3A_214 = tpu.memref_slice %arg11[%dma_start3A_207, %dma_start3A_213] : memref<2x80xi32, #tpu.memory_space<vmem>> -> memref<1x80xi32, #tpu.memory_space<vmem>>
    %dma_start3A_215 = tpu.memref_squeeze %dma_start3A_214 : memref<1x80xi32, #tpu.memory_space<vmem>> -> memref<80xi32, #tpu.memory_space<vmem>>
    %dma_start3A_216 = arith.constant 0 : i32
    %dma_start3A_217 = arith.constant 0 : i32
    %dma_start3A_218 = tpu.memref_slice %arg3[%dma_start3A_216, %dma_start3A_217] : memref<16384x128xf32, #tpu.memory_space<hbm>> -> memref<16384x128xf32, #tpu.memory_space<hbm>>
    tpu.enqueue_indirect_dma source(%dma_start3A_218 : memref<16384x128xf32, #tpu.memory_space<hbm>>) target(%dma_start3A_212 : memref<80x128xf32, #tpu.memory_space<vmem>>) offsets(%dma_start3A_215 : memref<80xi32, #tpu.memory_space<vmem>>) semaphore(%arg17 : memref<!tpu.dma_semaphore, #tpu.memory_space<semaphore_mem>>)
    %add3A_219 = arith.constant 80 : i32
    %add3A_220 = arith.addi %mul3A_33, %add3A_219 : i32
    %dma_start3A_221 = arith.constant 1 : i32
    %dma_start3A_222 = arith.constant 0 : i32
    %dma_start3A_223 = tpu.memref_slice %arg8[%dma_start3A_221, %dma_start3A_222] : memref<4x80xi32, #tpu.memory_space<vmem>> -> memref<1x80xi32, #tpu.memory_space<vmem>>
    %dma_start3A_224 = tpu.memref_squeeze %dma_start3A_223 : memref<1x80xi32, #tpu.memory_space<vmem>> -> memref<80xi32, #tpu.memory_space<vmem>>
    %dma_start3A_225 = tpu.memref_slice %arg5[%add3A_220] : memref<320000xi32, #tpu.memory_space<hbm>> -> memref<80xi32, #tpu.memory_space<hbm>>
    %dma_start3A_226 = arith.constant 0 : i32
    %dma_start3A_227 = tpu.memref_slice %arg8[%dma_start3A_221, %dma_start3A_226] : memref<4x80xi32, #tpu.memory_space<vmem>> -> memref<1x80xi32, #tpu.memory_space<vmem>>
    %dma_start3A_228 = tpu.memref_squeeze %dma_start3A_227 : memref<1x80xi32, #tpu.memory_space<vmem>> -> memref<80xi32, #tpu.memory_space<vmem>>
    %dma_start3A_229 = tpu.memref_slice %arg5[%add3A_220] : memref<320000xi32, #tpu.memory_space<hbm>> -> memref<80xi32, #tpu.memory_space<hbm>>
    tpu.enqueue_dma source(%dma_start3A_229 : memref<80xi32, #tpu.memory_space<hbm>>) target(%dma_start3A_228 : memref<80xi32, #tpu.memory_space<vmem>>) target_semaphore(%arg15 : memref<!tpu.dma_semaphore, #tpu.memory_space<semaphore_mem>>)
    %dma_start3A_230 = arith.constant 1 : i32
    %dma_start3A_231 = arith.constant 0 : i32
    %dma_start3A_232 = tpu.memref_slice %arg9[%dma_start3A_230, %dma_start3A_231] : memref<4x80xi32, #tpu.memory_space<vmem>> -> memref<1x80xi32, #tpu.memory_space<vmem>>
    %dma_start3A_233 = tpu.memref_squeeze %dma_start3A_232 : memref<1x80xi32, #tpu.memory_space<vmem>> -> memref<80xi32, #tpu.memory_space<vmem>>
    %dma_start3A_234 = tpu.memref_slice %arg6[%add3A_220] : memref<320000xi32, #tpu.memory_space<hbm>> -> memref<80xi32, #tpu.memory_space<hbm>>
    %dma_start3A_235 = arith.constant 0 : i32
    %dma_start3A_236 = tpu.memref_slice %arg9[%dma_start3A_230, %dma_start3A_235] : memref<4x80xi32, #tpu.memory_space<vmem>> -> memref<1x80xi32, #tpu.memory_space<vmem>>
    %dma_start3A_237 = tpu.memref_squeeze %dma_start3A_236 : memref<1x80xi32, #tpu.memory_space<vmem>> -> memref<80xi32, #tpu.memory_space<vmem>>
    %dma_start3A_238 = tpu.memref_slice %arg6[%add3A_220] : memref<320000xi32, #tpu.memory_space<hbm>> -> memref<80xi32, #tpu.memory_space<hbm>>
    tpu.enqueue_dma source(%dma_start3A_238 : memref<80xi32, #tpu.memory_space<hbm>>) target(%dma_start3A_237 : memref<80xi32, #tpu.memory_space<vmem>>) target_semaphore(%arg15 : memref<!tpu.dma_semaphore, #tpu.memory_space<semaphore_mem>>)
    %dma_start3A_239 = arith.constant 1 : i32
    %dma_start3A_240 = arith.constant 0 : i32
    %dma_start3A_241 = tpu.memref_slice %arg10[%dma_start3A_239, %dma_start3A_240] : memref<2x80xf32, #tpu.memory_space<vmem>> -> memref<1x80xf32, #tpu.memory_space<vmem>>
    %dma_start3A_242 = tpu.memref_squeeze %dma_start3A_241 : memref<1x80xf32, #tpu.memory_space<vmem>> -> memref<80xf32, #tpu.memory_space<vmem>>
    %dma_start3A_243 = tpu.memref_slice %arg4[%add3A_220] : memref<320000xf32, #tpu.memory_space<hbm>> -> memref<80xf32, #tpu.memory_space<hbm>>
    %dma_start3A_244 = arith.constant 0 : i32
    %dma_start3A_245 = tpu.memref_slice %arg10[%dma_start3A_239, %dma_start3A_244] : memref<2x80xf32, #tpu.memory_space<vmem>> -> memref<1x80xf32, #tpu.memory_space<vmem>>
    %dma_start3A_246 = tpu.memref_squeeze %dma_start3A_245 : memref<1x80xf32, #tpu.memory_space<vmem>> -> memref<80xf32, #tpu.memory_space<vmem>>
    %dma_start3A_247 = tpu.memref_slice %arg4[%add3A_220] : memref<320000xf32, #tpu.memory_space<hbm>> -> memref<80xf32, #tpu.memory_space<hbm>>
    tpu.enqueue_dma source(%dma_start3A_247 : memref<80xf32, #tpu.memory_space<hbm>>) target(%dma_start3A_246 : memref<80xf32, #tpu.memory_space<vmem>>) target_semaphore(%arg15 : memref<!tpu.dma_semaphore, #tpu.memory_space<semaphore_mem>>)
    %scan3A_248 = arith.constant 0 : i32
    %scan3A_249 = arith.constant 0 : i32
    %scan3A_250 = arith.constant 125 : i32
    %scan3A_251 = arith.addi %scan3A_249, %scan3A_250 : i32
    %scan3A_252 = arith.constant 1 : i32
    %scan3A_253 = scf.for %scan3A_316 = %scan3A_249 to %scan3A_251 step %scan3A_252 iter_args(%scan3A_317 = %scan3A_248) -> (i32)  : i32 {
      %rem3A = arith.constant 2 : i32
      %rem3A_318 = arith.remsi %scan3A_316, %rem3A : i32
      %eq3A = arith.constant 0 : i32
      %eq3A_319 = arith.cmpi eq, %rem3A_318, %eq3A : i32
      %convert_element_type3A_320 = arith.extui %eq3A_319 : i1 to i32
      %cond3A = arith.constant 0 : i32
      %cond3A_321 = arith.cmpi ne, %convert_element_type3A_320, %cond3A : i32
      scf.if %cond3A_321 {
        %add3A_328 = arith.constant 1 : i32
        %add3A_329 = arith.addi %scan3A_316, %add3A_328 : i32
        %lt3A = arith.constant 125 : i32
        %lt3A_330 = arith.cmpi slt, %add3A_329, %lt3A : i32
        %convert_element_type3A_331 = arith.extui %lt3A_330 : i1 to i32
        %cond3A_332 = arith.constant 0 : i32
        %cond3A_333 = arith.cmpi ne, %convert_element_type3A_331, %cond3A_332 : i32
        scf.if %cond3A_333 {
          %dma_wait3A_407 = arith.constant 0 : i32
          %dma_wait3A_408 = arith.constant 0 : i32
          %dma_wait3A_409 = tpu.memref_slice %arg8[%dma_wait3A_407, %dma_wait3A_408] : memref<4x80xi32, #tpu.memory_space<vmem>> -> memref<1x80xi32, #tpu.memory_space<vmem>>
          %dma_wait3A_410 = tpu.memref_squeeze %dma_wait3A_409 : memref<1x80xi32, #tpu.memory_space<vmem>> -> memref<80xi32, #tpu.memory_space<vmem>>
          %dma_wait3A_411 = arith.constant 0 : i32
          %dma_wait3A_412 = tpu.memref_slice %arg5[%dma_wait3A_411] : memref<320000xi32, #tpu.memory_space<hbm>> -> memref<80xi32, #tpu.memory_space<hbm>>
          %dma_wait3A_413 = arith.constant 0 : i32
          %dma_wait3A_414 = tpu.memref_slice %arg8[%dma_wait3A_407, %dma_wait3A_413] : memref<4x80xi32, #tpu.memory_space<vmem>> -> memref<1x80xi32, #tpu.memory_space<vmem>>
          %dma_wait3A_415 = tpu.memref_squeeze %dma_wait3A_414 : memref<1x80xi32, #tpu.memory_space<vmem>> -> memref<80xi32, #tpu.memory_space<vmem>>
          %dma_wait3A_416 = arith.constant 0 : i32
          %dma_wait3A_417 = tpu.memref_slice %arg5[%dma_wait3A_416] : memref<320000xi32, #tpu.memory_space<hbm>> -> memref<80xi32, #tpu.memory_space<hbm>>
          tpu.wait_dma2 semaphore(%arg15 : memref<!tpu.dma_semaphore, #tpu.memory_space<semaphore_mem>>) src(%dma_wait3A_417 : memref<80xi32, #tpu.memory_space<hbm>>) dst(%dma_wait3A_415 : memref<80xi32, #tpu.memory_space<vmem>>)
          %dma_wait3A_418 = arith.constant 0 : i32
          %dma_wait3A_419 = arith.constant 0 : i32
          %dma_wait3A_420 = tpu.memref_slice %arg8[%dma_wait3A_418, %dma_wait3A_419] : memref<4x80xi32, #tpu.memory_space<vmem>> -> memref<1x80xi32, #tpu.memory_space<vmem>>
          %dma_wait3A_421 = tpu.memref_squeeze %dma_wait3A_420 : memref<1x80xi32, #tpu.memory_space<vmem>> -> memref<80xi32, #tpu.memory_space<vmem>>
          %dma_wait3A_422 = arith.constant 0 : i32
          %dma_wait3A_423 = tpu.memref_slice %arg5[%dma_wait3A_422] : memref<320000xi32, #tpu.memory_space<hbm>> -> memref<80xi32, #tpu.memory_space<hbm>>
          %dma_wait3A_424 = arith.constant 0 : i32
          %dma_wait3A_425 = tpu.memref_slice %arg8[%dma_wait3A_418, %dma_wait3A_424] : memref<4x80xi32, #tpu.memory_space<vmem>> -> memref<1x80xi32, #tpu.memory_space<vmem>>
          %dma_wait3A_426 = tpu.memref_squeeze %dma_wait3A_425 : memref<1x80xi32, #tpu.memory_space<vmem>> -> memref<80xi32, #tpu.memory_space<vmem>>
          %dma_wait3A_427 = arith.constant 0 : i32
          %dma_wait3A_428 = tpu.memref_slice %arg5[%dma_wait3A_427] : memref<320000xi32, #tpu.memory_space<hbm>> -> memref<80xi32, #tpu.memory_space<hbm>>
          tpu.wait_dma2 semaphore(%arg15 : memref<!tpu.dma_semaphore, #tpu.memory_space<semaphore_mem>>) src(%dma_wait3A_428 : memref<80xi32, #tpu.memory_space<hbm>>) dst(%dma_wait3A_426 : memref<80xi32, #tpu.memory_space<vmem>>)
          %dma_wait3A_429 = arith.constant 0 : i32
          %dma_wait3A_430 = arith.constant 0 : i32
          %dma_wait3A_431 = tpu.memref_slice %arg10[%dma_wait3A_429, %dma_wait3A_430] : memref<2x80xf32, #tpu.memory_space<vmem>> -> memref<1x80xf32, #tpu.memory_space<vmem>>
          %dma_wait3A_432 = tpu.memref_squeeze %dma_wait3A_431 : memref<1x80xf32, #tpu.memory_space<vmem>> -> memref<80xf32, #tpu.memory_space<vmem>>
          %dma_wait3A_433 = arith.constant 0 : i32
          %dma_wait3A_434 = tpu.memref_slice %arg4[%dma_wait3A_433] : memref<320000xf32, #tpu.memory_space<hbm>> -> memref<80xf32, #tpu.memory_space<hbm>>
          %dma_wait3A_435 = arith.constant 0 : i32
          %dma_wait3A_436 = tpu.memref_slice %arg10[%dma_wait3A_429, %dma_wait3A_435] : memref<2x80xf32, #tpu.memory_space<vmem>> -> memref<1x80xf32, #tpu.memory_space<vmem>>
          %dma_wait3A_437 = tpu.memref_squeeze %dma_wait3A_436 : memref<1x80xf32, #tpu.memory_space<vmem>> -> memref<80xf32, #tpu.memory_space<vmem>>
          %dma_wait3A_438 = arith.constant 0 : i32
          %dma_wait3A_439 = tpu.memref_slice %arg4[%dma_wait3A_438] : memref<320000xf32, #tpu.memory_space<hbm>> -> memref<80xf32, #tpu.memory_space<hbm>>
          tpu.wait_dma2 semaphore(%arg15 : memref<!tpu.dma_semaphore, #tpu.memory_space<semaphore_mem>>) src(%dma_wait3A_439 : memref<80xf32, #tpu.memory_space<hbm>>) dst(%dma_wait3A_437 : memref<80xf32, #tpu.memory_space<vmem>>)
          %get3A_440 = arith.constant 1 : i32
          %get3A_441 = arith.index_cast %get3A_440 : i32 to index
          %get3A_442 = arith.constant 0 : index
          %get3A_443 = tpu.vector_load %arg10[%get3A_441, %get3A_442] {strides = array<i32>} : memref<2x80xf32, #tpu.memory_space<vmem>>, vector<1x16xf32>,
          %get3A_444 = vector.shape_cast %get3A_443 : vector<1x16xf32> to vector<16xf32>
          %mul3A_445 = arith.constant 3.276800e+03 : f32
          %mul3A_446 = vector.broadcast %mul3A_445 : f32 to vector<16xf32>
          %mul3A_447 = arith.mulf %get3A_444, %mul3A_446 : vector<16xf32>
          %add3A_448 = arith.constant 5.000000e-01 : f32
          %add3A_449 = vector.broadcast %add3A_448 : f32 to vector<16xf32>
          %add3A_450 = arith.addf %mul3A_447, %add3A_449 : vector<16xf32>
          %convert_element_type3A_451 = arith.fptosi %add3A_450 : vector<16xf32> to vector<16xi32>
          %min3A_452 = arith.constant 16383 : i32
          %min3A_453 = vector.broadcast %min3A_452 : i32 to vector<16xi32>
          %min3A_454 = arith.minsi %convert_element_type3A_451, %min3A_453 : vector<16xi32>
          %swap3A_455 = arith.constant 1 : i32
          %swap3A_456 = arith.index_cast %swap3A_455 : i32 to index
          %swap3A_457 = arith.constant 0 : index
          %swap3A_458 = tpu.vector_load %arg11[%swap3A_456, %swap3A_457] {strides = array<i32>} : memref<2x80xi32, #tpu.memory_space<vmem>>, vector<1x16xi32>,
          %swap3A_459 = vector.shape_cast %swap3A_458 : vector<1x16xi32> to vector<16xi32>
          %swap3A_460 = vector.shape_cast %min3A_454 : vector<16xi32> to vector<1x16xi32>
          tpu.vector_store %arg11[%swap3A_456, %swap3A_457], %swap3A_460 {strides = array<i32>} : memref<2x80xi32, #tpu.memory_space<vmem>>, vector<1x16xi32>,
          %get3A_461 = arith.constant 1 : i32
          %get3A_462 = arith.index_cast %get3A_461 : i32 to index
          %get3A_463 = arith.constant 16 : index
          %get3A_464 = tpu.vector_load %arg10[%get3A_462, %get3A_463] {strides = array<i32>} : memref<2x80xf32, #tpu.memory_space<vmem>>, vector<1x16xf32>,
          %get3A_465 = vector.shape_cast %get3A_464 : vector<1x16xf32> to vector<16xf32>
          %mul3A_466 = arith.constant 3.276800e+03 : f32
          %mul3A_467 = vector.broadcast %mul3A_466 : f32 to vector<16xf32>
          %mul3A_468 = arith.mulf %get3A_465, %mul3A_467 : vector<16xf32>
          %add3A_469 = arith.constant 5.000000e-01 : f32
          %add3A_470 = vector.broadcast %add3A_469 : f32 to vector<16xf32>
          %add3A_471 = arith.addf %mul3A_468, %add3A_470 : vector<16xf32>
          %convert_element_type3A_472 = arith.fptosi %add3A_471 : vector<16xf32> to vector<16xi32>
          %min3A_473 = arith.constant 16383 : i32
          %min3A_474 = vector.broadcast %min3A_473 : i32 to vector<16xi32>
          %min3A_475 = arith.minsi %convert_element_type3A_472, %min3A_474 : vector<16xi32>
          %swap3A_476 = arith.constant 1 : i32
          %swap3A_477 = arith.index_cast %swap3A_476 : i32 to index
          %swap3A_478 = arith.constant 16 : index
          %swap3A_479 = tpu.vector_load %arg11[%swap3A_477, %swap3A_478] {strides = array<i32>} : memref<2x80xi32, #tpu.memory_space<vmem>>, vector<1x16xi32>,
          %swap3A_480 = vector.shape_cast %swap3A_479 : vector<1x16xi32> to vector<16xi32>
          %swap3A_481 = vector.shape_cast %min3A_475 : vector<16xi32> to vector<1x16xi32>
          tpu.vector_store %arg11[%swap3A_477, %swap3A_478], %swap3A_481 {strides = array<i32>} : memref<2x80xi32, #tpu.memory_space<vmem>>, vector<1x16xi32>,
          %get3A_482 = arith.constant 1 : i32
          %get3A_483 = arith.index_cast %get3A_482 : i32 to index
          %get3A_484 = arith.constant 32 : index
          %get3A_485 = tpu.vector_load %arg10[%get3A_483, %get3A_484] {strides = array<i32>} : memref<2x80xf32, #tpu.memory_space<vmem>>, vector<1x16xf32>,
          %get3A_486 = vector.shape_cast %get3A_485 : vector<1x16xf32> to vector<16xf32>
          %mul3A_487 = arith.constant 3.276800e+03 : f32
          %mul3A_488 = vector.broadcast %mul3A_487 : f32 to vector<16xf32>
          %mul3A_489 = arith.mulf %get3A_486, %mul3A_488 : vector<16xf32>
          %add3A_490 = arith.constant 5.000000e-01 : f32
          %add3A_491 = vector.broadcast %add3A_490 : f32 to vector<16xf32>
          %add3A_492 = arith.addf %mul3A_489, %add3A_491 : vector<16xf32>
          %convert_element_type3A_493 = arith.fptosi %add3A_492 : vector<16xf32> to vector<16xi32>
          %min3A_494 = arith.constant 16383 : i32
          %min3A_495 = vector.broadcast %min3A_494 : i32 to vector<16xi32>
          %min3A_496 = arith.minsi %convert_element_type3A_493, %min3A_495 : vector<16xi32>
          %swap3A_497 = arith.constant 1 : i32
          %swap3A_498 = arith.index_cast %swap3A_497 : i32 to index
          %swap3A_499 = arith.constant 32 : index
          %swap3A_500 = tpu.vector_load %arg11[%swap3A_498, %swap3A_499] {strides = array<i32>} : memref<2x80xi32, #tpu.memory_space<vmem>>, vector<1x16xi32>,
          %swap3A_501 = vector.shape_cast %swap3A_500 : vector<1x16xi32> to vector<16xi32>
          %swap3A_502 = vector.shape_cast %min3A_496 : vector<16xi32> to vector<1x16xi32>
          tpu.vector_store %arg11[%swap3A_498, %swap3A_499], %swap3A_502 {strides = array<i32>} : memref<2x80xi32, #tpu.memory_space<vmem>>, vector<1x16xi32>,
          %get3A_503 = arith.constant 1 : i32
          %get3A_504 = arith.index_cast %get3A_503 : i32 to index
          %get3A_505 = arith.constant 48 : index
          %get3A_506 = tpu.vector_load %arg10[%get3A_504, %get3A_505] {strides = array<i32>} : memref<2x80xf32, #tpu.memory_space<vmem>>, vector<1x16xf32>,
          %get3A_507 = vector.shape_cast %get3A_506 : vector<1x16xf32> to vector<16xf32>
          %mul3A_508 = arith.constant 3.276800e+03 : f32
          %mul3A_509 = vector.broadcast %mul3A_508 : f32 to vector<16xf32>
          %mul3A_510 = arith.mulf %get3A_507, %mul3A_509 : vector<16xf32>
          %add3A_511 = arith.constant 5.000000e-01 : f32
          %add3A_512 = vector.broadcast %add3A_511 : f32 to vector<16xf32>
          %add3A_513 = arith.addf %mul3A_510, %add3A_512 : vector<16xf32>
          %convert_element_type3A_514 = arith.fptosi %add3A_513 : vector<16xf32> to vector<16xi32>
          %min3A_515 = arith.constant 16383 : i32
          %min3A_516 = vector.broadcast %min3A_515 : i32 to vector<16xi32>
          %min3A_517 = arith.minsi %convert_element_type3A_514, %min3A_516 : vector<16xi32>
          %swap3A_518 = arith.constant 1 : i32
          %swap3A_519 = arith.index_cast %swap3A_518 : i32 to index
          %swap3A_520 = arith.constant 48 : index
          %swap3A_521 = tpu.vector_load %arg11[%swap3A_519, %swap3A_520] {strides = array<i32>} : memref<2x80xi32, #tpu.memory_space<vmem>>, vector<1x16xi32>,
          %swap3A_522 = vector.shape_cast %swap3A_521 : vector<1x16xi32> to vector<16xi32>
          %swap3A_523 = vector.shape_cast %min3A_517 : vector<16xi32> to vector<1x16xi32>
          tpu.vector_store %arg11[%swap3A_519, %swap3A_520], %swap3A_523 {strides = array<i32>} : memref<2x80xi32, #tpu.memory_space<vmem>>, vector<1x16xi32>,
          %get3A_524 = arith.constant 1 : i32
          %get3A_525 = arith.index_cast %get3A_524 : i32 to index
          %get3A_526 = arith.constant 64 : index
          %get3A_527 = tpu.vector_load %arg10[%get3A_525, %get3A_526] {strides = array<i32>} : memref<2x80xf32, #tpu.memory_space<vmem>>, vector<1x16xf32>,
          %get3A_528 = vector.shape_cast %get3A_527 : vector<1x16xf32> to vector<16xf32>
          %mul3A_529 = arith.constant 3.276800e+03 : f32
          %mul3A_530 = vector.broadcast %mul3A_529 : f32 to vector<16xf32>
          %mul3A_531 = arith.mulf %get3A_528, %mul3A_530 : vector<16xf32>
          %add3A_532 = arith.constant 5.000000e-01 : f32
          %add3A_533 = vector.broadcast %add3A_532 : f32 to vector<16xf32>
          %add3A_534 = arith.addf %mul3A_531, %add3A_533 : vector<16xf32>
          %convert_element_type3A_535 = arith.fptosi %add3A_534 : vector<16xf32> to vector<16xi32>
          %min3A_536 = arith.constant 16383 : i32
          %min3A_537 = vector.broadcast %min3A_536 : i32 to vector<16xi32>
          %min3A_538 = arith.minsi %convert_element_type3A_535, %min3A_537 : vector<16xi32>
          %swap3A_539 = arith.constant 1 : i32
          %swap3A_540 = arith.index_cast %swap3A_539 : i32 to index
          %swap3A_541 = arith.constant 64 : index
          %swap3A_542 = tpu.vector_load %arg11[%swap3A_540, %swap3A_541] {strides = array<i32>} : memref<2x80xi32, #tpu.memory_space<vmem>>, vector<1x16xi32>,
          %swap3A_543 = vector.shape_cast %swap3A_542 : vector<1x16xi32> to vector<16xi32>
          %swap3A_544 = vector.shape_cast %min3A_538 : vector<16xi32> to vector<1x16xi32>
          tpu.vector_store %arg11[%swap3A_540, %swap3A_541], %swap3A_544 {strides = array<i32>} : memref<2x80xi32, #tpu.memory_space<vmem>>, vector<1x16xi32>,
        } else {
        }
        %ge3A = arith.constant 1 : i32
        %ge3A_334 = arith.cmpi sge, %scan3A_316, %ge3A : i32
        %convert_element_type3A_335 = arith.extui %ge3A_334 : i1 to i32
        %cond3A_336 = arith.constant 0 : i32
        %cond3A_337 = arith.cmpi ne, %convert_element_type3A_335, %cond3A_336 : i32
        scf.if %cond3A_337 {
          %dma_wait3A_407 = arith.constant 0 : i32
          %dma_wait3A_408 = arith.constant 0 : i32
          %dma_wait3A_409 = arith.constant 0 : i32
          %dma_wait3A_410 = arith.constant 0 : i32
          %dma_wait3A_411 = tpu.memref_slice %arg12[%dma_wait3A_407, %dma_wait3A_409, %dma_wait3A_410] : memref<2x80x128xf32, #tpu.memory_space<vmem>> -> memref<1x80x128xf32, #tpu.memory_space<vmem>>
          %dma_wait3A_412 = tpu.memref_squeeze %dma_wait3A_411 : memref<1x80x128xf32, #tpu.memory_space<vmem>> -> memref<80x128xf32, #tpu.memory_space<vmem>>
          %dma_wait3A_413 = arith.constant 0 : i32
          %dma_wait3A_414 = tpu.memref_slice %arg9[%dma_wait3A_408, %dma_wait3A_413] : memref<4x80xi32, #tpu.memory_space<vmem>> -> memref<1x80xi32, #tpu.memory_space<vmem>>
          %dma_wait3A_415 = tpu.memref_squeeze %dma_wait3A_414 : memref<1x80xi32, #tpu.memory_space<vmem>> -> memref<80xi32, #tpu.memory_space<vmem>>
          %dma_wait3A_416 = arith.constant 0 : i32
          %dma_wait3A_417 = arith.constant 0 : i32
          %dma_wait3A_418 = tpu.memref_slice %arg14[%dma_wait3A_416, %dma_wait3A_417] : memref<10240x128xf32, #tpu.memory_space<vmem_shared>> -> memref<10240x128xf32, #tpu.memory_space<vmem_shared>>
          tpu.wait_indirect_dma semaphore(%arg18 : memref<!tpu.dma_semaphore, #tpu.memory_space<semaphore_mem>>) src(%dma_wait3A_412 : memref<80x128xf32, #tpu.memory_space<vmem>>) dst(%dma_wait3A_418 : memref<10240x128xf32, #tpu.memory_space<vmem_shared>>)
        } else {
        }
        %add3A_338 = arith.constant 2 : i32
        %add3A_339 = arith.addi %scan3A_316, %add3A_338 : i32
        %lt3A_340 = arith.constant 125 : i32
        %lt3A_341 = arith.cmpi slt, %add3A_339, %lt3A_340 : i32
        %convert_element_type3A_342 = arith.extui %lt3A_341 : i1 to i32
        %cond3A_343 = arith.constant 0 : i32
        %cond3A_344 = arith.cmpi ne, %convert_element_type3A_342, %cond3A_343 : i32
        scf.if %cond3A_344 {
          %add3A_407 = arith.constant 2 : i32
          %add3A_408 = arith.addi %scan3A_316, %add3A_407 : i32
          %mul3A_409 = arith.constant 80 : i32
          %mul3A_410 = arith.muli %add3A_408, %mul3A_409 : i32
          %add3A_411 = arith.addi %mul3A_33, %mul3A_410 : i32
          %jit3A_412 = arith.constant 4 : i32
          %eq3A_413 = arith.constant 0 : i32
          %eq3A_414 = arith.cmpi eq, %jit3A_412, %eq3A_413 : i32
          %jit3A_415 = arith.constant 1 : i32
          %select_n3A_416 = arith.select %eq3A_414, %jit3A_415, %jit3A_412 : i32
          %rem3A_417 = arith.remsi %add3A_408, %select_n3A_416 : i32
          %ne3A_418 = arith.constant 0 : i32
          %ne3A_419 = arith.cmpi ne, %rem3A_417, %ne3A_418 : i32
          %lt3A_420 = arith.constant 0 : i32
          %lt3A_421 = arith.cmpi slt, %rem3A_417, %lt3A_420 : i32
          %lt3A_422 = arith.constant 0 : i32
          %lt3A_423 = arith.cmpi slt, %select_n3A_416, %lt3A_422 : i32
          %ne3A_424 = arith.xori %lt3A_421, %lt3A_423 : i1
          %and3A_425 = arith.andi %ne3A_424, %ne3A_419 : i1
          %add3A_426 = arith.addi %rem3A_417, %select_n3A_416 : i32
          %select_n3A_427 = arith.select %and3A_425, %add3A_426, %rem3A_417 : i32
          %dma_start3A_428 = arith.constant 0 : i32
          %dma_start3A_429 = tpu.memref_slice %arg8[%select_n3A_427, %dma_start3A_428] : memref<4x80xi32, #tpu.memory_space<vmem>> -> memref<1x80xi32, #tpu.memory_space<vmem>>
          %dma_start3A_430 = tpu.memref_squeeze %dma_start3A_429 : memref<1x80xi32, #tpu.memory_space<vmem>> -> memref<80xi32, #tpu.memory_space<vmem>>
          %dma_start3A_431 = tpu.memref_slice %arg5[%add3A_411] : memref<320000xi32, #tpu.memory_space<hbm>> -> memref<80xi32, #tpu.memory_space<hbm>>
          %dma_start3A_432 = arith.constant 0 : i32
          %dma_start3A_433 = tpu.memref_slice %arg8[%select_n3A_427, %dma_start3A_432] : memref<4x80xi32, #tpu.memory_space<vmem>> -> memref<1x80xi32, #tpu.memory_space<vmem>>
          %dma_start3A_434 = tpu.memref_squeeze %dma_start3A_433 : memref<1x80xi32, #tpu.memory_space<vmem>> -> memref<80xi32, #tpu.memory_space<vmem>>
          %dma_start3A_435 = tpu.memref_slice %arg5[%add3A_411] : memref<320000xi32, #tpu.memory_space<hbm>> -> memref<80xi32, #tpu.memory_space<hbm>>
          tpu.enqueue_dma source(%dma_start3A_435 : memref<80xi32, #tpu.memory_space<hbm>>) target(%dma_start3A_434 : memref<80xi32, #tpu.memory_space<vmem>>) target_semaphore(%arg15 : memref<!tpu.dma_semaphore, #tpu.memory_space<semaphore_mem>>)
          %dma_start3A_436 = arith.constant 0 : i32
          %dma_start3A_437 = tpu.memref_slice %arg9[%select_n3A_427, %dma_start3A_436] : memref<4x80xi32, #tpu.memory_space<vmem>> -> memref<1x80xi32, #tpu.memory_space<vmem>>
          %dma_start3A_438 = tpu.memref_squeeze %dma_start3A_437 : memref<1x80xi32, #tpu.memory_space<vmem>> -> memref<80xi32, #tpu.memory_space<vmem>>
          %dma_start3A_439 = tpu.memref_slice %arg6[%add3A_411] : memref<320000xi32, #tpu.memory_space<hbm>> -> memref<80xi32, #tpu.memory_space<hbm>>
          %dma_start3A_440 = arith.constant 0 : i32
          %dma_start3A_441 = tpu.memref_slice %arg9[%select_n3A_427, %dma_start3A_440] : memref<4x80xi32, #tpu.memory_space<vmem>> -> memref<1x80xi32, #tpu.memory_space<vmem>>
          %dma_start3A_442 = tpu.memref_squeeze %dma_start3A_441 : memref<1x80xi32, #tpu.memory_space<vmem>> -> memref<80xi32, #tpu.memory_space<vmem>>
          %dma_start3A_443 = tpu.memref_slice %arg6[%add3A_411] : memref<320000xi32, #tpu.memory_space<hbm>> -> memref<80xi32, #tpu.memory_space<hbm>>
          tpu.enqueue_dma source(%dma_start3A_443 : memref<80xi32, #tpu.memory_space<hbm>>) target(%dma_start3A_442 : memref<80xi32, #tpu.memory_space<vmem>>) target_semaphore(%arg15 : memref<!tpu.dma_semaphore, #tpu.memory_space<semaphore_mem>>)
          %dma_start3A_444 = arith.constant 0 : i32
          %dma_start3A_445 = arith.constant 0 : i32
          %dma_start3A_446 = tpu.memref_slice %arg10[%dma_start3A_444, %dma_start3A_445] : memref<2x80xf32, #tpu.memory_space<vmem>> -> memref<1x80xf32, #tpu.memory_space<vmem>>
          %dma_start3A_447 = tpu.memref_squeeze %dma_start3A_446 : memref<1x80xf32, #tpu.memory_space<vmem>> -> memref<80xf32, #tpu.memory_space<vmem>>
          %dma_start3A_448 = tpu.memref_slice %arg4[%add3A_411] : memref<320000xf32, #tpu.memory_space<hbm>> -> memref<80xf32, #tpu.memory_space<hbm>>
          %dma_start3A_449 = arith.constant 0 : i32
          %dma_start3A_450 = tpu.memref_slice %arg10[%dma_start3A_444, %dma_start3A_449] : memref<2x80xf32, #tpu.memory_space<vmem>> -> memref<1x80xf32, #tpu.memory_space<vmem>>
          %dma_start3A_451 = tpu.memref_squeeze %dma_start3A_450 : memref<1x80xf32, #tpu.memory_space<vmem>> -> memref<80xf32, #tpu.memory_space<vmem>>
          %dma_start3A_452 = tpu.memref_slice %arg4[%add3A_411] : memref<320000xf32, #tpu.memory_space<hbm>> -> memref<80xf32, #tpu.memory_space<hbm>>
          tpu.enqueue_dma source(%dma_start3A_452 : memref<80xf32, #tpu.memory_space<hbm>>) target(%dma_start3A_451 : memref<80xf32, #tpu.memory_space<vmem>>) target_semaphore(%arg15 : memref<!tpu.dma_semaphore, #tpu.memory_space<semaphore_mem>>)
        } else {
        }
        %add3A_345 = arith.constant 1 : i32
        %add3A_346 = arith.addi %scan3A_316, %add3A_345 : i32
        %lt3A_347 = arith.constant 125 : i32
        %lt3A_348 = arith.cmpi slt, %add3A_346, %lt3A_347 : i32
        %convert_element_type3A_349 = arith.extui %lt3A_348 : i1 to i32
        %cond3A_350 = arith.constant 0 : i32
        %cond3A_351 = arith.cmpi ne, %convert_element_type3A_349, %cond3A_350 : i32
        scf.if %cond3A_351 {
          %add3A_407 = arith.constant 1 : i32
          %add3A_408 = arith.addi %scan3A_316, %add3A_407 : i32
          %jit3A_409 = arith.constant 4 : i32
          %eq3A_410 = arith.constant 0 : i32
          %eq3A_411 = arith.cmpi eq, %jit3A_409, %eq3A_410 : i32
          %jit3A_412 = arith.constant 1 : i32
          %select_n3A_413 = arith.select %eq3A_411, %jit3A_412, %jit3A_409 : i32
          %rem3A_414 = arith.remsi %add3A_408, %select_n3A_413 : i32
          %ne3A_415 = arith.constant 0 : i32
          %ne3A_416 = arith.cmpi ne, %rem3A_414, %ne3A_415 : i32
          %lt3A_417 = arith.constant 0 : i32
          %lt3A_418 = arith.cmpi slt, %rem3A_414, %lt3A_417 : i32
          %lt3A_419 = arith.constant 0 : i32
          %lt3A_420 = arith.cmpi slt, %select_n3A_413, %lt3A_419 : i32
          %ne3A_421 = arith.xori %lt3A_418, %lt3A_420 : i1
          %and3A_422 = arith.andi %ne3A_421, %ne3A_416 : i1
          %add3A_423 = arith.addi %rem3A_414, %select_n3A_413 : i32
          %select_n3A_424 = arith.select %and3A_422, %add3A_423, %rem3A_414 : i32
          %dma_start3A_425 = arith.constant 1 : i32
          %dma_start3A_426 = arith.constant 0 : i32
          %dma_start3A_427 = arith.constant 0 : i32
          %dma_start3A_428 = tpu.memref_slice %arg12[%dma_start3A_425, %dma_start3A_426, %dma_start3A_427] : memref<2x80x128xf32, #tpu.memory_space<vmem>> -> memref<1x80x128xf32, #tpu.memory_space<vmem>>
          %dma_start3A_429 = tpu.memref_squeeze %dma_start3A_428 : memref<1x80x128xf32, #tpu.memory_space<vmem>> -> memref<80x128xf32, #tpu.memory_space<vmem>>
          %dma_start3A_430 = arith.constant 0 : i32
          %dma_start3A_431 = tpu.memref_slice %arg8[%select_n3A_424, %dma_start3A_430] : memref<4x80xi32, #tpu.memory_space<vmem>> -> memref<1x80xi32, #tpu.memory_space<vmem>>
          %dma_start3A_432 = tpu.memref_squeeze %dma_start3A_431 : memref<1x80xi32, #tpu.memory_space<vmem>> -> memref<80xi32, #tpu.memory_space<vmem>>
          %dma_start3A_433 = arith.constant 0 : i32
          %dma_start3A_434 = arith.constant 0 : i32
          %dma_start3A_435 = tpu.memref_slice %arg2[%dma_start3A_433, %dma_start3A_434] : memref<10000x128xf32, #tpu.memory_space<hbm>> -> memref<10000x128xf32, #tpu.memory_space<hbm>>
          tpu.enqueue_indirect_dma source(%dma_start3A_435 : memref<10000x128xf32, #tpu.memory_space<hbm>>) target(%dma_start3A_429 : memref<80x128xf32, #tpu.memory_space<vmem>>) offsets(%dma_start3A_432 : memref<80xi32, #tpu.memory_space<vmem>>) semaphore(%arg16 : memref<!tpu.dma_semaphore, #tpu.memory_space<semaphore_mem>>)
          %dma_start3A_436 = arith.constant 1 : i32
          %dma_start3A_437 = arith.constant 1 : i32
          %dma_start3A_438 = arith.constant 0 : i32
          %dma_start3A_439 = arith.constant 0 : i32
          %dma_start3A_440 = tpu.memref_slice %arg13[%dma_start3A_437, %dma_start3A_438, %dma_start3A_439] : memref<2x80x128xf32, #tpu.memory_space<vmem>> -> memref<1x80x128xf32, #tpu.memory_space<vmem>>
          %dma_start3A_441 = tpu.memref_squeeze %dma_start3A_440 : memref<1x80x128xf32, #tpu.memory_space<vmem>> -> memref<80x128xf32, #tpu.memory_space<vmem>>
          %dma_start3A_442 = arith.constant 0 : i32
          %dma_start3A_443 = tpu.memref_slice %arg11[%dma_start3A_436, %dma_start3A_442] : memref<2x80xi32, #tpu.memory_space<vmem>> -> memref<1x80xi32, #tpu.memory_space<vmem>>
          %dma_start3A_444 = tpu.memref_squeeze %dma_start3A_443 : memref<1x80xi32, #tpu.memory_space<vmem>> -> memref<80xi32, #tpu.memory_space<vmem>>
          %dma_start3A_445 = arith.constant 0 : i32
          %dma_start3A_446 = arith.constant 0 : i32
          %dma_start3A_447 = tpu.memref_slice %arg3[%dma_start3A_445, %dma_start3A_446] : memref<16384x128xf32, #tpu.memory_space<hbm>> -> memref<16384x128xf32, #tpu.memory_space<hbm>>
          tpu.enqueue_indirect_dma source(%dma_start3A_447 : memref<16384x128xf32, #tpu.memory_space<hbm>>) target(%dma_start3A_441 : memref<80x128xf32, #tpu.memory_space<vmem>>) offsets(%dma_start3A_444 : memref<80xi32, #tpu.memory_space<vmem>>) semaphore(%arg17 : memref<!tpu.dma_semaphore, #tpu.memory_space<semaphore_mem>>)
        } else {
        }
        %dma_wait3A_352 = arith.constant 0 : i32
        %dma_wait3A_353 = arith.constant 0 : i32
        %dma_wait3A_354 = arith.constant 0 : i32
        %dma_wait3A_355 = tpu.memref_slice %arg12[%dma_wait3A_352, %dma_wait3A_353, %dma_wait3A_354] : memref<2x80x128xf32, #tpu.memory_space<vmem>> -> memref<1x80x128xf32, #tpu.memory_space<vmem>>
        %dma_wait3A_356 = tpu.memref_squeeze %dma_wait3A_355 : memref<1x80x128xf32, #tpu.memory_space<vmem>> -> memref<80x128xf32, #tpu.memory_space<vmem>>
        %dma_wait3A_357 = arith.constant 0 : i32
        %dma_wait3A_358 = arith.constant 0 : i32
        %dma_wait3A_359 = tpu.memref_slice %arg2[%dma_wait3A_357, %dma_wait3A_358] : memref<10000x128xf32, #tpu.memory_space<hbm>> -> memref<80x128xf32, #tpu.memory_space<hbm>>
        %dma_wait3A_360 = arith.constant 0 : i32
        %dma_wait3A_361 = arith.constant 0 : i32
        %dma_wait3A_362 = tpu.memref_slice %arg12[%dma_wait3A_352, %dma_wait3A_360, %dma_wait3A_361] : memref<2x80x128xf32, #tpu.memory_space<vmem>> -> memref<1x80x128xf32, #tpu.memory_space<vmem>>
        %dma_wait3A_363 = tpu.memref_squeeze %dma_wait3A_362 : memref<1x80x128xf32, #tpu.memory_space<vmem>> -> memref<80x128xf32, #tpu.memory_space<vmem>>
        %dma_wait3A_364 = arith.constant 0 : i32
        %dma_wait3A_365 = arith.constant 0 : i32
        %dma_wait3A_366 = tpu.memref_slice %arg2[%dma_wait3A_364, %dma_wait3A_365] : memref<10000x128xf32, #tpu.memory_space<hbm>> -> memref<80x128xf32, #tpu.memory_space<hbm>>
        tpu.wait_dma2 semaphore(%arg16 : memref<!tpu.dma_semaphore, #tpu.memory_space<semaphore_mem>>) src(%dma_wait3A_366 : memref<80x128xf32, #tpu.memory_space<hbm>>) dst(%dma_wait3A_363 : memref<80x128xf32, #tpu.memory_space<vmem>>)
        %dma_wait3A_367 = arith.constant 0 : i32
        %dma_wait3A_368 = arith.constant 0 : i32
        %dma_wait3A_369 = arith.constant 0 : i32
        %dma_wait3A_370 = tpu.memref_slice %arg13[%dma_wait3A_367, %dma_wait3A_368, %dma_wait3A_369] : memref<2x80x128xf32, #tpu.memory_space<vmem>> -> memref<1x80x128xf32, #tpu.memory_space<vmem>>
        %dma_wait3A_371 = tpu.memref_squeeze %dma_wait3A_370 : memref<1x80x128xf32, #tpu.memory_space<vmem>> -> memref<80x128xf32, #tpu.memory_space<vmem>>
        %dma_wait3A_372 = arith.constant 0 : i32
        %dma_wait3A_373 = arith.constant 0 : i32
        %dma_wait3A_374 = tpu.memref_slice %arg3[%dma_wait3A_372, %dma_wait3A_373] : memref<16384x128xf32, #tpu.memory_space<hbm>> -> memref<80x128xf32, #tpu.memory_space<hbm>>
        %dma_wait3A_375 = arith.constant 0 : i32
        %dma_wait3A_376 = arith.constant 0 : i32
        %dma_wait3A_377 = tpu.memref_slice %arg13[%dma_wait3A_367, %dma_wait3A_375, %dma_wait3A_376] : memref<2x80x128xf32, #tpu.memory_space<vmem>> -> memref<1x80x128xf32, #tpu.memory_space<vmem>>
        %dma_wait3A_378 = tpu.memref_squeeze %dma_wait3A_377 : memref<1x80x128xf32, #tpu.memory_space<vmem>> -> memref<80x128xf32, #tpu.memory_space<vmem>>
        %dma_wait3A_379 = arith.constant 0 : i32
        %dma_wait3A_380 = arith.constant 0 : i32
        %dma_wait3A_381 = tpu.memref_slice %arg3[%dma_wait3A_379, %dma_wait3A_380] : memref<16384x128xf32, #tpu.memory_space<hbm>> -> memref<80x128xf32, #tpu.memory_space<hbm>>
        tpu.wait_dma2 semaphore(%arg17 : memref<!tpu.dma_semaphore, #tpu.memory_space<semaphore_mem>>) src(%dma_wait3A_381 : memref<80x128xf32, #tpu.memory_space<hbm>>) dst(%dma_wait3A_378 : memref<80x128xf32, #tpu.memory_space<vmem>>)
        %parallel_loop3A = arith.constant 0 : i32
        %parallel_loop3A_382 = arith.constant 80 : i32
        %parallel_loop3A_383 = arith.constant 1 : i32
        scf.for %parallel_loop3A_407 = %parallel_loop3A to %parallel_loop3A_382 step %parallel_loop3A_383  : i32 {
          %parallel_loop3A_408 = arith.constant 0 : i32
          %parallel_loop3A_409 = arith.index_cast %parallel_loop3A_408 : i32 to index
          %parallel_loop3A_410 = arith.index_cast %parallel_loop3A_407 : i32 to index
          %parallel_loop3A_411 = arith.constant 0 : index
          %parallel_loop3A_412 = tpu.vector_load %arg12[%parallel_loop3A_409, %parallel_loop3A_410, %parallel_loop3A_411] {strides = array<i32>} : memref<2x80x128xf32, #tpu.memory_space<vmem>>, vector<1x1x16xf32>,
          %parallel_loop3A_413 = vector.shape_cast %parallel_loop3A_412 : vector<1x1x16xf32> to vector<16xf32>
          %parallel_loop3A_414 = arith.constant 0 : i32
          %parallel_loop3A_415 = arith.index_cast %parallel_loop3A_414 : i32 to index
          %parallel_loop3A_416 = arith.index_cast %parallel_loop3A_407 : i32 to index
          %parallel_loop3A_417 = arith.constant 0 : index
          %parallel_loop3A_418 = tpu.vector_load %arg13[%parallel_loop3A_415, %parallel_loop3A_416, %parallel_loop3A_417] {strides = array<i32>} : memref<2x80x128xf32, #tpu.memory_space<vmem>>, vector<1x1x16xf32>,
          %parallel_loop3A_419 = vector.shape_cast %parallel_loop3A_418 : vector<1x1x16xf32> to vector<16xf32>
          %parallel_loop3A_420 = arith.mulf %parallel_loop3A_413, %parallel_loop3A_419 : vector<16xf32>
          %parallel_loop3A_421 = arith.constant 0 : i32
          %parallel_loop3A_422 = arith.index_cast %parallel_loop3A_421 : i32 to index
          %parallel_loop3A_423 = arith.index_cast %parallel_loop3A_407 : i32 to index
          %parallel_loop3A_424 = arith.constant 0 : index
          %parallel_loop3A_425 = tpu.vector_load %arg12[%parallel_loop3A_422, %parallel_loop3A_423, %parallel_loop3A_424] {strides = array<i32>} : memref<2x80x128xf32, #tpu.memory_space<vmem>>, vector<1x1x16xf32>,
          %parallel_loop3A_426 = vector.shape_cast %parallel_loop3A_425 : vector<1x1x16xf32> to vector<16xf32>
          %parallel_loop3A_427 = vector.shape_cast %parallel_loop3A_420 : vector<16xf32> to vector<1x1x16xf32>
          tpu.vector_store %arg12[%parallel_loop3A_422, %parallel_loop3A_423, %parallel_loop3A_424], %parallel_loop3A_427 {strides = array<i32>} : memref<2x80x128xf32, #tpu.memory_space<vmem>>, vector<1x1x16xf32>,
          %parallel_loop3A_428 = arith.constant 0 : i32
          %parallel_loop3A_429 = arith.index_cast %parallel_loop3A_428 : i32 to index
          %parallel_loop3A_430 = arith.index_cast %parallel_loop3A_407 : i32 to index
          %parallel_loop3A_431 = arith.constant 16 : index
          %parallel_loop3A_432 = tpu.vector_load %arg12[%parallel_loop3A_429, %parallel_loop3A_430, %parallel_loop3A_431] {strides = array<i32>} : memref<2x80x128xf32, #tpu.memory_space<vmem>>, vector<1x1x16xf32>,
          %parallel_loop3A_433 = vector.shape_cast %parallel_loop3A_432 : vector<1x1x16xf32> to vector<16xf32>
          %parallel_loop3A_434 = arith.constant 0 : i32
          %parallel_loop3A_435 = arith.index_cast %parallel_loop3A_434 : i32 to index
          %parallel_loop3A_436 = arith.index_cast %parallel_loop3A_407 : i32 to index
          %parallel_loop3A_437 = arith.constant 16 : index
          %parallel_loop3A_438 = tpu.vector_load %arg13[%parallel_loop3A_435, %parallel_loop3A_436, %parallel_loop3A_437] {strides = array<i32>} : memref<2x80x128xf32, #tpu.memory_space<vmem>>, vector<1x1x16xf32>,
          %parallel_loop3A_439 = vector.shape_cast %parallel_loop3A_438 : vector<1x1x16xf32> to vector<16xf32>
          %parallel_loop3A_440 = arith.mulf %parallel_loop3A_433, %parallel_loop3A_439 : vector<16xf32>
          %parallel_loop3A_441 = arith.constant 0 : i32
          %parallel_loop3A_442 = arith.index_cast %parallel_loop3A_441 : i32 to index
          %parallel_loop3A_443 = arith.index_cast %parallel_loop3A_407 : i32 to index
          %parallel_loop3A_444 = arith.constant 16 : index
          %parallel_loop3A_445 = tpu.vector_load %arg12[%parallel_loop3A_442, %parallel_loop3A_443, %parallel_loop3A_444] {strides = array<i32>} : memref<2x80x128xf32, #tpu.memory_space<vmem>>, vector<1x1x16xf32>,
          %parallel_loop3A_446 = vector.shape_cast %parallel_loop3A_445 : vector<1x1x16xf32> to vector<16xf32>
          %parallel_loop3A_447 = vector.shape_cast %parallel_loop3A_440 : vector<16xf32> to vector<1x1x16xf32>
          tpu.vector_store %arg12[%parallel_loop3A_442, %parallel_loop3A_443, %parallel_loop3A_444], %parallel_loop3A_447 {strides = array<i32>} : memref<2x80x128xf32, #tpu.memory_space<vmem>>, vector<1x1x16xf32>,
          %parallel_loop3A_448 = arith.constant 0 : i32
          %parallel_loop3A_449 = arith.index_cast %parallel_loop3A_448 : i32 to index
          %parallel_loop3A_450 = arith.index_cast %parallel_loop3A_407 : i32 to index
          %parallel_loop3A_451 = arith.constant 32 : index
          %parallel_loop3A_452 = tpu.vector_load %arg12[%parallel_loop3A_449, %parallel_loop3A_450, %parallel_loop3A_451] {strides = array<i32>} : memref<2x80x128xf32, #tpu.memory_space<vmem>>, vector<1x1x16xf32>,
          %parallel_loop3A_453 = vector.shape_cast %parallel_loop3A_452 : vector<1x1x16xf32> to vector<16xf32>
          %parallel_loop3A_454 = arith.constant 0 : i32
          %parallel_loop3A_455 = arith.index_cast %parallel_loop3A_454 : i32 to index
          %parallel_loop3A_456 = arith.index_cast %parallel_loop3A_407 : i32 to index
          %parallel_loop3A_457 = arith.constant 32 : index
          %parallel_loop3A_458 = tpu.vector_load %arg13[%parallel_loop3A_455, %parallel_loop3A_456, %parallel_loop3A_457] {strides = array<i32>} : memref<2x80x128xf32, #tpu.memory_space<vmem>>, vector<1x1x16xf32>,
          %parallel_loop3A_459 = vector.shape_cast %parallel_loop3A_458 : vector<1x1x16xf32> to vector<16xf32>
          %parallel_loop3A_460 = arith.mulf %parallel_loop3A_453, %parallel_loop3A_459 : vector<16xf32>
          %parallel_loop3A_461 = arith.constant 0 : i32
          %parallel_loop3A_462 = arith.index_cast %parallel_loop3A_461 : i32 to index
          %parallel_loop3A_463 = arith.index_cast %parallel_loop3A_407 : i32 to index
          %parallel_loop3A_464 = arith.constant 32 : index
          %parallel_loop3A_465 = tpu.vector_load %arg12[%parallel_loop3A_462, %parallel_loop3A_463, %parallel_loop3A_464] {strides = array<i32>} : memref<2x80x128xf32, #tpu.memory_space<vmem>>, vector<1x1x16xf32>,
          %parallel_loop3A_466 = vector.shape_cast %parallel_loop3A_465 : vector<1x1x16xf32> to vector<16xf32>
          %parallel_loop3A_467 = vector.shape_cast %parallel_loop3A_460 : vector<16xf32> to vector<1x1x16xf32>
          tpu.vector_store %arg12[%parallel_loop3A_462, %parallel_loop3A_463, %parallel_loop3A_464], %parallel_loop3A_467 {strides = array<i32>} : memref<2x80x128xf32, #tpu.memory_space<vmem>>, vector<1x1x16xf32>,
          %parallel_loop3A_468 = arith.constant 0 : i32
          %parallel_loop3A_469 = arith.index_cast %parallel_loop3A_468 : i32 to index
          %parallel_loop3A_470 = arith.index_cast %parallel_loop3A_407 : i32 to index
          %parallel_loop3A_471 = arith.constant 48 : index
          %parallel_loop3A_472 = tpu.vector_load %arg12[%parallel_loop3A_469, %parallel_loop3A_470, %parallel_loop3A_471] {strides = array<i32>} : memref<2x80x128xf32, #tpu.memory_space<vmem>>, vector<1x1x16xf32>,
          %parallel_loop3A_473 = vector.shape_cast %parallel_loop3A_472 : vector<1x1x16xf32> to vector<16xf32>
          %parallel_loop3A_474 = arith.constant 0 : i32
          %parallel_loop3A_475 = arith.index_cast %parallel_loop3A_474 : i32 to index
          %parallel_loop3A_476 = arith.index_cast %parallel_loop3A_407 : i32 to index
          %parallel_loop3A_477 = arith.constant 48 : index
          %parallel_loop3A_478 = tpu.vector_load %arg13[%parallel_loop3A_475, %parallel_loop3A_476, %parallel_loop3A_477] {strides = array<i32>} : memref<2x80x128xf32, #tpu.memory_space<vmem>>, vector<1x1x16xf32>,
          %parallel_loop3A_479 = vector.shape_cast %parallel_loop3A_478 : vector<1x1x16xf32> to vector<16xf32>
          %parallel_loop3A_480 = arith.mulf %parallel_loop3A_473, %parallel_loop3A_479 : vector<16xf32>
          %parallel_loop3A_481 = arith.constant 0 : i32
          %parallel_loop3A_482 = arith.index_cast %parallel_loop3A_481 : i32 to index
          %parallel_loop3A_483 = arith.index_cast %parallel_loop3A_407 : i32 to index
          %parallel_loop3A_484 = arith.constant 48 : index
          %parallel_loop3A_485 = tpu.vector_load %arg12[%parallel_loop3A_482, %parallel_loop3A_483, %parallel_loop3A_484] {strides = array<i32>} : memref<2x80x128xf32, #tpu.memory_space<vmem>>, vector<1x1x16xf32>,
          %parallel_loop3A_486 = vector.shape_cast %parallel_loop3A_485 : vector<1x1x16xf32> to vector<16xf32>
          %parallel_loop3A_487 = vector.shape_cast %parallel_loop3A_480 : vector<16xf32> to vector<1x1x16xf32>
          tpu.vector_store %arg12[%parallel_loop3A_482, %parallel_loop3A_483, %parallel_loop3A_484], %parallel_loop3A_487 {strides = array<i32>} : memref<2x80x128xf32, #tpu.memory_space<vmem>>, vector<1x1x16xf32>,
          %parallel_loop3A_488 = arith.constant 0 : i32
          %parallel_loop3A_489 = arith.index_cast %parallel_loop3A_488 : i32 to index
          %parallel_loop3A_490 = arith.index_cast %parallel_loop3A_407 : i32 to index
          %parallel_loop3A_491 = arith.constant 64 : index
          %parallel_loop3A_492 = tpu.vector_load %arg12[%parallel_loop3A_489, %parallel_loop3A_490, %parallel_loop3A_491] {strides = array<i32>} : memref<2x80x128xf32, #tpu.memory_space<vmem>>, vector<1x1x16xf32>,
          %parallel_loop3A_493 = vector.shape_cast %parallel_loop3A_492 : vector<1x1x16xf32> to vector<16xf32>
          %parallel_loop3A_494 = arith.constant 0 : i32
          %parallel_loop3A_495 = arith.index_cast %parallel_loop3A_494 : i32 to index
          %parallel_loop3A_496 = arith.index_cast %parallel_loop3A_407 : i32 to index
          %parallel_loop3A_497 = arith.constant 64 : index
          %parallel_loop3A_498 = tpu.vector_load %arg13[%parallel_loop3A_495, %parallel_loop3A_496, %parallel_loop3A_497] {strides = array<i32>} : memref<2x80x128xf32, #tpu.memory_space<vmem>>, vector<1x1x16xf32>,
          %parallel_loop3A_499 = vector.shape_cast %parallel_loop3A_498 : vector<1x1x16xf32> to vector<16xf32>
          %parallel_loop3A_500 = arith.mulf %parallel_loop3A_493, %parallel_loop3A_499 : vector<16xf32>
          %parallel_loop3A_501 = arith.constant 0 : i32
          %parallel_loop3A_502 = arith.index_cast %parallel_loop3A_501 : i32 to index
          %parallel_loop3A_503 = arith.index_cast %parallel_loop3A_407 : i32 to index
          %parallel_loop3A_504 = arith.constant 64 : index
          %parallel_loop3A_505 = tpu.vector_load %arg12[%parallel_loop3A_502, %parallel_loop3A_503, %parallel_loop3A_504] {strides = array<i32>} : memref<2x80x128xf32, #tpu.memory_space<vmem>>, vector<1x1x16xf32>,
          %parallel_loop3A_506 = vector.shape_cast %parallel_loop3A_505 : vector<1x1x16xf32> to vector<16xf32>
          %parallel_loop3A_507 = vector.shape_cast %parallel_loop3A_500 : vector<16xf32> to vector<1x1x16xf32>
          tpu.vector_store %arg12[%parallel_loop3A_502, %parallel_loop3A_503, %parallel_loop3A_504], %parallel_loop3A_507 {strides = array<i32>} : memref<2x80x128xf32, #tpu.memory_space<vmem>>, vector<1x1x16xf32>,
          %parallel_loop3A_508 = arith.constant 0 : i32
          %parallel_loop3A_509 = arith.index_cast %parallel_loop3A_508 : i32 to index
          %parallel_loop3A_510 = arith.index_cast %parallel_loop3A_407 : i32 to index
          %parallel_loop3A_511 = arith.constant 80 : index
          %parallel_loop3A_512 = tpu.vector_load %arg12[%parallel_loop3A_509, %parallel_loop3A_510, %parallel_loop3A_511] {strides = array<i32>} : memref<2x80x128xf32, #tpu.memory_space<vmem>>, vector<1x1x16xf32>,
          %parallel_loop3A_513 = vector.shape_cast %parallel_loop3A_512 : vector<1x1x16xf32> to vector<16xf32>
          %parallel_loop3A_514 = arith.constant 0 : i32
          %parallel_loop3A_515 = arith.index_cast %parallel_loop3A_514 : i32 to index
          %parallel_loop3A_516 = arith.index_cast %parallel_loop3A_407 : i32 to index
          %parallel_loop3A_517 = arith.constant 80 : index
          %parallel_loop3A_518 = tpu.vector_load %arg13[%parallel_loop3A_515, %parallel_loop3A_516, %parallel_loop3A_517] {strides = array<i32>} : memref<2x80x128xf32, #tpu.memory_space<vmem>>, vector<1x1x16xf32>,
          %parallel_loop3A_519 = vector.shape_cast %parallel_loop3A_518 : vector<1x1x16xf32> to vector<16xf32>
          %parallel_loop3A_520 = arith.mulf %parallel_loop3A_513, %parallel_loop3A_519 : vector<16xf32>
          %parallel_loop3A_521 = arith.constant 0 : i32
          %parallel_loop3A_522 = arith.index_cast %parallel_loop3A_521 : i32 to index
          %parallel_loop3A_523 = arith.index_cast %parallel_loop3A_407 : i32 to index
          %parallel_loop3A_524 = arith.constant 80 : index
          %parallel_loop3A_525 = tpu.vector_load %arg12[%parallel_loop3A_522, %parallel_loop3A_523, %parallel_loop3A_524] {strides = array<i32>} : memref<2x80x128xf32, #tpu.memory_space<vmem>>, vector<1x1x16xf32>,
          %parallel_loop3A_526 = vector.shape_cast %parallel_loop3A_525 : vector<1x1x16xf32> to vector<16xf32>
          %parallel_loop3A_527 = vector.shape_cast %parallel_loop3A_520 : vector<16xf32> to vector<1x1x16xf32>
          tpu.vector_store %arg12[%parallel_loop3A_522, %parallel_loop3A_523, %parallel_loop3A_524], %parallel_loop3A_527 {strides = array<i32>} : memref<2x80x128xf32, #tpu.memory_space<vmem>>, vector<1x1x16xf32>,
          %parallel_loop3A_528 = arith.constant 0 : i32
          %parallel_loop3A_529 = arith.index_cast %parallel_loop3A_528 : i32 to index
          %parallel_loop3A_530 = arith.index_cast %parallel_loop3A_407 : i32 to index
          %parallel_loop3A_531 = arith.constant 96 : index
          %parallel_loop3A_532 = tpu.vector_load %arg12[%parallel_loop3A_529, %parallel_loop3A_530, %parallel_loop3A_531] {strides = array<i32>} : memref<2x80x128xf32, #tpu.memory_space<vmem>>, vector<1x1x16xf32>,
          %parallel_loop3A_533 = vector.shape_cast %parallel_loop3A_532 : vector<1x1x16xf32> to vector<16xf32>
          %parallel_loop3A_534 = arith.constant 0 : i32
          %parallel_loop3A_535 = arith.index_cast %parallel_loop3A_534 : i32 to index
          %parallel_loop3A_536 = arith.index_cast %parallel_loop3A_407 : i32 to index
          %parallel_loop3A_537 = arith.constant 96 : index
          %parallel_loop3A_538 = tpu.vector_load %arg13[%parallel_loop3A_535, %parallel_loop3A_536, %parallel_loop3A_537] {strides = array<i32>} : memref<2x80x128xf32, #tpu.memory_space<vmem>>, vector<1x1x16xf32>,
          %parallel_loop3A_539 = vector.shape_cast %parallel_loop3A_538 : vector<1x1x16xf32> to vector<16xf32>
          %parallel_loop3A_540 = arith.mulf %parallel_loop3A_533, %parallel_loop3A_539 : vector<16xf32>
          %parallel_loop3A_541 = arith.constant 0 : i32
          %parallel_loop3A_542 = arith.index_cast %parallel_loop3A_541 : i32 to index
          %parallel_loop3A_543 = arith.index_cast %parallel_loop3A_407 : i32 to index
          %parallel_loop3A_544 = arith.constant 96 : index
          %parallel_loop3A_545 = tpu.vector_load %arg12[%parallel_loop3A_542, %parallel_loop3A_543, %parallel_loop3A_544] {strides = array<i32>} : memref<2x80x128xf32, #tpu.memory_space<vmem>>, vector<1x1x16xf32>,
          %parallel_loop3A_546 = vector.shape_cast %parallel_loop3A_545 : vector<1x1x16xf32> to vector<16xf32>
          %parallel_loop3A_547 = vector.shape_cast %parallel_loop3A_540 : vector<16xf32> to vector<1x1x16xf32>
          tpu.vector_store %arg12[%parallel_loop3A_542, %parallel_loop3A_543, %parallel_loop3A_544], %parallel_loop3A_547 {strides = array<i32>} : memref<2x80x128xf32, #tpu.memory_space<vmem>>, vector<1x1x16xf32>,
          %parallel_loop3A_548 = arith.constant 0 : i32
          %parallel_loop3A_549 = arith.index_cast %parallel_loop3A_548 : i32 to index
          %parallel_loop3A_550 = arith.index_cast %parallel_loop3A_407 : i32 to index
          %parallel_loop3A_551 = arith.constant 112 : index
          %parallel_loop3A_552 = tpu.vector_load %arg12[%parallel_loop3A_549, %parallel_loop3A_550, %parallel_loop3A_551] {strides = array<i32>} : memref<2x80x128xf32, #tpu.memory_space<vmem>>, vector<1x1x16xf32>,
          %parallel_loop3A_553 = vector.shape_cast %parallel_loop3A_552 : vector<1x1x16xf32> to vector<16xf32>
          %parallel_loop3A_554 = arith.constant 0 : i32
          %parallel_loop3A_555 = arith.index_cast %parallel_loop3A_554 : i32 to index
          %parallel_loop3A_556 = arith.index_cast %parallel_loop3A_407 : i32 to index
          %parallel_loop3A_557 = arith.constant 112 : index
          %parallel_loop3A_558 = tpu.vector_load %arg13[%parallel_loop3A_555, %parallel_loop3A_556, %parallel_loop3A_557] {strides = array<i32>} : memref<2x80x128xf32, #tpu.memory_space<vmem>>, vector<1x1x16xf32>,
          %parallel_loop3A_559 = vector.shape_cast %parallel_loop3A_558 : vector<1x1x16xf32> to vector<16xf32>
          %parallel_loop3A_560 = arith.mulf %parallel_loop3A_553, %parallel_loop3A_559 : vector<16xf32>
          %parallel_loop3A_561 = arith.constant 0 : i32
          %parallel_loop3A_562 = arith.index_cast %parallel_loop3A_561 : i32 to index
          %parallel_loop3A_563 = arith.index_cast %parallel_loop3A_407 : i32 to index
          %parallel_loop3A_564 = arith.constant 112 : index
          %parallel_loop3A_565 = tpu.vector_load %arg12[%parallel_loop3A_562, %parallel_loop3A_563, %parallel_loop3A_564] {strides = array<i32>} : memref<2x80x128xf32, #tpu.memory_space<vmem>>, vector<1x1x16xf32>,
          %parallel_loop3A_566 = vector.shape_cast %parallel_loop3A_565 : vector<1x1x16xf32> to vector<16xf32>
          %parallel_loop3A_567 = vector.shape_cast %parallel_loop3A_560 : vector<16xf32> to vector<1x1x16xf32>
          tpu.vector_store %arg12[%parallel_loop3A_562, %parallel_loop3A_563, %parallel_loop3A_564], %parallel_loop3A_567 {strides = array<i32>} : memref<2x80x128xf32, #tpu.memory_space<vmem>>, vector<1x1x16xf32>,
        } {sc.loop_unroll_factor = 8 : i64, sc.parallel_access}
        %jit3A = arith.constant 4 : i32
        %eq3A_384 = arith.constant 0 : i32
        %eq3A_385 = arith.cmpi eq, %jit3A, %eq3A_384 : i32
        %jit3A_386 = arith.constant 1 : i32
        %select_n3A = arith.select %eq3A_385, %jit3A_386, %jit3A : i32
        %rem3A_387 = arith.remsi %scan3A_316, %select_n3A : i32
        %ne3A = arith.constant 0 : i32
        %ne3A_388 = arith.cmpi ne, %rem3A_387, %ne3A : i32
        %lt3A_389 = arith.constant 0 : i32
        %lt3A_390 = arith.cmpi slt, %rem3A_387, %lt3A_389 : i32
        %lt3A_391 = arith.constant 0 : i32
        %lt3A_392 = arith.cmpi slt, %select_n3A, %lt3A_391 : i32
        %ne3A_393 = arith.xori %lt3A_390, %lt3A_392 : i1
        %and3A = arith.andi %ne3A_393, %ne3A_388 : i1
        %add3A_394 = arith.addi %rem3A_387, %select_n3A : i32
        %select_n3A_395 = arith.select %and3A, %add3A_394, %rem3A_387 : i32
        %dma_start3A_396 = arith.constant 0 : i32
        %dma_start3A_397 = arith.constant 0 : i32
        %dma_start3A_398 = arith.constant 0 : i32
        %dma_start3A_399 = tpu.memref_slice %arg12[%dma_start3A_396, %dma_start3A_397, %dma_start3A_398] : memref<2x80x128xf32, #tpu.memory_space<vmem>> -> memref<1x80x128xf32, #tpu.memory_space<vmem>>
        %dma_start3A_400 = tpu.memref_squeeze %dma_start3A_399 : memref<1x80x128xf32, #tpu.memory_space<vmem>> -> memref<80x128xf32, #tpu.memory_space<vmem>>
        %dma_start3A_401 = arith.constant 0 : i32
        %dma_start3A_402 = tpu.memref_slice %arg9[%select_n3A_395, %dma_start3A_401] : memref<4x80xi32, #tpu.memory_space<vmem>> -> memref<1x80xi32, #tpu.memory_space<vmem>>
        %dma_start3A_403 = tpu.memref_squeeze %dma_start3A_402 : memref<1x80xi32, #tpu.memory_space<vmem>> -> memref<80xi32, #tpu.memory_space<vmem>>
        %dma_start3A_404 = arith.constant 0 : i32
        %dma_start3A_405 = arith.constant 0 : i32
        %dma_start3A_406 = tpu.memref_slice %arg14[%dma_start3A_404, %dma_start3A_405] : memref<10240x128xf32, #tpu.memory_space<vmem_shared>> -> memref<10240x128xf32, #tpu.memory_space<vmem_shared>>
        tpu.enqueue_indirect_dma source(%dma_start3A_400 : memref<80x128xf32, #tpu.memory_space<vmem>>) target(%dma_start3A_406 : memref<10240x128xf32, #tpu.memory_space<vmem_shared>>) offsets(%dma_start3A_403 : memref<80xi32, #tpu.memory_space<vmem>>) semaphore(%arg18 : memref<!tpu.dma_semaphore, #tpu.memory_space<semaphore_mem>>) {add = true}
      } else {
      }
      %eq3A_322 = arith.constant 1 : i32
      %eq3A_323 = arith.cmpi eq, %rem3A_318, %eq3A_322 : i32
      %convert_element_type3A_324 = arith.extui %eq3A_323 : i1 to i32
      %cond3A_325 = arith.constant 0 : i32
      %cond3A_326 = arith.cmpi ne, %convert_element_type3A_324, %cond3A_325 : i32
      scf.if %cond3A_326 {
        %add3A_328 = arith.constant 1 : i32
        %add3A_329 = arith.addi %scan3A_316, %add3A_328 : i32
        %lt3A = arith.constant 125 : i32
        %lt3A_330 = arith.cmpi slt, %add3A_329, %lt3A : i32
        %convert_element_type3A_331 = arith.extui %lt3A_330 : i1 to i32
        %cond3A_332 = arith.constant 0 : i32
        %cond3A_333 = arith.cmpi ne, %convert_element_type3A_331, %cond3A_332 : i32
        scf.if %cond3A_333 {
          %dma_wait3A_407 = arith.constant 0 : i32
          %dma_wait3A_408 = arith.constant 0 : i32
          %dma_wait3A_409 = tpu.memref_slice %arg8[%dma_wait3A_407, %dma_wait3A_408] : memref<4x80xi32, #tpu.memory_space<vmem>> -> memref<1x80xi32, #tpu.memory_space<vmem>>
          %dma_wait3A_410 = tpu.memref_squeeze %dma_wait3A_409 : memref<1x80xi32, #tpu.memory_space<vmem>> -> memref<80xi32, #tpu.memory_space<vmem>>
          %dma_wait3A_411 = arith.constant 0 : i32
          %dma_wait3A_412 = tpu.memref_slice %arg5[%dma_wait3A_411] : memref<320000xi32, #tpu.memory_space<hbm>> -> memref<80xi32, #tpu.memory_space<hbm>>
          %dma_wait3A_413 = arith.constant 0 : i32
          %dma_wait3A_414 = tpu.memref_slice %arg8[%dma_wait3A_407, %dma_wait3A_413] : memref<4x80xi32, #tpu.memory_space<vmem>> -> memref<1x80xi32, #tpu.memory_space<vmem>>
          %dma_wait3A_415 = tpu.memref_squeeze %dma_wait3A_414 : memref<1x80xi32, #tpu.memory_space<vmem>> -> memref<80xi32, #tpu.memory_space<vmem>>
          %dma_wait3A_416 = arith.constant 0 : i32
          %dma_wait3A_417 = tpu.memref_slice %arg5[%dma_wait3A_416] : memref<320000xi32, #tpu.memory_space<hbm>> -> memref<80xi32, #tpu.memory_space<hbm>>
          tpu.wait_dma2 semaphore(%arg15 : memref<!tpu.dma_semaphore, #tpu.memory_space<semaphore_mem>>) src(%dma_wait3A_417 : memref<80xi32, #tpu.memory_space<hbm>>) dst(%dma_wait3A_415 : memref<80xi32, #tpu.memory_space<vmem>>)
          %dma_wait3A_418 = arith.constant 0 : i32
          %dma_wait3A_419 = arith.constant 0 : i32
          %dma_wait3A_420 = tpu.memref_slice %arg8[%dma_wait3A_418, %dma_wait3A_419] : memref<4x80xi32, #tpu.memory_space<vmem>> -> memref<1x80xi32, #tpu.memory_space<vmem>>
          %dma_wait3A_421 = tpu.memref_squeeze %dma_wait3A_420 : memref<1x80xi32, #tpu.memory_space<vmem>> -> memref<80xi32, #tpu.memory_space<vmem>>
          %dma_wait3A_422 = arith.constant 0 : i32
          %dma_wait3A_423 = tpu.memref_slice %arg5[%dma_wait3A_422] : memref<320000xi32, #tpu.memory_space<hbm>> -> memref<80xi32, #tpu.memory_space<hbm>>
          %dma_wait3A_424 = arith.constant 0 : i32
          %dma_wait3A_425 = tpu.memref_slice %arg8[%dma_wait3A_418, %dma_wait3A_424] : memref<4x80xi32, #tpu.memory_space<vmem>> -> memref<1x80xi32, #tpu.memory_space<vmem>>
          %dma_wait3A_426 = tpu.memref_squeeze %dma_wait3A_425 : memref<1x80xi32, #tpu.memory_space<vmem>> -> memref<80xi32, #tpu.memory_space<vmem>>
          %dma_wait3A_427 = arith.constant 0 : i32
          %dma_wait3A_428 = tpu.memref_slice %arg5[%dma_wait3A_427] : memref<320000xi32, #tpu.memory_space<hbm>> -> memref<80xi32, #tpu.memory_space<hbm>>
          tpu.wait_dma2 semaphore(%arg15 : memref<!tpu.dma_semaphore, #tpu.memory_space<semaphore_mem>>) src(%dma_wait3A_428 : memref<80xi32, #tpu.memory_space<hbm>>) dst(%dma_wait3A_426 : memref<80xi32, #tpu.memory_space<vmem>>)
          %dma_wait3A_429 = arith.constant 0 : i32
          %dma_wait3A_430 = arith.constant 0 : i32
          %dma_wait3A_431 = tpu.memref_slice %arg10[%dma_wait3A_429, %dma_wait3A_430] : memref<2x80xf32, #tpu.memory_space<vmem>> -> memref<1x80xf32, #tpu.memory_space<vmem>>
          %dma_wait3A_432 = tpu.memref_squeeze %dma_wait3A_431 : memref<1x80xf32, #tpu.memory_space<vmem>> -> memref<80xf32, #tpu.memory_space<vmem>>
          %dma_wait3A_433 = arith.constant 0 : i32
          %dma_wait3A_434 = tpu.memref_slice %arg4[%dma_wait3A_433] : memref<320000xf32, #tpu.memory_space<hbm>> -> memref<80xf32, #tpu.memory_space<hbm>>
          %dma_wait3A_435 = arith.constant 0 : i32
          %dma_wait3A_436 = tpu.memref_slice %arg10[%dma_wait3A_429, %dma_wait3A_435] : memref<2x80xf32, #tpu.memory_space<vmem>> -> memref<1x80xf32, #tpu.memory_space<vmem>>
          %dma_wait3A_437 = tpu.memref_squeeze %dma_wait3A_436 : memref<1x80xf32, #tpu.memory_space<vmem>> -> memref<80xf32, #tpu.memory_space<vmem>>
          %dma_wait3A_438 = arith.constant 0 : i32
          %dma_wait3A_439 = tpu.memref_slice %arg4[%dma_wait3A_438] : memref<320000xf32, #tpu.memory_space<hbm>> -> memref<80xf32, #tpu.memory_space<hbm>>
          tpu.wait_dma2 semaphore(%arg15 : memref<!tpu.dma_semaphore, #tpu.memory_space<semaphore_mem>>) src(%dma_wait3A_439 : memref<80xf32, #tpu.memory_space<hbm>>) dst(%dma_wait3A_437 : memref<80xf32, #tpu.memory_space<vmem>>)
          %get3A_440 = arith.constant 0 : i32
          %get3A_441 = arith.index_cast %get3A_440 : i32 to index
          %get3A_442 = arith.constant 0 : index
          %get3A_443 = tpu.vector_load %arg10[%get3A_441, %get3A_442] {strides = array<i32>} : memref<2x80xf32, #tpu.memory_space<vmem>>, vector<1x16xf32>,
          %get3A_444 = vector.shape_cast %get3A_443 : vector<1x16xf32> to vector<16xf32>
          %mul3A_445 = arith.constant 3.276800e+03 : f32
          %mul3A_446 = vector.broadcast %mul3A_445 : f32 to vector<16xf32>
          %mul3A_447 = arith.mulf %get3A_444, %mul3A_446 : vector<16xf32>
          %add3A_448 = arith.constant 5.000000e-01 : f32
          %add3A_449 = vector.broadcast %add3A_448 : f32 to vector<16xf32>
          %add3A_450 = arith.addf %mul3A_447, %add3A_449 : vector<16xf32>
          %convert_element_type3A_451 = arith.fptosi %add3A_450 : vector<16xf32> to vector<16xi32>
          %min3A_452 = arith.constant 16383 : i32
          %min3A_453 = vector.broadcast %min3A_452 : i32 to vector<16xi32>
          %min3A_454 = arith.minsi %convert_element_type3A_451, %min3A_453 : vector<16xi32>
          %swap3A_455 = arith.constant 0 : i32
          %swap3A_456 = arith.index_cast %swap3A_455 : i32 to index
          %swap3A_457 = arith.constant 0 : index
          %swap3A_458 = tpu.vector_load %arg11[%swap3A_456, %swap3A_457] {strides = array<i32>} : memref<2x80xi32, #tpu.memory_space<vmem>>, vector<1x16xi32>,
          %swap3A_459 = vector.shape_cast %swap3A_458 : vector<1x16xi32> to vector<16xi32>
          %swap3A_460 = vector.shape_cast %min3A_454 : vector<16xi32> to vector<1x16xi32>
          tpu.vector_store %arg11[%swap3A_456, %swap3A_457], %swap3A_460 {strides = array<i32>} : memref<2x80xi32, #tpu.memory_space<vmem>>, vector<1x16xi32>,
          %get3A_461 = arith.constant 0 : i32
          %get3A_462 = arith.index_cast %get3A_461 : i32 to index
          %get3A_463 = arith.constant 16 : index
          %get3A_464 = tpu.vector_load %arg10[%get3A_462, %get3A_463] {strides = array<i32>} : memref<2x80xf32, #tpu.memory_space<vmem>>, vector<1x16xf32>,
          %get3A_465 = vector.shape_cast %get3A_464 : vector<1x16xf32> to vector<16xf32>
          %mul3A_466 = arith.constant 3.276800e+03 : f32
          %mul3A_467 = vector.broadcast %mul3A_466 : f32 to vector<16xf32>
          %mul3A_468 = arith.mulf %get3A_465, %mul3A_467 : vector<16xf32>
          %add3A_469 = arith.constant 5.000000e-01 : f32
          %add3A_470 = vector.broadcast %add3A_469 : f32 to vector<16xf32>
          %add3A_471 = arith.addf %mul3A_468, %add3A_470 : vector<16xf32>
          %convert_element_type3A_472 = arith.fptosi %add3A_471 : vector<16xf32> to vector<16xi32>
          %min3A_473 = arith.constant 16383 : i32
          %min3A_474 = vector.broadcast %min3A_473 : i32 to vector<16xi32>
          %min3A_475 = arith.minsi %convert_element_type3A_472, %min3A_474 : vector<16xi32>
          %swap3A_476 = arith.constant 0 : i32
          %swap3A_477 = arith.index_cast %swap3A_476 : i32 to index
          %swap3A_478 = arith.constant 16 : index
          %swap3A_479 = tpu.vector_load %arg11[%swap3A_477, %swap3A_478] {strides = array<i32>} : memref<2x80xi32, #tpu.memory_space<vmem>>, vector<1x16xi32>,
          %swap3A_480 = vector.shape_cast %swap3A_479 : vector<1x16xi32> to vector<16xi32>
          %swap3A_481 = vector.shape_cast %min3A_475 : vector<16xi32> to vector<1x16xi32>
          tpu.vector_store %arg11[%swap3A_477, %swap3A_478], %swap3A_481 {strides = array<i32>} : memref<2x80xi32, #tpu.memory_space<vmem>>, vector<1x16xi32>,
          %get3A_482 = arith.constant 0 : i32
          %get3A_483 = arith.index_cast %get3A_482 : i32 to index
          %get3A_484 = arith.constant 32 : index
          %get3A_485 = tpu.vector_load %arg10[%get3A_483, %get3A_484] {strides = array<i32>} : memref<2x80xf32, #tpu.memory_space<vmem>>, vector<1x16xf32>,
          %get3A_486 = vector.shape_cast %get3A_485 : vector<1x16xf32> to vector<16xf32>
          %mul3A_487 = arith.constant 3.276800e+03 : f32
          %mul3A_488 = vector.broadcast %mul3A_487 : f32 to vector<16xf32>
          %mul3A_489 = arith.mulf %get3A_486, %mul3A_488 : vector<16xf32>
          %add3A_490 = arith.constant 5.000000e-01 : f32
          %add3A_491 = vector.broadcast %add3A_490 : f32 to vector<16xf32>
          %add3A_492 = arith.addf %mul3A_489, %add3A_491 : vector<16xf32>
          %convert_element_type3A_493 = arith.fptosi %add3A_492 : vector<16xf32> to vector<16xi32>
          %min3A_494 = arith.constant 16383 : i32
          %min3A_495 = vector.broadcast %min3A_494 : i32 to vector<16xi32>
          %min3A_496 = arith.minsi %convert_element_type3A_493, %min3A_495 : vector<16xi32>
          %swap3A_497 = arith.constant 0 : i32
          %swap3A_498 = arith.index_cast %swap3A_497 : i32 to index
          %swap3A_499 = arith.constant 32 : index
          %swap3A_500 = tpu.vector_load %arg11[%swap3A_498, %swap3A_499] {strides = array<i32>} : memref<2x80xi32, #tpu.memory_space<vmem>>, vector<1x16xi32>,
          %swap3A_501 = vector.shape_cast %swap3A_500 : vector<1x16xi32> to vector<16xi32>
          %swap3A_502 = vector.shape_cast %min3A_496 : vector<16xi32> to vector<1x16xi32>
          tpu.vector_store %arg11[%swap3A_498, %swap3A_499], %swap3A_502 {strides = array<i32>} : memref<2x80xi32, #tpu.memory_space<vmem>>, vector<1x16xi32>,
          %get3A_503 = arith.constant 0 : i32
          %get3A_504 = arith.index_cast %get3A_503 : i32 to index
          %get3A_505 = arith.constant 48 : index
          %get3A_506 = tpu.vector_load %arg10[%get3A_504, %get3A_505] {strides = array<i32>} : memref<2x80xf32, #tpu.memory_space<vmem>>, vector<1x16xf32>,
          %get3A_507 = vector.shape_cast %get3A_506 : vector<1x16xf32> to vector<16xf32>
          %mul3A_508 = arith.constant 3.276800e+03 : f32
          %mul3A_509 = vector.broadcast %mul3A_508 : f32 to vector<16xf32>
          %mul3A_510 = arith.mulf %get3A_507, %mul3A_509 : vector<16xf32>
          %add3A_511 = arith.constant 5.000000e-01 : f32
          %add3A_512 = vector.broadcast %add3A_511 : f32 to vector<16xf32>
          %add3A_513 = arith.addf %mul3A_510, %add3A_512 : vector<16xf32>
          %convert_element_type3A_514 = arith.fptosi %add3A_513 : vector<16xf32> to vector<16xi32>
          %min3A_515 = arith.constant 16383 : i32
          %min3A_516 = vector.broadcast %min3A_515 : i32 to vector<16xi32>
          %min3A_517 = arith.minsi %convert_element_type3A_514, %min3A_516 : vector<16xi32>
          %swap3A_518 = arith.constant 0 : i32
          %swap3A_519 = arith.index_cast %swap3A_518 : i32 to index
          %swap3A_520 = arith.constant 48 : index
          %swap3A_521 = tpu.vector_load %arg11[%swap3A_519, %swap3A_520] {strides = array<i32>} : memref<2x80xi32, #tpu.memory_space<vmem>>, vector<1x16xi32>,
          %swap3A_522 = vector.shape_cast %swap3A_521 : vector<1x16xi32> to vector<16xi32>
          %swap3A_523 = vector.shape_cast %min3A_517 : vector<16xi32> to vector<1x16xi32>
          tpu.vector_store %arg11[%swap3A_519, %swap3A_520], %swap3A_523 {strides = array<i32>} : memref<2x80xi32, #tpu.memory_space<vmem>>, vector<1x16xi32>,
          %get3A_524 = arith.constant 0 : i32
          %get3A_525 = arith.index_cast %get3A_524 : i32 to index
          %get3A_526 = arith.constant 64 : index
          %get3A_527 = tpu.vector_load %arg10[%get3A_525, %get3A_526] {strides = array<i32>} : memref<2x80xf32, #tpu.memory_space<vmem>>, vector<1x16xf32>,
          %get3A_528 = vector.shape_cast %get3A_527 : vector<1x16xf32> to vector<16xf32>
          %mul3A_529 = arith.constant 3.276800e+03 : f32
          %mul3A_530 = vector.broadcast %mul3A_529 : f32 to vector<16xf32>
          %mul3A_531 = arith.mulf %get3A_528, %mul3A_530 : vector<16xf32>
          %add3A_532 = arith.constant 5.000000e-01 : f32
          %add3A_533 = vector.broadcast %add3A_532 : f32 to vector<16xf32>
          %add3A_534 = arith.addf %mul3A_531, %add3A_533 : vector<16xf32>
          %convert_element_type3A_535 = arith.fptosi %add3A_534 : vector<16xf32> to vector<16xi32>
          %min3A_536 = arith.constant 16383 : i32
          %min3A_537 = vector.broadcast %min3A_536 : i32 to vector<16xi32>
          %min3A_538 = arith.minsi %convert_element_type3A_535, %min3A_537 : vector<16xi32>
          %swap3A_539 = arith.constant 0 : i32
          %swap3A_540 = arith.index_cast %swap3A_539 : i32 to index
          %swap3A_541 = arith.constant 64 : index
          %swap3A_542 = tpu.vector_load %arg11[%swap3A_540, %swap3A_541] {strides = array<i32>} : memref<2x80xi32, #tpu.memory_space<vmem>>, vector<1x16xi32>,
          %swap3A_543 = vector.shape_cast %swap3A_542 : vector<1x16xi32> to vector<16xi32>
          %swap3A_544 = vector.shape_cast %min3A_538 : vector<16xi32> to vector<1x16xi32>
          tpu.vector_store %arg11[%swap3A_540, %swap3A_541], %swap3A_544 {strides = array<i32>} : memref<2x80xi32, #tpu.memory_space<vmem>>, vector<1x16xi32>,
        } else {
        }
        %ge3A = arith.constant 1 : i32
        %ge3A_334 = arith.cmpi sge, %scan3A_316, %ge3A : i32
        %convert_element_type3A_335 = arith.extui %ge3A_334 : i1 to i32
        %cond3A_336 = arith.constant 0 : i32
        %cond3A_337 = arith.cmpi ne, %convert_element_type3A_335, %cond3A_336 : i32
        scf.if %cond3A_337 {
          %dma_wait3A_407 = arith.constant 0 : i32
          %dma_wait3A_408 = arith.constant 0 : i32
          %dma_wait3A_409 = arith.constant 0 : i32
          %dma_wait3A_410 = arith.constant 0 : i32
          %dma_wait3A_411 = tpu.memref_slice %arg12[%dma_wait3A_407, %dma_wait3A_409, %dma_wait3A_410] : memref<2x80x128xf32, #tpu.memory_space<vmem>> -> memref<1x80x128xf32, #tpu.memory_space<vmem>>
          %dma_wait3A_412 = tpu.memref_squeeze %dma_wait3A_411 : memref<1x80x128xf32, #tpu.memory_space<vmem>> -> memref<80x128xf32, #tpu.memory_space<vmem>>
          %dma_wait3A_413 = arith.constant 0 : i32
          %dma_wait3A_414 = tpu.memref_slice %arg9[%dma_wait3A_408, %dma_wait3A_413] : memref<4x80xi32, #tpu.memory_space<vmem>> -> memref<1x80xi32, #tpu.memory_space<vmem>>
          %dma_wait3A_415 = tpu.memref_squeeze %dma_wait3A_414 : memref<1x80xi32, #tpu.memory_space<vmem>> -> memref<80xi32, #tpu.memory_space<vmem>>
          %dma_wait3A_416 = arith.constant 0 : i32
          %dma_wait3A_417 = arith.constant 0 : i32
          %dma_wait3A_418 = tpu.memref_slice %arg14[%dma_wait3A_416, %dma_wait3A_417] : memref<10240x128xf32, #tpu.memory_space<vmem_shared>> -> memref<10240x128xf32, #tpu.memory_space<vmem_shared>>
          tpu.wait_indirect_dma semaphore(%arg18 : memref<!tpu.dma_semaphore, #tpu.memory_space<semaphore_mem>>) src(%dma_wait3A_412 : memref<80x128xf32, #tpu.memory_space<vmem>>) dst(%dma_wait3A_418 : memref<10240x128xf32, #tpu.memory_space<vmem_shared>>)
        } else {
        }
        %add3A_338 = arith.constant 2 : i32
        %add3A_339 = arith.addi %scan3A_316, %add3A_338 : i32
        %lt3A_340 = arith.constant 125 : i32
        %lt3A_341 = arith.cmpi slt, %add3A_339, %lt3A_340 : i32
        %convert_element_type3A_342 = arith.extui %lt3A_341 : i1 to i32
        %cond3A_343 = arith.constant 0 : i32
        %cond3A_344 = arith.cmpi ne, %convert_element_type3A_342, %cond3A_343 : i32
        scf.if %cond3A_344 {
          %add3A_407 = arith.constant 2 : i32
          %add3A_408 = arith.addi %scan3A_316, %add3A_407 : i32
          %mul3A_409 = arith.constant 80 : i32
          %mul3A_410 = arith.muli %add3A_408, %mul3A_409 : i32
          %add3A_411 = arith.addi %mul3A_33, %mul3A_410 : i32
          %jit3A_412 = arith.constant 4 : i32
          %eq3A_413 = arith.constant 0 : i32
          %eq3A_414 = arith.cmpi eq, %jit3A_412, %eq3A_413 : i32
          %jit3A_415 = arith.constant 1 : i32
          %select_n3A_416 = arith.select %eq3A_414, %jit3A_415, %jit3A_412 : i32
          %rem3A_417 = arith.remsi %add3A_408, %select_n3A_416 : i32
          %ne3A_418 = arith.constant 0 : i32
          %ne3A_419 = arith.cmpi ne, %rem3A_417, %ne3A_418 : i32
          %lt3A_420 = arith.constant 0 : i32
          %lt3A_421 = arith.cmpi slt, %rem3A_417, %lt3A_420 : i32
          %lt3A_422 = arith.constant 0 : i32
          %lt3A_423 = arith.cmpi slt, %select_n3A_416, %lt3A_422 : i32
          %ne3A_424 = arith.xori %lt3A_421, %lt3A_423 : i1
          %and3A_425 = arith.andi %ne3A_424, %ne3A_419 : i1
          %add3A_426 = arith.addi %rem3A_417, %select_n3A_416 : i32
          %select_n3A_427 = arith.select %and3A_425, %add3A_426, %rem3A_417 : i32
          %dma_start3A_428 = arith.constant 0 : i32
          %dma_start3A_429 = tpu.memref_slice %arg8[%select_n3A_427, %dma_start3A_428] : memref<4x80xi32, #tpu.memory_space<vmem>> -> memref<1x80xi32, #tpu.memory_space<vmem>>
          %dma_start3A_430 = tpu.memref_squeeze %dma_start3A_429 : memref<1x80xi32, #tpu.memory_space<vmem>> -> memref<80xi32, #tpu.memory_space<vmem>>
          %dma_start3A_431 = tpu.memref_slice %arg5[%add3A_411] : memref<320000xi32, #tpu.memory_space<hbm>> -> memref<80xi32, #tpu.memory_space<hbm>>
          %dma_start3A_432 = arith.constant 0 : i32
          %dma_start3A_433 = tpu.memref_slice %arg8[%select_n3A_427, %dma_start3A_432] : memref<4x80xi32, #tpu.memory_space<vmem>> -> memref<1x80xi32, #tpu.memory_space<vmem>>
          %dma_start3A_434 = tpu.memref_squeeze %dma_start3A_433 : memref<1x80xi32, #tpu.memory_space<vmem>> -> memref<80xi32, #tpu.memory_space<vmem>>
          %dma_start3A_435 = tpu.memref_slice %arg5[%add3A_411] : memref<320000xi32, #tpu.memory_space<hbm>> -> memref<80xi32, #tpu.memory_space<hbm>>
          tpu.enqueue_dma source(%dma_start3A_435 : memref<80xi32, #tpu.memory_space<hbm>>) target(%dma_start3A_434 : memref<80xi32, #tpu.memory_space<vmem>>) target_semaphore(%arg15 : memref<!tpu.dma_semaphore, #tpu.memory_space<semaphore_mem>>)
          %dma_start3A_436 = arith.constant 0 : i32
          %dma_start3A_437 = tpu.memref_slice %arg9[%select_n3A_427, %dma_start3A_436] : memref<4x80xi32, #tpu.memory_space<vmem>> -> memref<1x80xi32, #tpu.memory_space<vmem>>
          %dma_start3A_438 = tpu.memref_squeeze %dma_start3A_437 : memref<1x80xi32, #tpu.memory_space<vmem>> -> memref<80xi32, #tpu.memory_space<vmem>>
          %dma_start3A_439 = tpu.memref_slice %arg6[%add3A_411] : memref<320000xi32, #tpu.memory_space<hbm>> -> memref<80xi32, #tpu.memory_space<hbm>>
          %dma_start3A_440 = arith.constant 0 : i32
          %dma_start3A_441 = tpu.memref_slice %arg9[%select_n3A_427, %dma_start3A_440] : memref<4x80xi32, #tpu.memory_space<vmem>> -> memref<1x80xi32, #tpu.memory_space<vmem>>
          %dma_start3A_442 = tpu.memref_squeeze %dma_start3A_441 : memref<1x80xi32, #tpu.memory_space<vmem>> -> memref<80xi32, #tpu.memory_space<vmem>>
          %dma_start3A_443 = tpu.memref_slice %arg6[%add3A_411] : memref<320000xi32, #tpu.memory_space<hbm>> -> memref<80xi32, #tpu.memory_space<hbm>>
          tpu.enqueue_dma source(%dma_start3A_443 : memref<80xi32, #tpu.memory_space<hbm>>) target(%dma_start3A_442 : memref<80xi32, #tpu.memory_space<vmem>>) target_semaphore(%arg15 : memref<!tpu.dma_semaphore, #tpu.memory_space<semaphore_mem>>)
          %dma_start3A_444 = arith.constant 1 : i32
          %dma_start3A_445 = arith.constant 0 : i32
          %dma_start3A_446 = tpu.memref_slice %arg10[%dma_start3A_444, %dma_start3A_445] : memref<2x80xf32, #tpu.memory_space<vmem>> -> memref<1x80xf32, #tpu.memory_space<vmem>>
          %dma_start3A_447 = tpu.memref_squeeze %dma_start3A_446 : memref<1x80xf32, #tpu.memory_space<vmem>> -> memref<80xf32, #tpu.memory_space<vmem>>
          %dma_start3A_448 = tpu.memref_slice %arg4[%add3A_411] : memref<320000xf32, #tpu.memory_space<hbm>> -> memref<80xf32, #tpu.memory_space<hbm>>
          %dma_start3A_449 = arith.constant 0 : i32
          %dma_start3A_450 = tpu.memref_slice %arg10[%dma_start3A_444, %dma_start3A_449] : memref<2x80xf32, #tpu.memory_space<vmem>> -> memref<1x80xf32, #tpu.memory_space<vmem>>
          %dma_start3A_451 = tpu.memref_squeeze %dma_start3A_450 : memref<1x80xf32, #tpu.memory_space<vmem>> -> memref<80xf32, #tpu.memory_space<vmem>>
          %dma_start3A_452 = tpu.memref_slice %arg4[%add3A_411] : memref<320000xf32, #tpu.memory_space<hbm>> -> memref<80xf32, #tpu.memory_space<hbm>>
          tpu.enqueue_dma source(%dma_start3A_452 : memref<80xf32, #tpu.memory_space<hbm>>) target(%dma_start3A_451 : memref<80xf32, #tpu.memory_space<vmem>>) target_semaphore(%arg15 : memref<!tpu.dma_semaphore, #tpu.memory_space<semaphore_mem>>)
        } else {
        }
        %add3A_345 = arith.constant 1 : i32
        %add3A_346 = arith.addi %scan3A_316, %add3A_345 : i32
        %lt3A_347 = arith.constant 125 : i32
        %lt3A_348 = arith.cmpi slt, %add3A_346, %lt3A_347 : i32
        %convert_element_type3A_349 = arith.extui %lt3A_348 : i1 to i32
        %cond3A_350 = arith.constant 0 : i32
        %cond3A_351 = arith.cmpi ne, %convert_element_type3A_349, %cond3A_350 : i32
        scf.if %cond3A_351 {
          %add3A_407 = arith.constant 1 : i32
          %add3A_408 = arith.addi %scan3A_316, %add3A_407 : i32
          %jit3A_409 = arith.constant 4 : i32
          %eq3A_410 = arith.constant 0 : i32
          %eq3A_411 = arith.cmpi eq, %jit3A_409, %eq3A_410 : i32
          %jit3A_412 = arith.constant 1 : i32
          %select_n3A_413 = arith.select %eq3A_411, %jit3A_412, %jit3A_409 : i32
          %rem3A_414 = arith.remsi %add3A_408, %select_n3A_413 : i32
          %ne3A_415 = arith.constant 0 : i32
          %ne3A_416 = arith.cmpi ne, %rem3A_414, %ne3A_415 : i32
          %lt3A_417 = arith.constant 0 : i32
          %lt3A_418 = arith.cmpi slt, %rem3A_414, %lt3A_417 : i32
          %lt3A_419 = arith.constant 0 : i32
          %lt3A_420 = arith.cmpi slt, %select_n3A_413, %lt3A_419 : i32
          %ne3A_421 = arith.xori %lt3A_418, %lt3A_420 : i1
          %and3A_422 = arith.andi %ne3A_421, %ne3A_416 : i1
          %add3A_423 = arith.addi %rem3A_414, %select_n3A_413 : i32
          %select_n3A_424 = arith.select %and3A_422, %add3A_423, %rem3A_414 : i32
          %dma_start3A_425 = arith.constant 0 : i32
          %dma_start3A_426 = arith.constant 0 : i32
          %dma_start3A_427 = arith.constant 0 : i32
          %dma_start3A_428 = tpu.memref_slice %arg12[%dma_start3A_425, %dma_start3A_426, %dma_start3A_427] : memref<2x80x128xf32, #tpu.memory_space<vmem>> -> memref<1x80x128xf32, #tpu.memory_space<vmem>>
          %dma_start3A_429 = tpu.memref_squeeze %dma_start3A_428 : memref<1x80x128xf32, #tpu.memory_space<vmem>> -> memref<80x128xf32, #tpu.memory_space<vmem>>
          %dma_start3A_430 = arith.constant 0 : i32
          %dma_start3A_431 = tpu.memref_slice %arg8[%select_n3A_424, %dma_start3A_430] : memref<4x80xi32, #tpu.memory_space<vmem>> -> memref<1x80xi32, #tpu.memory_space<vmem>>
          %dma_start3A_432 = tpu.memref_squeeze %dma_start3A_431 : memref<1x80xi32, #tpu.memory_space<vmem>> -> memref<80xi32, #tpu.memory_space<vmem>>
          %dma_start3A_433 = arith.constant 0 : i32
          %dma_start3A_434 = arith.constant 0 : i32
          %dma_start3A_435 = tpu.memref_slice %arg2[%dma_start3A_433, %dma_start3A_434] : memref<10000x128xf32, #tpu.memory_space<hbm>> -> memref<10000x128xf32, #tpu.memory_space<hbm>>
          tpu.enqueue_indirect_dma source(%dma_start3A_435 : memref<10000x128xf32, #tpu.memory_space<hbm>>) target(%dma_start3A_429 : memref<80x128xf32, #tpu.memory_space<vmem>>) offsets(%dma_start3A_432 : memref<80xi32, #tpu.memory_space<vmem>>) semaphore(%arg16 : memref<!tpu.dma_semaphore, #tpu.memory_space<semaphore_mem>>)
          %dma_start3A_436 = arith.constant 0 : i32
          %dma_start3A_437 = arith.constant 0 : i32
          %dma_start3A_438 = arith.constant 0 : i32
          %dma_start3A_439 = arith.constant 0 : i32
          %dma_start3A_440 = tpu.memref_slice %arg13[%dma_start3A_437, %dma_start3A_438, %dma_start3A_439] : memref<2x80x128xf32, #tpu.memory_space<vmem>> -> memref<1x80x128xf32, #tpu.memory_space<vmem>>
          %dma_start3A_441 = tpu.memref_squeeze %dma_start3A_440 : memref<1x80x128xf32, #tpu.memory_space<vmem>> -> memref<80x128xf32, #tpu.memory_space<vmem>>
          %dma_start3A_442 = arith.constant 0 : i32
          %dma_start3A_443 = tpu.memref_slice %arg11[%dma_start3A_436, %dma_start3A_442] : memref<2x80xi32, #tpu.memory_space<vmem>> -> memref<1x80xi32, #tpu.memory_space<vmem>>
          %dma_start3A_444 = tpu.memref_squeeze %dma_start3A_443 : memref<1x80xi32, #tpu.memory_space<vmem>> -> memref<80xi32, #tpu.memory_space<vmem>>
          %dma_start3A_445 = arith.constant 0 : i32
          %dma_start3A_446 = arith.constant 0 : i32
          %dma_start3A_447 = tpu.memref_slice %arg3[%dma_start3A_445, %dma_start3A_446] : memref<16384x128xf32, #tpu.memory_space<hbm>> -> memref<16384x128xf32, #tpu.memory_space<hbm>>
          tpu.enqueue_indirect_dma source(%dma_start3A_447 : memref<16384x128xf32, #tpu.memory_space<hbm>>) target(%dma_start3A_441 : memref<80x128xf32, #tpu.memory_space<vmem>>) offsets(%dma_start3A_444 : memref<80xi32, #tpu.memory_space<vmem>>) semaphore(%arg17 : memref<!tpu.dma_semaphore, #tpu.memory_space<semaphore_mem>>)
        } else {
        }
        %dma_wait3A_352 = arith.constant 1 : i32
        %dma_wait3A_353 = arith.constant 0 : i32
        %dma_wait3A_354 = arith.constant 0 : i32
        %dma_wait3A_355 = tpu.memref_slice %arg12[%dma_wait3A_352, %dma_wait3A_353, %dma_wait3A_354] : memref<2x80x128xf32, #tpu.memory_space<vmem>> -> memref<1x80x128xf32, #tpu.memory_space<vmem>>
        %dma_wait3A_356 = tpu.memref_squeeze %dma_wait3A_355 : memref<1x80x128xf32, #tpu.memory_space<vmem>> -> memref<80x128xf32, #tpu.memory_space<vmem>>
        %dma_wait3A_357 = arith.constant 0 : i32
        %dma_wait3A_358 = arith.constant 0 : i32
        %dma_wait3A_359 = tpu.memref_slice %arg2[%dma_wait3A_357, %dma_wait3A_358] : memref<10000x128xf32, #tpu.memory_space<hbm>> -> memref<80x128xf32, #tpu.memory_space<hbm>>
        %dma_wait3A_360 = arith.constant 0 : i32
        %dma_wait3A_361 = arith.constant 0 : i32
        %dma_wait3A_362 = tpu.memref_slice %arg12[%dma_wait3A_352, %dma_wait3A_360, %dma_wait3A_361] : memref<2x80x128xf32, #tpu.memory_space<vmem>> -> memref<1x80x128xf32, #tpu.memory_space<vmem>>
        %dma_wait3A_363 = tpu.memref_squeeze %dma_wait3A_362 : memref<1x80x128xf32, #tpu.memory_space<vmem>> -> memref<80x128xf32, #tpu.memory_space<vmem>>
        %dma_wait3A_364 = arith.constant 0 : i32
        %dma_wait3A_365 = arith.constant 0 : i32
        %dma_wait3A_366 = tpu.memref_slice %arg2[%dma_wait3A_364, %dma_wait3A_365] : memref<10000x128xf32, #tpu.memory_space<hbm>> -> memref<80x128xf32, #tpu.memory_space<hbm>>
        tpu.wait_dma2 semaphore(%arg16 : memref<!tpu.dma_semaphore, #tpu.memory_space<semaphore_mem>>) src(%dma_wait3A_366 : memref<80x128xf32, #tpu.memory_space<hbm>>) dst(%dma_wait3A_363 : memref<80x128xf32, #tpu.memory_space<vmem>>)
        %dma_wait3A_367 = arith.constant 1 : i32
        %dma_wait3A_368 = arith.constant 0 : i32
        %dma_wait3A_369 = arith.constant 0 : i32
        %dma_wait3A_370 = tpu.memref_slice %arg13[%dma_wait3A_367, %dma_wait3A_368, %dma_wait3A_369] : memref<2x80x128xf32, #tpu.memory_space<vmem>> -> memref<1x80x128xf32, #tpu.memory_space<vmem>>
        %dma_wait3A_371 = tpu.memref_squeeze %dma_wait3A_370 : memref<1x80x128xf32, #tpu.memory_space<vmem>> -> memref<80x128xf32, #tpu.memory_space<vmem>>
        %dma_wait3A_372 = arith.constant 0 : i32
        %dma_wait3A_373 = arith.constant 0 : i32
        %dma_wait3A_374 = tpu.memref_slice %arg3[%dma_wait3A_372, %dma_wait3A_373] : memref<16384x128xf32, #tpu.memory_space<hbm>> -> memref<80x128xf32, #tpu.memory_space<hbm>>
        %dma_wait3A_375 = arith.constant 0 : i32
        %dma_wait3A_376 = arith.constant 0 : i32
        %dma_wait3A_377 = tpu.memref_slice %arg13[%dma_wait3A_367, %dma_wait3A_375, %dma_wait3A_376] : memref<2x80x128xf32, #tpu.memory_space<vmem>> -> memref<1x80x128xf32, #tpu.memory_space<vmem>>
        %dma_wait3A_378 = tpu.memref_squeeze %dma_wait3A_377 : memref<1x80x128xf32, #tpu.memory_space<vmem>> -> memref<80x128xf32, #tpu.memory_space<vmem>>
        %dma_wait3A_379 = arith.constant 0 : i32
        %dma_wait3A_380 = arith.constant 0 : i32
        %dma_wait3A_381 = tpu.memref_slice %arg3[%dma_wait3A_379, %dma_wait3A_380] : memref<16384x128xf32, #tpu.memory_space<hbm>> -> memref<80x128xf32, #tpu.memory_space<hbm>>
        tpu.wait_dma2 semaphore(%arg17 : memref<!tpu.dma_semaphore, #tpu.memory_space<semaphore_mem>>) src(%dma_wait3A_381 : memref<80x128xf32, #tpu.memory_space<hbm>>) dst(%dma_wait3A_378 : memref<80x128xf32, #tpu.memory_space<vmem>>)
        %parallel_loop3A = arith.constant 0 : i32
        %parallel_loop3A_382 = arith.constant 80 : i32
        %parallel_loop3A_383 = arith.constant 1 : i32
        scf.for %parallel_loop3A_407 = %parallel_loop3A to %parallel_loop3A_382 step %parallel_loop3A_383  : i32 {
          %parallel_loop3A_408 = arith.constant 1 : i32
          %parallel_loop3A_409 = arith.index_cast %parallel_loop3A_408 : i32 to index
          %parallel_loop3A_410 = arith.index_cast %parallel_loop3A_407 : i32 to index
          %parallel_loop3A_411 = arith.constant 0 : index
          %parallel_loop3A_412 = tpu.vector_load %arg12[%parallel_loop3A_409, %parallel_loop3A_410, %parallel_loop3A_411] {strides = array<i32>} : memref<2x80x128xf32, #tpu.memory_space<vmem>>, vector<1x1x16xf32>,
          %parallel_loop3A_413 = vector.shape_cast %parallel_loop3A_412 : vector<1x1x16xf32> to vector<16xf32>
          %parallel_loop3A_414 = arith.constant 1 : i32
          %parallel_loop3A_415 = arith.index_cast %parallel_loop3A_414 : i32 to index
          %parallel_loop3A_416 = arith.index_cast %parallel_loop3A_407 : i32 to index
          %parallel_loop3A_417 = arith.constant 0 : index
          %parallel_loop3A_418 = tpu.vector_load %arg13[%parallel_loop3A_415, %parallel_loop3A_416, %parallel_loop3A_417] {strides = array<i32>} : memref<2x80x128xf32, #tpu.memory_space<vmem>>, vector<1x1x16xf32>,
          %parallel_loop3A_419 = vector.shape_cast %parallel_loop3A_418 : vector<1x1x16xf32> to vector<16xf32>
          %parallel_loop3A_420 = arith.mulf %parallel_loop3A_413, %parallel_loop3A_419 : vector<16xf32>
          %parallel_loop3A_421 = arith.constant 1 : i32
          %parallel_loop3A_422 = arith.index_cast %parallel_loop3A_421 : i32 to index
          %parallel_loop3A_423 = arith.index_cast %parallel_loop3A_407 : i32 to index
          %parallel_loop3A_424 = arith.constant 0 : index
          %parallel_loop3A_425 = tpu.vector_load %arg12[%parallel_loop3A_422, %parallel_loop3A_423, %parallel_loop3A_424] {strides = array<i32>} : memref<2x80x128xf32, #tpu.memory_space<vmem>>, vector<1x1x16xf32>,
          %parallel_loop3A_426 = vector.shape_cast %parallel_loop3A_425 : vector<1x1x16xf32> to vector<16xf32>
          %parallel_loop3A_427 = vector.shape_cast %parallel_loop3A_420 : vector<16xf32> to vector<1x1x16xf32>
          tpu.vector_store %arg12[%parallel_loop3A_422, %parallel_loop3A_423, %parallel_loop3A_424], %parallel_loop3A_427 {strides = array<i32>} : memref<2x80x128xf32, #tpu.memory_space<vmem>>, vector<1x1x16xf32>,
          %parallel_loop3A_428 = arith.constant 1 : i32
          %parallel_loop3A_429 = arith.index_cast %parallel_loop3A_428 : i32 to index
          %parallel_loop3A_430 = arith.index_cast %parallel_loop3A_407 : i32 to index
          %parallel_loop3A_431 = arith.constant 16 : index
          %parallel_loop3A_432 = tpu.vector_load %arg12[%parallel_loop3A_429, %parallel_loop3A_430, %parallel_loop3A_431] {strides = array<i32>} : memref<2x80x128xf32, #tpu.memory_space<vmem>>, vector<1x1x16xf32>,
          %parallel_loop3A_433 = vector.shape_cast %parallel_loop3A_432 : vector<1x1x16xf32> to vector<16xf32>
          %parallel_loop3A_434 = arith.constant 1 : i32
          %parallel_loop3A_435 = arith.index_cast %parallel_loop3A_434 : i32 to index
          %parallel_loop3A_436 = arith.index_cast %parallel_loop3A_407 : i32 to index
          %parallel_loop3A_437 = arith.constant 16 : index
          %parallel_loop3A_438 = tpu.vector_load %arg13[%parallel_loop3A_435, %parallel_loop3A_436, %parallel_loop3A_437] {strides = array<i32>} : memref<2x80x128xf32, #tpu.memory_space<vmem>>, vector<1x1x16xf32>,
          %parallel_loop3A_439 = vector.shape_cast %parallel_loop3A_438 : vector<1x1x16xf32> to vector<16xf32>
          %parallel_loop3A_440 = arith.mulf %parallel_loop3A_433, %parallel_loop3A_439 : vector<16xf32>
          %parallel_loop3A_441 = arith.constant 1 : i32
          %parallel_loop3A_442 = arith.index_cast %parallel_loop3A_441 : i32 to index
          %parallel_loop3A_443 = arith.index_cast %parallel_loop3A_407 : i32 to index
          %parallel_loop3A_444 = arith.constant 16 : index
          %parallel_loop3A_445 = tpu.vector_load %arg12[%parallel_loop3A_442, %parallel_loop3A_443, %parallel_loop3A_444] {strides = array<i32>} : memref<2x80x128xf32, #tpu.memory_space<vmem>>, vector<1x1x16xf32>,
          %parallel_loop3A_446 = vector.shape_cast %parallel_loop3A_445 : vector<1x1x16xf32> to vector<16xf32>
          %parallel_loop3A_447 = vector.shape_cast %parallel_loop3A_440 : vector<16xf32> to vector<1x1x16xf32>
          tpu.vector_store %arg12[%parallel_loop3A_442, %parallel_loop3A_443, %parallel_loop3A_444], %parallel_loop3A_447 {strides = array<i32>} : memref<2x80x128xf32, #tpu.memory_space<vmem>>, vector<1x1x16xf32>,
          %parallel_loop3A_448 = arith.constant 1 : i32
          %parallel_loop3A_449 = arith.index_cast %parallel_loop3A_448 : i32 to index
          %parallel_loop3A_450 = arith.index_cast %parallel_loop3A_407 : i32 to index
          %parallel_loop3A_451 = arith.constant 32 : index
          %parallel_loop3A_452 = tpu.vector_load %arg12[%parallel_loop3A_449, %parallel_loop3A_450, %parallel_loop3A_451] {strides = array<i32>} : memref<2x80x128xf32, #tpu.memory_space<vmem>>, vector<1x1x16xf32>,
          %parallel_loop3A_453 = vector.shape_cast %parallel_loop3A_452 : vector<1x1x16xf32> to vector<16xf32>
          %parallel_loop3A_454 = arith.constant 1 : i32
          %parallel_loop3A_455 = arith.index_cast %parallel_loop3A_454 : i32 to index
          %parallel_loop3A_456 = arith.index_cast %parallel_loop3A_407 : i32 to index
          %parallel_loop3A_457 = arith.constant 32 : index
          %parallel_loop3A_458 = tpu.vector_load %arg13[%parallel_loop3A_455, %parallel_loop3A_456, %parallel_loop3A_457] {strides = array<i32>} : memref<2x80x128xf32, #tpu.memory_space<vmem>>, vector<1x1x16xf32>,
          %parallel_loop3A_459 = vector.shape_cast %parallel_loop3A_458 : vector<1x1x16xf32> to vector<16xf32>
          %parallel_loop3A_460 = arith.mulf %parallel_loop3A_453, %parallel_loop3A_459 : vector<16xf32>
          %parallel_loop3A_461 = arith.constant 1 : i32
          %parallel_loop3A_462 = arith.index_cast %parallel_loop3A_461 : i32 to index
          %parallel_loop3A_463 = arith.index_cast %parallel_loop3A_407 : i32 to index
          %parallel_loop3A_464 = arith.constant 32 : index
          %parallel_loop3A_465 = tpu.vector_load %arg12[%parallel_loop3A_462, %parallel_loop3A_463, %parallel_loop3A_464] {strides = array<i32>} : memref<2x80x128xf32, #tpu.memory_space<vmem>>, vector<1x1x16xf32>,
          %parallel_loop3A_466 = vector.shape_cast %parallel_loop3A_465 : vector<1x1x16xf32> to vector<16xf32>
          %parallel_loop3A_467 = vector.shape_cast %parallel_loop3A_460 : vector<16xf32> to vector<1x1x16xf32>
          tpu.vector_store %arg12[%parallel_loop3A_462, %parallel_loop3A_463, %parallel_loop3A_464], %parallel_loop3A_467 {strides = array<i32>} : memref<2x80x128xf32, #tpu.memory_space<vmem>>, vector<1x1x16xf32>,
          %parallel_loop3A_468 = arith.constant 1 : i32
          %parallel_loop3A_469 = arith.index_cast %parallel_loop3A_468 : i32 to index
          %parallel_loop3A_470 = arith.index_cast %parallel_loop3A_407 : i32 to index
          %parallel_loop3A_471 = arith.constant 48 : index
          %parallel_loop3A_472 = tpu.vector_load %arg12[%parallel_loop3A_469, %parallel_loop3A_470, %parallel_loop3A_471] {strides = array<i32>} : memref<2x80x128xf32, #tpu.memory_space<vmem>>, vector<1x1x16xf32>,
          %parallel_loop3A_473 = vector.shape_cast %parallel_loop3A_472 : vector<1x1x16xf32> to vector<16xf32>
          %parallel_loop3A_474 = arith.constant 1 : i32
          %parallel_loop3A_475 = arith.index_cast %parallel_loop3A_474 : i32 to index
          %parallel_loop3A_476 = arith.index_cast %parallel_loop3A_407 : i32 to index
          %parallel_loop3A_477 = arith.constant 48 : index
          %parallel_loop3A_478 = tpu.vector_load %arg13[%parallel_loop3A_475, %parallel_loop3A_476, %parallel_loop3A_477] {strides = array<i32>} : memref<2x80x128xf32, #tpu.memory_space<vmem>>, vector<1x1x16xf32>,
          %parallel_loop3A_479 = vector.shape_cast %parallel_loop3A_478 : vector<1x1x16xf32> to vector<16xf32>
          %parallel_loop3A_480 = arith.mulf %parallel_loop3A_473, %parallel_loop3A_479 : vector<16xf32>
          %parallel_loop3A_481 = arith.constant 1 : i32
          %parallel_loop3A_482 = arith.index_cast %parallel_loop3A_481 : i32 to index
          %parallel_loop3A_483 = arith.index_cast %parallel_loop3A_407 : i32 to index
          %parallel_loop3A_484 = arith.constant 48 : index
          %parallel_loop3A_485 = tpu.vector_load %arg12[%parallel_loop3A_482, %parallel_loop3A_483, %parallel_loop3A_484] {strides = array<i32>} : memref<2x80x128xf32, #tpu.memory_space<vmem>>, vector<1x1x16xf32>,
          %parallel_loop3A_486 = vector.shape_cast %parallel_loop3A_485 : vector<1x1x16xf32> to vector<16xf32>
          %parallel_loop3A_487 = vector.shape_cast %parallel_loop3A_480 : vector<16xf32> to vector<1x1x16xf32>
          tpu.vector_store %arg12[%parallel_loop3A_482, %parallel_loop3A_483, %parallel_loop3A_484], %parallel_loop3A_487 {strides = array<i32>} : memref<2x80x128xf32, #tpu.memory_space<vmem>>, vector<1x1x16xf32>,
          %parallel_loop3A_488 = arith.constant 1 : i32
          %parallel_loop3A_489 = arith.index_cast %parallel_loop3A_488 : i32 to index
          %parallel_loop3A_490 = arith.index_cast %parallel_loop3A_407 : i32 to index
          %parallel_loop3A_491 = arith.constant 64 : index
          %parallel_loop3A_492 = tpu.vector_load %arg12[%parallel_loop3A_489, %parallel_loop3A_490, %parallel_loop3A_491] {strides = array<i32>} : memref<2x80x128xf32, #tpu.memory_space<vmem>>, vector<1x1x16xf32>,
          %parallel_loop3A_493 = vector.shape_cast %parallel_loop3A_492 : vector<1x1x16xf32> to vector<16xf32>
          %parallel_loop3A_494 = arith.constant 1 : i32
          %parallel_loop3A_495 = arith.index_cast %parallel_loop3A_494 : i32 to index
          %parallel_loop3A_496 = arith.index_cast %parallel_loop3A_407 : i32 to index
          %parallel_loop3A_497 = arith.constant 64 : index
          %parallel_loop3A_498 = tpu.vector_load %arg13[%parallel_loop3A_495, %parallel_loop3A_496, %parallel_loop3A_497] {strides = array<i32>} : memref<2x80x128xf32, #tpu.memory_space<vmem>>, vector<1x1x16xf32>,
          %parallel_loop3A_499 = vector.shape_cast %parallel_loop3A_498 : vector<1x1x16xf32> to vector<16xf32>
          %parallel_loop3A_500 = arith.mulf %parallel_loop3A_493, %parallel_loop3A_499 : vector<16xf32>
          %parallel_loop3A_501 = arith.constant 1 : i32
          %parallel_loop3A_502 = arith.index_cast %parallel_loop3A_501 : i32 to index
          %parallel_loop3A_503 = arith.index_cast %parallel_loop3A_407 : i32 to index
          %parallel_loop3A_504 = arith.constant 64 : index
          %parallel_loop3A_505 = tpu.vector_load %arg12[%parallel_loop3A_502, %parallel_loop3A_503, %parallel_loop3A_504] {strides = array<i32>} : memref<2x80x128xf32, #tpu.memory_space<vmem>>, vector<1x1x16xf32>,
          %parallel_loop3A_506 = vector.shape_cast %parallel_loop3A_505 : vector<1x1x16xf32> to vector<16xf32>
          %parallel_loop3A_507 = vector.shape_cast %parallel_loop3A_500 : vector<16xf32> to vector<1x1x16xf32>
          tpu.vector_store %arg12[%parallel_loop3A_502, %parallel_loop3A_503, %parallel_loop3A_504], %parallel_loop3A_507 {strides = array<i32>} : memref<2x80x128xf32, #tpu.memory_space<vmem>>, vector<1x1x16xf32>,
          %parallel_loop3A_508 = arith.constant 1 : i32
          %parallel_loop3A_509 = arith.index_cast %parallel_loop3A_508 : i32 to index
          %parallel_loop3A_510 = arith.index_cast %parallel_loop3A_407 : i32 to index
          %parallel_loop3A_511 = arith.constant 80 : index
          %parallel_loop3A_512 = tpu.vector_load %arg12[%parallel_loop3A_509, %parallel_loop3A_510, %parallel_loop3A_511] {strides = array<i32>} : memref<2x80x128xf32, #tpu.memory_space<vmem>>, vector<1x1x16xf32>,
          %parallel_loop3A_513 = vector.shape_cast %parallel_loop3A_512 : vector<1x1x16xf32> to vector<16xf32>
          %parallel_loop3A_514 = arith.constant 1 : i32
          %parallel_loop3A_515 = arith.index_cast %parallel_loop3A_514 : i32 to index
          %parallel_loop3A_516 = arith.index_cast %parallel_loop3A_407 : i32 to index
          %parallel_loop3A_517 = arith.constant 80 : index
          %parallel_loop3A_518 = tpu.vector_load %arg13[%parallel_loop3A_515, %parallel_loop3A_516, %parallel_loop3A_517] {strides = array<i32>} : memref<2x80x128xf32, #tpu.memory_space<vmem>>, vector<1x1x16xf32>,
          %parallel_loop3A_519 = vector.shape_cast %parallel_loop3A_518 : vector<1x1x16xf32> to vector<16xf32>
          %parallel_loop3A_520 = arith.mulf %parallel_loop3A_513, %parallel_loop3A_519 : vector<16xf32>
          %parallel_loop3A_521 = arith.constant 1 : i32
          %parallel_loop3A_522 = arith.index_cast %parallel_loop3A_521 : i32 to index
          %parallel_loop3A_523 = arith.index_cast %parallel_loop3A_407 : i32 to index
          %parallel_loop3A_524 = arith.constant 80 : index
          %parallel_loop3A_525 = tpu.vector_load %arg12[%parallel_loop3A_522, %parallel_loop3A_523, %parallel_loop3A_524] {strides = array<i32>} : memref<2x80x128xf32, #tpu.memory_space<vmem>>, vector<1x1x16xf32>,
          %parallel_loop3A_526 = vector.shape_cast %parallel_loop3A_525 : vector<1x1x16xf32> to vector<16xf32>
          %parallel_loop3A_527 = vector.shape_cast %parallel_loop3A_520 : vector<16xf32> to vector<1x1x16xf32>
          tpu.vector_store %arg12[%parallel_loop3A_522, %parallel_loop3A_523, %parallel_loop3A_524], %parallel_loop3A_527 {strides = array<i32>} : memref<2x80x128xf32, #tpu.memory_space<vmem>>, vector<1x1x16xf32>,
          %parallel_loop3A_528 = arith.constant 1 : i32
          %parallel_loop3A_529 = arith.index_cast %parallel_loop3A_528 : i32 to index
          %parallel_loop3A_530 = arith.index_cast %parallel_loop3A_407 : i32 to index
          %parallel_loop3A_531 = arith.constant 96 : index
          %parallel_loop3A_532 = tpu.vector_load %arg12[%parallel_loop3A_529, %parallel_loop3A_530, %parallel_loop3A_531] {strides = array<i32>} : memref<2x80x128xf32, #tpu.memory_space<vmem>>, vector<1x1x16xf32>,
          %parallel_loop3A_533 = vector.shape_cast %parallel_loop3A_532 : vector<1x1x16xf32> to vector<16xf32>
          %parallel_loop3A_534 = arith.constant 1 : i32
          %parallel_loop3A_535 = arith.index_cast %parallel_loop3A_534 : i32 to index
          %parallel_loop3A_536 = arith.index_cast %parallel_loop3A_407 : i32 to index
          %parallel_loop3A_537 = arith.constant 96 : index
          %parallel_loop3A_538 = tpu.vector_load %arg13[%parallel_loop3A_535, %parallel_loop3A_536, %parallel_loop3A_537] {strides = array<i32>} : memref<2x80x128xf32, #tpu.memory_space<vmem>>, vector<1x1x16xf32>,
          %parallel_loop3A_539 = vector.shape_cast %parallel_loop3A_538 : vector<1x1x16xf32> to vector<16xf32>
          %parallel_loop3A_540 = arith.mulf %parallel_loop3A_533, %parallel_loop3A_539 : vector<16xf32>
          %parallel_loop3A_541 = arith.constant 1 : i32
          %parallel_loop3A_542 = arith.index_cast %parallel_loop3A_541 : i32 to index
          %parallel_loop3A_543 = arith.index_cast %parallel_loop3A_407 : i32 to index
          %parallel_loop3A_544 = arith.constant 96 : index
          %parallel_loop3A_545 = tpu.vector_load %arg12[%parallel_loop3A_542, %parallel_loop3A_543, %parallel_loop3A_544] {strides = array<i32>} : memref<2x80x128xf32, #tpu.memory_space<vmem>>, vector<1x1x16xf32>,
          %parallel_loop3A_546 = vector.shape_cast %parallel_loop3A_545 : vector<1x1x16xf32> to vector<16xf32>
          %parallel_loop3A_547 = vector.shape_cast %parallel_loop3A_540 : vector<16xf32> to vector<1x1x16xf32>
          tpu.vector_store %arg12[%parallel_loop3A_542, %parallel_loop3A_543, %parallel_loop3A_544], %parallel_loop3A_547 {strides = array<i32>} : memref<2x80x128xf32, #tpu.memory_space<vmem>>, vector<1x1x16xf32>,
          %parallel_loop3A_548 = arith.constant 1 : i32
          %parallel_loop3A_549 = arith.index_cast %parallel_loop3A_548 : i32 to index
          %parallel_loop3A_550 = arith.index_cast %parallel_loop3A_407 : i32 to index
          %parallel_loop3A_551 = arith.constant 112 : index
          %parallel_loop3A_552 = tpu.vector_load %arg12[%parallel_loop3A_549, %parallel_loop3A_550, %parallel_loop3A_551] {strides = array<i32>} : memref<2x80x128xf32, #tpu.memory_space<vmem>>, vector<1x1x16xf32>,
          %parallel_loop3A_553 = vector.shape_cast %parallel_loop3A_552 : vector<1x1x16xf32> to vector<16xf32>
          %parallel_loop3A_554 = arith.constant 1 : i32
          %parallel_loop3A_555 = arith.index_cast %parallel_loop3A_554 : i32 to index
          %parallel_loop3A_556 = arith.index_cast %parallel_loop3A_407 : i32 to index
          %parallel_loop3A_557 = arith.constant 112 : index
          %parallel_loop3A_558 = tpu.vector_load %arg13[%parallel_loop3A_555, %parallel_loop3A_556, %parallel_loop3A_557] {strides = array<i32>} : memref<2x80x128xf32, #tpu.memory_space<vmem>>, vector<1x1x16xf32>,
          %parallel_loop3A_559 = vector.shape_cast %parallel_loop3A_558 : vector<1x1x16xf32> to vector<16xf32>
          %parallel_loop3A_560 = arith.mulf %parallel_loop3A_553, %parallel_loop3A_559 : vector<16xf32>
          %parallel_loop3A_561 = arith.constant 1 : i32
          %parallel_loop3A_562 = arith.index_cast %parallel_loop3A_561 : i32 to index
          %parallel_loop3A_563 = arith.index_cast %parallel_loop3A_407 : i32 to index
          %parallel_loop3A_564 = arith.constant 112 : index
          %parallel_loop3A_565 = tpu.vector_load %arg12[%parallel_loop3A_562, %parallel_loop3A_563, %parallel_loop3A_564] {strides = array<i32>} : memref<2x80x128xf32, #tpu.memory_space<vmem>>, vector<1x1x16xf32>,
          %parallel_loop3A_566 = vector.shape_cast %parallel_loop3A_565 : vector<1x1x16xf32> to vector<16xf32>
          %parallel_loop3A_567 = vector.shape_cast %parallel_loop3A_560 : vector<16xf32> to vector<1x1x16xf32>
          tpu.vector_store %arg12[%parallel_loop3A_562, %parallel_loop3A_563, %parallel_loop3A_564], %parallel_loop3A_567 {strides = array<i32>} : memref<2x80x128xf32, #tpu.memory_space<vmem>>, vector<1x1x16xf32>,
        } {sc.loop_unroll_factor = 8 : i64, sc.parallel_access}
        %jit3A = arith.constant 4 : i32
        %eq3A_384 = arith.constant 0 : i32
        %eq3A_385 = arith.cmpi eq, %jit3A, %eq3A_384 : i32
        %jit3A_386 = arith.constant 1 : i32
        %select_n3A = arith.select %eq3A_385, %jit3A_386, %jit3A : i32
        %rem3A_387 = arith.remsi %scan3A_316, %select_n3A : i32
        %ne3A = arith.constant 0 : i32
        %ne3A_388 = arith.cmpi ne, %rem3A_387, %ne3A : i32
        %lt3A_389 = arith.constant 0 : i32
        %lt3A_390 = arith.cmpi slt, %rem3A_387, %lt3A_389 : i32
        %lt3A_391 = arith.constant 0 : i32
        %lt3A_392 = arith.cmpi slt, %select_n3A, %lt3A_391 : i32
        %ne3A_393 = arith.xori %lt3A_390, %lt3A_392 : i1
        %and3A = arith.andi %ne3A_393, %ne3A_388 : i1
        %add3A_394 = arith.addi %rem3A_387, %select_n3A : i32
        %select_n3A_395 = arith.select %and3A, %add3A_394, %rem3A_387 : i32
        %dma_start3A_396 = arith.constant 1 : i32
        %dma_start3A_397 = arith.constant 0 : i32
        %dma_start3A_398 = arith.constant 0 : i32
        %dma_start3A_399 = tpu.memref_slice %arg12[%dma_start3A_396, %dma_start3A_397, %dma_start3A_398] : memref<2x80x128xf32, #tpu.memory_space<vmem>> -> memref<1x80x128xf32, #tpu.memory_space<vmem>>
        %dma_start3A_400 = tpu.memref_squeeze %dma_start3A_399 : memref<1x80x128xf32, #tpu.memory_space<vmem>> -> memref<80x128xf32, #tpu.memory_space<vmem>>
        %dma_start3A_401 = arith.constant 0 : i32
        %dma_start3A_402 = tpu.memref_slice %arg9[%select_n3A_395, %dma_start3A_401] : memref<4x80xi32, #tpu.memory_space<vmem>> -> memref<1x80xi32, #tpu.memory_space<vmem>>
        %dma_start3A_403 = tpu.memref_squeeze %dma_start3A_402 : memref<1x80xi32, #tpu.memory_space<vmem>> -> memref<80xi32, #tpu.memory_space<vmem>>
        %dma_start3A_404 = arith.constant 0 : i32
        %dma_start3A_405 = arith.constant 0 : i32
        %dma_start3A_406 = tpu.memref_slice %arg14[%dma_start3A_404, %dma_start3A_405] : memref<10240x128xf32, #tpu.memory_space<vmem_shared>> -> memref<10240x128xf32, #tpu.memory_space<vmem_shared>>
        tpu.enqueue_indirect_dma source(%dma_start3A_400 : memref<80x128xf32, #tpu.memory_space<vmem>>) target(%dma_start3A_406 : memref<10240x128xf32, #tpu.memory_space<vmem_shared>>) offsets(%dma_start3A_403 : memref<80xi32, #tpu.memory_space<vmem>>) semaphore(%arg18 : memref<!tpu.dma_semaphore, #tpu.memory_space<semaphore_mem>>) {add = true}
      } else {
      }
      %scan3A_327 = arith.constant 0 : i32
      scf.yield %scan3A_327 : i32
    }
    %scan3A_254 = arith.constant 125 : i32
    %dma_wait3A_255 = arith.constant 0 : i32
    %dma_wait3A_256 = arith.constant 0 : i32
    %dma_wait3A_257 = arith.constant 0 : i32
    %dma_wait3A_258 = arith.constant 0 : i32
    %dma_wait3A_259 = tpu.memref_slice %arg12[%dma_wait3A_255, %dma_wait3A_257, %dma_wait3A_258] : memref<2x80x128xf32, #tpu.memory_space<vmem>> -> memref<1x80x128xf32, #tpu.memory_space<vmem>>
    %dma_wait3A_260 = tpu.memref_squeeze %dma_wait3A_259 : memref<1x80x128xf32, #tpu.memory_space<vmem>> -> memref<80x128xf32, #tpu.memory_space<vmem>>
    %dma_wait3A_261 = arith.constant 0 : i32
    %dma_wait3A_262 = tpu.memref_slice %arg9[%dma_wait3A_256, %dma_wait3A_261] : memref<4x80xi32, #tpu.memory_space<vmem>> -> memref<1x80xi32, #tpu.memory_space<vmem>>
    %dma_wait3A_263 = tpu.memref_squeeze %dma_wait3A_262 : memref<1x80xi32, #tpu.memory_space<vmem>> -> memref<80xi32, #tpu.memory_space<vmem>>
    %dma_wait3A_264 = arith.constant 0 : i32
    %dma_wait3A_265 = arith.constant 0 : i32
    %dma_wait3A_266 = tpu.memref_slice %arg14[%dma_wait3A_264, %dma_wait3A_265] : memref<10240x128xf32, #tpu.memory_space<vmem_shared>> -> memref<10240x128xf32, #tpu.memory_space<vmem_shared>>
    tpu.wait_indirect_dma semaphore(%arg18 : memref<!tpu.dma_semaphore, #tpu.memory_space<semaphore_mem>>) src(%dma_wait3A_260 : memref<80x128xf32, #tpu.memory_space<vmem>>) dst(%dma_wait3A_266 : memref<10240x128xf32, #tpu.memory_space<vmem_shared>>)
    %barrier3A_267 = arith.constant 0 : index
    tpu.barrier barrier_id(%barrier3A_267)
    %add3A_268 = arith.constant 0 : i32
    %add3A_269 = arith.addi %mul3A_6, %add3A_268 : i32
    %run_scoped3A_270 = arith.constant 0 : i32
    "tpu.region"() ({
      %run_scoped3A_316 = tpu.sem_alloc : memref<!tpu.dma_semaphore, #tpu.memory_space<semaphore_mem>>
      %dma_start3A_317 = arith.constant 0 : i32
      %dma_start3A_318 = arith.constant 0 : i32
      %dma_start3A_319 = tpu.memref_slice %arg12[%run_scoped3A_270, %dma_start3A_317, %dma_start3A_318] : memref<2x80x128xf32, #tpu.memory_space<vmem>> -> memref<1x80x128xf32, #tpu.memory_space<vmem>>
      %dma_start3A_320 = tpu.memref_squeeze %dma_start3A_319 : memref<1x80x128xf32, #tpu.memory_space<vmem>> -> memref<80x128xf32, #tpu.memory_space<vmem>>
      %dma_start3A_321 = arith.constant 0 : i32
      %dma_start3A_322 = tpu.memref_slice %arg14[%add3A_269, %dma_start3A_321] : memref<10240x128xf32, #tpu.memory_space<vmem_shared>> -> memref<80x128xf32, #tpu.memory_space<vmem_shared>>
      %dma_start3A_323 = arith.constant 0 : i32
      %dma_start3A_324 = arith.constant 0 : i32
      %dma_start3A_325 = tpu.memref_slice %arg12[%run_scoped3A_270, %dma_start3A_323, %dma_start3A_324] : memref<2x80x128xf32, #tpu.memory_space<vmem>> -> memref<1x80x128xf32, #tpu.memory_space<vmem>>
      %dma_start3A_326 = tpu.memref_squeeze %dma_start3A_325 : memref<1x80x128xf32, #tpu.memory_space<vmem>> -> memref<80x128xf32, #tpu.memory_space<vmem>>
      %dma_start3A_327 = arith.constant 0 : i32
      %dma_start3A_328 = tpu.memref_slice %arg14[%add3A_269, %dma_start3A_327] : memref<10240x128xf32, #tpu.memory_space<vmem_shared>> -> memref<80x128xf32, #tpu.memory_space<vmem_shared>>
      tpu.enqueue_dma source(%dma_start3A_328 : memref<80x128xf32, #tpu.memory_space<vmem_shared>>) target(%dma_start3A_326 : memref<80x128xf32, #tpu.memory_space<vmem>>) target_semaphore(%run_scoped3A_316 : memref<!tpu.dma_semaphore, #tpu.memory_space<semaphore_mem>>)
      %dma_wait3A_329 = arith.constant 0 : i32
      %dma_wait3A_330 = arith.constant 0 : i32
      %dma_wait3A_331 = tpu.memref_slice %arg12[%run_scoped3A_270, %dma_wait3A_329, %dma_wait3A_330] : memref<2x80x128xf32, #tpu.memory_space<vmem>> -> memref<1x80x128xf32, #tpu.memory_space<vmem>>
      %dma_wait3A_332 = tpu.memref_squeeze %dma_wait3A_331 : memref<1x80x128xf32, #tpu.memory_space<vmem>> -> memref<80x128xf32, #tpu.memory_space<vmem>>
      %dma_wait3A_333 = arith.constant 0 : i32
      %dma_wait3A_334 = tpu.memref_slice %arg14[%add3A_269, %dma_wait3A_333] : memref<10240x128xf32, #tpu.memory_space<vmem_shared>> -> memref<80x128xf32, #tpu.memory_space<vmem_shared>>
      %dma_wait3A_335 = arith.constant 0 : i32
      %dma_wait3A_336 = arith.constant 0 : i32
      %dma_wait3A_337 = tpu.memref_slice %arg12[%run_scoped3A_270, %dma_wait3A_335, %dma_wait3A_336] : memref<2x80x128xf32, #tpu.memory_space<vmem>> -> memref<1x80x128xf32, #tpu.memory_space<vmem>>
      %dma_wait3A_338 = tpu.memref_squeeze %dma_wait3A_337 : memref<1x80x128xf32, #tpu.memory_space<vmem>> -> memref<80x128xf32, #tpu.memory_space<vmem>>
      %dma_wait3A_339 = arith.constant 0 : i32
      %dma_wait3A_340 = tpu.memref_slice %arg14[%add3A_269, %dma_wait3A_339] : memref<10240x128xf32, #tpu.memory_space<vmem_shared>> -> memref<80x128xf32, #tpu.memory_space<vmem_shared>>
      tpu.wait_dma2 semaphore(%run_scoped3A_316 : memref<!tpu.dma_semaphore, #tpu.memory_space<semaphore_mem>>) src(%dma_wait3A_340 : memref<80x128xf32, #tpu.memory_space<vmem_shared>>) dst(%dma_wait3A_338 : memref<80x128xf32, #tpu.memory_space<vmem>>)
      tpu.yield
    }) : () -> ()
    %add3A_271 = arith.constant 0 : i32
    %add3A_272 = arith.addi %mul3A_6, %add3A_271 : i32
    %run_scoped3A_273 = arith.constant 0 : i32
    "tpu.region"() ({
      %run_scoped3A_316 = tpu.sem_alloc : memref<!tpu.dma_semaphore, #tpu.memory_space<semaphore_mem>>
      %dma_start3A_317 = arith.constant 0 : i32
      %dma_start3A_318 = arith.constant 0 : i32
      %dma_start3A_319 = tpu.memref_slice %arg12[%run_scoped3A_273, %dma_start3A_317, %dma_start3A_318] : memref<2x80x128xf32, #tpu.memory_space<vmem>> -> memref<1x80x128xf32, #tpu.memory_space<vmem>>
      %dma_start3A_320 = tpu.memref_squeeze %dma_start3A_319 : memref<1x80x128xf32, #tpu.memory_space<vmem>> -> memref<80x128xf32, #tpu.memory_space<vmem>>
      %dma_start3A_321 = arith.constant 0 : i32
      %dma_start3A_322 = tpu.memref_slice %arg7[%arg0, %add3A_272, %dma_start3A_321] : memref<2x10240x128xf32, #tpu.memory_space<hbm>> -> memref<1x80x128xf32, #tpu.memory_space<hbm>>
      %dma_start3A_323 = tpu.memref_squeeze %dma_start3A_322 : memref<1x80x128xf32, #tpu.memory_space<hbm>> -> memref<80x128xf32, #tpu.memory_space<hbm>>
      %dma_start3A_324 = arith.constant 0 : i32
      %dma_start3A_325 = tpu.memref_slice %arg7[%arg0, %add3A_272, %dma_start3A_324] : memref<2x10240x128xf32, #tpu.memory_space<hbm>> -> memref<1x80x128xf32, #tpu.memory_space<hbm>>
      %dma_start3A_326 = tpu.memref_squeeze %dma_start3A_325 : memref<1x80x128xf32, #tpu.memory_space<hbm>> -> memref<80x128xf32, #tpu.memory_space<hbm>>
      %dma_start3A_327 = arith.constant 0 : i32
      %dma_start3A_328 = arith.constant 0 : i32
      %dma_start3A_329 = tpu.memref_slice %arg12[%run_scoped3A_273, %dma_start3A_327, %dma_start3A_328] : memref<2x80x128xf32, #tpu.memory_space<vmem>> -> memref<1x80x128xf32, #tpu.memory_space<vmem>>
      %dma_start3A_330 = tpu.memref_squeeze %dma_start3A_329 : memref<1x80x128xf32, #tpu.memory_space<vmem>> -> memref<80x128xf32, #tpu.memory_space<vmem>>
      tpu.enqueue_dma source(%dma_start3A_330 : memref<80x128xf32, #tpu.memory_space<vmem>>) target(%dma_start3A_326 : memref<80x128xf32, #tpu.memory_space<hbm>>) target_semaphore(%run_scoped3A_316 : memref<!tpu.dma_semaphore, #tpu.memory_space<semaphore_mem>>)
      %dma_wait3A_331 = arith.constant 0 : i32
      %dma_wait3A_332 = arith.constant 0 : i32
      %dma_wait3A_333 = tpu.memref_slice %arg12[%run_scoped3A_273, %dma_wait3A_331, %dma_wait3A_332] : memref<2x80x128xf32, #tpu.memory_space<vmem>> -> memref<1x80x128xf32, #tpu.memory_space<vmem>>
      %dma_wait3A_334 = tpu.memref_squeeze %dma_wait3A_333 : memref<1x80x128xf32, #tpu.memory_space<vmem>> -> memref<80x128xf32, #tpu.memory_space<vmem>>
      %dma_wait3A_335 = arith.constant 0 : i32
      %dma_wait3A_336 = tpu.memref_slice %arg7[%arg0, %add3A_272, %dma_wait3A_335] : memref<2x10240x128xf32, #tpu.memory_space<hbm>> -> memref<1x80x128xf32, #tpu.memory_space<hbm>>
      %dma_wait3A_337 = tpu.memref_squeeze %dma_wait3A_336 : memref<1x80x128xf32, #tpu.memory_space<hbm>> -> memref<80x128xf32, #tpu.memory_space<hbm>>
      %dma_wait3A_338 = arith.constant 0 : i32
      %dma_wait3A_339 = tpu.memref_slice %arg7[%arg0, %add3A_272, %dma_wait3A_338] : memref<2x10240x128xf32, #tpu.memory_space<hbm>> -> memref<1x80x128xf32, #tpu.memory_space<hbm>>
      %dma_wait3A_340 = tpu.memref_squeeze %dma_wait3A_339 : memref<1x80x128xf32, #tpu.memory_space<hbm>> -> memref<80x128xf32, #tpu.memory_space<hbm>>
      %dma_wait3A_341 = arith.constant 0 : i32
      %dma_wait3A_342 = arith.constant 0 : i32
      %dma_wait3A_343 = tpu.memref_slice %arg12[%run_scoped3A_273, %dma_wait3A_341, %dma_wait3A_342] : memref<2x80x128xf32, #tpu.memory_space<vmem>> -> memref<1x80x128xf32, #tpu.memory_space<vmem>>
      %dma_wait3A_344 = tpu.memref_squeeze %dma_wait3A_343 : memref<1x80x128xf32, #tpu.memory_space<vmem>> -> memref<80x128xf32, #tpu.memory_space<vmem>>
      tpu.wait_dma2 semaphore(%run_scoped3A_316 : memref<!tpu.dma_semaphore, #tpu.memory_space<semaphore_mem>>) src(%dma_wait3A_344 : memref<80x128xf32, #tpu.memory_space<vmem>>) dst(%dma_wait3A_340 : memref<80x128xf32, #tpu.memory_space<hbm>>)
      tpu.yield
    }) : () -> ()
    %add3A_274 = arith.constant 80 : i32
    %add3A_275 = arith.addi %mul3A_6, %add3A_274 : i32
    %run_scoped3A_276 = arith.constant 0 : i32
    "tpu.region"() ({
      %run_scoped3A_316 = tpu.sem_alloc : memref<!tpu.dma_semaphore, #tpu.memory_space<semaphore_mem>>
      %dma_start3A_317 = arith.constant 0 : i32
      %dma_start3A_318 = arith.constant 0 : i32
      %dma_start3A_319 = tpu.memref_slice %arg12[%run_scoped3A_276, %dma_start3A_317, %dma_start3A_318] : memref<2x80x128xf32, #tpu.memory_space<vmem>> -> memref<1x80x128xf32, #tpu.memory_space<vmem>>
      %dma_start3A_320 = tpu.memref_squeeze %dma_start3A_319 : memref<1x80x128xf32, #tpu.memory_space<vmem>> -> memref<80x128xf32, #tpu.memory_space<vmem>>
      %dma_start3A_321 = arith.constant 0 : i32
      %dma_start3A_322 = tpu.memref_slice %arg14[%add3A_275, %dma_start3A_321] : memref<10240x128xf32, #tpu.memory_space<vmem_shared>> -> memref<80x128xf32, #tpu.memory_space<vmem_shared>>
      %dma_start3A_323 = arith.constant 0 : i32
      %dma_start3A_324 = arith.constant 0 : i32
      %dma_start3A_325 = tpu.memref_slice %arg12[%run_scoped3A_276, %dma_start3A_323, %dma_start3A_324] : memref<2x80x128xf32, #tpu.memory_space<vmem>> -> memref<1x80x128xf32, #tpu.memory_space<vmem>>
      %dma_start3A_326 = tpu.memref_squeeze %dma_start3A_325 : memref<1x80x128xf32, #tpu.memory_space<vmem>> -> memref<80x128xf32, #tpu.memory_space<vmem>>
      %dma_start3A_327 = arith.constant 0 : i32
      %dma_start3A_328 = tpu.memref_slice %arg14[%add3A_275, %dma_start3A_327] : memref<10240x128xf32, #tpu.memory_space<vmem_shared>> -> memref<80x128xf32, #tpu.memory_space<vmem_shared>>
      tpu.enqueue_dma source(%dma_start3A_328 : memref<80x128xf32, #tpu.memory_space<vmem_shared>>) target(%dma_start3A_326 : memref<80x128xf32, #tpu.memory_space<vmem>>) target_semaphore(%run_scoped3A_316 : memref<!tpu.dma_semaphore, #tpu.memory_space<semaphore_mem>>)
      %dma_wait3A_329 = arith.constant 0 : i32
      %dma_wait3A_330 = arith.constant 0 : i32
      %dma_wait3A_331 = tpu.memref_slice %arg12[%run_scoped3A_276, %dma_wait3A_329, %dma_wait3A_330] : memref<2x80x128xf32, #tpu.memory_space<vmem>> -> memref<1x80x128xf32, #tpu.memory_space<vmem>>
      %dma_wait3A_332 = tpu.memref_squeeze %dma_wait3A_331 : memref<1x80x128xf32, #tpu.memory_space<vmem>> -> memref<80x128xf32, #tpu.memory_space<vmem>>
      %dma_wait3A_333 = arith.constant 0 : i32
      %dma_wait3A_334 = tpu.memref_slice %arg14[%add3A_275, %dma_wait3A_333] : memref<10240x128xf32, #tpu.memory_space<vmem_shared>> -> memref<80x128xf32, #tpu.memory_space<vmem_shared>>
      %dma_wait3A_335 = arith.constant 0 : i32
      %dma_wait3A_336 = arith.constant 0 : i32
      %dma_wait3A_337 = tpu.memref_slice %arg12[%run_scoped3A_276, %dma_wait3A_335, %dma_wait3A_336] : memref<2x80x128xf32, #tpu.memory_space<vmem>> -> memref<1x80x128xf32, #tpu.memory_space<vmem>>
      %dma_wait3A_338 = tpu.memref_squeeze %dma_wait3A_337 : memref<1x80x128xf32, #tpu.memory_space<vmem>> -> memref<80x128xf32, #tpu.memory_space<vmem>>
      %dma_wait3A_339 = arith.constant 0 : i32
      %dma_wait3A_340 = tpu.memref_slice %arg14[%add3A_275, %dma_wait3A_339] : memref<10240x128xf32, #tpu.memory_space<vmem_shared>> -> memref<80x128xf32, #tpu.memory_space<vmem_shared>>
      tpu.wait_dma2 semaphore(%run_scoped3A_316 : memref<!tpu.dma_semaphore, #tpu.memory_space<semaphore_mem>>) src(%dma_wait3A_340 : memref<80x128xf32, #tpu.memory_space<vmem_shared>>) dst(%dma_wait3A_338 : memref<80x128xf32, #tpu.memory_space<vmem>>)
      tpu.yield
    }) : () -> ()
    %add3A_277 = arith.constant 80 : i32
    %add3A_278 = arith.addi %mul3A_6, %add3A_277 : i32
    %run_scoped3A_279 = arith.constant 0 : i32
    "tpu.region"() ({
      %run_scoped3A_316 = tpu.sem_alloc : memref<!tpu.dma_semaphore, #tpu.memory_space<semaphore_mem>>
      %dma_start3A_317 = arith.constant 0 : i32
      %dma_start3A_318 = arith.constant 0 : i32
      %dma_start3A_319 = tpu.memref_slice %arg12[%run_scoped3A_279, %dma_start3A_317, %dma_start3A_318] : memref<2x80x128xf32, #tpu.memory_space<vmem>> -> memref<1x80x128xf32, #tpu.memory_space<vmem>>
      %dma_start3A_320 = tpu.memref_squeeze %dma_start3A_319 : memref<1x80x128xf32, #tpu.memory_space<vmem>> -> memref<80x128xf32, #tpu.memory_space<vmem>>
      %dma_start3A_321 = arith.constant 0 : i32
      %dma_start3A_322 = tpu.memref_slice %arg7[%arg0, %add3A_278, %dma_start3A_321] : memref<2x10240x128xf32, #tpu.memory_space<hbm>> -> memref<1x80x128xf32, #tpu.memory_space<hbm>>
      %dma_start3A_323 = tpu.memref_squeeze %dma_start3A_322 : memref<1x80x128xf32, #tpu.memory_space<hbm>> -> memref<80x128xf32, #tpu.memory_space<hbm>>
      %dma_start3A_324 = arith.constant 0 : i32
      %dma_start3A_325 = tpu.memref_slice %arg7[%arg0, %add3A_278, %dma_start3A_324] : memref<2x10240x128xf32, #tpu.memory_space<hbm>> -> memref<1x80x128xf32, #tpu.memory_space<hbm>>
      %dma_start3A_326 = tpu.memref_squeeze %dma_start3A_325 : memref<1x80x128xf32, #tpu.memory_space<hbm>> -> memref<80x128xf32, #tpu.memory_space<hbm>>
      %dma_start3A_327 = arith.constant 0 : i32
      %dma_start3A_328 = arith.constant 0 : i32
      %dma_start3A_329 = tpu.memref_slice %arg12[%run_scoped3A_279, %dma_start3A_327, %dma_start3A_328] : memref<2x80x128xf32, #tpu.memory_space<vmem>> -> memref<1x80x128xf32, #tpu.memory_space<vmem>>
      %dma_start3A_330 = tpu.memref_squeeze %dma_start3A_329 : memref<1x80x128xf32, #tpu.memory_space<vmem>> -> memref<80x128xf32, #tpu.memory_space<vmem>>
      tpu.enqueue_dma source(%dma_start3A_330 : memref<80x128xf32, #tpu.memory_space<vmem>>) target(%dma_start3A_326 : memref<80x128xf32, #tpu.memory_space<hbm>>) target_semaphore(%run_scoped3A_316 : memref<!tpu.dma_semaphore, #tpu.memory_space<semaphore_mem>>)
      %dma_wait3A_331 = arith.constant 0 : i32
      %dma_wait3A_332 = arith.constant 0 : i32
      %dma_wait3A_333 = tpu.memref_slice %arg12[%run_scoped3A_279, %dma_wait3A_331, %dma_wait3A_332] : memref<2x80x128xf32, #tpu.memory_space<vmem>> -> memref<1x80x128xf32, #tpu.memory_space<vmem>>
      %dma_wait3A_334 = tpu.memref_squeeze %dma_wait3A_333 : memref<1x80x128xf32, #tpu.memory_space<vmem>> -> memref<80x128xf32, #tpu.memory_space<vmem>>
      %dma_wait3A_335 = arith.constant 0 : i32
      %dma_wait3A_336 = tpu.memref_slice %arg7[%arg0, %add3A_278, %dma_wait3A_335] : memref<2x10240x128xf32, #tpu.memory_space<hbm>> -> memref<1x80x128xf32, #tpu.memory_space<hbm>>
      %dma_wait3A_337 = tpu.memref_squeeze %dma_wait3A_336 : memref<1x80x128xf32, #tpu.memory_space<hbm>> -> memref<80x128xf32, #tpu.memory_space<hbm>>
      %dma_wait3A_338 = arith.constant 0 : i32
      %dma_wait3A_339 = tpu.memref_slice %arg7[%arg0, %add3A_278, %dma_wait3A_338] : memref<2x10240x128xf32, #tpu.memory_space<hbm>> -> memref<1x80x128xf32, #tpu.memory_space<hbm>>
      %dma_wait3A_340 = tpu.memref_squeeze %dma_wait3A_339 : memref<1x80x128xf32, #tpu.memory_space<hbm>> -> memref<80x128xf32, #tpu.memory_space<hbm>>
      %dma_wait3A_341 = arith.constant 0 : i32
      %dma_wait3A_342 = arith.constant 0 : i32
      %dma_wait3A_343 = tpu.memref_slice %arg12[%run_scoped3A_279, %dma_wait3A_341, %dma_wait3A_342] : memref<2x80x128xf32, #tpu.memory_space<vmem>> -> memref<1x80x128xf32, #tpu.memory_space<vmem>>
      %dma_wait3A_344 = tpu.memref_squeeze %dma_wait3A_343 : memref<1x80x128xf32, #tpu.memory_space<vmem>> -> memref<80x128xf32, #tpu.memory_space<vmem>>
      tpu.wait_dma2 semaphore(%run_scoped3A_316 : memref<!tpu.dma_semaphore, #tpu.memory_space<semaphore_mem>>) src(%dma_wait3A_344 : memref<80x128xf32, #tpu.memory_space<vmem>>) dst(%dma_wait3A_340 : memref<80x128xf32, #tpu.memory_space<hbm>>)
      tpu.yield
    }) : () -> ()
    %add3A_280 = arith.constant 160 : i32
    %add3A_281 = arith.addi %mul3A_6, %add3A_280 : i32
    %run_scoped3A_282 = arith.constant 0 : i32
    "tpu.region"() ({
      %run_scoped3A_316 = tpu.sem_alloc : memref<!tpu.dma_semaphore, #tpu.memory_space<semaphore_mem>>
      %dma_start3A_317 = arith.constant 0 : i32
      %dma_start3A_318 = arith.constant 0 : i32
      %dma_start3A_319 = tpu.memref_slice %arg12[%run_scoped3A_282, %dma_start3A_317, %dma_start3A_318] : memref<2x80x128xf32, #tpu.memory_space<vmem>> -> memref<1x80x128xf32, #tpu.memory_space<vmem>>
      %dma_start3A_320 = tpu.memref_squeeze %dma_start3A_319 : memref<1x80x128xf32, #tpu.memory_space<vmem>> -> memref<80x128xf32, #tpu.memory_space<vmem>>
      %dma_start3A_321 = arith.constant 0 : i32
      %dma_start3A_322 = tpu.memref_slice %arg14[%add3A_281, %dma_start3A_321] : memref<10240x128xf32, #tpu.memory_space<vmem_shared>> -> memref<80x128xf32, #tpu.memory_space<vmem_shared>>
      %dma_start3A_323 = arith.constant 0 : i32
      %dma_start3A_324 = arith.constant 0 : i32
      %dma_start3A_325 = tpu.memref_slice %arg12[%run_scoped3A_282, %dma_start3A_323, %dma_start3A_324] : memref<2x80x128xf32, #tpu.memory_space<vmem>> -> memref<1x80x128xf32, #tpu.memory_space<vmem>>
      %dma_start3A_326 = tpu.memref_squeeze %dma_start3A_325 : memref<1x80x128xf32, #tpu.memory_space<vmem>> -> memref<80x128xf32, #tpu.memory_space<vmem>>
      %dma_start3A_327 = arith.constant 0 : i32
      %dma_start3A_328 = tpu.memref_slice %arg14[%add3A_281, %dma_start3A_327] : memref<10240x128xf32, #tpu.memory_space<vmem_shared>> -> memref<80x128xf32, #tpu.memory_space<vmem_shared>>
      tpu.enqueue_dma source(%dma_start3A_328 : memref<80x128xf32, #tpu.memory_space<vmem_shared>>) target(%dma_start3A_326 : memref<80x128xf32, #tpu.memory_space<vmem>>) target_semaphore(%run_scoped3A_316 : memref<!tpu.dma_semaphore, #tpu.memory_space<semaphore_mem>>)
      %dma_wait3A_329 = arith.constant 0 : i32
      %dma_wait3A_330 = arith.constant 0 : i32
      %dma_wait3A_331 = tpu.memref_slice %arg12[%run_scoped3A_282, %dma_wait3A_329, %dma_wait3A_330] : memref<2x80x128xf32, #tpu.memory_space<vmem>> -> memref<1x80x128xf32, #tpu.memory_space<vmem>>
      %dma_wait3A_332 = tpu.memref_squeeze %dma_wait3A_331 : memref<1x80x128xf32, #tpu.memory_space<vmem>> -> memref<80x128xf32, #tpu.memory_space<vmem>>
      %dma_wait3A_333 = arith.constant 0 : i32
      %dma_wait3A_334 = tpu.memref_slice %arg14[%add3A_281, %dma_wait3A_333] : memref<10240x128xf32, #tpu.memory_space<vmem_shared>> -> memref<80x128xf32, #tpu.memory_space<vmem_shared>>
      %dma_wait3A_335 = arith.constant 0 : i32
      %dma_wait3A_336 = arith.constant 0 : i32
      %dma_wait3A_337 = tpu.memref_slice %arg12[%run_scoped3A_282, %dma_wait3A_335, %dma_wait3A_336] : memref<2x80x128xf32, #tpu.memory_space<vmem>> -> memref<1x80x128xf32, #tpu.memory_space<vmem>>
      %dma_wait3A_338 = tpu.memref_squeeze %dma_wait3A_337 : memref<1x80x128xf32, #tpu.memory_space<vmem>> -> memref<80x128xf32, #tpu.memory_space<vmem>>
      %dma_wait3A_339 = arith.constant 0 : i32
      %dma_wait3A_340 = tpu.memref_slice %arg14[%add3A_281, %dma_wait3A_339] : memref<10240x128xf32, #tpu.memory_space<vmem_shared>> -> memref<80x128xf32, #tpu.memory_space<vmem_shared>>
      tpu.wait_dma2 semaphore(%run_scoped3A_316 : memref<!tpu.dma_semaphore, #tpu.memory_space<semaphore_mem>>) src(%dma_wait3A_340 : memref<80x128xf32, #tpu.memory_space<vmem_shared>>) dst(%dma_wait3A_338 : memref<80x128xf32, #tpu.memory_space<vmem>>)
      tpu.yield
    }) : () -> ()
    %add3A_283 = arith.constant 160 : i32
    %add3A_284 = arith.addi %mul3A_6, %add3A_283 : i32
    %run_scoped3A_285 = arith.constant 0 : i32
    "tpu.region"() ({
      %run_scoped3A_316 = tpu.sem_alloc : memref<!tpu.dma_semaphore, #tpu.memory_space<semaphore_mem>>
      %dma_start3A_317 = arith.constant 0 : i32
      %dma_start3A_318 = arith.constant 0 : i32
      %dma_start3A_319 = tpu.memref_slice %arg12[%run_scoped3A_285, %dma_start3A_317, %dma_start3A_318] : memref<2x80x128xf32, #tpu.memory_space<vmem>> -> memref<1x80x128xf32, #tpu.memory_space<vmem>>
      %dma_start3A_320 = tpu.memref_squeeze %dma_start3A_319 : memref<1x80x128xf32, #tpu.memory_space<vmem>> -> memref<80x128xf32, #tpu.memory_space<vmem>>
      %dma_start3A_321 = arith.constant 0 : i32
      %dma_start3A_322 = tpu.memref_slice %arg7[%arg0, %add3A_284, %dma_start3A_321] : memref<2x10240x128xf32, #tpu.memory_space<hbm>> -> memref<1x80x128xf32, #tpu.memory_space<hbm>>
      %dma_start3A_323 = tpu.memref_squeeze %dma_start3A_322 : memref<1x80x128xf32, #tpu.memory_space<hbm>> -> memref<80x128xf32, #tpu.memory_space<hbm>>
      %dma_start3A_324 = arith.constant 0 : i32
      %dma_start3A_325 = tpu.memref_slice %arg7[%arg0, %add3A_284, %dma_start3A_324] : memref<2x10240x128xf32, #tpu.memory_space<hbm>> -> memref<1x80x128xf32, #tpu.memory_space<hbm>>
      %dma_start3A_326 = tpu.memref_squeeze %dma_start3A_325 : memref<1x80x128xf32, #tpu.memory_space<hbm>> -> memref<80x128xf32, #tpu.memory_space<hbm>>
      %dma_start3A_327 = arith.constant 0 : i32
      %dma_start3A_328 = arith.constant 0 : i32
      %dma_start3A_329 = tpu.memref_slice %arg12[%run_scoped3A_285, %dma_start3A_327, %dma_start3A_328] : memref<2x80x128xf32, #tpu.memory_space<vmem>> -> memref<1x80x128xf32, #tpu.memory_space<vmem>>
      %dma_start3A_330 = tpu.memref_squeeze %dma_start3A_329 : memref<1x80x128xf32, #tpu.memory_space<vmem>> -> memref<80x128xf32, #tpu.memory_space<vmem>>
      tpu.enqueue_dma source(%dma_start3A_330 : memref<80x128xf32, #tpu.memory_space<vmem>>) target(%dma_start3A_326 : memref<80x128xf32, #tpu.memory_space<hbm>>) target_semaphore(%run_scoped3A_316 : memref<!tpu.dma_semaphore, #tpu.memory_space<semaphore_mem>>)
      %dma_wait3A_331 = arith.constant 0 : i32
      %dma_wait3A_332 = arith.constant 0 : i32
      %dma_wait3A_333 = tpu.memref_slice %arg12[%run_scoped3A_285, %dma_wait3A_331, %dma_wait3A_332] : memref<2x80x128xf32, #tpu.memory_space<vmem>> -> memref<1x80x128xf32, #tpu.memory_space<vmem>>
      %dma_wait3A_334 = tpu.memref_squeeze %dma_wait3A_333 : memref<1x80x128xf32, #tpu.memory_space<vmem>> -> memref<80x128xf32, #tpu.memory_space<vmem>>
      %dma_wait3A_335 = arith.constant 0 : i32
      %dma_wait3A_336 = tpu.memref_slice %arg7[%arg0, %add3A_284, %dma_wait3A_335] : memref<2x10240x128xf32, #tpu.memory_space<hbm>> -> memref<1x80x128xf32, #tpu.memory_space<hbm>>
      %dma_wait3A_337 = tpu.memref_squeeze %dma_wait3A_336 : memref<1x80x128xf32, #tpu.memory_space<hbm>> -> memref<80x128xf32, #tpu.memory_space<hbm>>
      %dma_wait3A_338 = arith.constant 0 : i32
      %dma_wait3A_339 = tpu.memref_slice %arg7[%arg0, %add3A_284, %dma_wait3A_338] : memref<2x10240x128xf32, #tpu.memory_space<hbm>> -> memref<1x80x128xf32, #tpu.memory_space<hbm>>
      %dma_wait3A_340 = tpu.memref_squeeze %dma_wait3A_339 : memref<1x80x128xf32, #tpu.memory_space<hbm>> -> memref<80x128xf32, #tpu.memory_space<hbm>>
      %dma_wait3A_341 = arith.constant 0 : i32
      %dma_wait3A_342 = arith.constant 0 : i32
      %dma_wait3A_343 = tpu.memref_slice %arg12[%run_scoped3A_285, %dma_wait3A_341, %dma_wait3A_342] : memref<2x80x128xf32, #tpu.memory_space<vmem>> -> memref<1x80x128xf32, #tpu.memory_space<vmem>>
      %dma_wait3A_344 = tpu.memref_squeeze %dma_wait3A_343 : memref<1x80x128xf32, #tpu.memory_space<vmem>> -> memref<80x128xf32, #tpu.memory_space<vmem>>
      tpu.wait_dma2 semaphore(%run_scoped3A_316 : memref<!tpu.dma_semaphore, #tpu.memory_space<semaphore_mem>>) src(%dma_wait3A_344 : memref<80x128xf32, #tpu.memory_space<vmem>>) dst(%dma_wait3A_340 : memref<80x128xf32, #tpu.memory_space<hbm>>)
      tpu.yield
    }) : () -> ()
    %add3A_286 = arith.constant 240 : i32
    %add3A_287 = arith.addi %mul3A_6, %add3A_286 : i32
    %run_scoped3A_288 = arith.constant 0 : i32
    "tpu.region"() ({
      %run_scoped3A_316 = tpu.sem_alloc : memref<!tpu.dma_semaphore, #tpu.memory_space<semaphore_mem>>
      %dma_start3A_317 = arith.constant 0 : i32
      %dma_start3A_318 = arith.constant 0 : i32
      %dma_start3A_319 = tpu.memref_slice %arg12[%run_scoped3A_288, %dma_start3A_317, %dma_start3A_318] : memref<2x80x128xf32, #tpu.memory_space<vmem>> -> memref<1x80x128xf32, #tpu.memory_space<vmem>>
      %dma_start3A_320 = tpu.memref_squeeze %dma_start3A_319 : memref<1x80x128xf32, #tpu.memory_space<vmem>> -> memref<80x128xf32, #tpu.memory_space<vmem>>
      %dma_start3A_321 = arith.constant 0 : i32
      %dma_start3A_322 = tpu.memref_slice %arg14[%add3A_287, %dma_start3A_321] : memref<10240x128xf32, #tpu.memory_space<vmem_shared>> -> memref<80x128xf32, #tpu.memory_space<vmem_shared>>
      %dma_start3A_323 = arith.constant 0 : i32
      %dma_start3A_324 = arith.constant 0 : i32
      %dma_start3A_325 = tpu.memref_slice %arg12[%run_scoped3A_288, %dma_start3A_323, %dma_start3A_324] : memref<2x80x128xf32, #tpu.memory_space<vmem>> -> memref<1x80x128xf32, #tpu.memory_space<vmem>>
      %dma_start3A_326 = tpu.memref_squeeze %dma_start3A_325 : memref<1x80x128xf32, #tpu.memory_space<vmem>> -> memref<80x128xf32, #tpu.memory_space<vmem>>
      %dma_start3A_327 = arith.constant 0 : i32
      %dma_start3A_328 = tpu.memref_slice %arg14[%add3A_287, %dma_start3A_327] : memref<10240x128xf32, #tpu.memory_space<vmem_shared>> -> memref<80x128xf32, #tpu.memory_space<vmem_shared>>
      tpu.enqueue_dma source(%dma_start3A_328 : memref<80x128xf32, #tpu.memory_space<vmem_shared>>) target(%dma_start3A_326 : memref<80x128xf32, #tpu.memory_space<vmem>>) target_semaphore(%run_scoped3A_316 : memref<!tpu.dma_semaphore, #tpu.memory_space<semaphore_mem>>)
      %dma_wait3A_329 = arith.constant 0 : i32
      %dma_wait3A_330 = arith.constant 0 : i32
      %dma_wait3A_331 = tpu.memref_slice %arg12[%run_scoped3A_288, %dma_wait3A_329, %dma_wait3A_330] : memref<2x80x128xf32, #tpu.memory_space<vmem>> -> memref<1x80x128xf32, #tpu.memory_space<vmem>>
      %dma_wait3A_332 = tpu.memref_squeeze %dma_wait3A_331 : memref<1x80x128xf32, #tpu.memory_space<vmem>> -> memref<80x128xf32, #tpu.memory_space<vmem>>
      %dma_wait3A_333 = arith.constant 0 : i32
      %dma_wait3A_334 = tpu.memref_slice %arg14[%add3A_287, %dma_wait3A_333] : memref<10240x128xf32, #tpu.memory_space<vmem_shared>> -> memref<80x128xf32, #tpu.memory_space<vmem_shared>>
      %dma_wait3A_335 = arith.constant 0 : i32
      %dma_wait3A_336 = arith.constant 0 : i32
      %dma_wait3A_337 = tpu.memref_slice %arg12[%run_scoped3A_288, %dma_wait3A_335, %dma_wait3A_336] : memref<2x80x128xf32, #tpu.memory_space<vmem>> -> memref<1x80x128xf32, #tpu.memory_space<vmem>>
      %dma_wait3A_338 = tpu.memref_squeeze %dma_wait3A_337 : memref<1x80x128xf32, #tpu.memory_space<vmem>> -> memref<80x128xf32, #tpu.memory_space<vmem>>
      %dma_wait3A_339 = arith.constant 0 : i32
      %dma_wait3A_340 = tpu.memref_slice %arg14[%add3A_287, %dma_wait3A_339] : memref<10240x128xf32, #tpu.memory_space<vmem_shared>> -> memref<80x128xf32, #tpu.memory_space<vmem_shared>>
      tpu.wait_dma2 semaphore(%run_scoped3A_316 : memref<!tpu.dma_semaphore, #tpu.memory_space<semaphore_mem>>) src(%dma_wait3A_340 : memref<80x128xf32, #tpu.memory_space<vmem_shared>>) dst(%dma_wait3A_338 : memref<80x128xf32, #tpu.memory_space<vmem>>)
      tpu.yield
    }) : () -> ()
    %add3A_289 = arith.constant 240 : i32
    %add3A_290 = arith.addi %mul3A_6, %add3A_289 : i32
    %run_scoped3A_291 = arith.constant 0 : i32
    "tpu.region"() ({
      %run_scoped3A_316 = tpu.sem_alloc : memref<!tpu.dma_semaphore, #tpu.memory_space<semaphore_mem>>
      %dma_start3A_317 = arith.constant 0 : i32
      %dma_start3A_318 = arith.constant 0 : i32
      %dma_start3A_319 = tpu.memref_slice %arg12[%run_scoped3A_291, %dma_start3A_317, %dma_start3A_318] : memref<2x80x128xf32, #tpu.memory_space<vmem>> -> memref<1x80x128xf32, #tpu.memory_space<vmem>>
      %dma_start3A_320 = tpu.memref_squeeze %dma_start3A_319 : memref<1x80x128xf32, #tpu.memory_space<vmem>> -> memref<80x128xf32, #tpu.memory_space<vmem>>
      %dma_start3A_321 = arith.constant 0 : i32
      %dma_start3A_322 = tpu.memref_slice %arg7[%arg0, %add3A_290, %dma_start3A_321] : memref<2x10240x128xf32, #tpu.memory_space<hbm>> -> memref<1x80x128xf32, #tpu.memory_space<hbm>>
      %dma_start3A_323 = tpu.memref_squeeze %dma_start3A_322 : memref<1x80x128xf32, #tpu.memory_space<hbm>> -> memref<80x128xf32, #tpu.memory_space<hbm>>
      %dma_start3A_324 = arith.constant 0 : i32
      %dma_start3A_325 = tpu.memref_slice %arg7[%arg0, %add3A_290, %dma_start3A_324] : memref<2x10240x128xf32, #tpu.memory_space<hbm>> -> memref<1x80x128xf32, #tpu.memory_space<hbm>>
      %dma_start3A_326 = tpu.memref_squeeze %dma_start3A_325 : memref<1x80x128xf32, #tpu.memory_space<hbm>> -> memref<80x128xf32, #tpu.memory_space<hbm>>
      %dma_start3A_327 = arith.constant 0 : i32
      %dma_start3A_328 = arith.constant 0 : i32
      %dma_start3A_329 = tpu.memref_slice %arg12[%run_scoped3A_291, %dma_start3A_327, %dma_start3A_328] : memref<2x80x128xf32, #tpu.memory_space<vmem>> -> memref<1x80x128xf32, #tpu.memory_space<vmem>>
      %dma_start3A_330 = tpu.memref_squeeze %dma_start3A_329 : memref<1x80x128xf32, #tpu.memory_space<vmem>> -> memref<80x128xf32, #tpu.memory_space<vmem>>
      tpu.enqueue_dma source(%dma_start3A_330 : memref<80x128xf32, #tpu.memory_space<vmem>>) target(%dma_start3A_326 : memref<80x128xf32, #tpu.memory_space<hbm>>) target_semaphore(%run_scoped3A_316 : memref<!tpu.dma_semaphore, #tpu.memory_space<semaphore_mem>>)
      %dma_wait3A_331 = arith.constant 0 : i32
      %dma_wait3A_332 = arith.constant 0 : i32
      %dma_wait3A_333 = tpu.memref_slice %arg12[%run_scoped3A_291, %dma_wait3A_331, %dma_wait3A_332] : memref<2x80x128xf32, #tpu.memory_space<vmem>> -> memref<1x80x128xf32, #tpu.memory_space<vmem>>
      %dma_wait3A_334 = tpu.memref_squeeze %dma_wait3A_333 : memref<1x80x128xf32, #tpu.memory_space<vmem>> -> memref<80x128xf32, #tpu.memory_space<vmem>>
      %dma_wait3A_335 = arith.constant 0 : i32
      %dma_wait3A_336 = tpu.memref_slice %arg7[%arg0, %add3A_290, %dma_wait3A_335] : memref<2x10240x128xf32, #tpu.memory_space<hbm>> -> memref<1x80x128xf32, #tpu.memory_space<hbm>>
      %dma_wait3A_337 = tpu.memref_squeeze %dma_wait3A_336 : memref<1x80x128xf32, #tpu.memory_space<hbm>> -> memref<80x128xf32, #tpu.memory_space<hbm>>
      %dma_wait3A_338 = arith.constant 0 : i32
      %dma_wait3A_339 = tpu.memref_slice %arg7[%arg0, %add3A_290, %dma_wait3A_338] : memref<2x10240x128xf32, #tpu.memory_space<hbm>> -> memref<1x80x128xf32, #tpu.memory_space<hbm>>
      %dma_wait3A_340 = tpu.memref_squeeze %dma_wait3A_339 : memref<1x80x128xf32, #tpu.memory_space<hbm>> -> memref<80x128xf32, #tpu.memory_space<hbm>>
      %dma_wait3A_341 = arith.constant 0 : i32
      %dma_wait3A_342 = arith.constant 0 : i32
      %dma_wait3A_343 = tpu.memref_slice %arg12[%run_scoped3A_291, %dma_wait3A_341, %dma_wait3A_342] : memref<2x80x128xf32, #tpu.memory_space<vmem>> -> memref<1x80x128xf32, #tpu.memory_space<vmem>>
      %dma_wait3A_344 = tpu.memref_squeeze %dma_wait3A_343 : memref<1x80x128xf32, #tpu.memory_space<vmem>> -> memref<80x128xf32, #tpu.memory_space<vmem>>
      tpu.wait_dma2 semaphore(%run_scoped3A_316 : memref<!tpu.dma_semaphore, #tpu.memory_space<semaphore_mem>>) src(%dma_wait3A_344 : memref<80x128xf32, #tpu.memory_space<vmem>>) dst(%dma_wait3A_340 : memref<80x128xf32, #tpu.memory_space<hbm>>)
      tpu.yield
    }) : () -> ()
    %add3A_292 = arith.constant 320 : i32
    %add3A_293 = arith.addi %mul3A_6, %add3A_292 : i32
    %run_scoped3A_294 = arith.constant 0 : i32
    "tpu.region"() ({
      %run_scoped3A_316 = tpu.sem_alloc : memref<!tpu.dma_semaphore, #tpu.memory_space<semaphore_mem>>
      %dma_start3A_317 = arith.constant 0 : i32
      %dma_start3A_318 = arith.constant 0 : i32
      %dma_start3A_319 = tpu.memref_slice %arg12[%run_scoped3A_294, %dma_start3A_317, %dma_start3A_318] : memref<2x80x128xf32, #tpu.memory_space<vmem>> -> memref<1x80x128xf32, #tpu.memory_space<vmem>>
      %dma_start3A_320 = tpu.memref_squeeze %dma_start3A_319 : memref<1x80x128xf32, #tpu.memory_space<vmem>> -> memref<80x128xf32, #tpu.memory_space<vmem>>
      %dma_start3A_321 = arith.constant 0 : i32
      %dma_start3A_322 = tpu.memref_slice %arg14[%add3A_293, %dma_start3A_321] : memref<10240x128xf32, #tpu.memory_space<vmem_shared>> -> memref<80x128xf32, #tpu.memory_space<vmem_shared>>
      %dma_start3A_323 = arith.constant 0 : i32
      %dma_start3A_324 = arith.constant 0 : i32
      %dma_start3A_325 = tpu.memref_slice %arg12[%run_scoped3A_294, %dma_start3A_323, %dma_start3A_324] : memref<2x80x128xf32, #tpu.memory_space<vmem>> -> memref<1x80x128xf32, #tpu.memory_space<vmem>>
      %dma_start3A_326 = tpu.memref_squeeze %dma_start3A_325 : memref<1x80x128xf32, #tpu.memory_space<vmem>> -> memref<80x128xf32, #tpu.memory_space<vmem>>
      %dma_start3A_327 = arith.constant 0 : i32
      %dma_start3A_328 = tpu.memref_slice %arg14[%add3A_293, %dma_start3A_327] : memref<10240x128xf32, #tpu.memory_space<vmem_shared>> -> memref<80x128xf32, #tpu.memory_space<vmem_shared>>
      tpu.enqueue_dma source(%dma_start3A_328 : memref<80x128xf32, #tpu.memory_space<vmem_shared>>) target(%dma_start3A_326 : memref<80x128xf32, #tpu.memory_space<vmem>>) target_semaphore(%run_scoped3A_316 : memref<!tpu.dma_semaphore, #tpu.memory_space<semaphore_mem>>)
      %dma_wait3A_329 = arith.constant 0 : i32
      %dma_wait3A_330 = arith.constant 0 : i32
      %dma_wait3A_331 = tpu.memref_slice %arg12[%run_scoped3A_294, %dma_wait3A_329, %dma_wait3A_330] : memref<2x80x128xf32, #tpu.memory_space<vmem>> -> memref<1x80x128xf32, #tpu.memory_space<vmem>>
      %dma_wait3A_332 = tpu.memref_squeeze %dma_wait3A_331 : memref<1x80x128xf32, #tpu.memory_space<vmem>> -> memref<80x128xf32, #tpu.memory_space<vmem>>
      %dma_wait3A_333 = arith.constant 0 : i32
      %dma_wait3A_334 = tpu.memref_slice %arg14[%add3A_293, %dma_wait3A_333] : memref<10240x128xf32, #tpu.memory_space<vmem_shared>> -> memref<80x128xf32, #tpu.memory_space<vmem_shared>>
      %dma_wait3A_335 = arith.constant 0 : i32
      %dma_wait3A_336 = arith.constant 0 : i32
      %dma_wait3A_337 = tpu.memref_slice %arg12[%run_scoped3A_294, %dma_wait3A_335, %dma_wait3A_336] : memref<2x80x128xf32, #tpu.memory_space<vmem>> -> memref<1x80x128xf32, #tpu.memory_space<vmem>>
      %dma_wait3A_338 = tpu.memref_squeeze %dma_wait3A_337 : memref<1x80x128xf32, #tpu.memory_space<vmem>> -> memref<80x128xf32, #tpu.memory_space<vmem>>
      %dma_wait3A_339 = arith.constant 0 : i32
      %dma_wait3A_340 = tpu.memref_slice %arg14[%add3A_293, %dma_wait3A_339] : memref<10240x128xf32, #tpu.memory_space<vmem_shared>> -> memref<80x128xf32, #tpu.memory_space<vmem_shared>>
      tpu.wait_dma2 semaphore(%run_scoped3A_316 : memref<!tpu.dma_semaphore, #tpu.memory_space<semaphore_mem>>) src(%dma_wait3A_340 : memref<80x128xf32, #tpu.memory_space<vmem_shared>>) dst(%dma_wait3A_338 : memref<80x128xf32, #tpu.memory_space<vmem>>)
      tpu.yield
    }) : () -> ()
    %add3A_295 = arith.constant 320 : i32
    %add3A_296 = arith.addi %mul3A_6, %add3A_295 : i32
    %run_scoped3A_297 = arith.constant 0 : i32
    "tpu.region"() ({
      %run_scoped3A_316 = tpu.sem_alloc : memref<!tpu.dma_semaphore, #tpu.memory_space<semaphore_mem>>
      %dma_start3A_317 = arith.constant 0 : i32
      %dma_start3A_318 = arith.constant 0 : i32
      %dma_start3A_319 = tpu.memref_slice %arg12[%run_scoped3A_297, %dma_start3A_317, %dma_start3A_318] : memref<2x80x128xf32, #tpu.memory_space<vmem>> -> memref<1x80x128xf32, #tpu.memory_space<vmem>>
      %dma_start3A_320 = tpu.memref_squeeze %dma_start3A_319 : memref<1x80x128xf32, #tpu.memory_space<vmem>> -> memref<80x128xf32, #tpu.memory_space<vmem>>
      %dma_start3A_321 = arith.constant 0 : i32
      %dma_start3A_322 = tpu.memref_slice %arg7[%arg0, %add3A_296, %dma_start3A_321] : memref<2x10240x128xf32, #tpu.memory_space<hbm>> -> memref<1x80x128xf32, #tpu.memory_space<hbm>>
      %dma_start3A_323 = tpu.memref_squeeze %dma_start3A_322 : memref<1x80x128xf32, #tpu.memory_space<hbm>> -> memref<80x128xf32, #tpu.memory_space<hbm>>
      %dma_start3A_324 = arith.constant 0 : i32
      %dma_start3A_325 = tpu.memref_slice %arg7[%arg0, %add3A_296, %dma_start3A_324] : memref<2x10240x128xf32, #tpu.memory_space<hbm>> -> memref<1x80x128xf32, #tpu.memory_space<hbm>>
      %dma_start3A_326 = tpu.memref_squeeze %dma_start3A_325 : memref<1x80x128xf32, #tpu.memory_space<hbm>> -> memref<80x128xf32, #tpu.memory_space<hbm>>
      %dma_start3A_327 = arith.constant 0 : i32
      %dma_start3A_328 = arith.constant 0 : i32
      %dma_start3A_329 = tpu.memref_slice %arg12[%run_scoped3A_297, %dma_start3A_327, %dma_start3A_328] : memref<2x80x128xf32, #tpu.memory_space<vmem>> -> memref<1x80x128xf32, #tpu.memory_space<vmem>>
      %dma_start3A_330 = tpu.memref_squeeze %dma_start3A_329 : memref<1x80x128xf32, #tpu.memory_space<vmem>> -> memref<80x128xf32, #tpu.memory_space<vmem>>
      tpu.enqueue_dma source(%dma_start3A_330 : memref<80x128xf32, #tpu.memory_space<vmem>>) target(%dma_start3A_326 : memref<80x128xf32, #tpu.memory_space<hbm>>) target_semaphore(%run_scoped3A_316 : memref<!tpu.dma_semaphore, #tpu.memory_space<semaphore_mem>>)
      %dma_wait3A_331 = arith.constant 0 : i32
      %dma_wait3A_332 = arith.constant 0 : i32
      %dma_wait3A_333 = tpu.memref_slice %arg12[%run_scoped3A_297, %dma_wait3A_331, %dma_wait3A_332] : memref<2x80x128xf32, #tpu.memory_space<vmem>> -> memref<1x80x128xf32, #tpu.memory_space<vmem>>
      %dma_wait3A_334 = tpu.memref_squeeze %dma_wait3A_333 : memref<1x80x128xf32, #tpu.memory_space<vmem>> -> memref<80x128xf32, #tpu.memory_space<vmem>>
      %dma_wait3A_335 = arith.constant 0 : i32
      %dma_wait3A_336 = tpu.memref_slice %arg7[%arg0, %add3A_296, %dma_wait3A_335] : memref<2x10240x128xf32, #tpu.memory_space<hbm>> -> memref<1x80x128xf32, #tpu.memory_space<hbm>>
      %dma_wait3A_337 = tpu.memref_squeeze %dma_wait3A_336 : memref<1x80x128xf32, #tpu.memory_space<hbm>> -> memref<80x128xf32, #tpu.memory_space<hbm>>
      %dma_wait3A_338 = arith.constant 0 : i32
      %dma_wait3A_339 = tpu.memref_slice %arg7[%arg0, %add3A_296, %dma_wait3A_338] : memref<2x10240x128xf32, #tpu.memory_space<hbm>> -> memref<1x80x128xf32, #tpu.memory_space<hbm>>
      %dma_wait3A_340 = tpu.memref_squeeze %dma_wait3A_339 : memref<1x80x128xf32, #tpu.memory_space<hbm>> -> memref<80x128xf32, #tpu.memory_space<hbm>>
      %dma_wait3A_341 = arith.constant 0 : i32
      %dma_wait3A_342 = arith.constant 0 : i32
      %dma_wait3A_343 = tpu.memref_slice %arg12[%run_scoped3A_297, %dma_wait3A_341, %dma_wait3A_342] : memref<2x80x128xf32, #tpu.memory_space<vmem>> -> memref<1x80x128xf32, #tpu.memory_space<vmem>>
      %dma_wait3A_344 = tpu.memref_squeeze %dma_wait3A_343 : memref<1x80x128xf32, #tpu.memory_space<vmem>> -> memref<80x128xf32, #tpu.memory_space<vmem>>
      tpu.wait_dma2 semaphore(%run_scoped3A_316 : memref<!tpu.dma_semaphore, #tpu.memory_space<semaphore_mem>>) src(%dma_wait3A_344 : memref<80x128xf32, #tpu.memory_space<vmem>>) dst(%dma_wait3A_340 : memref<80x128xf32, #tpu.memory_space<hbm>>)
      tpu.yield
    }) : () -> ()
    %add3A_298 = arith.constant 400 : i32
    %add3A_299 = arith.addi %mul3A_6, %add3A_298 : i32
    %run_scoped3A_300 = arith.constant 0 : i32
    "tpu.region"() ({
      %run_scoped3A_316 = tpu.sem_alloc : memref<!tpu.dma_semaphore, #tpu.memory_space<semaphore_mem>>
      %dma_start3A_317 = arith.constant 0 : i32
      %dma_start3A_318 = arith.constant 0 : i32
      %dma_start3A_319 = tpu.memref_slice %arg12[%run_scoped3A_300, %dma_start3A_317, %dma_start3A_318] : memref<2x80x128xf32, #tpu.memory_space<vmem>> -> memref<1x80x128xf32, #tpu.memory_space<vmem>>
      %dma_start3A_320 = tpu.memref_squeeze %dma_start3A_319 : memref<1x80x128xf32, #tpu.memory_space<vmem>> -> memref<80x128xf32, #tpu.memory_space<vmem>>
      %dma_start3A_321 = arith.constant 0 : i32
      %dma_start3A_322 = tpu.memref_slice %arg14[%add3A_299, %dma_start3A_321] : memref<10240x128xf32, #tpu.memory_space<vmem_shared>> -> memref<80x128xf32, #tpu.memory_space<vmem_shared>>
      %dma_start3A_323 = arith.constant 0 : i32
      %dma_start3A_324 = arith.constant 0 : i32
      %dma_start3A_325 = tpu.memref_slice %arg12[%run_scoped3A_300, %dma_start3A_323, %dma_start3A_324] : memref<2x80x128xf32, #tpu.memory_space<vmem>> -> memref<1x80x128xf32, #tpu.memory_space<vmem>>
      %dma_start3A_326 = tpu.memref_squeeze %dma_start3A_325 : memref<1x80x128xf32, #tpu.memory_space<vmem>> -> memref<80x128xf32, #tpu.memory_space<vmem>>
      %dma_start3A_327 = arith.constant 0 : i32
      %dma_start3A_328 = tpu.memref_slice %arg14[%add3A_299, %dma_start3A_327] : memref<10240x128xf32, #tpu.memory_space<vmem_shared>> -> memref<80x128xf32, #tpu.memory_space<vmem_shared>>
      tpu.enqueue_dma source(%dma_start3A_328 : memref<80x128xf32, #tpu.memory_space<vmem_shared>>) target(%dma_start3A_326 : memref<80x128xf32, #tpu.memory_space<vmem>>) target_semaphore(%run_scoped3A_316 : memref<!tpu.dma_semaphore, #tpu.memory_space<semaphore_mem>>)
      %dma_wait3A_329 = arith.constant 0 : i32
      %dma_wait3A_330 = arith.constant 0 : i32
      %dma_wait3A_331 = tpu.memref_slice %arg12[%run_scoped3A_300, %dma_wait3A_329, %dma_wait3A_330] : memref<2x80x128xf32, #tpu.memory_space<vmem>> -> memref<1x80x128xf32, #tpu.memory_space<vmem>>
      %dma_wait3A_332 = tpu.memref_squeeze %dma_wait3A_331 : memref<1x80x128xf32, #tpu.memory_space<vmem>> -> memref<80x128xf32, #tpu.memory_space<vmem>>
      %dma_wait3A_333 = arith.constant 0 : i32
      %dma_wait3A_334 = tpu.memref_slice %arg14[%add3A_299, %dma_wait3A_333] : memref<10240x128xf32, #tpu.memory_space<vmem_shared>> -> memref<80x128xf32, #tpu.memory_space<vmem_shared>>
      %dma_wait3A_335 = arith.constant 0 : i32
      %dma_wait3A_336 = arith.constant 0 : i32
      %dma_wait3A_337 = tpu.memref_slice %arg12[%run_scoped3A_300, %dma_wait3A_335, %dma_wait3A_336] : memref<2x80x128xf32, #tpu.memory_space<vmem>> -> memref<1x80x128xf32, #tpu.memory_space<vmem>>
      %dma_wait3A_338 = tpu.memref_squeeze %dma_wait3A_337 : memref<1x80x128xf32, #tpu.memory_space<vmem>> -> memref<80x128xf32, #tpu.memory_space<vmem>>
      %dma_wait3A_339 = arith.constant 0 : i32
      %dma_wait3A_340 = tpu.memref_slice %arg14[%add3A_299, %dma_wait3A_339] : memref<10240x128xf32, #tpu.memory_space<vmem_shared>> -> memref<80x128xf32, #tpu.memory_space<vmem_shared>>
      tpu.wait_dma2 semaphore(%run_scoped3A_316 : memref<!tpu.dma_semaphore, #tpu.memory_space<semaphore_mem>>) src(%dma_wait3A_340 : memref<80x128xf32, #tpu.memory_space<vmem_shared>>) dst(%dma_wait3A_338 : memref<80x128xf32, #tpu.memory_space<vmem>>)
      tpu.yield
    }) : () -> ()
    %add3A_301 = arith.constant 400 : i32
    %add3A_302 = arith.addi %mul3A_6, %add3A_301 : i32
    %run_scoped3A_303 = arith.constant 0 : i32
    "tpu.region"() ({
      %run_scoped3A_316 = tpu.sem_alloc : memref<!tpu.dma_semaphore, #tpu.memory_space<semaphore_mem>>
      %dma_start3A_317 = arith.constant 0 : i32
      %dma_start3A_318 = arith.constant 0 : i32
      %dma_start3A_319 = tpu.memref_slice %arg12[%run_scoped3A_303, %dma_start3A_317, %dma_start3A_318] : memref<2x80x128xf32, #tpu.memory_space<vmem>> -> memref<1x80x128xf32, #tpu.memory_space<vmem>>
      %dma_start3A_320 = tpu.memref_squeeze %dma_start3A_319 : memref<1x80x128xf32, #tpu.memory_space<vmem>> -> memref<80x128xf32, #tpu.memory_space<vmem>>
      %dma_start3A_321 = arith.constant 0 : i32
      %dma_start3A_322 = tpu.memref_slice %arg7[%arg0, %add3A_302, %dma_start3A_321] : memref<2x10240x128xf32, #tpu.memory_space<hbm>> -> memref<1x80x128xf32, #tpu.memory_space<hbm>>
      %dma_start3A_323 = tpu.memref_squeeze %dma_start3A_322 : memref<1x80x128xf32, #tpu.memory_space<hbm>> -> memref<80x128xf32, #tpu.memory_space<hbm>>
      %dma_start3A_324 = arith.constant 0 : i32
      %dma_start3A_325 = tpu.memref_slice %arg7[%arg0, %add3A_302, %dma_start3A_324] : memref<2x10240x128xf32, #tpu.memory_space<hbm>> -> memref<1x80x128xf32, #tpu.memory_space<hbm>>
      %dma_start3A_326 = tpu.memref_squeeze %dma_start3A_325 : memref<1x80x128xf32, #tpu.memory_space<hbm>> -> memref<80x128xf32, #tpu.memory_space<hbm>>
      %dma_start3A_327 = arith.constant 0 : i32
      %dma_start3A_328 = arith.constant 0 : i32
      %dma_start3A_329 = tpu.memref_slice %arg12[%run_scoped3A_303, %dma_start3A_327, %dma_start3A_328] : memref<2x80x128xf32, #tpu.memory_space<vmem>> -> memref<1x80x128xf32, #tpu.memory_space<vmem>>
      %dma_start3A_330 = tpu.memref_squeeze %dma_start3A_329 : memref<1x80x128xf32, #tpu.memory_space<vmem>> -> memref<80x128xf32, #tpu.memory_space<vmem>>
      tpu.enqueue_dma source(%dma_start3A_330 : memref<80x128xf32, #tpu.memory_space<vmem>>) target(%dma_start3A_326 : memref<80x128xf32, #tpu.memory_space<hbm>>) target_semaphore(%run_scoped3A_316 : memref<!tpu.dma_semaphore, #tpu.memory_space<semaphore_mem>>)
      %dma_wait3A_331 = arith.constant 0 : i32
      %dma_wait3A_332 = arith.constant 0 : i32
      %dma_wait3A_333 = tpu.memref_slice %arg12[%run_scoped3A_303, %dma_wait3A_331, %dma_wait3A_332] : memref<2x80x128xf32, #tpu.memory_space<vmem>> -> memref<1x80x128xf32, #tpu.memory_space<vmem>>
      %dma_wait3A_334 = tpu.memref_squeeze %dma_wait3A_333 : memref<1x80x128xf32, #tpu.memory_space<vmem>> -> memref<80x128xf32, #tpu.memory_space<vmem>>
      %dma_wait3A_335 = arith.constant 0 : i32
      %dma_wait3A_336 = tpu.memref_slice %arg7[%arg0, %add3A_302, %dma_wait3A_335] : memref<2x10240x128xf32, #tpu.memory_space<hbm>> -> memref<1x80x128xf32, #tpu.memory_space<hbm>>
      %dma_wait3A_337 = tpu.memref_squeeze %dma_wait3A_336 : memref<1x80x128xf32, #tpu.memory_space<hbm>> -> memref<80x128xf32, #tpu.memory_space<hbm>>
      %dma_wait3A_338 = arith.constant 0 : i32
      %dma_wait3A_339 = tpu.memref_slice %arg7[%arg0, %add3A_302, %dma_wait3A_338] : memref<2x10240x128xf32, #tpu.memory_space<hbm>> -> memref<1x80x128xf32, #tpu.memory_space<hbm>>
      %dma_wait3A_340 = tpu.memref_squeeze %dma_wait3A_339 : memref<1x80x128xf32, #tpu.memory_space<hbm>> -> memref<80x128xf32, #tpu.memory_space<hbm>>
      %dma_wait3A_341 = arith.constant 0 : i32
      %dma_wait3A_342 = arith.constant 0 : i32
      %dma_wait3A_343 = tpu.memref_slice %arg12[%run_scoped3A_303, %dma_wait3A_341, %dma_wait3A_342] : memref<2x80x128xf32, #tpu.memory_space<vmem>> -> memref<1x80x128xf32, #tpu.memory_space<vmem>>
      %dma_wait3A_344 = tpu.memref_squeeze %dma_wait3A_343 : memref<1x80x128xf32, #tpu.memory_space<vmem>> -> memref<80x128xf32, #tpu.memory_space<vmem>>
      tpu.wait_dma2 semaphore(%run_scoped3A_316 : memref<!tpu.dma_semaphore, #tpu.memory_space<semaphore_mem>>) src(%dma_wait3A_344 : memref<80x128xf32, #tpu.memory_space<vmem>>) dst(%dma_wait3A_340 : memref<80x128xf32, #tpu.memory_space<hbm>>)
      tpu.yield
    }) : () -> ()
    %add3A_304 = arith.constant 480 : i32
    %add3A_305 = arith.addi %mul3A_6, %add3A_304 : i32
    %run_scoped3A_306 = arith.constant 0 : i32
    "tpu.region"() ({
      %run_scoped3A_316 = tpu.sem_alloc : memref<!tpu.dma_semaphore, #tpu.memory_space<semaphore_mem>>
      %dma_start3A_317 = arith.constant 0 : i32
      %dma_start3A_318 = arith.constant 0 : i32
      %dma_start3A_319 = tpu.memref_slice %arg12[%run_scoped3A_306, %dma_start3A_317, %dma_start3A_318] : memref<2x80x128xf32, #tpu.memory_space<vmem>> -> memref<1x80x128xf32, #tpu.memory_space<vmem>>
      %dma_start3A_320 = tpu.memref_squeeze %dma_start3A_319 : memref<1x80x128xf32, #tpu.memory_space<vmem>> -> memref<80x128xf32, #tpu.memory_space<vmem>>
      %dma_start3A_321 = arith.constant 0 : i32
      %dma_start3A_322 = tpu.memref_slice %arg14[%add3A_305, %dma_start3A_321] : memref<10240x128xf32, #tpu.memory_space<vmem_shared>> -> memref<80x128xf32, #tpu.memory_space<vmem_shared>>
      %dma_start3A_323 = arith.constant 0 : i32
      %dma_start3A_324 = arith.constant 0 : i32
      %dma_start3A_325 = tpu.memref_slice %arg12[%run_scoped3A_306, %dma_start3A_323, %dma_start3A_324] : memref<2x80x128xf32, #tpu.memory_space<vmem>> -> memref<1x80x128xf32, #tpu.memory_space<vmem>>
      %dma_start3A_326 = tpu.memref_squeeze %dma_start3A_325 : memref<1x80x128xf32, #tpu.memory_space<vmem>> -> memref<80x128xf32, #tpu.memory_space<vmem>>
      %dma_start3A_327 = arith.constant 0 : i32
      %dma_start3A_328 = tpu.memref_slice %arg14[%add3A_305, %dma_start3A_327] : memref<10240x128xf32, #tpu.memory_space<vmem_shared>> -> memref<80x128xf32, #tpu.memory_space<vmem_shared>>
      tpu.enqueue_dma source(%dma_start3A_328 : memref<80x128xf32, #tpu.memory_space<vmem_shared>>) target(%dma_start3A_326 : memref<80x128xf32, #tpu.memory_space<vmem>>) target_semaphore(%run_scoped3A_316 : memref<!tpu.dma_semaphore, #tpu.memory_space<semaphore_mem>>)
      %dma_wait3A_329 = arith.constant 0 : i32
      %dma_wait3A_330 = arith.constant 0 : i32
      %dma_wait3A_331 = tpu.memref_slice %arg12[%run_scoped3A_306, %dma_wait3A_329, %dma_wait3A_330] : memref<2x80x128xf32, #tpu.memory_space<vmem>> -> memref<1x80x128xf32, #tpu.memory_space<vmem>>
      %dma_wait3A_332 = tpu.memref_squeeze %dma_wait3A_331 : memref<1x80x128xf32, #tpu.memory_space<vmem>> -> memref<80x128xf32, #tpu.memory_space<vmem>>
      %dma_wait3A_333 = arith.constant 0 : i32
      %dma_wait3A_334 = tpu.memref_slice %arg14[%add3A_305, %dma_wait3A_333] : memref<10240x128xf32, #tpu.memory_space<vmem_shared>> -> memref<80x128xf32, #tpu.memory_space<vmem_shared>>
      %dma_wait3A_335 = arith.constant 0 : i32
      %dma_wait3A_336 = arith.constant 0 : i32
      %dma_wait3A_337 = tpu.memref_slice %arg12[%run_scoped3A_306, %dma_wait3A_335, %dma_wait3A_336] : memref<2x80x128xf32, #tpu.memory_space<vmem>> -> memref<1x80x128xf32, #tpu.memory_space<vmem>>
      %dma_wait3A_338 = tpu.memref_squeeze %dma_wait3A_337 : memref<1x80x128xf32, #tpu.memory_space<vmem>> -> memref<80x128xf32, #tpu.memory_space<vmem>>
      %dma_wait3A_339 = arith.constant 0 : i32
      %dma_wait3A_340 = tpu.memref_slice %arg14[%add3A_305, %dma_wait3A_339] : memref<10240x128xf32, #tpu.memory_space<vmem_shared>> -> memref<80x128xf32, #tpu.memory_space<vmem_shared>>
      tpu.wait_dma2 semaphore(%run_scoped3A_316 : memref<!tpu.dma_semaphore, #tpu.memory_space<semaphore_mem>>) src(%dma_wait3A_340 : memref<80x128xf32, #tpu.memory_space<vmem_shared>>) dst(%dma_wait3A_338 : memref<80x128xf32, #tpu.memory_space<vmem>>)
      tpu.yield
    }) : () -> ()
    %add3A_307 = arith.constant 480 : i32
    %add3A_308 = arith.addi %mul3A_6, %add3A_307 : i32
    %run_scoped3A_309 = arith.constant 0 : i32
    "tpu.region"() ({
      %run_scoped3A_316 = tpu.sem_alloc : memref<!tpu.dma_semaphore, #tpu.memory_space<semaphore_mem>>
      %dma_start3A_317 = arith.constant 0 : i32
      %dma_start3A_318 = arith.constant 0 : i32
      %dma_start3A_319 = tpu.memref_slice %arg12[%run_scoped3A_309, %dma_start3A_317, %dma_start3A_318] : memref<2x80x128xf32, #tpu.memory_space<vmem>> -> memref<1x80x128xf32, #tpu.memory_space<vmem>>
      %dma_start3A_320 = tpu.memref_squeeze %dma_start3A_319 : memref<1x80x128xf32, #tpu.memory_space<vmem>> -> memref<80x128xf32, #tpu.memory_space<vmem>>
      %dma_start3A_321 = arith.constant 0 : i32
      %dma_start3A_322 = tpu.memref_slice %arg7[%arg0, %add3A_308, %dma_start3A_321] : memref<2x10240x128xf32, #tpu.memory_space<hbm>> -> memref<1x80x128xf32, #tpu.memory_space<hbm>>
      %dma_start3A_323 = tpu.memref_squeeze %dma_start3A_322 : memref<1x80x128xf32, #tpu.memory_space<hbm>> -> memref<80x128xf32, #tpu.memory_space<hbm>>
      %dma_start3A_324 = arith.constant 0 : i32
      %dma_start3A_325 = tpu.memref_slice %arg7[%arg0, %add3A_308, %dma_start3A_324] : memref<2x10240x128xf32, #tpu.memory_space<hbm>> -> memref<1x80x128xf32, #tpu.memory_space<hbm>>
      %dma_start3A_326 = tpu.memref_squeeze %dma_start3A_325 : memref<1x80x128xf32, #tpu.memory_space<hbm>> -> memref<80x128xf32, #tpu.memory_space<hbm>>
      %dma_start3A_327 = arith.constant 0 : i32
      %dma_start3A_328 = arith.constant 0 : i32
      %dma_start3A_329 = tpu.memref_slice %arg12[%run_scoped3A_309, %dma_start3A_327, %dma_start3A_328] : memref<2x80x128xf32, #tpu.memory_space<vmem>> -> memref<1x80x128xf32, #tpu.memory_space<vmem>>
      %dma_start3A_330 = tpu.memref_squeeze %dma_start3A_329 : memref<1x80x128xf32, #tpu.memory_space<vmem>> -> memref<80x128xf32, #tpu.memory_space<vmem>>
      tpu.enqueue_dma source(%dma_start3A_330 : memref<80x128xf32, #tpu.memory_space<vmem>>) target(%dma_start3A_326 : memref<80x128xf32, #tpu.memory_space<hbm>>) target_semaphore(%run_scoped3A_316 : memref<!tpu.dma_semaphore, #tpu.memory_space<semaphore_mem>>)
      %dma_wait3A_331 = arith.constant 0 : i32
      %dma_wait3A_332 = arith.constant 0 : i32
      %dma_wait3A_333 = tpu.memref_slice %arg12[%run_scoped3A_309, %dma_wait3A_331, %dma_wait3A_332] : memref<2x80x128xf32, #tpu.memory_space<vmem>> -> memref<1x80x128xf32, #tpu.memory_space<vmem>>
      %dma_wait3A_334 = tpu.memref_squeeze %dma_wait3A_333 : memref<1x80x128xf32, #tpu.memory_space<vmem>> -> memref<80x128xf32, #tpu.memory_space<vmem>>
      %dma_wait3A_335 = arith.constant 0 : i32
      %dma_wait3A_336 = tpu.memref_slice %arg7[%arg0, %add3A_308, %dma_wait3A_335] : memref<2x10240x128xf32, #tpu.memory_space<hbm>> -> memref<1x80x128xf32, #tpu.memory_space<hbm>>
      %dma_wait3A_337 = tpu.memref_squeeze %dma_wait3A_336 : memref<1x80x128xf32, #tpu.memory_space<hbm>> -> memref<80x128xf32, #tpu.memory_space<hbm>>
      %dma_wait3A_338 = arith.constant 0 : i32
      %dma_wait3A_339 = tpu.memref_slice %arg7[%arg0, %add3A_308, %dma_wait3A_338] : memref<2x10240x128xf32, #tpu.memory_space<hbm>> -> memref<1x80x128xf32, #tpu.memory_space<hbm>>
      %dma_wait3A_340 = tpu.memref_squeeze %dma_wait3A_339 : memref<1x80x128xf32, #tpu.memory_space<hbm>> -> memref<80x128xf32, #tpu.memory_space<hbm>>
      %dma_wait3A_341 = arith.constant 0 : i32
      %dma_wait3A_342 = arith.constant 0 : i32
      %dma_wait3A_343 = tpu.memref_slice %arg12[%run_scoped3A_309, %dma_wait3A_341, %dma_wait3A_342] : memref<2x80x128xf32, #tpu.memory_space<vmem>> -> memref<1x80x128xf32, #tpu.memory_space<vmem>>
      %dma_wait3A_344 = tpu.memref_squeeze %dma_wait3A_343 : memref<1x80x128xf32, #tpu.memory_space<vmem>> -> memref<80x128xf32, #tpu.memory_space<vmem>>
      tpu.wait_dma2 semaphore(%run_scoped3A_316 : memref<!tpu.dma_semaphore, #tpu.memory_space<semaphore_mem>>) src(%dma_wait3A_344 : memref<80x128xf32, #tpu.memory_space<vmem>>) dst(%dma_wait3A_340 : memref<80x128xf32, #tpu.memory_space<hbm>>)
      tpu.yield
    }) : () -> ()
    %add3A_310 = arith.constant 560 : i32
    %add3A_311 = arith.addi %mul3A_6, %add3A_310 : i32
    %run_scoped3A_312 = arith.constant 0 : i32
    "tpu.region"() ({
      %run_scoped3A_316 = tpu.sem_alloc : memref<!tpu.dma_semaphore, #tpu.memory_space<semaphore_mem>>
      %dma_start3A_317 = arith.constant 0 : i32
      %dma_start3A_318 = arith.constant 0 : i32
      %dma_start3A_319 = tpu.memref_slice %arg12[%run_scoped3A_312, %dma_start3A_317, %dma_start3A_318] : memref<2x80x128xf32, #tpu.memory_space<vmem>> -> memref<1x80x128xf32, #tpu.memory_space<vmem>>
      %dma_start3A_320 = tpu.memref_squeeze %dma_start3A_319 : memref<1x80x128xf32, #tpu.memory_space<vmem>> -> memref<80x128xf32, #tpu.memory_space<vmem>>
      %dma_start3A_321 = arith.constant 0 : i32
      %dma_start3A_322 = tpu.memref_slice %arg14[%add3A_311, %dma_start3A_321] : memref<10240x128xf32, #tpu.memory_space<vmem_shared>> -> memref<80x128xf32, #tpu.memory_space<vmem_shared>>
      %dma_start3A_323 = arith.constant 0 : i32
      %dma_start3A_324 = arith.constant 0 : i32
      %dma_start3A_325 = tpu.memref_slice %arg12[%run_scoped3A_312, %dma_start3A_323, %dma_start3A_324] : memref<2x80x128xf32, #tpu.memory_space<vmem>> -> memref<1x80x128xf32, #tpu.memory_space<vmem>>
      %dma_start3A_326 = tpu.memref_squeeze %dma_start3A_325 : memref<1x80x128xf32, #tpu.memory_space<vmem>> -> memref<80x128xf32, #tpu.memory_space<vmem>>
      %dma_start3A_327 = arith.constant 0 : i32
      %dma_start3A_328 = tpu.memref_slice %arg14[%add3A_311, %dma_start3A_327] : memref<10240x128xf32, #tpu.memory_space<vmem_shared>> -> memref<80x128xf32, #tpu.memory_space<vmem_shared>>
      tpu.enqueue_dma source(%dma_start3A_328 : memref<80x128xf32, #tpu.memory_space<vmem_shared>>) target(%dma_start3A_326 : memref<80x128xf32, #tpu.memory_space<vmem>>) target_semaphore(%run_scoped3A_316 : memref<!tpu.dma_semaphore, #tpu.memory_space<semaphore_mem>>)
      %dma_wait3A_329 = arith.constant 0 : i32
      %dma_wait3A_330 = arith.constant 0 : i32
      %dma_wait3A_331 = tpu.memref_slice %arg12[%run_scoped3A_312, %dma_wait3A_329, %dma_wait3A_330] : memref<2x80x128xf32, #tpu.memory_space<vmem>> -> memref<1x80x128xf32, #tpu.memory_space<vmem>>
      %dma_wait3A_332 = tpu.memref_squeeze %dma_wait3A_331 : memref<1x80x128xf32, #tpu.memory_space<vmem>> -> memref<80x128xf32, #tpu.memory_space<vmem>>
      %dma_wait3A_333 = arith.constant 0 : i32
      %dma_wait3A_334 = tpu.memref_slice %arg14[%add3A_311, %dma_wait3A_333] : memref<10240x128xf32, #tpu.memory_space<vmem_shared>> -> memref<80x128xf32, #tpu.memory_space<vmem_shared>>
      %dma_wait3A_335 = arith.constant 0 : i32
      %dma_wait3A_336 = arith.constant 0 : i32
      %dma_wait3A_337 = tpu.memref_slice %arg12[%run_scoped3A_312, %dma_wait3A_335, %dma_wait3A_336] : memref<2x80x128xf32, #tpu.memory_space<vmem>> -> memref<1x80x128xf32, #tpu.memory_space<vmem>>
      %dma_wait3A_338 = tpu.memref_squeeze %dma_wait3A_337 : memref<1x80x128xf32, #tpu.memory_space<vmem>> -> memref<80x128xf32, #tpu.memory_space<vmem>>
      %dma_wait3A_339 = arith.constant 0 : i32
      %dma_wait3A_340 = tpu.memref_slice %arg14[%add3A_311, %dma_wait3A_339] : memref<10240x128xf32, #tpu.memory_space<vmem_shared>> -> memref<80x128xf32, #tpu.memory_space<vmem_shared>>
      tpu.wait_dma2 semaphore(%run_scoped3A_316 : memref<!tpu.dma_semaphore, #tpu.memory_space<semaphore_mem>>) src(%dma_wait3A_340 : memref<80x128xf32, #tpu.memory_space<vmem_shared>>) dst(%dma_wait3A_338 : memref<80x128xf32, #tpu.memory_space<vmem>>)
      tpu.yield
    }) : () -> ()
    %add3A_313 = arith.constant 560 : i32
    %add3A_314 = arith.addi %mul3A_6, %add3A_313 : i32
    %run_scoped3A_315 = arith.constant 0 : i32
    "tpu.region"() ({
      %run_scoped3A_316 = tpu.sem_alloc : memref<!tpu.dma_semaphore, #tpu.memory_space<semaphore_mem>>
      %dma_start3A_317 = arith.constant 0 : i32
      %dma_start3A_318 = arith.constant 0 : i32
      %dma_start3A_319 = tpu.memref_slice %arg12[%run_scoped3A_315, %dma_start3A_317, %dma_start3A_318] : memref<2x80x128xf32, #tpu.memory_space<vmem>> -> memref<1x80x128xf32, #tpu.memory_space<vmem>>
      %dma_start3A_320 = tpu.memref_squeeze %dma_start3A_319 : memref<1x80x128xf32, #tpu.memory_space<vmem>> -> memref<80x128xf32, #tpu.memory_space<vmem>>
      %dma_start3A_321 = arith.constant 0 : i32
      %dma_start3A_322 = tpu.memref_slice %arg7[%arg0, %add3A_314, %dma_start3A_321] : memref<2x10240x128xf32, #tpu.memory_space<hbm>> -> memref<1x80x128xf32, #tpu.memory_space<hbm>>
      %dma_start3A_323 = tpu.memref_squeeze %dma_start3A_322 : memref<1x80x128xf32, #tpu.memory_space<hbm>> -> memref<80x128xf32, #tpu.memory_space<hbm>>
      %dma_start3A_324 = arith.constant 0 : i32
      %dma_start3A_325 = tpu.memref_slice %arg7[%arg0, %add3A_314, %dma_start3A_324] : memref<2x10240x128xf32, #tpu.memory_space<hbm>> -> memref<1x80x128xf32, #tpu.memory_space<hbm>>
      %dma_start3A_326 = tpu.memref_squeeze %dma_start3A_325 : memref<1x80x128xf32, #tpu.memory_space<hbm>> -> memref<80x128xf32, #tpu.memory_space<hbm>>
      %dma_start3A_327 = arith.constant 0 : i32
      %dma_start3A_328 = arith.constant 0 : i32
      %dma_start3A_329 = tpu.memref_slice %arg12[%run_scoped3A_315, %dma_start3A_327, %dma_start3A_328] : memref<2x80x128xf32, #tpu.memory_space<vmem>> -> memref<1x80x128xf32, #tpu.memory_space<vmem>>
      %dma_start3A_330 = tpu.memref_squeeze %dma_start3A_329 : memref<1x80x128xf32, #tpu.memory_space<vmem>> -> memref<80x128xf32, #tpu.memory_space<vmem>>
      tpu.enqueue_dma source(%dma_start3A_330 : memref<80x128xf32, #tpu.memory_space<vmem>>) target(%dma_start3A_326 : memref<80x128xf32, #tpu.memory_space<hbm>>) target_semaphore(%run_scoped3A_316 : memref<!tpu.dma_semaphore, #tpu.memory_space<semaphore_mem>>)
      %dma_wait3A_331 = arith.constant 0 : i32
      %dma_wait3A_332 = arith.constant 0 : i32
      %dma_wait3A_333 = tpu.memref_slice %arg12[%run_scoped3A_315, %dma_wait3A_331, %dma_wait3A_332] : memref<2x80x128xf32, #tpu.memory_space<vmem>> -> memref<1x80x128xf32, #tpu.memory_space<vmem>>
      %dma_wait3A_334 = tpu.memref_squeeze %dma_wait3A_333 : memref<1x80x128xf32, #tpu.memory_space<vmem>> -> memref<80x128xf32, #tpu.memory_space<vmem>>
      %dma_wait3A_335 = arith.constant 0 : i32
      %dma_wait3A_336 = tpu.memref_slice %arg7[%arg0, %add3A_314, %dma_wait3A_335] : memref<2x10240x128xf32, #tpu.memory_space<hbm>> -> memref<1x80x128xf32, #tpu.memory_space<hbm>>
      %dma_wait3A_337 = tpu.memref_squeeze %dma_wait3A_336 : memref<1x80x128xf32, #tpu.memory_space<hbm>> -> memref<80x128xf32, #tpu.memory_space<hbm>>
      %dma_wait3A_338 = arith.constant 0 : i32
      %dma_wait3A_339 = tpu.memref_slice %arg7[%arg0, %add3A_314, %dma_wait3A_338] : memref<2x10240x128xf32, #tpu.memory_space<hbm>> -> memref<1x80x128xf32, #tpu.memory_space<hbm>>
      %dma_wait3A_340 = tpu.memref_squeeze %dma_wait3A_339 : memref<1x80x128xf32, #tpu.memory_space<hbm>> -> memref<80x128xf32, #tpu.memory_space<hbm>>
      %dma_wait3A_341 = arith.constant 0 : i32
      %dma_wait3A_342 = arith.constant 0 : i32
      %dma_wait3A_343 = tpu.memref_slice %arg12[%run_scoped3A_315, %dma_wait3A_341, %dma_wait3A_342] : memref<2x80x128xf32, #tpu.memory_space<vmem>> -> memref<1x80x128xf32, #tpu.memory_space<vmem>>
      %dma_wait3A_344 = tpu.memref_squeeze %dma_wait3A_343 : memref<1x80x128xf32, #tpu.memory_space<vmem>> -> memref<80x128xf32, #tpu.memory_space<vmem>>
      tpu.wait_dma2 semaphore(%run_scoped3A_316 : memref<!tpu.dma_semaphore, #tpu.memory_space<semaphore_mem>>) src(%dma_wait3A_344 : memref<80x128xf32, #tpu.memory_space<vmem>>) dst(%dma_wait3A_340 : memref<80x128xf32, #tpu.memory_space<hbm>>)
      tpu.yield
    }) : () -> ()
    return
  }
}

module attributes {stable_mosaic.version = 14 : i64} {
  func.func @_table_body(%arg0: i32, %arg1: memref<512x128xf32, #tpu.memory_space<vmem>>, %arg2: memref<1x128xf32, #tpu.memory_space<vmem>>, %arg3: memref<128x128xf32, #tpu.memory_space<vmem>>, %arg4: memref<1x128xf32, #tpu.memory_space<vmem>>, %arg5: memref<512x128xf32, #tpu.memory_space<vmem>>) attributes {dimension_semantics = [#tpu.dimension_semantics<arbitrary>], iteration_bounds = array<i64: 32>, scalar_prefetch = 0 : i64, scratch_operands = 0 : i64, tpu.core_type = #tpu.core_type<tc>, window_params = [{pipeline_mode = #tpu.pipeline_mode<synchronous>, transform_indices = @transform_0, window_bounds = array<i64: 512, 128>}, {pipeline_mode = #tpu.pipeline_mode<synchronous>, transform_indices = @transform_1, window_bounds = array<i64: 1, 128>}, {pipeline_mode = #tpu.pipeline_mode<synchronous>, transform_indices = @transform_2, window_bounds = array<i64: 128, 128>}, {pipeline_mode = #tpu.pipeline_mode<synchronous>, transform_indices = @transform_3, window_bounds = array<i64: 1, 128>}, {transform_indices = @transform_4, window_bounds = array<i64: 512, 128>}]} {
    %iota3A = tpu.iota {dimensions = array<i32: 0>} : vector<512x1xi32>
    %mul3A = arith.constant 512 : i32
    %mul3A_0 = arith.muli %arg0, %mul3A : i32
    %add3A = vector.broadcast %mul3A_0 : i32 to vector<512x1xi32>
    %add3A_1 = arith.addi %iota3A, %add3A : vector<512x1xi32>
    %convert_element_type3A = arith.sitofp %add3A_1 : vector<512x1xi32> to vector<512x1xf32>
    %mul3A_2 = arith.constant 3.05175781E-4 : f32
    %mul3A_3 = vector.broadcast %mul3A_2 : f32 to vector<512x1xf32>
    %mul3A_4 = arith.mulf %convert_element_type3A, %mul3A_3 : vector<512x1xf32>
    %iota3A_5 = tpu.iota {dimensions = array<i32: 1>} : vector<512x512xi32>
    %convert_element_type3A_6 = arith.sitofp %iota3A_5 : vector<512x512xi32> to vector<512x512xf32>
    %mul3A_7 = arith.constant 0.00978473573 : f32
    %mul3A_8 = vector.broadcast %mul3A_7 : f32 to vector<512x512xf32>
    %mul3A_9 = arith.mulf %convert_element_type3A_6, %mul3A_8 : vector<512x512xf32>
    %sub3A = vector.broadcast %mul3A_4 : vector<512x1xf32> to vector<512x512xf32>
    %sub3A_10 = arith.subf %sub3A, %mul3A_9 : vector<512x512xf32>
    %mul3A_11 = arith.mulf %sub3A_10, %sub3A_10 : vector<512x512xf32>
    %mul3A_12 = arith.constant -1305.60498 : f32
    %mul3A_13 = vector.broadcast %mul3A_12 : f32 to vector<512x512xf32>
    %mul3A_14 = arith.mulf %mul3A_13, %mul3A_11 : vector<512x512xf32>
    %exp3A = math.exp %mul3A_14 : vector<512x512xf32>
    %get3A = arith.constant 0 : index
    %get3A_15 = arith.constant 0 : index
    %get3A_16 = vector.load %arg1[%get3A, %get3A_15] : memref<512x128xf32, #tpu.memory_space<vmem>>, vector<512x128xf32>
    %dot_general3A = arith.constant dense<0.000000e+00> : vector<512x128xf32>
    %dot_general3A_17 = tpu.matmul %exp3A, %get3A_16, %dot_general3A {dimension_numbers = #tpu.dot_dimension_numbers<[1], [0], [0], [1], [0, 0, 1, 1], [], []>, transpose_lhs_hint = false} : vector<512x512xf32>, vector<512x128xf32>, vector<512x128xf32> -> vector<512x128xf32>
    %get3A_18 = arith.constant 0 : index
    %get3A_19 = arith.constant 0 : index
    %get3A_20 = vector.load %arg2[%get3A_18, %get3A_19] : memref<1x128xf32, #tpu.memory_space<vmem>>, vector<1x128xf32>
    %add3A_21 = vector.broadcast %get3A_20 : vector<1x128xf32> to vector<512x128xf32>
    %add3A_22 = arith.addf %dot_general3A_17, %add3A_21 : vector<512x128xf32>
    %logistic3A = arith.negf %add3A_22 : vector<512x128xf32>
    %logistic3A_23 = math.exp %logistic3A : vector<512x128xf32>
    %logistic3A_24 = arith.constant 1.000000e+00 : f32
    %logistic3A_25 = vector.broadcast %logistic3A_24 : f32 to vector<512x128xf32>
    %logistic3A_26 = arith.addf %logistic3A_25, %logistic3A_23 : vector<512x128xf32>
    %logistic3A_27 = arith.divf %logistic3A_25, %logistic3A_26 : vector<512x128xf32>
    %mul3A_28 = arith.mulf %add3A_22, %logistic3A_27 : vector<512x128xf32>
    %get3A_29 = arith.constant 0 : index
    %get3A_30 = arith.constant 0 : index
    %get3A_31 = vector.load %arg3[%get3A_29, %get3A_30] : memref<128x128xf32, #tpu.memory_space<vmem>>, vector<128x128xf32>
    %dot_general3A_32 = arith.constant dense<0.000000e+00> : vector<512x128xf32>
    %dot_general3A_33 = tpu.matmul %mul3A_28, %get3A_31, %dot_general3A_32 {dimension_numbers = #tpu.dot_dimension_numbers<[1], [0], [0], [1], [0, 0, 1, 1], [], []>, transpose_lhs_hint = false} : vector<512x128xf32>, vector<128x128xf32>, vector<512x128xf32> -> vector<512x128xf32>
    %get3A_34 = arith.constant 0 : index
    %get3A_35 = arith.constant 0 : index
    %get3A_36 = vector.load %arg4[%get3A_34, %get3A_35] : memref<1x128xf32, #tpu.memory_space<vmem>>, vector<1x128xf32>
    %add3A_37 = vector.broadcast %get3A_36 : vector<1x128xf32> to vector<512x128xf32>
    %add3A_38 = arith.addf %dot_general3A_33, %add3A_37 : vector<512x128xf32>
    %logistic3A_39 = arith.negf %add3A_38 : vector<512x128xf32>
    %logistic3A_40 = math.exp %logistic3A_39 : vector<512x128xf32>
    %logistic3A_41 = arith.constant 1.000000e+00 : f32
    %logistic3A_42 = vector.broadcast %logistic3A_41 : f32 to vector<512x128xf32>
    %logistic3A_43 = arith.addf %logistic3A_42, %logistic3A_40 : vector<512x128xf32>
    %logistic3A_44 = arith.divf %logistic3A_42, %logistic3A_43 : vector<512x128xf32>
    %mul3A_45 = arith.mulf %add3A_38, %logistic3A_44 : vector<512x128xf32>
    %swap3A = arith.constant 0 : index
    %swap3A_46 = arith.constant 0 : index
    %swap3A_47 = vector.load %arg5[%swap3A, %swap3A_46] : memref<512x128xf32, #tpu.memory_space<vmem>>, vector<512x128xf32>
    tpu.vector_store %arg5[%swap3A, %swap3A_46], %mul3A_45 {strides = array<i32>} : memref<512x128xf32, #tpu.memory_space<vmem>>, vector<512x128xf32>,
    return
  }
  func.func @transform_0(%arg0: i32) -> (i32, i32) {
    %c0_i32 = arith.constant 0 : i32
    %c0_i32_0 = arith.constant 0 : i32
    %c0_i32_1 = arith.constant 0 : i32
    return %c0_i32, %c0_i32_0 : i32, i32
  }
  func.func @transform_1(%arg0: i32) -> (i32, i32) {
    %c0_i32 = arith.constant 0 : i32
    %c0_i32_0 = arith.constant 0 : i32
    %c0_i32_1 = arith.constant 0 : i32
    return %c0_i32, %c0_i32_0 : i32, i32
  }
  func.func @transform_2(%arg0: i32) -> (i32, i32) {
    %c0_i32 = arith.constant 0 : i32
    %c0_i32_0 = arith.constant 0 : i32
    %c0_i32_1 = arith.constant 0 : i32
    return %c0_i32, %c0_i32_0 : i32, i32
  }
  func.func @transform_3(%arg0: i32) -> (i32, i32) {
    %c0_i32 = arith.constant 0 : i32
    %c0_i32_0 = arith.constant 0 : i32
    %c0_i32_1 = arith.constant 0 : i32
    return %c0_i32, %c0_i32_0 : i32, i32
  }
  func.func @transform_4(%arg0: i32) -> (i32, i32) {
    %c0_i32 = arith.constant 0 : i32
    %c0_i32_0 = arith.constant 0 : i32
    return %arg0, %c0_i32 : i32, i32
  }
}

module attributes {stable_mosaic.version = 14 : i64} {
  func.func @_node_embed_body(%arg0: i32, %arg1: memref<2000x1xi32, #tpu.memory_space<vmem>>, %arg2: memref<2000x3xf32, #tpu.memory_space<vmem>>, %arg3: memref<128x128xf32, #tpu.memory_space<vmem>>, %arg4: memref<3x128xf32, #tpu.memory_space<vmem>>, %arg5: memref<128x128xf32, #tpu.memory_space<vmem>>, %arg6: memref<2000x128xf32, #tpu.memory_space<vmem>>, %arg7: memref<2000x128xf32, #tpu.memory_space<vmem>>) attributes {dimension_semantics = [#tpu.dimension_semantics<arbitrary>], iteration_bounds = array<i64: 5>, scalar_prefetch = 0 : i64, scratch_operands = 0 : i64, tpu.core_type = #tpu.core_type<tc>, window_params = [{transform_indices = @transform_0, window_bounds = array<i64: 2000, 1>}, {transform_indices = @transform_1, window_bounds = array<i64: 2000, 3>}, {pipeline_mode = #tpu.pipeline_mode<synchronous>, transform_indices = @transform_2, window_bounds = array<i64: 128, 128>}, {pipeline_mode = #tpu.pipeline_mode<synchronous>, transform_indices = @transform_3, window_bounds = array<i64: 3, 128>}, {pipeline_mode = #tpu.pipeline_mode<synchronous>, transform_indices = @transform_4, window_bounds = array<i64: 128, 128>}, {transform_indices = @transform_5, window_bounds = array<i64: 2000, 128>}, {transform_indices = @transform_6, window_bounds = array<i64: 2000, 128>}]} {
    %get3A = arith.constant 0 : index
    %get3A_0 = arith.constant 0 : index
    %get3A_1 = vector.load %arg1[%get3A, %get3A_0] : memref<2000x1xi32, #tpu.memory_space<vmem>>, vector<2000x1xi32>
    %iota3A = tpu.iota {dimensions = array<i32: 1>} : vector<2000x128xi32>
    %eq3A = vector.broadcast %get3A_1 : vector<2000x1xi32> to vector<2000x128xi32>
    %eq3A_2 = arith.cmpi eq, %eq3A, %iota3A : vector<2000x128xi32>
    %convert_element_type3A = arith.extui %eq3A_2 : vector<2000x128xi1> to vector<2000x128xi32>
    %convert_element_type3A_3 = arith.sitofp %convert_element_type3A : vector<2000x128xi32> to vector<2000x128xf32>
    %get3A_4 = arith.constant 0 : index
    %get3A_5 = arith.constant 0 : index
    %get3A_6 = vector.load %arg3[%get3A_4, %get3A_5] : memref<128x128xf32, #tpu.memory_space<vmem>>, vector<128x128xf32>
    %dot_general3A = arith.constant dense<0.000000e+00> : vector<2000x128xf32>
    %dot_general3A_7 = tpu.matmul %convert_element_type3A_3, %get3A_6, %dot_general3A {dimension_numbers = #tpu.dot_dimension_numbers<[1], [0], [0], [1], [0, 0, 1, 1], [], []>, transpose_lhs_hint = false} : vector<2000x128xf32>, vector<128x128xf32>, vector<2000x128xf32> -> vector<2000x128xf32>
    %get3A_8 = arith.constant 0 : index
    %get3A_9 = arith.constant 0 : index
    %get3A_10 = vector.load %arg2[%get3A_8, %get3A_9] : memref<2000x3xf32, #tpu.memory_space<vmem>>, vector<2000x3xf32>
    %get3A_11 = arith.constant 0 : index
    %get3A_12 = arith.constant 0 : index
    %get3A_13 = vector.load %arg4[%get3A_11, %get3A_12] : memref<3x128xf32, #tpu.memory_space<vmem>>, vector<3x128xf32>
    %dot_general3A_14 = arith.constant dense<0.000000e+00> : vector<2000x128xf32>
    %dot_general3A_15 = tpu.matmul %get3A_10, %get3A_13, %dot_general3A_14 {dimension_numbers = #tpu.dot_dimension_numbers<[1], [0], [0], [1], [0, 0, 1, 1], [], []>, transpose_lhs_hint = false} : vector<2000x3xf32>, vector<3x128xf32>, vector<2000x128xf32> -> vector<2000x128xf32>
    %add3A = arith.addf %dot_general3A_7, %dot_general3A_15 : vector<2000x128xf32>
    %swap3A = arith.constant 0 : index
    %swap3A_16 = arith.constant 0 : index
    %swap3A_17 = vector.load %arg6[%swap3A, %swap3A_16] : memref<2000x128xf32, #tpu.memory_space<vmem>>, vector<2000x128xf32>
    tpu.vector_store %arg6[%swap3A, %swap3A_16], %add3A {strides = array<i32>} : memref<2000x128xf32, #tpu.memory_space<vmem>>, vector<2000x128xf32>,
    %get3A_18 = arith.constant 0 : index
    %get3A_19 = arith.constant 0 : index
    %get3A_20 = vector.load %arg5[%get3A_18, %get3A_19] : memref<128x128xf32, #tpu.memory_space<vmem>>, vector<128x128xf32>
    %dot_general3A_21 = arith.constant dense<0.000000e+00> : vector<2000x128xf32>
    %dot_general3A_22 = tpu.matmul %add3A, %get3A_20, %dot_general3A_21 {dimension_numbers = #tpu.dot_dimension_numbers<[1], [0], [0], [1], [0, 0, 1, 1], [], []>, transpose_lhs_hint = false} : vector<2000x128xf32>, vector<128x128xf32>, vector<2000x128xf32> -> vector<2000x128xf32>
    %swap3A_23 = arith.constant 0 : index
    %swap3A_24 = arith.constant 0 : index
    %swap3A_25 = vector.load %arg7[%swap3A_23, %swap3A_24] : memref<2000x128xf32, #tpu.memory_space<vmem>>, vector<2000x128xf32>
    tpu.vector_store %arg7[%swap3A_23, %swap3A_24], %dot_general3A_22 {strides = array<i32>} : memref<2000x128xf32, #tpu.memory_space<vmem>>, vector<2000x128xf32>,
    return
  }
  func.func @transform_0(%arg0: i32) -> (i32, i32) {
    %c0_i32 = arith.constant 0 : i32
    %c0_i32_0 = arith.constant 0 : i32
    return %arg0, %c0_i32 : i32, i32
  }
  func.func @transform_1(%arg0: i32) -> (i32, i32) {
    %c0_i32 = arith.constant 0 : i32
    %c0_i32_0 = arith.constant 0 : i32
    return %arg0, %c0_i32 : i32, i32
  }
  func.func @transform_2(%arg0: i32) -> (i32, i32) {
    %c0_i32 = arith.constant 0 : i32
    %c0_i32_0 = arith.constant 0 : i32
    %c0_i32_1 = arith.constant 0 : i32
    return %c0_i32, %c0_i32_0 : i32, i32
  }
  func.func @transform_3(%arg0: i32) -> (i32, i32) {
    %c0_i32 = arith.constant 0 : i32
    %c0_i32_0 = arith.constant 0 : i32
    %c0_i32_1 = arith.constant 0 : i32
    return %c0_i32, %c0_i32_0 : i32, i32
  }
  func.func @transform_4(%arg0: i32) -> (i32, i32) {
    %c0_i32 = arith.constant 0 : i32
    %c0_i32_0 = arith.constant 0 : i32
    %c0_i32_1 = arith.constant 0 : i32
    return %c0_i32, %c0_i32_0 : i32, i32
  }
  func.func @transform_5(%arg0: i32) -> (i32, i32) {
    %c0_i32 = arith.constant 0 : i32
    %c0_i32_0 = arith.constant 0 : i32
    return %arg0, %c0_i32 : i32, i32
  }
  func.func @transform_6(%arg0: i32) -> (i32, i32) {
    %c0_i32 = arith.constant 0 : i32
    %c0_i32_0 = arith.constant 0 : i32
    return %arg0, %c0_i32 : i32, i32
  }
}

module attributes {stable_mosaic.version = 14 : i64} {
  func.func @_finalize_body(%arg0: i32, %arg1: memref<2x2000x128xf32, #tpu.memory_space<vmem>>, %arg2: memref<2000x128xf32, #tpu.memory_space<vmem>>, %arg3: memref<128x128xf32, #tpu.memory_space<vmem>>, %arg4: memref<2000x128xf32, #tpu.memory_space<vmem>>) attributes {dimension_semantics = [#tpu.dimension_semantics<arbitrary>], iteration_bounds = array<i64: 5>, scalar_prefetch = 0 : i64, scratch_operands = 0 : i64, tpu.core_type = #tpu.core_type<tc>, window_params = [{transform_indices = @transform_0, window_bounds = array<i64: 2, 2000, 128>}, {transform_indices = @transform_1, window_bounds = array<i64: 2000, 128>}, {pipeline_mode = #tpu.pipeline_mode<synchronous>, transform_indices = @transform_2, window_bounds = array<i64: 128, 128>}, {transform_indices = @transform_3, window_bounds = array<i64: 2000, 128>}]} {
    %get3A = arith.constant 0 : index
    %get3A_0 = arith.constant 0 : index
    %get3A_1 = arith.constant 0 : index
    %get3A_2 = vector.load %arg1[%get3A, %get3A_0, %get3A_1] : memref<2x2000x128xf32, #tpu.memory_space<vmem>>, vector<1x2000x128xf32>
    %get3A_3 = vector.shape_cast %get3A_2 : vector<1x2000x128xf32> to vector<2000x128xf32>
    %get3A_4 = arith.constant 1 : index
    %get3A_5 = arith.constant 0 : index
    %get3A_6 = arith.constant 0 : index
    %get3A_7 = vector.load %arg1[%get3A_4, %get3A_5, %get3A_6] : memref<2x2000x128xf32, #tpu.memory_space<vmem>>, vector<1x2000x128xf32>
    %get3A_8 = vector.shape_cast %get3A_7 : vector<1x2000x128xf32> to vector<2000x128xf32>
    %add3A = arith.addf %get3A_3, %get3A_8 : vector<2000x128xf32>
    %get3A_9 = arith.constant 0 : index
    %get3A_10 = arith.constant 0 : index
    %get3A_11 = vector.load %arg3[%get3A_9, %get3A_10] : memref<128x128xf32, #tpu.memory_space<vmem>>, vector<128x128xf32>
    %dot_general3A = arith.constant dense<0.000000e+00> : vector<2000x128xf32>
    %dot_general3A_12 = tpu.matmul %add3A, %get3A_11, %dot_general3A {dimension_numbers = #tpu.dot_dimension_numbers<[1], [0], [0], [1], [0, 0, 1, 1], [], []>, transpose_lhs_hint = false} : vector<2000x128xf32>, vector<128x128xf32>, vector<2000x128xf32> -> vector<2000x128xf32>
    %logistic3A = arith.negf %dot_general3A_12 : vector<2000x128xf32>
    %logistic3A_13 = math.exp %logistic3A : vector<2000x128xf32>
    %logistic3A_14 = arith.constant 1.000000e+00 : f32
    %logistic3A_15 = vector.broadcast %logistic3A_14 : f32 to vector<2000x128xf32>
    %logistic3A_16 = arith.addf %logistic3A_15, %logistic3A_13 : vector<2000x128xf32>
    %logistic3A_17 = arith.divf %logistic3A_15, %logistic3A_16 : vector<2000x128xf32>
    %mul3A = arith.mulf %dot_general3A_12, %logistic3A_17 : vector<2000x128xf32>
    %get3A_18 = arith.constant 0 : index
    %get3A_19 = arith.constant 0 : index
    %get3A_20 = vector.load %arg2[%get3A_18, %get3A_19] : memref<2000x128xf32, #tpu.memory_space<vmem>>, vector<2000x128xf32>
    %add3A_21 = arith.addf %mul3A, %get3A_20 : vector<2000x128xf32>
    %swap3A = arith.constant 0 : index
    %swap3A_22 = arith.constant 0 : index
    %swap3A_23 = vector.load %arg4[%swap3A, %swap3A_22] : memref<2000x128xf32, #tpu.memory_space<vmem>>, vector<2000x128xf32>
    tpu.vector_store %arg4[%swap3A, %swap3A_22], %add3A_21 {strides = array<i32>} : memref<2000x128xf32, #tpu.memory_space<vmem>>, vector<2000x128xf32>,
    return
  }
  func.func @transform_0(%arg0: i32) -> (i32, i32, i32) {
    %c0_i32 = arith.constant 0 : i32
    %c0_i32_0 = arith.constant 0 : i32
    %c0_i32_1 = arith.constant 0 : i32
    return %c0_i32, %arg0, %c0_i32_0 : i32, i32, i32
  }
  func.func @transform_1(%arg0: i32) -> (i32, i32) {
    %c0_i32 = arith.constant 0 : i32
    %c0_i32_0 = arith.constant 0 : i32
    return %arg0, %c0_i32 : i32, i32
  }
  func.func @transform_2(%arg0: i32) -> (i32, i32) {
    %c0_i32 = arith.constant 0 : i32
    %c0_i32_0 = arith.constant 0 : i32
    %c0_i32_1 = arith.constant 0 : i32
    return %c0_i32, %c0_i32_0 : i32, i32
  }
  func.func @transform_3(%arg0: i32) -> (i32, i32) {
    %c0_i32 = arith.constant 0 : i32
    %c0_i32_0 = arith.constant 0 : i32
    return %arg0, %c0_i32 : i32, i32
  }
}

</mosaic_0001>

<sc_bundles>
// kernel: kernel.6.cloned.1.call-start
scs
__scs_entry_jumppad:
0x0: {  	(pc) =	sbr.rel $0x88, $3  }
0x1: {  	(tag) =	ssettag $0x0;
	lr =	simm.s32 $0x1  }
0x2: {  	[smem:$0x3F95] =	sst lr;
	_ =	strace $0xD0000000  }
0x3: {  	_ = 	snop  }
0x4: {  	_ = 	snop  }
0x5: {  	_ = 	snop  }
0x6: {  	_ = 	snop  }
0x7: {  	_ = 	snop  }
__scs_overlays_trampoline_lowered:
0x8: {  	[smem:$0x3FA4] =	sst s0  }
0x9: {  	[smem:$0x3FA5] =	sst s1  }
0xa: {  	[smem:$0x3FA6] =	sst s2  }
0xb: {  	[smem:$0x3FA7] =	sst s3  }
0xc: {  	[smem:$0x3FA8] =	sst s4  }
0xd: {  	[smem:$0x3FA9] =	sst s5  }
0xe: {  	[smem:$0x3FAA] =	sst s6  }
0xf: {  	[smem:$0x3FAB] =	sst s7  }
0x10: {  	[smem:$0x3FAC] =	sst s8  }
0x11: {  	[smem:$0x3FAD] =	sst s9;
	s0 =	simm.s32 @!p0 $0x0  }
0x12: {  	s1 =	sld [smem:$0x3F93];
	s0 =	simm.s32 @p0 $0x1  }
0x13: {  	[smem:$0x3FAE] =	sst s0;
	s0 =	simm.s32 @!p1 $0x0  }
0x14: {  	s2 =	sld [smem:$0x3F92];
	s0 =	simm.s32 @p1 $0x1  }
0x15: {  	[smem:$0x3FAF] =	sst s0;
	s0 =	simm.s32 @!p2 $0x0  }
0x16: {  	s3 =	sld [smem:$0x3FDB];
	s0 =	simm.s32 @p2 $0x1  }
0x17: {  	s4 =	simm.s32 $0x1BF5;
	[smem:$0x3FB1] =	sst s0  }
0x18: {  	s0 =	sld [smem:$0x3F94];
	_ =	swait.ge [sflag:s4], $0x0  }
0x19: {  	s7 =	sld [smem:$0x3F95]  }
0x1a: {  	s8 =	sadd.s32 $0xFFFFE003, lr  }
0x1b: {  	s9 =	sadd.s32 $0xFFFFFEF7, lr;
	s5 =	simm.s32 $0xFFFFFFFF;
	p2 =	slt.u32 s8, $0xFFFFF086  }
0x1c: {  	p1 =	slt.u32 s9, $0xF7A;
	s5 =	simm.s32 @!p2 $0x0  }
0x1d: {  	s5 =	simm.s32 @p1 $0x1;
	p0 =	seq.s32 s7, s2  }
0x1e: {  	s7 =	smul.u32 @!p0 $0xF7A, s2;
	p2 =	seq.s32 @!p0 s5, $0x0  }
0x1f: {  	s9 =	smul.u32 $0xF7A, s1;
	s8 =	simm.s32 @!p0 $0x1BF5;
	p2 =	por !p2, p0  }
0x20: {  	[sflag:s8] =	ssyncset.s32 @!p0 $0xFFFFF086;
	s6 =	sadd.s32 @!p0 s3, s7;
	s7 =	simm.s32 @!p0 $0x108  }
0x21: {  	s3 =	sadd.s32 s3, s9;
	s6 =	sadd.s32 @!p0 $0x88, s6;
	s7 =	simm.s32 @p2 $0x1082  }
0x22: {  	[simem:s7], [sflag:s8] =	dma.local @!p0 [hbm:s6], $0xF7A  }
0x23: {  	s9 =	sor.u32 $0xD0000000, s2;
	s6 =	simm.s32 $0x108;
	_ =	swait.ge @!p0 [sflag:s8], $0x0  }
0x24: {  	s3 =	sadd.s32 $0x88, s3;
	s6 =	simm.s32 @!p1 $0x1082;
	[sflag:s4] =	ssyncset.s32 $0xFFFFF086  }
0x25: {  	[simem:s6], [sflag:s4] =	dma.local [hbm:s3], $0xF7A  }
0x26: {  	[smem:$0x3F95] =	sst s1;
	(tag) =	ssettag s2;
	_ =	strace s9  }
0x27: {  	s1 =	sld [smem:$0x3FA5]  }
0x28: {  	s2 =	sld [smem:$0x3FA6]  }
0x29: {  	s4 =	sld [smem:$0x3FA8]  }
0x2a: {  	p0 =	seq.s32 s5, $0x0;
	s5 =	sld [smem:$0x3FA9]  }
0x2b: {  	s6 =	sld [smem:$0x3FAA]  }
0x2c: {  	s7 =	sld [smem:$0x3FAB]  }
0x2d: {  	s3 =	simm.s32 $0x108;
	s8 =	sld [smem:$0x3FAC]  }
0x2e: {  	s3 =	simm.s32 @!p0 $0x1082;
	s9 =	sld [smem:$0x3FAD]  }
0x2f: {  	lr =	sadd.s32 s0, s3;
	s0 =	sld [smem:$0x3FA4]  }
0x30: {  	s3 =	sld [smem:$0x3FA7]  }
0x31: {  	[smem:$0x3FB0] =	sst s10  }
0x32: {  	s10 =	sld [smem:$0x3FAE];
	_ =	sdelay $0x3  }
0x33: {  	p0 =	seq.s32 s10, $0x1;
	s10 =	sld [smem:$0x3FB0];
	_ =	sdelay $0x3  }
0x34: {  	[smem:$0x3FB0] =	sst s10  }
0x35: {  	s10 =	sld [smem:$0x3FAF];
	_ =	sdelay $0x3  }
0x36: {  	p1 =	seq.s32 s10, $0x1;
	s10 =	sld [smem:$0x3FB0];
	_ =	sdelay $0x3  }
0x37: {  	[smem:$0x3FB0] =	sst s10  }
0x38: {  	s10 =	sld [smem:$0x3FB1]  }
0x39: {  	_ = 	snop;
	(pc) =	sbr.ind lr, $3  }
0x3a: {  	_ = 	snop  }
0x3b: {  	_ = 	snop  }
0x3c: {  	p2 =	seq.s32 s10, $0x1;
	s10 =	sld [smem:$0x3FB0]  }
0x3d: {  	_ =	shalt  }
0x3e: {  	_ =	shalt  }
0x3f: {  	_ =	shalt  }
0x40: {  	_ =	shalt  }
0x41: {  	_ =	shalt  }
0x42: {  	_ =	shalt  }
0x43: {  	_ =	shalt  }
0x44: {  	_ =	shalt  }
0x45: {  	_ =	shalt  }
0x46: {  	_ =	shalt  }
0x47: {  	_ =	shalt  }
0x48: {  	_ =	shalt  }
0x49: {  	_ =	shalt  }
0x4a: {  	_ =	shalt  }
0x4b: {  	_ =	shalt  }
0x4c: {  	_ =	shalt  }
0x4d: {  	_ =	shalt  }
0x4e: {  	_ =	shalt  }
0x4f: {  	_ =	shalt  }
0x50: {  	_ =	shalt  }
0x51: {  	_ =	shalt  }
0x52: {  	_ =	shalt  }
0x53: {  	_ =	shalt  }
0x54: {  	_ =	shalt  }
0x55: {  	_ =	shalt  }
0x56: {  	_ =	shalt  }
0x57: {  	_ =	shalt  }
0x58: {  	_ =	shalt  }
0x59: {  	_ =	shalt  }
0x5a: {  	_ =	shalt  }
0x5b: {  	_ =	shalt  }
0x5c: {  	_ =	shalt  }
0x5d: {  	_ =	shalt  }
0x5e: {  	_ =	shalt  }
0x5f: {  	_ =	shalt  }
0x60: {  	_ =	shalt  }
0x61: {  	_ =	shalt  }
0x62: {  	_ =	shalt  }
0x63: {  	_ =	shalt  }
0x64: {  	_ =	shalt  }
0x65: {  	_ =	shalt  }
0x66: {  	_ =	shalt  }
0x67: {  	_ =	shalt  }
0x68: {  	_ =	shalt  }
0x69: {  	_ =	shalt  }
0x6a: {  	_ =	shalt  }
0x6b: {  	_ =	shalt  }
0x6c: {  	_ =	shalt  }
0x6d: {  	_ =	shalt  }
0x6e: {  	_ =	shalt  }
0x6f: {  	_ =	shalt  }
0x70: {  	_ =	shalt  }
0x71: {  	_ =	shalt  }
0x72: {  	_ =	shalt  }
0x73: {  	_ =	shalt  }
0x74: {  	_ =	shalt  }
0x75: {  	_ =	shalt  }
0x76: {  	_ =	shalt  }
0x77: {  	_ =	shalt  }
0x78: {  	_ =	shalt  }
0x79: {  	_ =	shalt  }
0x7a: {  	_ =	shalt  }
0x7b: {  	_ =	shalt  }
0x7c: {  	_ =	shalt  }
0x7d: {  	_ =	shalt  }
0x7e: {  	_ =	shalt  }
0x7f: {  	_ =	shalt  }
0x80: {  	_ =	shalt  }
0x81: {  	_ =	shalt  }
0x82: {  	_ =	shalt  }
0x83: {  	_ =	shalt  }
0x84: {  	_ =	shalt  }
0x85: {  	_ =	shalt  }
0x86: {  	_ =	shalt  }
0x87: {  	_ =	shalt  }
.Lfunc_end0:
.L_simem_size_0:
called_computation_lowered:
.L_overlay_start_0:
0x88: {  	s2 =	sld [smem:$0x3FD9]  }
0x89: {  	s3 =	sld [smem:$0x3FFE];
	_ =	sdelay $0x1  }
0x8a: {  	s1 =	srdreg.scid  }
0x8b: {  	s0 =	sand.u32 $0x1, s1  }
0x8c: {  	s17 =	sshll.u32 s0, $0xA;
	s2 =	sadd.s32 s3, s2  }
0x8d: {  	s2 =	sadd.s32 s2, s17  }
0x8e: {  	[smem:$0x3FBC] =	sst s2  }
0x8f: {  	_ = 	snop  }
0x90: {  	s2 =	sld [smem:$0x3FC6]  }
0x91: {  	s18 =	sld [smem:$0x3FD0];
	(tm) =	ssettm $0x1  }
0x92: {  	s4 =	sld [smem:$0x3FFB];
	_ =	sdelay $0x3  }
0x93: {  	_ =	strace s4  }
0x94: {  	s4 =	sld [smem:$0x3FFC];
	_ =	sdelay $0x3  }
0x95: {  	_ =	strace s4  }
0x96: {  	s4 =	sld [smem:$0x3FFD];
	_ =	sdelay $0x3  }
0x97: {  	_ =	strace s4  }
0x98: {  	_ =	strace $0x8FFFFFFF  }
0x99: {  	s19 =	sld [smem:$0x3FDB];
	_ =	sdelay $0x1  }
0x9a: {  	s5 =	simm.s32 $_scs_section_size  }
0x9b: {  	s6 =	simm.s32 $_size__tile_overlayer_lowered;
	s7 =	simm.s32 $_tile_overlayer_lowered  }
0x9c: {  	s22 =	simm.s32 $0x1BFF;
	s21 =	sshll.u32 s7, $0x1;
	s4 =	sadd.s32 s5, s19  }
0x9d: {  	s8 =	simm.s32 $0x0;
	s20 =	sshll.u32 s6, $0x1;
	s6 =	sadd.s32 s21, s4  }
0x9e: {  	[timem:s8], [sflag:s22] =	dma.local [hbm:s6], s20  }
0x9f: {  	_ =	swait.ge [sflag:s22], s20  }
0xa0: {  	s5 =	ssub.s32 $0x0, s20;
	[sflag:s22] =	ssyncset.done $0x0  }
0xa1: {  	[sflag:s22] =	ssyncadd.s32 s5;
	_ =	sdelay $0x1  }
0xa2: {  	s23 =	simm.s32 $0x1B8B  }
0xa3: {  	_ =	swait.ge [sflag:s23], $0x1  }
0xa4: {  	[sflag:s23] =	ssyncset.done $0x0  }
0xa5: {  	s25 =	simm.s32 $0x1B8E;
	s24 =	sld [smem:$0x3FFE];
	[sflag:s23] =	ssyncadd.s32 $0xFFFFFFFF  }
0xa6: {  	s26 =	simm.s32 $execute0_lowered;
	[smem:$0x3FD2] =	sst s25  }
0xa7: {  	s6 =	sshll.u32 s26, $0x1;
	_ =	strace $0x80000046;
	[dreg:$0x1] =	wrdreg $0xFFFFFFFF  }
0xa8: {  	s28 =	simm.s32 $_size_execute0_lowered;
	s4 =	sadd.s32 s4, s6;
	[dreg:$0x0] =	wrdreg $0x0  }
0xa9: {  	s6 =	sshll.u32 s28, $0x1;
	[dreg:$0x2] =	wrdreg s4  }
0xaa: {  	[dreg:$0x3] =	wrdreg s6  }
0xab: {  	[dreg:$0x4] =	wrdreg $0xC0  }
0xac: {  	_ =	task [dreg:s8], $0x5FFFF  }
0xad: {  	[dreg:$0x1] =	wrdreg $0xFFFFFFFF  }
0xae: {  	[dreg:$0x0] =	wrdreg $0x60  }
0xaf: {  	[dreg:$0x2] =	wrdreg s18  }
0xb0: {  	[dreg:$0x3] =	wrdreg s24  }
0xb1: {  	[dreg:$0x4] =	wrdreg s2  }
0xb2: {  	[dreg:$0x5] =	wrdreg $0xA6000  }
0xb3: {  	[dreg:$0x6] =	wrdreg $0x9  }
0xb4: {  	_ =	task.clear_ibuf [dreg:s8], $0x7FFFF;
	_ =	strace $0x90000046  }
0xb5: {  	s29 =	simm.s32 $0x9;
	_ =	strace $0x80000048  }
0xb6: {  	_ =	swait.ge [sflag:s29], $0x1  }
0xb7: {  	[sflag:s29] =	ssyncadd.s32 $0xFFFFFFFF  }
0xb8: {  	_ =	strace $0x90000048  }
0xb9: {  	_ =	sfence  }
0xba: {  	s30 =	sld [smem:$0x0];
	_ =	sdelay $0x2  }
0xbb: {  	s31 =	sshll.u32 s1, $0xD;
	s1 =	sshrl.u32 s1, $0x2  }
0xbc: {  	s3 =	sand.u32 $0x4000, s31;
	s1 =	sadd.s32 s1, s30  }
0xbd: {  	s0 =	sor.u32 s3, s0;
	s1 =	sshll.u32 s1, $0x11  }
0xbe: {  	s0 =	sor.u32 s1, s0  }
0xbf: {  	s0 =	sadd.s32 $0x8F2B, s0  }
0xc0: {  	[sflag:s0] =	ssyncadd.remote.s32 $0x1  }
0xc1: {  	_ =	sfence.sel $0xFFFF  }
0xc2: {  	[dreg:$0x0] =	wrdreg $0xFFFFFFFF;
	(pc) =	sbr.abs _section_cstart, $3  }
0xc3: {  	[dreg:$0x1] =	wrdreg $0xFFFFFFFF  }
0xc4: {  	_ =	task.clear_ibuf [dreg:s8], $0x2FFFF;
	_ =	strace $0x9FFFFFFF  }
0xc5: {  	(tm) =	ssettm $0x7FFFFFFF  }
tec
execute0_lowered:
.L_overlay_start_1:
0x0: {  	(tag) =	ssettag $0x1  }
0x1: {  	s1 =	rddreg [dreg:$0x0]  }
0x2: {  	s0 =	rddreg [dreg:$0x1]  }
0x3: {  	s2 =	rddreg [dreg:$0x2]  }
0x4: {  	s3 =	rddreg [dreg:$0x3];
	s4 =	srdreg.scid  }
0x5: {  	s5 =	simm.s32 $0x0;
	s15 =	stileid.u32;
	s28 =	simm.s32 $0x3  }
0x6: {  	s29 =	simm.s32 $0x2E00;
	s30 =	simm.s32 $0x580;
	s31 =	simm.s32 $0x7E00  }
0x7: {  	s4 =	sand.u32 $0x1, s4;
	[smem:$0x7FF] =	sst s5;
	s8 =	smul.u32 $0x14000, s15  }
0x8: {  	s9 =	sadd.s32 $0x55400, s0;
	s6 =	ssub.s32 $0x2, s4;
	_ =	strace $0x80000047  }
0x9: {  	s14 =	smul.u32 $0x140000, s4;
	s7 =	sshrl.u32 s6, $0x1;
	s10 =	sor.u32 $0x2800, s8  }
0xa: {  	s11 =	sadd.s32 $0x5000, s8;
	s12 =	sadd.s32 $0x7800, s8;
	s13 =	sadd.s32 $0xA000, s8  }
0xb: {  	s17 =	sadd.s32 $0xC800, s8;
	s18 =	sadd.s32 $0xF000, s8;
	s20 =	sadd.s32 $0x11800, s8  }
0xc: {  	s6 =	ssub.s32 s6, s7;
	s7 =	smul.u32 $0x50000, s15;
	s15 =	sshll.u32 s15, $0x1  }
0xd: {  	s8 =	sadd.s32 s8, s14;
	s16 =	sadd.s32 s14, s10;
	s24 =	sadd.s32 s14, s11  }
0xe: {  	s25 =	sadd.s32 s14, s12;
	s26 =	sadd.s32 s14, s13;
	s4 =	sor.u32 s4, s15  }
0xf: {  	s8 =	sshrl.u32 s8, $0x3;
	s22 =	sshrl.u32 s16, $0x3;
	s19 =	sshrl.u32 s25, $0x3  }
0x10: {  	s21 =	sshrl.u32 s26, $0x3;
	s15 =	sadd.s32 $0xB600, s0;
	s8 =	sadd.s32 s9, s8  }
0x11: {  	s16 =	sadd.s32 $0x1800, s0;
	s23 =	sadd.s32 s9, s22;
	[dreg:$0x5] =	wrdreg s8  }
0x12: {  	s22 =	sadd.s32 s9, s21;
	s7 =	sshrl.u32 s7, $0x2;
	[dreg:$0x6] =	wrdreg s23  }
0x13: {  	s8 =	sshrl.u32 s24, $0x3;
	[dreg:$0x9] =	wrdreg s22;
	s23 =	sadd.s32 s14, s17  }
0x14: {  	s24 =	sadd.s32 s14, s18;
	s14 =	sadd.s32 s14, s20;
	s8 =	sadd.s32 s9, s8  }
0x15: {  	s25 =	sshrl.u32 s24, $0x3;
	s14 =	sshrl.u32 s14, $0x3;
	s24 =	sadd.s32 s18, s3  }
0x16: {  	[dreg:$0x7] =	wrdreg s8;
	s8 =	sadd.s32 s9, s19;
	s26 =	sadd.s32 s9, s14  }
0x17: {  	s14 =	sadd.s32 $0x15400, s0;
	s0 =	sadd.s32 s7, s3;
	[dreg:$0x8] =	wrdreg s8  }
0x18: {  	s19 =	smul.u32 $0x2710, s4;
	s7 =	simm.s32 $0x5;
	[dreg:$0xc] =	wrdreg s26  }
0x19: {  	s8 =	sshrl.u32 s23, $0x3;
	[dreg:$0xd] =	wrdreg s0;
	s26 =	smax.u32 s6, $0x1  }
0x1a: {  	s23 =	sadd.s32 s17, s3;
	s8 =	sadd.s32 s9, s8;
	[dreg:$0x18] =	wrdreg s26  }
0x1b: {  	s6 =	simm.s32 $0x600;
	[dreg:$0xa] =	wrdreg s8;
	s8 =	sadd.s32 s9, s25  }
0x1c: {  	s26 =	simm.s32 $0x2;
	s9 =	sadd.s32 s11, s3;
	[dreg:$0xb] =	wrdreg s8  }
0x1d: {  	s11 =	sadd.s32 s13, s3;
	s25 =	sadd.s32 s20, s3;
	[dreg:$0xf] =	wrdreg s9  }
0x1e: {  	s8 =	sadd.s32 s10, s3;
	s10 =	sadd.s32 s12, s3;
	[dreg:$0x11] =	wrdreg s11  }
0x1f: {  	s12 =	sshrl.u32 s19, $0x3;
	s9 =	simm.s32 $0x1;
	[dreg:$0xe] =	wrdreg s8  }
0x20: {  	s11 =	simm.s32 $0x500;
	[dreg:$0x10] =	wrdreg s10;
	s13 =	sadd.s32 s15, s12  }
0x21: {  	s17 =	sadd.s32 $0xA, s12;
	s18 =	sadd.s32 s16, s12;
	[dreg:$0x12] =	wrdreg s13  }
.Ltmp0:
0x22: {  	s0 =	sadd.s32 s2, s12;
	[dreg:$0x13] =	wrdreg s18;
	(pc) =	sbr.rel .LBB2_1-.Ltmp0, $4  }
0x23: {  	s8 =	simm.s32 $0x400;
	[dreg:$0x14] =	wrdreg s0;
	s20 =	sadd.s32 s15, s17  }
0x24: {  	s10 =	simm.s32 $0x50;
	s21 =	sadd.s32 s16, s17;
	[dreg:$0x15] =	wrdreg s20  }
0x25: {  	s12 =	simm.s32 $0x5600;
	s22 =	sadd.s32 s2, s17;
	[dreg:$0x16] =	wrdreg s21  }
0x26: {  	v0 =	vimm.f32 $0.0e+00;
	s13 =	simm.s32 $0x4;
	s0 =	simm.s32 $0x0;
	[dreg:$0x17] =	wrdreg s22  }
.LBB2_16:
0x27: {  	_ =	swait.ge [sflag:s13], $0x2800  }
0x28: {  	[sflag:s13] =	ssyncset.done $0x0  }
0x29: {  	[sflag:s13] =	ssyncadd.s32 $0xFFFFD800  }
0x2a: {  	[bflag:$0x0] =	sbarrier.arrive $0xFFFF  }
0x2b: {  	s4 =	rddreg [dreg:$0xd]  }
0x2c: {  	[tilespmem:s6], [sflag:$0x5] =	stream.linear.gather [spmem:s4], $0x2800, $0x38;
	[tilespmem:$0x1E600] =	vst v63  }
0x2d: {  	_ =	swait.ge [sflag:s7], $0x2800  }
0x2e: {  	[sflag:s7] =	ssyncset.done $0x0  }
0x2f: {  	s20 =	rddreg [dreg:$0x5];
	[sflag:s7] =	ssyncadd.s32 $0xFFFFD800  }
0x30: {  	[hbm4b:s20+s5] =	stream.linear.scatter [tilespmem:s6], [sflag:$0x5], $0x2800, $0x38;
	[tilespmem:$0x1E600] =	vst v63  }
0x31: {  	_ =	swait.ge [sflag:s7], $0x2800  }
0x32: {  	[sflag:s7] =	ssyncset.done $0x0  }
0x33: {  	s21 =	rddreg [dreg:$0xe];
	[sflag:s7] =	ssyncadd.s32 $0xFFFFD800  }
0x34: {  	[tilespmem:s6], [sflag:$0x5] =	stream.linear.gather [spmem:s21], $0x2800, $0x38;
	[tilespmem:$0x1E600] =	vst v63  }
0x35: {  	_ =	swait.ge [sflag:s7], $0x2800  }
0x36: {  	[sflag:s7] =	ssyncset.done $0x0  }
0x37: {  	s22 =	rddreg [dreg:$0x6];
	[sflag:s7] =	ssyncadd.s32 $0xFFFFD800  }
0x38: {  	[hbm4b:s22+s5] =	stream.linear.scatter [tilespmem:s6], [sflag:$0x5], $0x2800, $0x38;
	[tilespmem:$0x1E600] =	vst v63  }
0x39: {  	_ =	swait.ge [sflag:s7], $0x2800  }
0x3a: {  	[sflag:s7] =	ssyncset.done $0x0  }
0x3b: {  	s17 =	rddreg [dreg:$0xf];
	[sflag:s7] =	ssyncadd.s32 $0xFFFFD800  }
0x3c: {  	[tilespmem:s6], [sflag:$0x5] =	stream.linear.gather [spmem:s17], $0x2800, $0x38;
	[tilespmem:$0x1E600] =	vst v63  }
0x3d: {  	_ =	swait.ge [sflag:s7], $0x2800  }
0x3e: {  	[sflag:s7] =	ssyncset.done $0x0  }
0x3f: {  	s18 =	rddreg [dreg:$0x7];
	[sflag:s7] =	ssyncadd.s32 $0xFFFFD800  }
0x40: {  	[hbm4b:s18+s5] =	stream.linear.scatter [tilespmem:s6], [sflag:$0x5], $0x2800, $0x38;
	[tilespmem:$0x1E600] =	vst v63  }
0x41: {  	_ =	swait.ge [sflag:s7], $0x2800  }
0x42: {  	[sflag:s7] =	ssyncset.done $0x0  }
0x43: {  	s20 =	rddreg [dreg:$0x10];
	[sflag:s7] =	ssyncadd.s32 $0xFFFFD800  }
0x44: {  	[tilespmem:s6], [sflag:$0x5] =	stream.linear.gather [spmem:s20], $0x2800, $0x38;
	[tilespmem:$0x1E600] =	vst v63  }
0x45: {  	_ =	swait.ge [sflag:s7], $0x2800  }
0x46: {  	[sflag:s7] =	ssyncset.done $0x0  }
0x47: {  	s21 =	rddreg [dreg:$0x8];
	[sflag:s7] =	ssyncadd.s32 $0xFFFFD800  }
0x48: {  	[hbm4b:s21+s5] =	stream.linear.scatter [tilespmem:s6], [sflag:$0x5], $0x2800, $0x38;
	[tilespmem:$0x1E600] =	vst v63  }
0x49: {  	_ =	swait.ge [sflag:s7], $0x2800  }
0x4a: {  	[sflag:s7] =	ssyncset.done $0x0  }
0x4b: {  	s22 =	rddreg [dreg:$0x11];
	[sflag:s7] =	ssyncadd.s32 $0xFFFFD800  }
0x4c: {  	[tilespmem:s6], [sflag:$0x5] =	stream.linear.gather [spmem:s22], $0x2800, $0x38;
	[tilespmem:$0x1E600] =	vst v63  }
0x4d: {  	_ =	swait.ge [sflag:s7], $0x2800  }
0x4e: {  	[sflag:s7] =	ssyncset.done $0x0  }
0x4f: {  	s17 =	rddreg [dreg:$0x9];
	[sflag:s7] =	ssyncadd.s32 $0xFFFFD800  }
0x50: {  	[hbm4b:s17+s5] =	stream.linear.scatter [tilespmem:s6], [sflag:$0x5], $0x2800, $0x38;
	[tilespmem:$0x1E600] =	vst v63  }
0x51: {  	_ =	swait.ge [sflag:s7], $0x2800  }
0x52: {  	[sflag:s7] =	ssyncset.done $0x0  }
0x53: {  	[sflag:s7] =	ssyncadd.s32 $0xFFFFD800  }
0x54: {  	[tilespmem:s6], [sflag:$0x5] =	stream.linear.gather [spmem:s23], $0x2800, $0x38;
	[tilespmem:$0x1E600] =	vst v63  }
0x55: {  	_ =	swait.ge [sflag:s7], $0x2800  }
0x56: {  	[sflag:s7] =	ssyncset.done $0x0  }
0x57: {  	s18 =	rddreg [dreg:$0xa];
	[sflag:s7] =	ssyncadd.s32 $0xFFFFD800  }
0x58: {  	[hbm4b:s18+s5] =	stream.linear.scatter [tilespmem:s6], [sflag:$0x5], $0x2800, $0x38;
	[tilespmem:$0x1E600] =	vst v63  }
0x59: {  	_ =	swait.ge [sflag:s7], $0x2800  }
0x5a: {  	[sflag:s7] =	ssyncset.done $0x0  }
0x5b: {  	[sflag:s7] =	ssyncadd.s32 $0xFFFFD800  }
0x5c: {  	[tilespmem:s6], [sflag:$0x5] =	stream.linear.gather [spmem:s24], $0x2800, $0x38;
	[tilespmem:$0x1E600] =	vst v63  }
0x5d: {  	_ =	swait.ge [sflag:s7], $0x2800  }
0x5e: {  	[sflag:s7] =	ssyncset.done $0x0  }
0x5f: {  	s20 =	rddreg [dreg:$0xb];
	[sflag:s7] =	ssyncadd.s32 $0xFFFFD800  }
0x60: {  	[hbm4b:s20+s5] =	stream.linear.scatter [tilespmem:s6], [sflag:$0x5], $0x2800, $0x38;
	[tilespmem:$0x1E600] =	vst v63  }
0x61: {  	_ =	swait.ge [sflag:s7], $0x2800  }
0x62: {  	[sflag:s7] =	ssyncset.done $0x0  }
0x63: {  	[sflag:s7] =	ssyncadd.s32 $0xFFFFD800  }
0x64: {  	[tilespmem:s6], [sflag:$0x5] =	stream.linear.gather [spmem:s25], $0x2800, $0x38;
	[tilespmem:$0x1E600] =	vst v63  }
0x65: {  	_ =	swait.ge [sflag:s7], $0x2800  }
0x66: {  	[sflag:s7] =	ssyncset.done $0x0  }
0x67: {  	s21 =	rddreg [dreg:$0xc];
	[sflag:s7] =	ssyncadd.s32 $0xFFFFD800  }
0x68: {  	[hbm4b:s21+s5] =	stream.linear.scatter [tilespmem:s6], [sflag:$0x5], $0x2800, $0x38;
	[tilespmem:$0x1E600] =	vst v63  }
0x69: {  	_ =	swait.ge [sflag:s7], $0x2800  }
0x6a: {  	s0 =	sadd.s32 $0x1, s0;
	s22 =	rddreg [dreg:$0x18]  }
0x6b: {  	p0 =	sne.s32 s0, s22  }
.Ltmp1:
0x6c: {  	_ = 	snop;
	(pc) =	sbr.rel @!p0 .LBB2_17-.Ltmp1, $3  }
0x6d: {  	_ =	sdelay $0x1  }
0x6e: {  	[sflag:s7] =	ssyncset.done $0x0  }
0x6f: {  	[sflag:s7] =	ssyncadd.s32 $0xFFFFD800  }
.LBB2_1:
0x70: {  	s4 =	simm.s32 $0x0;
	s17 =	simm.s32 $0x200  }
.LBB2_2:
0x71: {  	p0 =	sne.s32 s17, $0x9E00;
	[tilespmem:s4+$0x670] =	vst v0  }
0x72: {  	[tilespmem:s4+$0x600] =	vst v0  }
0x73: {  	[tilespmem:s4+$0x610] =	vst v0  }
.Ltmp2:
0x74: {  	[tilespmem:s4+$0x620] =	vst v0;
	(pc) =	sbr.rel @p0 .LBB2_2-.Ltmp2, $4  }
0x75: {  	[tilespmem:s4+$0x630] =	vst v0  }
0x76: {  	[tilespmem:s4+$0x640] =	vst v0  }
0x77: {  	[tilespmem:s4+$0x650] =	vst v0  }
0x78: {  	[tilespmem:s4+$0x660] =	vst v0;
	s4 =	sshra.s32 s17, $0x2;
	s17 =	sadd.s32 $0x200, s17  }
0x79: {  	[tilespmem:s4+$0x670] =	vst v0  }
0x7a: {  	[tilespmem:s4+$0x600] =	vst v0  }
0x7b: {  	[tilespmem:s4+$0x610] =	vst v0  }
0x7c: {  	[tilespmem:s4+$0x620] =	vst v0  }
0x7d: {  	[tilespmem:s4+$0x630] =	vst v0  }
0x7e: {  	[tilespmem:s4+$0x640] =	vst v0  }
0x7f: {  	[tilespmem:s4+$0x650] =	vst v0  }
0x80: {  	[tilespmem:s4+$0x660] =	vst v0;
	s22 =	rddreg [dreg:$0xd]  }
0x81: {  	[spmem:s22] =	stream.linear.scatter [tilespmem:s6], [sflag:$0x5], $0x2800, $0x38;
	[tilespmem:$0x1E600] =	vst v63  }
0x82: {  	_ =	swait.ge [sflag:s7], $0x2800  }
0x83: {  	[sflag:s7] =	ssyncset.done $0x0  }
0x84: {  	s17 =	rddreg [dreg:$0xe];
	[sflag:s7] =	ssyncadd.s32 $0xFFFFD800  }
0x85: {  	[spmem:s17] =	stream.linear.scatter [tilespmem:s6], [sflag:$0x5], $0x2800, $0x38;
	[tilespmem:$0x1E600] =	vst v63  }
0x86: {  	_ =	swait.ge [sflag:s7], $0x2800  }
0x87: {  	[sflag:s7] =	ssyncset.done $0x0  }
0x88: {  	s18 =	rddreg [dreg:$0xf];
	[sflag:s7] =	ssyncadd.s32 $0xFFFFD800  }
0x89: {  	[spmem:s18] =	stream.linear.scatter [tilespmem:s6], [sflag:$0x5], $0x2800, $0x38;
	[tilespmem:$0x1E600] =	vst v63  }
0x8a: {  	_ =	swait.ge [sflag:s7], $0x2800  }
0x8b: {  	[sflag:s7] =	ssyncset.done $0x0  }
0x8c: {  	s20 =	rddreg [dreg:$0x10];
	[sflag:s7] =	ssyncadd.s32 $0xFFFFD800  }
0x8d: {  	[spmem:s20] =	stream.linear.scatter [tilespmem:s6], [sflag:$0x5], $0x2800, $0x38;
	[tilespmem:$0x1E600] =	vst v63  }
0x8e: {  	_ =	swait.ge [sflag:s7], $0x2800  }
0x8f: {  	[sflag:s7] =	ssyncset.done $0x0  }
0x90: {  	s21 =	rddreg [dreg:$0x11];
	[sflag:s7] =	ssyncadd.s32 $0xFFFFD800  }
0x91: {  	[spmem:s21] =	stream.linear.scatter [tilespmem:s6], [sflag:$0x5], $0x2800, $0x38;
	[tilespmem:$0x1E600] =	vst v63  }
0x92: {  	_ =	swait.ge [sflag:s7], $0x2800  }
0x93: {  	[sflag:s7] =	ssyncset.done $0x0  }
0x94: {  	[sflag:s7] =	ssyncadd.s32 $0xFFFFD800  }
0x95: {  	[spmem:s23] =	stream.linear.scatter [tilespmem:s6], [sflag:$0x5], $0x2800, $0x38;
	[tilespmem:$0x1E600] =	vst v63  }
0x96: {  	_ =	swait.ge [sflag:s7], $0x2800  }
0x97: {  	[sflag:s7] =	ssyncset.done $0x0  }
0x98: {  	[sflag:s7] =	ssyncadd.s32 $0xFFFFD800  }
0x99: {  	[spmem:s24] =	stream.linear.scatter [tilespmem:s6], [sflag:$0x5], $0x2800, $0x38;
	[tilespmem:$0x1E600] =	vst v63  }
0x9a: {  	_ =	swait.ge [sflag:s7], $0x2800  }
0x9b: {  	[sflag:s7] =	ssyncset.done $0x0  }
0x9c: {  	[sflag:s7] =	ssyncadd.s32 $0xFFFFD800  }
0x9d: {  	[spmem:s25] =	stream.linear.scatter [tilespmem:s6], [sflag:$0x5], $0x2800, $0x38;
	[tilespmem:$0x1E600] =	vst v63  }
0x9e: {  	_ =	swait.ge [sflag:s7], $0x2800  }
0x9f: {  	[sflag:s7] =	ssyncset.done $0x0  }
0xa0: {  	[sflag:s7] =	ssyncadd.s32 $0xFFFFD800  }
0xa1: {  	[bflag:$0x0] =	sbarrier.arrive $0xFFFF  }
0xa2: {  	s4 =	simm.s32 $0x0;
	s17 =	rddreg [dreg:$0x12]  }
0xa3: {  	[tilespmem:s4], [sflag:$0x1] =	stream.linear.gather [hbm4b:s17+s4], $0x50, $0x38;
	[tilespmem:$0x1E600] =	vst v63  }
0xa4: {  	s18 =	simm.s32 $0x200;
	s22 =	rddreg [dreg:$0x13]  }
0xa5: {  	[tilespmem:s18], [sflag:$0x1] =	stream.linear.gather [hbm4b:s22+s4], $0x50, $0x38;
	[tilespmem:$0x1E600] =	vst v63  }
0xa6: {  	s20 =	rddreg [dreg:$0x14]  }
0xa7: {  	[tilespmem:s8], [sflag:$0x1] =	stream.linear.gather [hbm4b:s20+s4], $0x50, $0x38;
	[tilespmem:$0x1E600] =	vst v63  }
0xa8: {  	_ =	swait.ge [sflag:s9], $0x50  }
0xa9: {  	[sflag:s9] =	ssyncset.done $0x0  }
0xaa: {  	[sflag:s9] =	ssyncadd.s32 $0xFFFFFFB0  }
0xab: {  	_ =	swait.ge [sflag:s9], $0x50  }
0xac: {  	[sflag:s9] =	ssyncset.done $0x0  }
0xad: {  	[sflag:s9] =	ssyncadd.s32 $0xFFFFFFB0  }
0xae: {  	_ =	swait.ge [sflag:s9], $0x50  }
0xaf: {  	[sflag:s9] =	ssyncset.done $0x0  }
0xb0: {  	[sflag:s9] =	ssyncadd.s32 $0xFFFFFFB0  }
0xb1: {  	v1 =	vld [tilespmem:$0x400]  }
0xb2: {  	v2 =	vld [tilespmem:$0x410]  }
0xb3: {  	v3 =	vld [tilespmem:$0x420]  }
0xb4: {  	v4 =	vld [tilespmem:$0x430]  }
0xb5: {  	v5 =	vld [tilespmem:$0x440];
	_ =	sdelay $0x1  }
0xb6: {  	v1 =	vmul.f32 $3.276800050e+03, v1;
	v2 =	vmul.f32 $3.276800050e+03, v2  }
0xb7: {  	v3 =	vmul.f32 $3.276800050e+03, v3  }
0xb8: {  	v4 =	vmul.f32 $3.276800050e+03, v4;
	v1 =	vadd.f32 $5.000000000e-01, v1;
	v2 =	vadd.f32 $5.000000000e-01, v2  }
0xb9: {  	v5 =	vmul.f32 $3.276800050e+03, v5;
	v3 =	vadd.f32 $5.000000000e-01, v3  }
0xba: {  	v4 =	vadd.f32 $5.000000000e-01, v4;
	v1 =	vtrunc.f32 v1;
	v2 =	vtrunc.f32 v2  }
0xbb: {  	v5 =	vadd.f32 $5.000000000e-01, v5;
	v3 =	vtrunc.f32 v3;
	v1 =	vcvt.f32.s32 v1  }
0xbc: {  	v4 =	vtrunc.f32 v4;
	v2 =	vcvt.f32.s32 v2  }
0xbd: {  	v5 =	vtrunc.f32 v5;
	v3 =	vcvt.f32.s32 v3;
	vm0 =	vlt.s32 v1, $0x3FFF  }
0xbe: {  	v4 =	vcvt.f32.s32 v4;
	vm12 =	vlt.s32 v2, $0x3FFF;
	v1 =	vnsel vm0, $0x3FFF, v1  }
0xbf: {  	vm13 =	vlt.s32 v3, $0x3FFF;
	[tilespmem:$0x500] =	vst v1;
	v1 =	vnsel vm12, $0x3FFF, v2;
	v2 =	vcvt.f32.s32 v5  }
0xc0: {  	vm14 =	vlt.s32 v4, $0x3FFF;
	[tilespmem:$0x510] =	vst v1;
	v1 =	vnsel vm13, $0x3FFF, v3  }
0xc1: {  	[tilespmem:$0x520] =	vst v1;
	v1 =	vnsel vm14, $0x3FFF, v4;
	vm15 =	vlt.s32 v2, $0x3FFF  }
0xc2: {  	[tilespmem:$0x530] =	vst v1;
	v1 =	vnsel vm15, $0x3FFF, v2  }
0xc3: {  	[tilespmem:$0x540] =	vst v1  }
0xc4: {  	[tilespmem:s6], [sflag:$0x2] =	stream.indirect.gather [hbm4b:s1+s10], $0x80, s4, s10, $0xb8;
	[tilespmem:$0x1E600] =	vst v63  }
0xc5: {  	_ = 	snop  }
0xc6: {  	[tilespmem:s12], [sflag:$0x3] =	stream.indirect.gather [hbm4b:s14+s10], $0x80, s11, s10, $0xb8;
	[tilespmem:$0x1E600] =	vst v63  }
0xc7: {  	s22 =	simm.s32 $0x80;
	s21 =	rddreg [dreg:$0x15]  }
0xc8: {  	[tilespmem:s22], [sflag:$0x1] =	stream.linear.gather [hbm4b:s21+s4], $0x50, $0x38;
	[tilespmem:$0x1E600] =	vst v63  }
.Ltmp3:
0xc9: {  	_ = 	snop;
	(pc) =	sbr.rel .LBB2_4-.Ltmp3, $4  }
0xca: {  	s20 =	simm.s32 $0x280;
	s18 =	rddreg [dreg:$0x16]  }
0xcb: {  	[tilespmem:s20], [sflag:$0x1] =	stream.linear.gather [hbm4b:s18+s4], $0x50, $0x38;
	[tilespmem:$0x1E600] =	vst v63  }
0xcc: {  	s21 =	rddreg [dreg:$0x17];
	s22 =	simm.s32 $0x480  }
0xcd: {  	[tilespmem:s22], [sflag:$0x1] =	stream.linear.gather [hbm4b:s21+s4], $0x50, $0x38;
	[tilespmem:$0x1E600] =	vst v63  }
.LBB2_11:
0xce: {  	v7 =	vmul.f32 v7, v10  }
0xcf: {  	[tilespmem:s17+$0xFFFFFEF0] =	vst v11;
	v4 =	vmul.f32 v4, v9  }
0xd0: {  	v5 =	vmul.f32 v5, v8;
	[tilespmem:s17+$0xFFFFFF70] =	vst v7  }
0xd1: {  	v1 =	vmul.f32 v6, v1;
	[tilespmem:s17+$0xFFFFFFF0] =	vst v4  }
0xd2: {  	v2 =	vmul.f32 v3, v2;
	[tilespmem:s17+$0x70] =	vst v5  }
0xd3: {  	s18 =	sshll.u32 s4, $0x7;
	[tilespmem:s17+$0xF0] =	vst v1  }
0xd4: {  	[tilespmem:s17+$0x170] =	vst v2;
	s17 =	sand.u32 $0x100, s18;
	s18 =	simm.s32 $0x600  }
.LBB2_15:
0xd5: {  	s4 =	sadd.s32 $0x1, s4  }
0xd6: {  	p0 =	sne.s32 s4, $0x7D  }
.Ltmp4:
0xd7: {  	_ = 	snop;
	(pc) =	sbr.rel @!p0 .LBB2_16-.Ltmp4, $3  }
0xd8: {  	_ =	sdelay $0x1  }
0xd9: {  	s17 =	sor.u32 $0x200, s17  }
0xda: {  	[spmem:s3] =	stream.indirect.scatter.add.f32 [tilespmem:s18], [sflag:$0x4], $0x80, s17, s10, $0xb8;
	[tilespmem:$0x1E600] =	vst v63  }
.LBB2_4:
0xdb: {  	s17 =	sand.u32 $0x1, s4  }
0xdc: {  	p0 =	seq.s32 s17, $0x1  }
.Ltmp5:
0xdd: {  	_ = 	snop;
	(pc) =	sbr.rel @!p0 .LBB2_5-.Ltmp5, $1  }
0xde: {  	_ =	sdelay $0x3  }
0xdf: {  	_ =	swait.ge [sflag:s9], $0x50  }
0xe0: {  	[sflag:s9] =	ssyncset.done $0x0  }
0xe1: {  	[sflag:s9] =	ssyncadd.s32 $0xFFFFFFB0  }
0xe2: {  	_ =	swait.ge [sflag:s9], $0x50  }
0xe3: {  	[sflag:s9] =	ssyncset.done $0x0  }
0xe4: {  	[sflag:s9] =	ssyncadd.s32 $0xFFFFFFB0  }
0xe5: {  	_ =	swait.ge [sflag:s9], $0x50  }
0xe6: {  	[sflag:s9] =	ssyncset.done $0x0  }
0xe7: {  	[sflag:s9] =	ssyncadd.s32 $0xFFFFFFB0  }
0xe8: {  	v1 =	vld [tilespmem:$0x400]  }
0xe9: {  	v2 =	vld [tilespmem:$0x410]  }
0xea: {  	v3 =	vld [tilespmem:$0x420]  }
0xeb: {  	v4 =	vld [tilespmem:$0x430]  }
0xec: {  	v5 =	vld [tilespmem:$0x440];
	_ =	sdelay $0x1  }
0xed: {  	v1 =	vmul.f32 $3.276800050e+03, v1;
	v2 =	vmul.f32 $3.276800050e+03, v2  }
0xee: {  	v3 =	vmul.f32 $3.276800050e+03, v3  }
0xef: {  	v4 =	vmul.f32 $3.276800050e+03, v4;
	v1 =	vadd.f32 $5.000000000e-01, v1;
	v2 =	vadd.f32 $5.000000000e-01, v2  }
0xf0: {  	v5 =	vmul.f32 $3.276800050e+03, v5;
	v3 =	vadd.f32 $5.000000000e-01, v3  }
0xf1: {  	v4 =	vadd.f32 $5.000000000e-01, v4;
	v1 =	vtrunc.f32 v1;
	v2 =	vtrunc.f32 v2  }
0xf2: {  	v5 =	vadd.f32 $5.000000000e-01, v5;
	v3 =	vtrunc.f32 v3;
	v1 =	vcvt.f32.s32 v1  }
0xf3: {  	v4 =	vtrunc.f32 v4;
	v2 =	vcvt.f32.s32 v2  }
0xf4: {  	v5 =	vtrunc.f32 v5;
	v3 =	vcvt.f32.s32 v3;
	vm0 =	vlt.s32 v1, $0x3FFF  }
0xf5: {  	v4 =	vcvt.f32.s32 v4;
	vm12 =	vlt.s32 v2, $0x3FFF;
	v1 =	vnsel vm0, $0x3FFF, v1  }
0xf6: {  	vm13 =	vlt.s32 v3, $0x3FFF;
	[tilespmem:$0x500] =	vst v1;
	v1 =	vnsel vm12, $0x3FFF, v2;
	v2 =	vcvt.f32.s32 v5  }
0xf7: {  	p0 =	sgt.u32 s4, $0x7A;
	vm14 =	vlt.s32 v4, $0x3FFF;
	[tilespmem:$0x510] =	vst v1;
	v1 =	vnsel vm13, $0x3FFF, v3  }
0xf8: {  	s17 =	sadd.s32 @!p0 $0x2, s4;
	[tilespmem:$0x520] =	vst v1;
	v1 =	vnsel vm14, $0x3FFF, v4;
	vm15 =	vlt.s32 v2, $0x3FFF  }
0xf9: {  	s18 =	smul.u32 @!p0 $0x50, s17;
	[tilespmem:$0x530] =	vst v1;
	v1 =	vnsel vm15, $0x3FFF, v2  }
0xfa: {  	[tilespmem:$0x540] =	vst v1  }
0xfb: {  	s21 =	simm.s32 @!p0 $0x0;
	s18 =	sadd.s32 @!p0 s19, s18;
	_ =	swait.ge [sflag:s13], $0x2800  }
0xfc: {  	s17 =	sshll.u32 @!p0 s17, $0x7;
	s18 =	sshrl.u32 @!p0 s18, $0x3;
	[sflag:s13] =	ssyncset.done $0x0  }
0xfd: {  	s17 =	sand.u32 @!p0 $0x180, s17;
	s20 =	sadd.s32 @!p0 s15, s18;
	[sflag:s13] =	ssyncadd.s32 $0xFFFFD800  }
0xfe: {  	[tilespmem:s17], [sflag:$0x1] =	stream.linear.gather @!p0 [hbm4b:s20+s21], $0x50, $0x38;
	[tilespmem:$0x1E600] =	vst v63  }
0xff: {  	s17 =	sor.u32 @!p0 $0x200, s17;
	s20 =	sadd.s32 @!p0 s16, s18  }
0x100: {  	[tilespmem:s17], [sflag:$0x1] =	stream.linear.gather @!p0 [hbm4b:s20+s21], $0x50, $0x38;
	[tilespmem:$0x1E600] =	vst v63  }
0x101: {  	s17 =	sadd.s32 @!p0 s2, s18;
	s18 =	simm.s32 @!p0 $0x480  }
0x102: {  	[tilespmem:s18], [sflag:$0x1] =	stream.linear.gather @!p0 [hbm4b:s17+s21], $0x50, $0x38;
	[tilespmem:$0x1E600] =	vst v63  }
0x103: {  	s17 =	sshll.u32 s4, $0x7  }
0x104: {  	s22 =	sadd.s32 $0x80, s17  }
0x105: {  	s18 =	sand.u32 $0x100, s22  }
0x106: {  	[tilespmem:s6], [sflag:$0x2] =	stream.indirect.gather [hbm4b:s1+s10], $0x80, s18, s10, $0xb8;
	[tilespmem:$0x1E600] =	vst v63  }
0x107: {  	_ = 	snop  }
0x108: {  	[tilespmem:s12], [sflag:$0x3] =	stream.indirect.gather [hbm4b:s14+s10], $0x80, s11, s10, $0xb8;
	[tilespmem:$0x1E600] =	vst v63  }
0x109: {  	_ =	swait.ge [sflag:s26], $0x2800  }
0x10a: {  	[sflag:s26] =	ssyncset.done $0x0  }
0x10b: {  	[sflag:s26] =	ssyncadd.s32 $0xFFFFD800  }
0x10c: {  	_ =	swait.ge [sflag:s28], $0x2800  }
0x10d: {  	[sflag:s28] =	ssyncset.done $0x0  }
0x10e: {  	s18 =	simm.s32 $0x31F0;
	[sflag:s28] =	ssyncadd.s32 $0xFFFFD800  }
0x10f: {  	s20 =	simm.s32 $0x81F0;
	v1 =	vld [tilespmem:s18+$0xFFFFFF90]  }
0x110: {  	v2 =	vld [tilespmem:s20+$0xFFFFFF90]  }
0x111: {  	v3 =	vld [tilespmem:s20+$0xFFFFFC10]  }
0x112: {  	v4 =	vld [tilespmem:s18+$0xFFFFFC90]  }
0x113: {  	v5 =	vld [tilespmem:s20+$0xFFFFFC90]  }
0x114: {  	v6 =	vld [tilespmem:s18+$0xFFFFFD10]  }
0x115: {  	v7 =	vld [tilespmem:s20+$0xFFFFFD10]  }
0x116: {  	v8 =	vld [tilespmem:s20+$0xFFFFFD90]  }
0x117: {  	v10 =	vld [tilespmem:s18+$0xFFFFFE10]  }
0x118: {  	v11 =	vld [tilespmem:s20+$0xFFFFFE10]  }
0x119: {  	v12 =	vld [tilespmem:s18+$0xFFFFFE90]  }
0x11a: {  	v13 =	vld [tilespmem:s20+$0xFFFFFE90]  }
0x11b: {  	v14 =	vld [tilespmem:s18+$0xFFFFFF10]  }
0x11c: {  	v41 =	vld [tilespmem:s18+$0xFFFFFD20]  }
0x11d: {  	v42 =	vld [tilespmem:s18+$0xFFFFFDA0]  }
0x11e: {  	v43 =	vld [tilespmem:s18+$0xFFFFFE20]  }
0x11f: {  	v44 =	vld [tilespmem:s18+$0xFFFFFD30]  }
0x120: {  	v45 =	vld [tilespmem:s18+$0xFFFFFDB0]  }
0x121: {  	v46 =	vld [tilespmem:s18+$0xFFFFFE30]  }
0x122: {  	v15 =	vld [tilespmem:s18+$0xFFFFFEB0]  }
0x123: {  	v47 =	vld [tilespmem:s18+$0xFFFFFD40]  }
0x124: {  	v48 =	vld [tilespmem:s18+$0xFFFFFDC0]  }
0x125: {  	v49 =	vld [tilespmem:s18+$0xFFFFFE40]  }
0x126: {  	v51 =	vld [tilespmem:s18+$0xFFFFFDD0]  }
0x127: {  	v52 =	vld [tilespmem:s18+$0xFFFFFE50];
	v1 =	vmul.f32 v2, v1  }
0x128: {  	v53 =	vld [tilespmem:s18+$0xFFFFFED0]  }
0x129: {  	[tilespmem:s18+$0xFFFFFF90] =	vst v1;
	v1 =	vld [tilespmem:s18+$0xFFFFFFA0]  }
0x12a: {  	v2 =	vld [tilespmem:s20+$0xFFFFFFA0]  }
0x12b: {  	v54 =	vld [tilespmem:s18+$0xFFFFFD60]  }
0x12c: {  	v55 =	vld [tilespmem:s18+$0xFFFFFDE0]  }
0x12d: {  	v56 =	vld [tilespmem:s18+$0xFFFFFEE0]  }
0x12e: {  	v57 =	vld [tilespmem:s18+$0xFFFFFC70]  }
0x12f: {  	v58 =	vld [tilespmem:s18+$0xFFFFFDF0];
	v1 =	vmul.f32 v2, v1  }
0x130: {  	v59 =	vld [tilespmem:s18+$0xFFFFFE70]  }
0x131: {  	[tilespmem:s18+$0xFFFFFFA0] =	vst v1;
	v1 =	vld [tilespmem:s18+$0xFFFFFFB0]  }
0x132: {  	v9 =	vld [tilespmem:s20+$0xFFFFFFB0]  }
0x133: {  	v4 =	vmul.f32 v5, v4;
	v5 =	vld [tilespmem:s18+$0xFFFFFC10]  }
0x134: {  	v60 =	vld [tilespmem:s18+$0xFFFFFEF0]  }
0x135: {  	v2 =	vld [tilespmem:s18+$0xFFFFFD90]  }
0x136: {  	v61 =	vld [tilespmem:s18+$0xFFFFFC80]  }
0x137: {  	v1 =	vmul.f32 v9, v1;
	v9 =	vld [tilespmem:s20+$0xFFFFFF10]  }
0x138: {  	v63 =	vld [tilespmem:s18+$0xFFFFFD00];
	[tilespmem:s18+$0xFFFFFC90] =	vst v4;
	v3 =	vmul.f32 v3, v5  }
0x139: {  	[tilespmem:s18+$0xFFFFFFB0] =	vst v1;
	v1 =	vmul.f32 v7, v6;
	v6 =	vld [tilespmem:s18+$0xFFFFFFC0]  }
0x13a: {  	[tilespmem:s18+$0xFFFFFC10] =	vst v3;
	v2 =	vmul.f32 v8, v2;
	v4 =	vld [tilespmem:s20+$0xFFFFFFC0]  }
0x13b: {  	v7 =	vld [tilespmem:s20+$0xFFFFFCA0];
	[tilespmem:s18+$0xFFFFFD10] =	vst v1;
	v1 =	vmul.f32 v11, v10  }
0x13c: {  	[tilespmem:s18+$0xFFFFFD90] =	vst v2;
	v10 =	vld [tilespmem:s18+$0xFFFFFC20];
	v5 =	vmul.f32 v9, v14  }
0x13d: {  	v2 =	vmul.f32 v13, v12;
	[tilespmem:s18+$0xFFFFFE10] =	vst v1;
	v1 =	vld [tilespmem:s20+$0xFFFFFDA0]  }
0x13e: {  	[tilespmem:s18+$0xFFFFFF10] =	vst v5;
	v5 =	vld [tilespmem:s20+$0xFFFFFC20]  }
0x13f: {  	[tilespmem:s18+$0xFFFFFE90] =	vst v2;
	v2 =	vld [tilespmem:s20+$0xFFFFFE20];
	v4 =	vmul.f32 v4, v6  }
0x140: {  	v6 =	vld [tilespmem:s20+$0xFFFFFF20]  }
0x141: {  	[tilespmem:s18+$0xFFFFFFC0] =	vst v4;
	v4 =	vld [tilespmem:s18+$0xFFFFFFD0]  }
0x142: {  	v9 =	vld [tilespmem:s20+$0xFFFFFFD0]  }
0x143: {  	v5 =	vmul.f32 v5, v10;
	v10 =	vld [tilespmem:s18+$0xFFFFFF20]  }
0x144: {  	v3 =	vld [tilespmem:s20+$0xFFFFFEA0]  }
0x145: {  	v11 =	vld [tilespmem:s18+$0xFFFFFCA0];
	v1 =	vmul.f32 v1, v42  }
0x146: {  	v8 =	vld [tilespmem:s20+$0xFFFFFD20];
	v2 =	vmul.f32 v2, v43  }
0x147: {  	[tilespmem:s18+$0xFFFFFDA0] =	vst v1;
	v4 =	vmul.f32 v9, v4;
	v9 =	vld [tilespmem:s18+$0xFFFFFEA0]  }
0x148: {  	[tilespmem:s18+$0xFFFFFE20] =	vst v2;
	v2 =	vmul.f32 v6, v10;
	v6 =	vld [tilespmem:s20+$0xFFFFFDB0]  }
0x149: {  	v10 =	vld [tilespmem:s18+$0xFFFFFC30]  }
0x14a: {  	[tilespmem:s18+$0xFFFFFFD0] =	vst v4;
	v4 =	vmul.f32 v7, v11;
	v7 =	vld [tilespmem:s18+$0xFFFFFFE0]  }
0x14b: {  	v11 =	vld [tilespmem:s18+$0xFFFFFCB0]  }
0x14c: {  	[tilespmem:s18+$0xFFFFFC20] =	vst v5;
	v5 =	vmul.f32 v8, v41;
	v8 =	vld [tilespmem:s20+$0xFFFFFFE0]  }
0x14d: {  	[tilespmem:s18+$0xFFFFFCA0] =	vst v4;
	v4 =	vld [tilespmem:s20+$0xFFFFFC30]  }
0x14e: {  	[tilespmem:s18+$0xFFFFFD20] =	vst v5;
	v5 =	vld [tilespmem:s20+$0xFFFFFCB0];
	v1 =	vmul.f32 v3, v9  }
0x14f: {  	v3 =	vld [tilespmem:s20+$0xFFFFFD30]  }
0x150: {  	v9 =	vld [tilespmem:s20+$0xFFFFFE30];
	[tilespmem:s18+$0xFFFFFEA0] =	vst v1  }
0x151: {  	[tilespmem:s18+$0xFFFFFF20] =	vst v2;
	v1 =	vmul.f32 v8, v7;
	v7 =	vld [tilespmem:s20+$0xFFFFFEB0]  }
0x152: {  	v8 =	vld [tilespmem:s20+$0xFFFFFF30]  }
0x153: {  	[tilespmem:s18+$0xFFFFFFE0] =	vst v1;
	v1 =	vld [tilespmem:s18+$0xFFFFFFF0];
	v5 =	vmul.f32 v5, v11  }
0x154: {  	v3 =	vmul.f32 v3, v44;
	v2 =	vld [tilespmem:s20+$0xFFFFFFF0]  }
0x155: {  	v11 =	vld [tilespmem:s18+$0xFFFFFCC0];
	[tilespmem:s18+$0xFFFFFCB0] =	vst v5;
	v5 =	vmul.f32 v6, v45  }
0x156: {  	[tilespmem:s18+$0xFFFFFD30] =	vst v3;
	v3 =	vmul.f32 v9, v46;
	v9 =	vld [tilespmem:s20+$0xFFFFFCC0]  }
0x157: {  	[tilespmem:s18+$0xFFFFFDB0] =	vst v5;
	v5 =	vmul.f32 v7, v15;
	v7 =	vld [tilespmem:s20+$0xFFFFFD40]  }
0x158: {  	[tilespmem:s18+$0xFFFFFE30] =	vst v3;
	v3 =	vld [tilespmem:s20+$0xFFFFFDC0]  }
0x159: {  	v1 =	vmul.f32 v2, v1;
	v2 =	vmul.f32 v4, v10;
	v4 =	vld [tilespmem:s18+$0xFFFFFF30]  }
0x15a: {  	[tilespmem:s18+$0xFFFFFEB0] =	vst v5;
	v5 =	vld [tilespmem:s20+$0xFFFFFE40]  }
0x15b: {  	[tilespmem:s18+$0xFFFFFFF0] =	vst v1;
	v1 =	vld [tilespmem:s18+$0x0]  }
0x15c: {  	v9 =	vmul.f32 v9, v11;
	v11 =	vld [tilespmem:s18+$0xFFFFFF40]  }
0x15d: {  	[tilespmem:s18+$0xFFFFFC30] =	vst v2;
	v2 =	vld [tilespmem:s20+$0x0]  }
0x15e: {  	v6 =	vld [tilespmem:s20+$0xFFFFFC40];
	v4 =	vmul.f32 v8, v4  }
0x15f: {  	v8 =	vld [tilespmem:s20+$0xFFFFFEC0]  }
0x160: {  	v7 =	vmul.f32 v7, v47;
	[tilespmem:s18+$0xFFFFFF30] =	vst v4;
	v4 =	vld [tilespmem:s18+$0xFFFFFC40]  }
0x161: {  	[tilespmem:s18+$0xFFFFFCC0] =	vst v9;
	v10 =	vld [tilespmem:s20+$0xFFFFFF40]  }
0x162: {  	v9 =	vld [tilespmem:s20+$0xFFFFFCD0];
	[tilespmem:s18+$0xFFFFFD40] =	vst v7;
	v1 =	vmul.f32 v2, v1  }
0x163: {  	v7 =	vld [tilespmem:s20+$0xFFFFFD50]  }
0x164: {  	v5 =	vmul.f32 v5, v49;
	[tilespmem:s18+$0x0] =	vst v1;
	v1 =	vld [tilespmem:s18+$0xFFFFFF00]  }
0x165: {  	v4 =	vmul.f32 v6, v4;
	v6 =	vld [tilespmem:s18+$0xFFFFFEC0]  }
0x166: {  	[tilespmem:s18+$0xFFFFFE40] =	vst v5;
	v5 =	vmul.f32 v10, v11;
	v11 =	vld [tilespmem:s18+$0xFFFFFD50]  }
0x167: {  	[tilespmem:s18+$0xFFFFFC40] =	vst v4;
	v4 =	vld [tilespmem:s18+$0xFFFFFC50]  }
0x168: {  	v50 =	vld [tilespmem:s20+$0xFFFFFC50]  }
0x169: {  	v3 =	vmul.f32 v3, v48;
	v10 =	vld [tilespmem:s18+$0xFFFFFCD0];
	[tilespmem:s18+$0xFFFFFF40] =	vst v5  }
0x16a: {  	v5 =	vld [tilespmem:s20+$0xFFFFFF50]  }
0x16b: {  	[tilespmem:s18+$0xFFFFFDC0] =	vst v3;
	v3 =	vmul.f32 v8, v6;
	v8 =	vld [tilespmem:s20+$0xFFFFFE50]  }
0x16c: {  	v6 =	vld [tilespmem:s20+$0xFFFFFDD0];
	v7 =	vmul.f32 v7, v11  }
0x16d: {  	v11 =	vld [tilespmem:s18+$0xFFFFFC60];
	[tilespmem:s18+$0xFFFFFEC0] =	vst v3;
	v4 =	vmul.f32 v50, v4  }
0x16e: {  	v3 =	vld [tilespmem:s20+$0xFFFFFED0];
	[tilespmem:s18+$0xFFFFFD50] =	vst v7  }
0x16f: {  	[tilespmem:s18+$0xFFFFFC50] =	vst v4;
	v4 =	vmul.f32 v9, v10;
	v9 =	vld [tilespmem:s18+$0xFFFFFF50]  }
0x170: {  	v7 =	vmul.f32 v8, v52;
	v8 =	vld [tilespmem:s20+$0xFFFFFD60]  }
0x171: {  	v10 =	vld [tilespmem:s20+$0xFFFFFC60];
	[tilespmem:s18+$0xFFFFFCD0] =	vst v4;
	v4 =	vmul.f32 v6, v51  }
0x172: {  	[tilespmem:s18+$0xFFFFFE50] =	vst v7;
	v6 =	vld [tilespmem:s20+$0xFFFFFCE0]  }
0x173: {  	v3 =	vmul.f32 v3, v53;
	v7 =	vld [tilespmem:s20+$0xFFFFFE60];
	[tilespmem:s18+$0xFFFFFDD0] =	vst v4  }
0x174: {  	v4 =	vld [tilespmem:s20+$0xFFFFFDE0]  }
0x175: {  	v5 =	vmul.f32 v5, v9;
	[tilespmem:s18+$0xFFFFFED0] =	vst v3;
	v9 =	vld [tilespmem:s18+$0xFFFFFCE0]  }
0x176: {  	v8 =	vmul.f32 v8, v54;
	v3 =	vld [tilespmem:s20+$0xFFFFFEE0]  }
0x177: {  	v10 =	vmul.f32 v10, v11;
	v11 =	vld [tilespmem:s18+$0xFFFFFE60];
	[tilespmem:s18+$0xFFFFFF50] =	vst v5  }
0x178: {  	[tilespmem:s18+$0xFFFFFD60] =	vst v8;
	v5 =	vld [tilespmem:s20+$0xFFFFFF60]  }
0x179: {  	[tilespmem:s18+$0xFFFFFC60] =	vst v10;
	v8 =	vld [tilespmem:s20+$0xFFFFFD70]  }
0x17a: {  	v10 =	vld [tilespmem:s20+$0xFFFFFC70];
	v6 =	vmul.f32 v6, v9  }
0x17b: {  	v9 =	vld [tilespmem:s18+$0xFFFFFF60];
	v4 =	vmul.f32 v4, v55  }
0x17c: {  	v7 =	vmul.f32 v7, v11;
	v11 =	vld [tilespmem:s18+$0xFFFFFD70];
	[tilespmem:s18+$0xFFFFFCE0] =	vst v6  }
0x17d: {  	[tilespmem:s18+$0xFFFFFDE0] =	vst v4;
	v6 =	vld [tilespmem:s20+$0xFFFFFCF0]  }
0x17e: {  	v3 =	vmul.f32 v3, v56;
	v4 =	vld [tilespmem:s20+$0xFFFFFDF0];
	[tilespmem:s18+$0xFFFFFE60] =	vst v7  }
0x17f: {  	v7 =	vld [tilespmem:s20+$0xFFFFFE70]  }
0x180: {  	[tilespmem:s18+$0xFFFFFEE0] =	vst v3;
	v10 =	vmul.f32 v10, v57;
	v5 =	vmul.f32 v5, v9;
	v9 =	vld [tilespmem:s18+$0xFFFFFCF0]  }
0x181: {  	v3 =	vld [tilespmem:s20+$0xFFFFFEF0]  }
0x182: {  	[tilespmem:s18+$0xFFFFFC70] =	vst v10;
	v10 =	vld [tilespmem:s18+$0xFFFFFD80]  }
0x183: {  	v8 =	vmul.f32 v8, v11;
	[tilespmem:s18+$0xFFFFFF60] =	vst v5;
	v11 =	vld [tilespmem:s20+$0xFFFFFC80];
	v4 =	vmul.f32 v4, v58  }
0x184: {  	v5 =	vld [tilespmem:s20+$0xFFFFFF70]  }
0x185: {  	v6 =	vmul.f32 v6, v9;
	v9 =	vld [tilespmem:s18+$0xFFFFFF70];
	[tilespmem:s18+$0xFFFFFDF0] =	vst v4  }
0x186: {  	[tilespmem:s18+$0xFFFFFD70] =	vst v8;
	v3 =	vmul.f32 v3, v60;
	v4 =	vld [tilespmem:s20+$0xFFFFFE00]  }
0x187: {  	[tilespmem:s18+$0xFFFFFCF0] =	vst v6;
	v6 =	vmul.f32 v7, v59;
	v7 =	vld [tilespmem:s20+$0xFFFFFD80]  }
0x188: {  	[tilespmem:s18+$0xFFFFFEF0] =	vst v3;
	v62 =	vld [tilespmem:s20+$0xFFFFFD00]  }
0x189: {  	[tilespmem:s18+$0xFFFFFE70] =	vst v6;
	v6 =	vld [tilespmem:s20+$0xFFFFFF00]  }
0x18a: {  	v8 =	vmul.f32 v5, v9;
	v5 =	vld [tilespmem:s20+$0xFFFFFE80]  }
0x18b: {  	v2 =	vmul.f32 v11, v61;
	v9 =	vld [tilespmem:s18+$0xFFFFFE00]  }
0x18c: {  	[tilespmem:s18+$0xFFFFFF70] =	vst v8;
	v8 =	vld [tilespmem:s18+$0xFFFFFE80]  }
0x18d: {  	[tilespmem:s18+$0xFFFFFC80] =	vst v2;
	v2 =	vld [tilespmem:s18+$0xFFFFFF80]  }
0x18e: {  	s21 =	simm.s32 $0x0;
	s22 =	simm.s32 $0x35F0;
	v3 =	vld [tilespmem:s20+$0xFFFFFF80];
	v11 =	vmul.f32 v62, v63  }
.LBB2_13:
0x18f: {  	v12 =	vld [tilespmem:s22+$0xFFFFFF90];
	v7 =	vmul.f32 v7, v10;
	s20 =	sadd.s32 $0x400, s20  }
0x190: {  	s21 =	sadd.s32 $0x8, s21;
	v10 =	vld [tilespmem:s20+$0xFFFFFF90];
	[tilespmem:s18+$0xFFFFFD00] =	vst v11;
	v4 =	vmul.f32 v4, v9  }
0x191: {  	p0 =	slt.u32 s21, $0x48;
	v9 =	vld [tilespmem:s20+$0xFFFFFC10];
	[tilespmem:s18+$0xFFFFFD80] =	vst v7;
	v5 =	vmul.f32 v5, v8  }
0x192: {  	v7 =	vld [tilespmem:s22+$0xFFFFFC90];
	[tilespmem:s18+$0xFFFFFE00] =	vst v4;
	v1 =	vmul.f32 v6, v1  }
0x193: {  	v4 =	vld [tilespmem:s20+$0xFFFFFC90];
	[tilespmem:s18+$0xFFFFFE80] =	vst v5;
	v2 =	vmul.f32 v3, v2  }
0x194: {  	v3 =	vld [tilespmem:s22+$0xFFFFFD10];
	[tilespmem:s18+$0xFFFFFF00] =	vst v1  }
0x195: {  	v1 =	vld [tilespmem:s20+$0xFFFFFD10];
	v5 =	vmul.f32 v10, v12;
	[tilespmem:s18+$0xFFFFFF80] =	vst v2;
	s18 =	smov.u32 s22  }
0x196: {  	v2 =	vld [tilespmem:s22+$0xFFFFFD90]  }
0x197: {  	[tilespmem:s22+$0xFFFFFF90] =	vst v5;
	v5 =	vld [tilespmem:s22+$0xFFFFFFA0]  }
0x198: {  	v4 =	vmul.f32 v4, v7;
	v6 =	vld [tilespmem:s20+$0xFFFFFFA0]  }
0x199: {  	v7 =	vld [tilespmem:s20+$0xFFFFFD90]  }
0x19a: {  	[tilespmem:s22+$0xFFFFFC90] =	vst v4;
	v1 =	vmul.f32 v1, v3;
	v3 =	vld [tilespmem:s22+$0xFFFFFE10]  }
0x19b: {  	v4 =	vld [tilespmem:s20+$0xFFFFFE10]  }
0x19c: {  	[tilespmem:s22+$0xFFFFFD10] =	vst v1;
	v1 =	vld [tilespmem:s22+$0xFFFFFE90]  }
0x19d: {  	v8 =	vld [tilespmem:s20+$0xFFFFFE90];
	v5 =	vmul.f32 v6, v5  }
0x19e: {  	v2 =	vmul.f32 v7, v2;
	v6 =	vld [tilespmem:s22+$0xFFFFFF10]  }
0x19f: {  	[tilespmem:s22+$0xFFFFFFA0] =	vst v5;
	v5 =	vld [tilespmem:s22+$0xFFFFFFB0]  }
0x1a0: {  	[tilespmem:s22+$0xFFFFFD90] =	vst v2;
	v2 =	vmul.f32 v4, v3;
	v3 =	vld [tilespmem:s20+$0xFFFFFFB0]  }
0x1a1: {  	v4 =	vld [tilespmem:s20+$0xFFFFFF10]  }
0x1a2: {  	v7 =	vld [tilespmem:s22+$0xFFFFFC10];
	[tilespmem:s22+$0xFFFFFE10] =	vst v2;
	v1 =	vmul.f32 v8, v1  }
0x1a3: {  	v2 =	vld [tilespmem:s20+$0xFFFFFCA0]  }
0x1a4: {  	v8 =	vld [tilespmem:s20+$0xFFFFFD20];
	[tilespmem:s22+$0xFFFFFE90] =	vst v1  }
0x1a5: {  	v1 =	vld [tilespmem:s20+$0xFFFFFDA0];
	v3 =	vmul.f32 v3, v5  }
0x1a6: {  	v5 =	vld [tilespmem:s20+$0xFFFFFE20];
	v4 =	vmul.f32 v4, v6  }
0x1a7: {  	v6 =	vmul.f32 v9, v7;
	[tilespmem:s22+$0xFFFFFFB0] =	vst v3;
	v3 =	vld [tilespmem:s22+$0xFFFFFFC0]  }
0x1a8: {  	[tilespmem:s22+$0xFFFFFF10] =	vst v4;
	v4 =	vld [tilespmem:s20+$0xFFFFFFC0]  }
0x1a9: {  	[tilespmem:s22+$0xFFFFFC10] =	vst v6;
	v6 =	vld [tilespmem:s20+$0xFFFFFEA0]  }
0x1aa: {  	v7 =	vld [tilespmem:s20+$0xFFFFFC20]  }
0x1ab: {  	v9 =	vld [tilespmem:s20+$0xFFFFFF20]  }
0x1ac: {  	v10 =	vld [tilespmem:s22+$0xFFFFFC20]  }
0x1ad: {  	v11 =	vld [tilespmem:s22+$0xFFFFFCA0];
	v3 =	vmul.f32 v4, v3  }
0x1ae: {  	v4 =	vld [tilespmem:s22+$0xFFFFFD20]  }
0x1af: {  	[tilespmem:s22+$0xFFFFFFC0] =	vst v3;
	v3 =	vld [tilespmem:s22+$0xFFFFFFD0]  }
0x1b0: {  	v12 =	vld [tilespmem:s20+$0xFFFFFFD0]  }
0x1b1: {  	v7 =	vmul.f32 v7, v10;
	v10 =	vld [tilespmem:s22+$0xFFFFFDA0]  }
0x1b2: {  	v2 =	vmul.f32 v2, v11;
	v11 =	vld [tilespmem:s22+$0xFFFFFE20]  }
0x1b3: {  	[tilespmem:s22+$0xFFFFFC20] =	vst v7;
	v4 =	vmul.f32 v8, v4;
	v7 =	vld [tilespmem:s22+$0xFFFFFEA0]  }
0x1b4: {  	[tilespmem:s22+$0xFFFFFCA0] =	vst v2;
	v2 =	vld [tilespmem:s22+$0xFFFFFF20]  }
0x1b5: {  	v8 =	vld [tilespmem:s20+$0xFFFFFC30];
	[tilespmem:s22+$0xFFFFFD20] =	vst v4;
	v3 =	vmul.f32 v12, v3  }
0x1b6: {  	v4 =	vld [tilespmem:s20+$0xFFFFFCB0];
	v1 =	vmul.f32 v1, v10  }
0x1b7: {  	v5 =	vmul.f32 v5, v11;
	[tilespmem:s22+$0xFFFFFFD0] =	vst v3;
	v3 =	vld [tilespmem:s22+$0xFFFFFFE0]  }
0x1b8: {  	[tilespmem:s22+$0xFFFFFDA0] =	vst v1;
	v1 =	vmul.f32 v6, v7;
	v6 =	vld [tilespmem:s20+$0xFFFFFFE0]  }
0x1b9: {  	v7 =	vld [tilespmem:s20+$0xFFFFFD30];
	[tilespmem:s22+$0xFFFFFE20] =	vst v5;
	v2 =	vmul.f32 v9, v2  }
0x1ba: {  	v5 =	vld [tilespmem:s20+$0xFFFFFDB0];
	[tilespmem:s22+$0xFFFFFEA0] =	vst v1  }
0x1bb: {  	v1 =	vld [tilespmem:s20+$0xFFFFFE30];
	[tilespmem:s22+$0xFFFFFF20] =	vst v2  }
0x1bc: {  	v2 =	vld [tilespmem:s20+$0xFFFFFEB0]  }
0x1bd: {  	v9 =	vld [tilespmem:s20+$0xFFFFFF30];
	v3 =	vmul.f32 v6, v3  }
0x1be: {  	v6 =	vld [tilespmem:s22+$0xFFFFFC30]  }
0x1bf: {  	[tilespmem:s22+$0xFFFFFFE0] =	vst v3;
	v3 =	vld [tilespmem:s22+$0xFFFFFFF0]  }
0x1c0: {  	v10 =	vld [tilespmem:s20+$0xFFFFFFF0]  }
0x1c1: {  	v11 =	vld [tilespmem:s22+$0xFFFFFCB0]  }
0x1c2: {  	v12 =	vld [tilespmem:s22+$0xFFFFFD30]  }
0x1c3: {  	v6 =	vmul.f32 v8, v6;
	v8 =	vld [tilespmem:s22+$0xFFFFFDB0]  }
0x1c4: {  	v13 =	vld [tilespmem:s22+$0xFFFFFE30]  }
0x1c5: {  	[tilespmem:s22+$0xFFFFFC30] =	vst v6;
	v6 =	vld [tilespmem:s22+$0xFFFFFEB0];
	v3 =	vmul.f32 v10, v3  }
0x1c6: {  	v4 =	vmul.f32 v4, v11;
	v10 =	vld [tilespmem:s22+$0xFFFFFF30]  }
0x1c7: {  	v7 =	vmul.f32 v7, v12;
	[tilespmem:s22+$0xFFFFFFF0] =	vst v3;
	v3 =	vld [tilespmem:s22+$0x0]  }
0x1c8: {  	[tilespmem:s22+$0xFFFFFCB0] =	vst v4;
	v4 =	vmul.f32 v5, v8;
	v5 =	vld [tilespmem:s20+$0x0]  }
0x1c9: {  	v8 =	vld [tilespmem:s20+$0xFFFFFC40];
	[tilespmem:s22+$0xFFFFFD30] =	vst v7;
	v1 =	vmul.f32 v1, v13  }
0x1ca: {  	v7 =	vld [tilespmem:s20+$0xFFFFFCC0];
	[tilespmem:s22+$0xFFFFFDB0] =	vst v4;
	v2 =	vmul.f32 v2, v6  }
0x1cb: {  	v4 =	vld [tilespmem:s20+$0xFFFFFD40];
	[tilespmem:s22+$0xFFFFFE30] =	vst v1;
	v1 =	vmul.f32 v9, v10  }
0x1cc: {  	v6 =	vld [tilespmem:s20+$0xFFFFFDC0];
	[tilespmem:s22+$0xFFFFFEB0] =	vst v2  }
0x1cd: {  	v2 =	vld [tilespmem:s20+$0xFFFFFE40];
	[tilespmem:s22+$0xFFFFFF30] =	vst v1;
	v1 =	vmul.f32 v5, v3  }
0x1ce: {  	v3 =	vld [tilespmem:s20+$0xFFFFFEC0]  }
0x1cf: {  	v5 =	vld [tilespmem:s20+$0xFFFFFF40];
	[tilespmem:s22+$0x0] =	vst v1  }
0x1d0: {  	v1 =	vld [tilespmem:s22+$0xFFFFFC40]  }
0x1d1: {  	v9 =	vld [tilespmem:s22+$0xFFFFFCC0]  }
0x1d2: {  	v10 =	vld [tilespmem:s22+$0xFFFFFD40]  }
0x1d3: {  	v11 =	vld [tilespmem:s22+$0xFFFFFDC0]  }
0x1d4: {  	v12 =	vld [tilespmem:s22+$0xFFFFFE40]  }
0x1d5: {  	v1 =	vmul.f32 v8, v1;
	v8 =	vld [tilespmem:s22+$0xFFFFFEC0]  }
0x1d6: {  	v7 =	vmul.f32 v7, v9;
	v9 =	vld [tilespmem:s22+$0xFFFFFF40]  }
0x1d7: {  	[tilespmem:s22+$0xFFFFFC40] =	vst v1;
	v1 =	vld [tilespmem:s22+$0xFFFFFC50];
	v4 =	vmul.f32 v4, v10  }
0x1d8: {  	v10 =	vld [tilespmem:s20+$0xFFFFFC50];
	[tilespmem:s22+$0xFFFFFCC0] =	vst v7;
	v6 =	vmul.f32 v6, v11  }
0x1d9: {  	v7 =	vld [tilespmem:s20+$0xFFFFFCD0];
	[tilespmem:s22+$0xFFFFFD40] =	vst v4;
	v2 =	vmul.f32 v2, v12  }
0x1da: {  	v4 =	vld [tilespmem:s20+$0xFFFFFD50];
	[tilespmem:s22+$0xFFFFFDC0] =	vst v6;
	v3 =	vmul.f32 v3, v8  }
0x1db: {  	v6 =	vld [tilespmem:s20+$0xFFFFFDD0];
	[tilespmem:s22+$0xFFFFFE40] =	vst v2;
	v2 =	vmul.f32 v5, v9  }
0x1dc: {  	v5 =	vld [tilespmem:s20+$0xFFFFFE50];
	[tilespmem:s22+$0xFFFFFEC0] =	vst v3  }
0x1dd: {  	v1 =	vmul.f32 v10, v1;
	v3 =	vld [tilespmem:s20+$0xFFFFFED0];
	[tilespmem:s22+$0xFFFFFF40] =	vst v2  }
0x1de: {  	v2 =	vld [tilespmem:s20+$0xFFFFFF50]  }
0x1df: {  	[tilespmem:s22+$0xFFFFFC50] =	vst v1;
	v1 =	vld [tilespmem:s22+$0xFFFFFCD0]  }
0x1e0: {  	v8 =	vld [tilespmem:s22+$0xFFFFFD50]  }
0x1e1: {  	v9 =	vld [tilespmem:s22+$0xFFFFFDD0]  }
0x1e2: {  	v10 =	vld [tilespmem:s22+$0xFFFFFE50]  }
0x1e3: {  	v11 =	vld [tilespmem:s22+$0xFFFFFED0]  }
0x1e4: {  	v1 =	vmul.f32 v7, v1;
	v7 =	vld [tilespmem:s22+$0xFFFFFF50]  }
0x1e5: {  	v12 =	vld [tilespmem:s20+$0xFFFFFC60];
	v4 =	vmul.f32 v4, v8  }
0x1e6: {  	v8 =	vld [tilespmem:s22+$0xFFFFFC60];
	[tilespmem:s22+$0xFFFFFCD0] =	vst v1;
	v1 =	vmul.f32 v6, v9  }
0x1e7: {  	v6 =	vld [tilespmem:s20+$0xFFFFFCE0];
	[tilespmem:s22+$0xFFFFFD50] =	vst v4;
	v4 =	vmul.f32 v5, v10  }
0x1e8: {  	v5 =	vld [tilespmem:s20+$0xFFFFFD60];
	[tilespmem:s22+$0xFFFFFDD0] =	vst v1;
	v1 =	vmul.f32 v3, v11  }
0x1e9: {  	v3 =	vld [tilespmem:s20+$0xFFFFFDE0];
	[tilespmem:s22+$0xFFFFFE50] =	vst v4;
	v2 =	vmul.f32 v2, v7  }
0x1ea: {  	v4 =	vld [tilespmem:s20+$0xFFFFFE60];
	[tilespmem:s22+$0xFFFFFED0] =	vst v1  }
0x1eb: {  	v1 =	vmul.f32 v12, v8;
	v7 =	vld [tilespmem:s20+$0xFFFFFEE0];
	[tilespmem:s22+$0xFFFFFF50] =	vst v2  }
0x1ec: {  	v2 =	vld [tilespmem:s20+$0xFFFFFF60]  }
0x1ed: {  	[tilespmem:s22+$0xFFFFFC60] =	vst v1;
	v1 =	vld [tilespmem:s22+$0xFFFFFCE0]  }
0x1ee: {  	v8 =	vld [tilespmem:s22+$0xFFFFFD60]  }
0x1ef: {  	v9 =	vld [tilespmem:s22+$0xFFFFFDE0]  }
0x1f0: {  	v10 =	vld [tilespmem:s22+$0xFFFFFE60]  }
0x1f1: {  	v11 =	vld [tilespmem:s22+$0xFFFFFEE0]  }
0x1f2: {  	v1 =	vmul.f32 v6, v1;
	v6 =	vld [tilespmem:s22+$0xFFFFFF60]  }
0x1f3: {  	v12 =	vld [tilespmem:s20+$0xFFFFFC70];
	v5 =	vmul.f32 v5, v8  }
0x1f4: {  	v8 =	vld [tilespmem:s22+$0xFFFFFC70];
	[tilespmem:s22+$0xFFFFFCE0] =	vst v1;
	v1 =	vmul.f32 v3, v9  }
0x1f5: {  	v3 =	vld [tilespmem:s20+$0xFFFFFCF0];
	[tilespmem:s22+$0xFFFFFD60] =	vst v5;
	v4 =	vmul.f32 v4, v10  }
0x1f6: {  	v5 =	vld [tilespmem:s20+$0xFFFFFD70];
	[tilespmem:s22+$0xFFFFFDE0] =	vst v1;
	v1 =	vmul.f32 v7, v11  }
0x1f7: {  	v7 =	vld [tilespmem:s20+$0xFFFFFDF0];
	[tilespmem:s22+$0xFFFFFE60] =	vst v4;
	v2 =	vmul.f32 v2, v6  }
0x1f8: {  	v4 =	vld [tilespmem:s20+$0xFFFFFE70];
	[tilespmem:s22+$0xFFFFFEE0] =	vst v1  }
0x1f9: {  	v1 =	vmul.f32 v12, v8;
	v6 =	vld [tilespmem:s20+$0xFFFFFEF0];
	[tilespmem:s22+$0xFFFFFF60] =	vst v2  }
0x1fa: {  	v2 =	vld [tilespmem:s20+$0xFFFFFF70]  }
0x1fb: {  	[tilespmem:s22+$0xFFFFFC70] =	vst v1;
	v1 =	vld [tilespmem:s22+$0xFFFFFCF0]  }
0x1fc: {  	v8 =	vld [tilespmem:s22+$0xFFFFFD70]  }
0x1fd: {  	v9 =	vld [tilespmem:s22+$0xFFFFFDF0]  }
0x1fe: {  	v10 =	vld [tilespmem:s22+$0xFFFFFE70]  }
0x1ff: {  	v11 =	vld [tilespmem:s22+$0xFFFFFEF0]  }
0x200: {  	v1 =	vmul.f32 v3, v1;
	v3 =	vld [tilespmem:s22+$0xFFFFFF70]  }
0x201: {  	v12 =	vld [tilespmem:s20+$0xFFFFFC80];
	v5 =	vmul.f32 v5, v8  }
0x202: {  	v8 =	vld [tilespmem:s22+$0xFFFFFC80];
	[tilespmem:s22+$0xFFFFFCF0] =	vst v1;
	v1 =	vmul.f32 v7, v9  }
0x203: {  	v13 =	vld [tilespmem:s20+$0xFFFFFD00];
	[tilespmem:s22+$0xFFFFFD70] =	vst v5;
	v5 =	vmul.f32 v4, v10  }
0x204: {  	v7 =	vld [tilespmem:s20+$0xFFFFFD80];
	[tilespmem:s22+$0xFFFFFDF0] =	vst v1;
	v1 =	vmul.f32 v6, v11  }
0x205: {  	v4 =	vld [tilespmem:s20+$0xFFFFFE00];
	[tilespmem:s22+$0xFFFFFE70] =	vst v5;
	v2 =	vmul.f32 v2, v3  }
0x206: {  	v5 =	vld [tilespmem:s20+$0xFFFFFE80];
	[tilespmem:s22+$0xFFFFFEF0] =	vst v1  }
0x207: {  	v1 =	vmul.f32 v12, v8;
	v6 =	vld [tilespmem:s20+$0xFFFFFF00];
	[tilespmem:s22+$0xFFFFFF70] =	vst v2  }
0x208: {  	v3 =	vld [tilespmem:s20+$0xFFFFFF80]  }
0x209: {  	[tilespmem:s22+$0xFFFFFC80] =	vst v1;
	v2 =	vld [tilespmem:s22+$0xFFFFFD00]  }
.Ltmp6:
0x20a: {  	v10 =	vld [tilespmem:s22+$0xFFFFFD80];
	(pc) =	sbr.rel @p0 .LBB2_13-.Ltmp6, $4  }
0x20b: {  	v9 =	vld [tilespmem:s22+$0xFFFFFE00]  }
0x20c: {  	v8 =	vld [tilespmem:s22+$0xFFFFFE80]  }
0x20d: {  	v1 =	vld [tilespmem:s22+$0xFFFFFF00]  }
0x20e: {  	s22 =	sadd.s32 $0x400, s22;
	v11 =	vmul.f32 v13, v2;
	v2 =	vld [tilespmem:s18+$0xFFFFFF80]  }
0x20f: {  	v7 =	vmul.f32 v7, v10  }
0x210: {  	[tilespmem:s18+$0xFFFFFD00] =	vst v11;
	v4 =	vmul.f32 v4, v9  }
.Ltmp7:
0x211: {  	[tilespmem:s18+$0xFFFFFD80] =	vst v7;
	v5 =	vmul.f32 v5, v8;
	(pc) =	sbr.rel .LBB2_15-.Ltmp7, $4  }
0x212: {  	[tilespmem:s18+$0xFFFFFE00] =	vst v4;
	v1 =	vmul.f32 v6, v1  }
0x213: {  	[tilespmem:s18+$0xFFFFFE80] =	vst v5;
	v2 =	vmul.f32 v3, v2  }
0x214: {  	[tilespmem:s18+$0xFFFFFF00] =	vst v1  }
0x215: {  	s17 =	sand.u32 $0x180, s17;
	[tilespmem:s18+$0xFFFFFF80] =	vst v2;
	s18 =	simm.s32 $0x2E00  }
.LBB2_5:
0x216: {  	p0 =	seq.s32 s4, $0x7C  }
0x217: {  	s17 =	simm.s32 @!p0 $0x1  }
0x218: {  	_ =	swait.ge @!p0 [sflag:s17], $0x50  }
0x219: {  	[sflag:s17] =	ssyncset.done @!p0 $0x0  }
0x21a: {  	[sflag:s17] =	ssyncadd.s32 @!p0 $0xFFFFFFB0  }
0x21b: {  	_ =	swait.ge @!p0 [sflag:s17], $0x50  }
0x21c: {  	[sflag:s17] =	ssyncset.done @!p0 $0x0  }
0x21d: {  	[sflag:s17] =	ssyncadd.s32 @!p0 $0xFFFFFFB0  }
0x21e: {  	_ =	swait.ge @!p0 [sflag:s17], $0x50  }
0x21f: {  	[sflag:s17] =	ssyncset.done @!p0 $0x0  }
0x220: {  	[sflag:s17] =	ssyncadd.s32 @!p0 $0xFFFFFFB0  }
0x221: {  	v1 =	vld @!p0 [tilespmem:$0x480]  }
0x222: {  	v2 =	vld @!p0 [tilespmem:$0x490]  }
0x223: {  	v3 =	vld @!p0 [tilespmem:$0x4A0]  }
0x224: {  	v4 =	vld @!p0 [tilespmem:$0x4B0]  }
0x225: {  	v5 =	vld @!p0 [tilespmem:$0x4C0];
	_ =	sdelay $0x1  }
0x226: {  	v1 =	vmul.f32 @!p0 $3.276800050e+03, v1;
	v2 =	vmul.f32 @!p0 $3.276800050e+03, v2  }
0x227: {  	v3 =	vmul.f32 @!p0 $3.276800050e+03, v3  }
0x228: {  	v4 =	vmul.f32 @!p0 $3.276800050e+03, v4;
	v1 =	vadd.f32 @!p0 $5.000000000e-01, v1;
	v2 =	vadd.f32 @!p0 $5.000000000e-01, v2  }
0x229: {  	v5 =	vmul.f32 @!p0 $3.276800050e+03, v5;
	v3 =	vadd.f32 @!p0 $5.000000000e-01, v3  }
0x22a: {  	v4 =	vadd.f32 @!p0 $5.000000000e-01, v4;
	v1 =	vtrunc.f32 @!p0 v1;
	v2 =	vtrunc.f32 @!p0 v2  }
0x22b: {  	v5 =	vadd.f32 @!p0 $5.000000000e-01, v5;
	v3 =	vtrunc.f32 @!p0 v3;
	v1 =	vcvt.f32.s32 @!p0 v1  }
0x22c: {  	v4 =	vtrunc.f32 @!p0 v4;
	v2 =	vcvt.f32.s32 @!p0 v2  }
0x22d: {  	v5 =	vtrunc.f32 @!p0 v5;
	v3 =	vcvt.f32.s32 @!p0 v3;
	vm0 =	vlt.s32 @!p0 v1, $0x3FFF  }
0x22e: {  	p1 =	seq.s32 @!p0 s4, $0x0;
	v4 =	vcvt.f32.s32 @!p0 v4;
	v1 =	vnsel @!p0 vm0, $0x3FFF, v1;
	vm0 =	vlt.s32 @!p0 v2, $0x3FFF  }
0x22f: {  	p1 =	por p0, !p1;
	[tilespmem:$0x580] =	vst @!p0 v1;
	v1 =	vnsel @!p0 vm0, $0x3FFF, v2;
	vm0 =	vlt.s32 @!p0 v3, $0x3FFF;
	v2 =	vcvt.f32.s32 @!p0 v5  }
0x230: {  	p2 =	sgt.u32 @p1 s4, $0x7A;
	[tilespmem:$0x590] =	vst @!p0 v1;
	v1 =	vnsel @!p0 vm0, $0x3FFF, v3;
	vm0 =	vlt.s32 @!p0 v4, $0x3FFF  }
0x231: {  	p2 =	por !p1, !p2;
	[tilespmem:$0x5A0] =	vst @!p0 v1;
	v1 =	vnsel @!p0 vm0, $0x3FFF, v4;
	vm0 =	vlt.s32 @!p0 v2, $0x3FFF  }
.Ltmp8:
0x232: {  	[tilespmem:$0x5B0] =	vst @!p0 v1;
	v1 =	vnsel @!p0 vm0, $0x3FFF, v2;
	(pc) =	sbr.rel @!p2 .LBB2_7-.Ltmp8, $4  }
0x233: {  	s17 =	simm.s32 @p1 $0x4;
	[tilespmem:$0x5C0] =	vst @!p0 v1  }
0x234: {  	_ =	swait.ge @p1 [sflag:s17], $0x2800  }
0x235: {  	[sflag:s17] =	ssyncset.done @p1 $0x0  }
0x236: {  	[sflag:s17] =	ssyncadd.s32 @p1 $0xFFFFD800  }
0x237: {  	s17 =	sadd.s32 $0x2, s4  }
0x238: {  	s18 =	smul.u32 $0x50, s17;
	_ =	sdelay $0x1  }
0x239: {  	s18 =	sadd.s32 s19, s18  }
0x23a: {  	s17 =	sshll.u32 s17, $0x7;
	s18 =	sshrl.u32 s18, $0x3  }
0x23b: {  	s17 =	sand.u32 $0x100, s17;
	s20 =	sadd.s32 s15, s18  }
0x23c: {  	[tilespmem:s17], [sflag:$0x1] =	stream.linear.gather [hbm4b:s20+s5], $0x50, $0x38;
	[tilespmem:$0x1E600] =	vst v63  }
.Ltmp9:
0x23d: {  	_ = 	snop;
	(pc) =	sbr.rel .LBB2_8-.Ltmp9, $4  }
0x23e: {  	s21 =	sadd.s32 s16, s18;
	s17 =	sor.u32 $0x200, s17  }
0x23f: {  	[tilespmem:s17], [sflag:$0x1] =	stream.linear.gather [hbm4b:s21+s5], $0x50, $0x38;
	[tilespmem:$0x1E600] =	vst v63  }
0x240: {  	s22 =	sadd.s32 s2, s18  }
0x241: {  	[tilespmem:s8], [sflag:$0x1] =	stream.linear.gather [hbm4b:s22+s5], $0x50, $0x38;
	[tilespmem:$0x1E600] =	vst v63  }
.LBB2_7:
.Ltmp10:
0x242: {  	(pc) =	sbr.rel @p0 .LBB2_9-.Ltmp10, $1  }
0x243: {  	_ =	sdelay $0x3  }
.LBB2_8:
0x244: {  	s17 =	sshll.u32 s4, $0x7  }
0x245: {  	s17 =	sand.u32 $0x100, s17  }
0x246: {  	s17 =	sor.u32 $0x80, s17  }
0x247: {  	[tilespmem:s29], [sflag:$0x2] =	stream.indirect.gather [hbm4b:s1+s10], $0x80, s17, s10, $0xb8;
	[tilespmem:$0x1E600] =	vst v63  }
0x248: {  	_ = 	snop  }
0x249: {  	[tilespmem:s31], [sflag:$0x3] =	stream.indirect.gather [hbm4b:s14+s10], $0x80, s30, s10, $0xb8;
	[tilespmem:$0x1E600] =	vst v63  }
.LBB2_9:
0x24a: {  	_ =	swait.ge [sflag:s26], $0x2800  }
0x24b: {  	[sflag:s26] =	ssyncset.done $0x0  }
0x24c: {  	[sflag:s26] =	ssyncadd.s32 $0xFFFFD800  }
0x24d: {  	_ =	swait.ge [sflag:s28], $0x2800  }
0x24e: {  	[sflag:s28] =	ssyncset.done $0x0  }
0x24f: {  	s17 =	simm.s32 $0x800;
	[sflag:s28] =	ssyncadd.s32 $0xFFFFD800  }
0x250: {  	s18 =	simm.s32 $0x5800;
	v1 =	vld [tilespmem:s17+$0x180]  }
0x251: {  	v2 =	vld [tilespmem:s18+$0x180]  }
0x252: {  	v3 =	vld [tilespmem:s18+$0xFFFFFE00]  }
0x253: {  	v4 =	vld [tilespmem:s17+$0xFFFFFE80]  }
0x254: {  	v5 =	vld [tilespmem:s18+$0xFFFFFE80]  }
0x255: {  	v6 =	vld [tilespmem:s17+$0xFFFFFF00]  }
0x256: {  	v7 =	vld [tilespmem:s18+$0xFFFFFF00]  }
0x257: {  	v8 =	vld [tilespmem:s18+$0xFFFFFF80]  }
0x258: {  	v10 =	vld [tilespmem:s17+$0x0]  }
0x259: {  	v11 =	vld [tilespmem:s18+$0x0]  }
0x25a: {  	v12 =	vld [tilespmem:s17+$0x80]  }
0x25b: {  	v13 =	vld [tilespmem:s18+$0x80]  }
0x25c: {  	v14 =	vld [tilespmem:s17+$0x100]  }
0x25d: {  	v41 =	vld [tilespmem:s17+$0xFFFFFF10]  }
0x25e: {  	v42 =	vld [tilespmem:s17+$0xFFFFFF90]  }
0x25f: {  	v43 =	vld [tilespmem:s17+$0x10]  }
0x260: {  	v44 =	vld [tilespmem:s17+$0xFFFFFF20]  }
0x261: {  	v45 =	vld [tilespmem:s17+$0xFFFFFFA0]  }
0x262: {  	v46 =	vld [tilespmem:s17+$0x20]  }
0x263: {  	v15 =	vld [tilespmem:s17+$0xA0]  }
0x264: {  	v47 =	vld [tilespmem:s17+$0xFFFFFF30]  }
0x265: {  	v48 =	vld [tilespmem:s17+$0xFFFFFFB0]  }
0x266: {  	v49 =	vld [tilespmem:s17+$0x30]  }
0x267: {  	v51 =	vld [tilespmem:s17+$0xFFFFFFC0]  }
0x268: {  	v52 =	vld [tilespmem:s17+$0x40];
	v1 =	vmul.f32 v2, v1  }
0x269: {  	v53 =	vld [tilespmem:s17+$0xC0]  }
0x26a: {  	[tilespmem:s17+$0x180] =	vst v1;
	v1 =	vld [tilespmem:s17+$0x190]  }
0x26b: {  	v2 =	vld [tilespmem:s18+$0x190]  }
0x26c: {  	v54 =	vld [tilespmem:s17+$0xFFFFFF50]  }
0x26d: {  	v55 =	vld [tilespmem:s17+$0xFFFFFFD0]  }
0x26e: {  	v56 =	vld [tilespmem:s17+$0xD0]  }
0x26f: {  	v57 =	vld [tilespmem:s17+$0xFFFFFE60]  }
0x270: {  	v58 =	vld [tilespmem:s17+$0xFFFFFFE0];
	v1 =	vmul.f32 v2, v1  }
0x271: {  	v59 =	vld [tilespmem:s17+$0x60]  }
0x272: {  	[tilespmem:s17+$0x190] =	vst v1;
	v1 =	vld [tilespmem:s17+$0x1A0]  }
0x273: {  	v9 =	vld [tilespmem:s18+$0x1A0]  }
0x274: {  	v4 =	vmul.f32 v5, v4;
	v5 =	vld [tilespmem:s17+$0xFFFFFE00]  }
0x275: {  	v60 =	vld [tilespmem:s17+$0xE0]  }
0x276: {  	v2 =	vld [tilespmem:s17+$0xFFFFFF80]  }
0x277: {  	v61 =	vld [tilespmem:s17+$0xFFFFFE70]  }
0x278: {  	v1 =	vmul.f32 v9, v1;
	v9 =	vld [tilespmem:s18+$0x100]  }
0x279: {  	v63 =	vld [tilespmem:s17+$0xFFFFFEF0];
	[tilespmem:s17+$0xFFFFFE80] =	vst v4;
	v3 =	vmul.f32 v3, v5  }
0x27a: {  	[tilespmem:s17+$0x1A0] =	vst v1;
	v1 =	vmul.f32 v7, v6;
	v6 =	vld [tilespmem:s17+$0x1B0]  }
0x27b: {  	[tilespmem:s17+$0xFFFFFE00] =	vst v3;
	v2 =	vmul.f32 v8, v2;
	v4 =	vld [tilespmem:s18+$0x1B0]  }
0x27c: {  	v7 =	vld [tilespmem:s18+$0xFFFFFE90];
	[tilespmem:s17+$0xFFFFFF00] =	vst v1;
	v1 =	vmul.f32 v11, v10  }
0x27d: {  	[tilespmem:s17+$0xFFFFFF80] =	vst v2;
	v10 =	vld [tilespmem:s17+$0xFFFFFE10];
	v5 =	vmul.f32 v9, v14  }
0x27e: {  	v2 =	vmul.f32 v13, v12;
	[tilespmem:s17+$0x0] =	vst v1;
	v1 =	vld [tilespmem:s18+$0xFFFFFF90]  }
0x27f: {  	[tilespmem:s17+$0x100] =	vst v5;
	v5 =	vld [tilespmem:s18+$0xFFFFFE10]  }
0x280: {  	[tilespmem:s17+$0x80] =	vst v2;
	v2 =	vld [tilespmem:s18+$0x10];
	v4 =	vmul.f32 v4, v6  }
0x281: {  	v6 =	vld [tilespmem:s18+$0x110]  }
0x282: {  	[tilespmem:s17+$0x1B0] =	vst v4;
	v4 =	vld [tilespmem:s17+$0x1C0]  }
0x283: {  	v9 =	vld [tilespmem:s18+$0x1C0]  }
0x284: {  	v5 =	vmul.f32 v5, v10;
	v10 =	vld [tilespmem:s17+$0x110]  }
0x285: {  	v3 =	vld [tilespmem:s18+$0x90]  }
0x286: {  	v11 =	vld [tilespmem:s17+$0xFFFFFE90];
	v1 =	vmul.f32 v1, v42  }
0x287: {  	v8 =	vld [tilespmem:s18+$0xFFFFFF10];
	v2 =	vmul.f32 v2, v43  }
0x288: {  	[tilespmem:s17+$0xFFFFFF90] =	vst v1;
	v4 =	vmul.f32 v9, v4;
	v9 =	vld [tilespmem:s17+$0x90]  }
0x289: {  	[tilespmem:s17+$0x10] =	vst v2;
	v2 =	vmul.f32 v6, v10;
	v6 =	vld [tilespmem:s18+$0xFFFFFFA0]  }
0x28a: {  	v10 =	vld [tilespmem:s17+$0xFFFFFE20]  }
0x28b: {  	[tilespmem:s17+$0x1C0] =	vst v4;
	v4 =	vmul.f32 v7, v11;
	v7 =	vld [tilespmem:s17+$0x1D0]  }
0x28c: {  	v11 =	vld [tilespmem:s17+$0xFFFFFEA0]  }
0x28d: {  	[tilespmem:s17+$0xFFFFFE10] =	vst v5;
	v5 =	vmul.f32 v8, v41;
	v8 =	vld [tilespmem:s18+$0x1D0]  }
0x28e: {  	[tilespmem:s17+$0xFFFFFE90] =	vst v4;
	v4 =	vld [tilespmem:s18+$0xFFFFFE20]  }
0x28f: {  	[tilespmem:s17+$0xFFFFFF10] =	vst v5;
	v5 =	vld [tilespmem:s18+$0xFFFFFEA0];
	v1 =	vmul.f32 v3, v9  }
0x290: {  	v3 =	vld [tilespmem:s18+$0xFFFFFF20]  }
0x291: {  	v9 =	vld [tilespmem:s18+$0x20];
	[tilespmem:s17+$0x90] =	vst v1  }
0x292: {  	[tilespmem:s17+$0x110] =	vst v2;
	v1 =	vmul.f32 v8, v7;
	v7 =	vld [tilespmem:s18+$0xA0]  }
0x293: {  	v8 =	vld [tilespmem:s18+$0x120]  }
0x294: {  	[tilespmem:s17+$0x1D0] =	vst v1;
	v1 =	vld [tilespmem:s17+$0x1E0];
	v5 =	vmul.f32 v5, v11  }
0x295: {  	v3 =	vmul.f32 v3, v44;
	v2 =	vld [tilespmem:s18+$0x1E0]  }
0x296: {  	v11 =	vld [tilespmem:s17+$0xFFFFFEB0];
	[tilespmem:s17+$0xFFFFFEA0] =	vst v5;
	v5 =	vmul.f32 v6, v45  }
0x297: {  	[tilespmem:s17+$0xFFFFFF20] =	vst v3;
	v3 =	vmul.f32 v9, v46;
	v9 =	vld [tilespmem:s18+$0xFFFFFEB0]  }
0x298: {  	[tilespmem:s17+$0xFFFFFFA0] =	vst v5;
	v5 =	vmul.f32 v7, v15;
	v7 =	vld [tilespmem:s18+$0xFFFFFF30]  }
0x299: {  	[tilespmem:s17+$0x20] =	vst v3;
	v3 =	vld [tilespmem:s18+$0xFFFFFFB0]  }
0x29a: {  	v1 =	vmul.f32 v2, v1;
	v2 =	vmul.f32 v4, v10;
	v4 =	vld [tilespmem:s17+$0x120]  }
0x29b: {  	[tilespmem:s17+$0xA0] =	vst v5;
	v5 =	vld [tilespmem:s18+$0x30]  }
0x29c: {  	[tilespmem:s17+$0x1E0] =	vst v1;
	v1 =	vld [tilespmem:s17+$0x1F0]  }
0x29d: {  	v9 =	vmul.f32 v9, v11;
	v11 =	vld [tilespmem:s17+$0x130]  }
0x29e: {  	[tilespmem:s17+$0xFFFFFE20] =	vst v2;
	v2 =	vld [tilespmem:s18+$0x1F0]  }
0x29f: {  	v6 =	vld [tilespmem:s18+$0xFFFFFE30];
	v4 =	vmul.f32 v8, v4  }
0x2a0: {  	v8 =	vld [tilespmem:s18+$0xB0]  }
0x2a1: {  	v7 =	vmul.f32 v7, v47;
	[tilespmem:s17+$0x120] =	vst v4;
	v4 =	vld [tilespmem:s17+$0xFFFFFE30]  }
0x2a2: {  	[tilespmem:s17+$0xFFFFFEB0] =	vst v9;
	v10 =	vld [tilespmem:s18+$0x130]  }
0x2a3: {  	v9 =	vld [tilespmem:s18+$0xFFFFFEC0];
	[tilespmem:s17+$0xFFFFFF30] =	vst v7;
	v1 =	vmul.f32 v2, v1  }
0x2a4: {  	v7 =	vld [tilespmem:s18+$0xFFFFFF40]  }
0x2a5: {  	v5 =	vmul.f32 v5, v49;
	[tilespmem:s17+$0x1F0] =	vst v1;
	v1 =	vld [tilespmem:s17+$0xF0]  }
0x2a6: {  	v4 =	vmul.f32 v6, v4;
	v6 =	vld [tilespmem:s17+$0xB0]  }
0x2a7: {  	[tilespmem:s17+$0x30] =	vst v5;
	v5 =	vmul.f32 v10, v11;
	v11 =	vld [tilespmem:s17+$0xFFFFFF40]  }
0x2a8: {  	[tilespmem:s17+$0xFFFFFE30] =	vst v4;
	v4 =	vld [tilespmem:s17+$0xFFFFFE40]  }
0x2a9: {  	v50 =	vld [tilespmem:s18+$0xFFFFFE40]  }
0x2aa: {  	v3 =	vmul.f32 v3, v48;
	v10 =	vld [tilespmem:s17+$0xFFFFFEC0];
	[tilespmem:s17+$0x130] =	vst v5  }
0x2ab: {  	v5 =	vld [tilespmem:s18+$0x140]  }
0x2ac: {  	[tilespmem:s17+$0xFFFFFFB0] =	vst v3;
	v3 =	vmul.f32 v8, v6;
	v8 =	vld [tilespmem:s18+$0x40]  }
0x2ad: {  	v6 =	vld [tilespmem:s18+$0xFFFFFFC0];
	v7 =	vmul.f32 v7, v11  }
0x2ae: {  	v11 =	vld [tilespmem:s17+$0xFFFFFE50];
	[tilespmem:s17+$0xB0] =	vst v3;
	v4 =	vmul.f32 v50, v4  }
0x2af: {  	v3 =	vld [tilespmem:s18+$0xC0];
	[tilespmem:s17+$0xFFFFFF40] =	vst v7  }
0x2b0: {  	[tilespmem:s17+$0xFFFFFE40] =	vst v4;
	v4 =	vmul.f32 v9, v10;
	v9 =	vld [tilespmem:s17+$0x140]  }
0x2b1: {  	v7 =	vmul.f32 v8, v52;
	v8 =	vld [tilespmem:s18+$0xFFFFFF50]  }
0x2b2: {  	v10 =	vld [tilespmem:s18+$0xFFFFFE50];
	[tilespmem:s17+$0xFFFFFEC0] =	vst v4;
	v4 =	vmul.f32 v6, v51  }
0x2b3: {  	[tilespmem:s17+$0x40] =	vst v7;
	v6 =	vld [tilespmem:s18+$0xFFFFFED0]  }
0x2b4: {  	v3 =	vmul.f32 v3, v53;
	v7 =	vld [tilespmem:s18+$0x50];
	[tilespmem:s17+$0xFFFFFFC0] =	vst v4  }
0x2b5: {  	v4 =	vld [tilespmem:s18+$0xFFFFFFD0]  }
0x2b6: {  	v5 =	vmul.f32 v5, v9;
	[tilespmem:s17+$0xC0] =	vst v3;
	v9 =	vld [tilespmem:s17+$0xFFFFFED0]  }
0x2b7: {  	v8 =	vmul.f32 v8, v54;
	v3 =	vld [tilespmem:s18+$0xD0]  }
0x2b8: {  	v10 =	vmul.f32 v10, v11;
	v11 =	vld [tilespmem:s17+$0x50];
	[tilespmem:s17+$0x140] =	vst v5  }
0x2b9: {  	[tilespmem:s17+$0xFFFFFF50] =	vst v8;
	v5 =	vld [tilespmem:s18+$0x150]  }
0x2ba: {  	[tilespmem:s17+$0xFFFFFE50] =	vst v10;
	v8 =	vld [tilespmem:s18+$0xFFFFFF60]  }
0x2bb: {  	v10 =	vld [tilespmem:s18+$0xFFFFFE60];
	v6 =	vmul.f32 v6, v9  }
0x2bc: {  	v9 =	vld [tilespmem:s17+$0x150];
	v4 =	vmul.f32 v4, v55  }
0x2bd: {  	v7 =	vmul.f32 v7, v11;
	v11 =	vld [tilespmem:s17+$0xFFFFFF60];
	[tilespmem:s17+$0xFFFFFED0] =	vst v6  }
0x2be: {  	[tilespmem:s17+$0xFFFFFFD0] =	vst v4;
	v6 =	vld [tilespmem:s18+$0xFFFFFEE0]  }
0x2bf: {  	v3 =	vmul.f32 v3, v56;
	v4 =	vld [tilespmem:s18+$0xFFFFFFE0];
	[tilespmem:s17+$0x50] =	vst v7  }
0x2c0: {  	v7 =	vld [tilespmem:s18+$0x60]  }
0x2c1: {  	[tilespmem:s17+$0xD0] =	vst v3;
	v10 =	vmul.f32 v10, v57;
	v5 =	vmul.f32 v5, v9;
	v9 =	vld [tilespmem:s17+$0xFFFFFEE0]  }
0x2c2: {  	v3 =	vld [tilespmem:s18+$0xE0]  }
0x2c3: {  	[tilespmem:s17+$0xFFFFFE60] =	vst v10;
	v10 =	vld [tilespmem:s17+$0xFFFFFF70]  }
0x2c4: {  	v8 =	vmul.f32 v8, v11;
	[tilespmem:s17+$0x150] =	vst v5;
	v11 =	vld [tilespmem:s18+$0xFFFFFE70];
	v4 =	vmul.f32 v4, v58  }
0x2c5: {  	v5 =	vld [tilespmem:s18+$0x160]  }
0x2c6: {  	v6 =	vmul.f32 v6, v9;
	v9 =	vld [tilespmem:s17+$0x160];
	[tilespmem:s17+$0xFFFFFFE0] =	vst v4  }
0x2c7: {  	[tilespmem:s17+$0xFFFFFF60] =	vst v8;
	v3 =	vmul.f32 v3, v60;
	v4 =	vld [tilespmem:s18+$0xFFFFFFF0]  }
0x2c8: {  	[tilespmem:s17+$0xFFFFFEE0] =	vst v6;
	v6 =	vmul.f32 v7, v59;
	v7 =	vld [tilespmem:s18+$0xFFFFFF70]  }
0x2c9: {  	[tilespmem:s17+$0xE0] =	vst v3;
	v62 =	vld [tilespmem:s18+$0xFFFFFEF0]  }
0x2ca: {  	[tilespmem:s17+$0x60] =	vst v6;
	v6 =	vld [tilespmem:s18+$0xF0]  }
0x2cb: {  	v8 =	vmul.f32 v5, v9;
	v5 =	vld [tilespmem:s18+$0x70]  }
0x2cc: {  	v2 =	vmul.f32 v11, v61;
	v9 =	vld [tilespmem:s17+$0xFFFFFFF0]  }
0x2cd: {  	[tilespmem:s17+$0x160] =	vst v8;
	v8 =	vld [tilespmem:s17+$0x70]  }
0x2ce: {  	[tilespmem:s17+$0xFFFFFE70] =	vst v2;
	v2 =	vld [tilespmem:s17+$0x170]  }
0x2cf: {  	s20 =	simm.s32 $0x0;
	s21 =	simm.s32 $0xC00;
	v3 =	vld [tilespmem:s18+$0x170];
	v11 =	vmul.f32 v62, v63  }
.LBB2_10:
0x2d0: {  	v12 =	vld [tilespmem:s21+$0x180];
	v7 =	vmul.f32 v7, v10;
	s18 =	sadd.s32 $0x400, s18  }
0x2d1: {  	s20 =	sadd.s32 $0x8, s20;
	v4 =	vmul.f32 v4, v9;
	v10 =	vld [tilespmem:s18+$0x180];
	[tilespmem:s17+$0xFFFFFEF0] =	vst v11  }
0x2d2: {  	v5 =	vmul.f32 v5, v8;
	p0 =	slt.u32 s20, $0x48;
	v9 =	vld [tilespmem:s18+$0xFFFFFE00];
	[tilespmem:s17+$0xFFFFFF70] =	vst v7  }
0x2d3: {  	v1 =	vmul.f32 v6, v1;
	v7 =	vld [tilespmem:s21+$0xFFFFFE80];
	[tilespmem:s17+$0xFFFFFFF0] =	vst v4  }
0x2d4: {  	v2 =	vmul.f32 v3, v2;
	v4 =	vld [tilespmem:s18+$0xFFFFFE80];
	[tilespmem:s17+$0x70] =	vst v5  }
0x2d5: {  	v3 =	vld [tilespmem:s21+$0xFFFFFF00];
	[tilespmem:s17+$0xF0] =	vst v1  }
0x2d6: {  	v1 =	vld [tilespmem:s18+$0xFFFFFF00];
	v5 =	vmul.f32 v10, v12;
	[tilespmem:s17+$0x170] =	vst v2;
	s17 =	smov.u32 s21  }
0x2d7: {  	v2 =	vld [tilespmem:s21+$0xFFFFFF80]  }
0x2d8: {  	[tilespmem:s21+$0x180] =	vst v5;
	v5 =	vld [tilespmem:s21+$0x190]  }
0x2d9: {  	v4 =	vmul.f32 v4, v7;
	v6 =	vld [tilespmem:s18+$0x190]  }
0x2da: {  	v7 =	vld [tilespmem:s18+$0xFFFFFF80]  }
0x2db: {  	[tilespmem:s21+$0xFFFFFE80] =	vst v4;
	v1 =	vmul.f32 v1, v3;
	v3 =	vld [tilespmem:s21+$0x0]  }
0x2dc: {  	v4 =	vld [tilespmem:s18+$0x0]  }
0x2dd: {  	[tilespmem:s21+$0xFFFFFF00] =	vst v1;
	v1 =	vld [tilespmem:s21+$0x80]  }
0x2de: {  	v8 =	vld [tilespmem:s18+$0x80];
	v5 =	vmul.f32 v6, v5  }
0x2df: {  	v2 =	vmul.f32 v7, v2;
	v6 =	vld [tilespmem:s21+$0x100]  }
0x2e0: {  	[tilespmem:s21+$0x190] =	vst v5;
	v5 =	vld [tilespmem:s21+$0x1A0]  }
0x2e1: {  	[tilespmem:s21+$0xFFFFFF80] =	vst v2;
	v2 =	vmul.f32 v4, v3;
	v3 =	vld [tilespmem:s18+$0x1A0]  }
0x2e2: {  	v4 =	vld [tilespmem:s18+$0x100]  }
0x2e3: {  	v7 =	vld [tilespmem:s21+$0xFFFFFE00];
	[tilespmem:s21+$0x0] =	vst v2;
	v1 =	vmul.f32 v8, v1  }
0x2e4: {  	v2 =	vld [tilespmem:s18+$0xFFFFFE90]  }
0x2e5: {  	v8 =	vld [tilespmem:s18+$0xFFFFFF10];
	[tilespmem:s21+$0x80] =	vst v1  }
0x2e6: {  	v1 =	vld [tilespmem:s18+$0xFFFFFF90];
	v3 =	vmul.f32 v3, v5  }
0x2e7: {  	v5 =	vld [tilespmem:s18+$0x10];
	v4 =	vmul.f32 v4, v6  }
0x2e8: {  	v6 =	vmul.f32 v9, v7;
	[tilespmem:s21+$0x1A0] =	vst v3;
	v3 =	vld [tilespmem:s21+$0x1B0]  }
0x2e9: {  	[tilespmem:s21+$0x100] =	vst v4;
	v4 =	vld [tilespmem:s18+$0x1B0]  }
0x2ea: {  	[tilespmem:s21+$0xFFFFFE00] =	vst v6;
	v6 =	vld [tilespmem:s18+$0x90]  }
0x2eb: {  	v7 =	vld [tilespmem:s18+$0xFFFFFE10]  }
0x2ec: {  	v9 =	vld [tilespmem:s18+$0x110]  }
0x2ed: {  	v10 =	vld [tilespmem:s21+$0xFFFFFE10]  }
0x2ee: {  	v11 =	vld [tilespmem:s21+$0xFFFFFE90];
	v3 =	vmul.f32 v4, v3  }
0x2ef: {  	v4 =	vld [tilespmem:s21+$0xFFFFFF10]  }
0x2f0: {  	[tilespmem:s21+$0x1B0] =	vst v3;
	v3 =	vld [tilespmem:s21+$0x1C0]  }
0x2f1: {  	v12 =	vld [tilespmem:s18+$0x1C0]  }
0x2f2: {  	v7 =	vmul.f32 v7, v10;
	v10 =	vld [tilespmem:s21+$0xFFFFFF90]  }
0x2f3: {  	v2 =	vmul.f32 v2, v11;
	v11 =	vld [tilespmem:s21+$0x10]  }
0x2f4: {  	[tilespmem:s21+$0xFFFFFE10] =	vst v7;
	v4 =	vmul.f32 v8, v4;
	v7 =	vld [tilespmem:s21+$0x90]  }
0x2f5: {  	[tilespmem:s21+$0xFFFFFE90] =	vst v2;
	v2 =	vld [tilespmem:s21+$0x110]  }
0x2f6: {  	v8 =	vld [tilespmem:s18+$0xFFFFFE20];
	[tilespmem:s21+$0xFFFFFF10] =	vst v4;
	v3 =	vmul.f32 v12, v3  }
0x2f7: {  	v4 =	vld [tilespmem:s18+$0xFFFFFEA0];
	v1 =	vmul.f32 v1, v10  }
0x2f8: {  	v5 =	vmul.f32 v5, v11;
	[tilespmem:s21+$0x1C0] =	vst v3;
	v3 =	vld [tilespmem:s21+$0x1D0]  }
0x2f9: {  	[tilespmem:s21+$0xFFFFFF90] =	vst v1;
	v1 =	vmul.f32 v6, v7;
	v6 =	vld [tilespmem:s18+$0x1D0]  }
0x2fa: {  	v7 =	vld [tilespmem:s18+$0xFFFFFF20];
	[tilespmem:s21+$0x10] =	vst v5;
	v2 =	vmul.f32 v9, v2  }
0x2fb: {  	v5 =	vld [tilespmem:s18+$0xFFFFFFA0];
	[tilespmem:s21+$0x90] =	vst v1  }
0x2fc: {  	v1 =	vld [tilespmem:s18+$0x20];
	[tilespmem:s21+$0x110] =	vst v2  }
0x2fd: {  	v2 =	vld [tilespmem:s18+$0xA0]  }
0x2fe: {  	v9 =	vld [tilespmem:s18+$0x120];
	v3 =	vmul.f32 v6, v3  }
0x2ff: {  	v6 =	vld [tilespmem:s21+$0xFFFFFE20]  }
0x300: {  	[tilespmem:s21+$0x1D0] =	vst v3;
	v3 =	vld [tilespmem:s21+$0x1E0]  }
0x301: {  	v10 =	vld [tilespmem:s18+$0x1E0]  }
0x302: {  	v11 =	vld [tilespmem:s21+$0xFFFFFEA0]  }
0x303: {  	v12 =	vld [tilespmem:s21+$0xFFFFFF20]  }
0x304: {  	v6 =	vmul.f32 v8, v6;
	v8 =	vld [tilespmem:s21+$0xFFFFFFA0]  }
0x305: {  	v13 =	vld [tilespmem:s21+$0x20]  }
0x306: {  	[tilespmem:s21+$0xFFFFFE20] =	vst v6;
	v6 =	vld [tilespmem:s21+$0xA0];
	v3 =	vmul.f32 v10, v3  }
0x307: {  	v4 =	vmul.f32 v4, v11;
	v10 =	vld [tilespmem:s21+$0x120]  }
0x308: {  	v7 =	vmul.f32 v7, v12;
	[tilespmem:s21+$0x1E0] =	vst v3;
	v3 =	vld [tilespmem:s21+$0x1F0]  }
0x309: {  	[tilespmem:s21+$0xFFFFFEA0] =	vst v4;
	v4 =	vmul.f32 v5, v8;
	v5 =	vld [tilespmem:s18+$0x1F0]  }
0x30a: {  	v8 =	vld [tilespmem:s18+$0xFFFFFE30];
	[tilespmem:s21+$0xFFFFFF20] =	vst v7;
	v1 =	vmul.f32 v1, v13  }
0x30b: {  	v7 =	vld [tilespmem:s18+$0xFFFFFEB0];
	[tilespmem:s21+$0xFFFFFFA0] =	vst v4;
	v2 =	vmul.f32 v2, v6  }
0x30c: {  	v4 =	vld [tilespmem:s18+$0xFFFFFF30];
	[tilespmem:s21+$0x20] =	vst v1;
	v1 =	vmul.f32 v9, v10  }
0x30d: {  	v6 =	vld [tilespmem:s18+$0xFFFFFFB0];
	[tilespmem:s21+$0xA0] =	vst v2  }
0x30e: {  	v2 =	vld [tilespmem:s18+$0x30];
	[tilespmem:s21+$0x120] =	vst v1;
	v1 =	vmul.f32 v5, v3  }
0x30f: {  	v3 =	vld [tilespmem:s18+$0xB0]  }
0x310: {  	v5 =	vld [tilespmem:s18+$0x130];
	[tilespmem:s21+$0x1F0] =	vst v1  }
0x311: {  	v1 =	vld [tilespmem:s21+$0xFFFFFE30]  }
0x312: {  	v9 =	vld [tilespmem:s21+$0xFFFFFEB0]  }
0x313: {  	v10 =	vld [tilespmem:s21+$0xFFFFFF30]  }
0x314: {  	v11 =	vld [tilespmem:s21+$0xFFFFFFB0]  }
0x315: {  	v12 =	vld [tilespmem:s21+$0x30]  }
0x316: {  	v1 =	vmul.f32 v8, v1;
	v8 =	vld [tilespmem:s21+$0xB0]  }
0x317: {  	v7 =	vmul.f32 v7, v9;
	v9 =	vld [tilespmem:s21+$0x130]  }
0x318: {  	[tilespmem:s21+$0xFFFFFE30] =	vst v1;
	v1 =	vld [tilespmem:s21+$0xFFFFFE40];
	v4 =	vmul.f32 v4, v10  }
0x319: {  	v10 =	vld [tilespmem:s18+$0xFFFFFE40];
	[tilespmem:s21+$0xFFFFFEB0] =	vst v7;
	v6 =	vmul.f32 v6, v11  }
0x31a: {  	v7 =	vld [tilespmem:s18+$0xFFFFFEC0];
	[tilespmem:s21+$0xFFFFFF30] =	vst v4;
	v2 =	vmul.f32 v2, v12  }
0x31b: {  	v4 =	vld [tilespmem:s18+$0xFFFFFF40];
	[tilespmem:s21+$0xFFFFFFB0] =	vst v6;
	v3 =	vmul.f32 v3, v8  }
0x31c: {  	v6 =	vld [tilespmem:s18+$0xFFFFFFC0];
	[tilespmem:s21+$0x30] =	vst v2;
	v2 =	vmul.f32 v5, v9  }
0x31d: {  	v5 =	vld [tilespmem:s18+$0x40];
	[tilespmem:s21+$0xB0] =	vst v3  }
0x31e: {  	v1 =	vmul.f32 v10, v1;
	v3 =	vld [tilespmem:s18+$0xC0];
	[tilespmem:s21+$0x130] =	vst v2  }
0x31f: {  	v2 =	vld [tilespmem:s18+$0x140]  }
0x320: {  	[tilespmem:s21+$0xFFFFFE40] =	vst v1;
	v1 =	vld [tilespmem:s21+$0xFFFFFEC0]  }
0x321: {  	v8 =	vld [tilespmem:s21+$0xFFFFFF40]  }
0x322: {  	v9 =	vld [tilespmem:s21+$0xFFFFFFC0]  }
0x323: {  	v10 =	vld [tilespmem:s21+$0x40]  }
0x324: {  	v11 =	vld [tilespmem:s21+$0xC0]  }
0x325: {  	v1 =	vmul.f32 v7, v1;
	v7 =	vld [tilespmem:s21+$0x140]  }
0x326: {  	v12 =	vld [tilespmem:s18+$0xFFFFFE50];
	v4 =	vmul.f32 v4, v8  }
0x327: {  	v8 =	vld [tilespmem:s21+$0xFFFFFE50];
	[tilespmem:s21+$0xFFFFFEC0] =	vst v1;
	v1 =	vmul.f32 v6, v9  }
0x328: {  	v6 =	vld [tilespmem:s18+$0xFFFFFED0];
	[tilespmem:s21+$0xFFFFFF40] =	vst v4;
	v4 =	vmul.f32 v5, v10  }
0x329: {  	v5 =	vld [tilespmem:s18+$0xFFFFFF50];
	[tilespmem:s21+$0xFFFFFFC0] =	vst v1;
	v1 =	vmul.f32 v3, v11  }
0x32a: {  	v3 =	vld [tilespmem:s18+$0xFFFFFFD0];
	[tilespmem:s21+$0x40] =	vst v4;
	v2 =	vmul.f32 v2, v7  }
0x32b: {  	v4 =	vld [tilespmem:s18+$0x50];
	[tilespmem:s21+$0xC0] =	vst v1  }
0x32c: {  	v1 =	vmul.f32 v12, v8;
	v7 =	vld [tilespmem:s18+$0xD0];
	[tilespmem:s21+$0x140] =	vst v2  }
0x32d: {  	v2 =	vld [tilespmem:s18+$0x150]  }
0x32e: {  	[tilespmem:s21+$0xFFFFFE50] =	vst v1;
	v1 =	vld [tilespmem:s21+$0xFFFFFED0]  }
0x32f: {  	v8 =	vld [tilespmem:s21+$0xFFFFFF50]  }
0x330: {  	v9 =	vld [tilespmem:s21+$0xFFFFFFD0]  }
0x331: {  	v10 =	vld [tilespmem:s21+$0x50]  }
0x332: {  	v11 =	vld [tilespmem:s21+$0xD0]  }
0x333: {  	v1 =	vmul.f32 v6, v1;
	v6 =	vld [tilespmem:s21+$0x150]  }
0x334: {  	v12 =	vld [tilespmem:s18+$0xFFFFFE60];
	v5 =	vmul.f32 v5, v8  }
0x335: {  	v8 =	vld [tilespmem:s21+$0xFFFFFE60];
	[tilespmem:s21+$0xFFFFFED0] =	vst v1;
	v1 =	vmul.f32 v3, v9  }
0x336: {  	v3 =	vld [tilespmem:s18+$0xFFFFFEE0];
	[tilespmem:s21+$0xFFFFFF50] =	vst v5;
	v4 =	vmul.f32 v4, v10  }
0x337: {  	v5 =	vld [tilespmem:s18+$0xFFFFFF60];
	[tilespmem:s21+$0xFFFFFFD0] =	vst v1;
	v1 =	vmul.f32 v7, v11  }
0x338: {  	v7 =	vld [tilespmem:s18+$0xFFFFFFE0];
	[tilespmem:s21+$0x50] =	vst v4;
	v2 =	vmul.f32 v2, v6  }
0x339: {  	v4 =	vld [tilespmem:s18+$0x60];
	[tilespmem:s21+$0xD0] =	vst v1  }
0x33a: {  	v1 =	vmul.f32 v12, v8;
	v6 =	vld [tilespmem:s18+$0xE0];
	[tilespmem:s21+$0x150] =	vst v2  }
0x33b: {  	v2 =	vld [tilespmem:s18+$0x160]  }
0x33c: {  	[tilespmem:s21+$0xFFFFFE60] =	vst v1;
	v1 =	vld [tilespmem:s21+$0xFFFFFEE0]  }
0x33d: {  	v8 =	vld [tilespmem:s21+$0xFFFFFF60]  }
0x33e: {  	v9 =	vld [tilespmem:s21+$0xFFFFFFE0]  }
0x33f: {  	v10 =	vld [tilespmem:s21+$0x60]  }
0x340: {  	v11 =	vld [tilespmem:s21+$0xE0]  }
0x341: {  	v1 =	vmul.f32 v3, v1;
	v3 =	vld [tilespmem:s21+$0x160]  }
0x342: {  	v12 =	vld [tilespmem:s18+$0xFFFFFE70];
	v5 =	vmul.f32 v5, v8  }
0x343: {  	v8 =	vld [tilespmem:s21+$0xFFFFFE70];
	[tilespmem:s21+$0xFFFFFEE0] =	vst v1;
	v1 =	vmul.f32 v7, v9  }
0x344: {  	v13 =	vld [tilespmem:s18+$0xFFFFFEF0];
	[tilespmem:s21+$0xFFFFFF60] =	vst v5;
	v5 =	vmul.f32 v4, v10  }
0x345: {  	v7 =	vld [tilespmem:s18+$0xFFFFFF70];
	[tilespmem:s21+$0xFFFFFFE0] =	vst v1;
	v1 =	vmul.f32 v6, v11  }
0x346: {  	v4 =	vld [tilespmem:s18+$0xFFFFFFF0];
	[tilespmem:s21+$0x60] =	vst v5;
	v2 =	vmul.f32 v2, v3  }
0x347: {  	v5 =	vld [tilespmem:s18+$0x70];
	[tilespmem:s21+$0xE0] =	vst v1  }
0x348: {  	v1 =	vmul.f32 v12, v8;
	v6 =	vld [tilespmem:s18+$0xF0];
	[tilespmem:s21+$0x160] =	vst v2  }
0x349: {  	v3 =	vld [tilespmem:s18+$0x170]  }
0x34a: {  	[tilespmem:s21+$0xFFFFFE70] =	vst v1;
	v2 =	vld [tilespmem:s21+$0xFFFFFEF0]  }
.Ltmp11:
0x34b: {  	v10 =	vld [tilespmem:s21+$0xFFFFFF70];
	(pc) =	sbr.rel @p0 .LBB2_10-.Ltmp11, $4  }
0x34c: {  	v9 =	vld [tilespmem:s21+$0xFFFFFFF0]  }
0x34d: {  	v8 =	vld [tilespmem:s21+$0x70]  }
0x34e: {  	v1 =	vld [tilespmem:s21+$0xF0]  }
0x34f: {  	s21 =	sadd.s32 $0x400, s21;
	v11 =	vmul.f32 v13, v2;
	v2 =	vld [tilespmem:s17+$0x170]  }
.Ltmp12:
0x350: {  	_ = 	snop;
	(pc) =	sbr.rel .LBB2_11-.Ltmp12, $1  }
0x351: {  	_ =	sdelay $0x3  }
.LBB2_17:
0x352: {  	_ =	sfence.sel $0x180000  }
0x353: {  	[bflag:$0x0] =	sbarrier.arrive $0xFFFF  }
0x354: {  	_ =	strace $0x90000047  }
0x355: {  	s0 =	stileid.u32;
	[bflag:$0x2] =	sbarrier.arrive $0xFFFF  }
0x356: {  	p0 =	sne.s32 s0, $0x0;
	s0 =	rddreg [dreg:$0x4]  }
0x357: {  	s0 =	sadd.s32 @!p0 $0x100000, s0  }
0x358: {  	[sflag:s0] =	ssyncadd.tile.s32 @!p0 $0x1;
	_ =	shalt  }
.Lfunc_end2:
_tile_overlayer_lowered:
.L_overlay_start_2:
0x359: {  	(tag) =	ssettag $0x2  }
0x35a: {  	s0 =	rddreg [dreg:$0x0];
	s2 =	stileid.u32  }
0x35b: {  	s1 =	rddreg [dreg:$0x1];
	p0 =	sne.s32 s2, $0x0  }
0x35c: {  	s3 =	rddreg [dreg:$0x2];
	[bflag:$0x3] =	sbarrier.arrive $0xFFFF;
	s2 =	simm.s32 @!p0 $0x1C05  }
0x35d: {  	[timem:s3], [sflag:s2] =	dma.local @!p0 [hbm:s0], s1  }
0x35e: {  	s0 =	simm.s32 @!p0 $0x5  }
0x35f: {  	_ =	swait.ge @!p0 [sflag:s0], s1  }
0x360: {  	s1 =	ssub.s32 @!p0 $0x0, s1;
	[sflag:s0] =	ssyncset.done @!p0 $0x0  }
0x361: {  	[sflag:s0] =	ssyncadd.s32 @!p0 s1  }
0x362: {  	[bflag:$0x3] =	sbarrier.arrive $0xFFFF  }
0x363: {  	_ =	shalt  }

</sc_bundles>
